<compile_context>
chip_gen: v7x
topology: tpu7x:2x2x1
jax: 0.10.2.dev20260603
libtpu: 0.0.44.dev20260713+nightly
codegen_flags: <defaults>
</compile_context>

<pallas_src>
import jax
import jax.numpy as jnp
from jax import lax
from jax.experimental import pallas as pl
from jax.experimental.pallas import tpu as pltpu
from jax.experimental.pallas import tpu_sc as plsc

_B = 16
_F = 5
_DS = 64
_C = 62
_T = 128
_G = 32
_H = 4
_DH = 8
_CP = 64
_TT = 32
_CCT = 16
_ES = 512
_ET = 512
_ESP = 576
_ETP = 640
_O = 128
_CH = _C * _G
_CHP = _CP * _G


def _leaky(x):
    return jnp.where(x >= 0, x, 0.2 * x)


def _sc_count_kernel(rs_hbm, rt_hbm, ds_hbm, dt_hbm, z_hbm, as_hbm, at_hbm,
                     rows_v, ds_v, dt_v, acc_s, acc_t):
    wid = lax.axis_index("s") * 2 + lax.axis_index("c")

    @pl.when(wid == 0)
    def _():
        pltpu.sync_copy(ds_hbm, ds_v)
        pltpu.sync_copy(dt_hbm, dt_v)
        pltpu.sync_copy(z_hbm.at[pl.ds(0, _CP + 8)], acc_s)
        pltpu.sync_copy(z_hbm.at[pl.ds(0, _T + 8)], acc_t)
        pltpu.sync_copy(rs_hbm, rows_v.at[pl.ds(0, _ESP)])
        pltpu.sync_copy(rows_v.at[pl.ds(0, _ESP)], acc_s.at[ds_v], add=True)
        pltpu.sync_copy(acc_s.at[pl.ds(0, _CP)], as_hbm)
        pltpu.sync_copy(rt_hbm, rows_v)
        pltpu.sync_copy(rows_v, acc_t.at[dt_v], add=True)
        pltpu.sync_copy(acc_t.at[pl.ds(0, _T)], at_hbm)


def _sc_counts(rows_s, rows_t, dst_s, dst_t, zeros_hbm):
    mesh = plsc.VectorSubcoreMesh(core_axis_name="c", subcore_axis_name="s")
    return pl.kernel(
        _sc_count_kernel, mesh=mesh,
        out_type=(jax.ShapeDtypeStruct((_CP, _T), jnp.float32),
                  jax.ShapeDtypeStruct((_T, _T), jnp.float32)),
        scratch_types=[
            pltpu.VMEM((_ETP, _T), jnp.float32),
            pltpu.VMEM((_ESP,), jnp.int32),
            pltpu.VMEM((_ETP,), jnp.int32),
            pltpu.VMEM_SHARED((_CP + 8, _T), jnp.float32),
            pltpu.VMEM_SHARED((_T + 8, _T), jnp.float32),
        ],
    )(rows_s, rows_t, dst_s, dst_t, zeros_hbm)


def _prep_kernel(srcs_ref, srct_ref, wspec_ref, ws_ref,
                 bspec_ref, asrcs_ref, asrct_ref, adsts_ref, adstt_ref,
                 rows_s_ref, rows_t_ref, wf_ref, bf_ref, mss_ref, mst_ref,
                 mds_ref, mdt_ref):
    rows_s_ref[...] = (jax.lax.broadcasted_iota(jnp.int32, (_ESP, _T), 1)
                       == srcs_ref[...]).astype(jnp.float32)
    rows_t_ref[...] = (jax.lax.broadcasted_iota(jnp.int32, (_ETP, _T), 1)
                       == srct_ref[...]).astype(jnp.float32)
    wf_ref[...] = jnp.dot(wspec_ref[...], ws_ref[...],
                          preferred_element_type=jnp.float32)
    bf_ref[...] = jnp.dot(bspec_ref[...], ws_ref[...],
                          preferred_element_type=jnp.float32)
    rows = jax.lax.broadcasted_iota(jnp.int32, (_G, _H), 0)
    cols = jax.lax.broadcasted_iota(jnp.int32, (_G, _H), 1)
    blk = (rows // _DH == cols).astype(jnp.float32)
    mss_ref[...] = asrcs_ref[...] * blk
    mst_ref[...] = asrct_ref[...] * blk
    mds_ref[...] = adsts_ref[...] * blk
    mdt_ref[...] = adstt_ref[...] * blk


def _hmasks():
    return [(jax.lax.broadcasted_iota(jnp.int32, (1, _G), 1) // _DH == h
             ).astype(jnp.float32) for h in range(_H)]


def _gat_tile(xp3, asm3, ad3, acnt, bias, nb, n, npad):
    asT = jnp.transpose(asm3, (0, 2, 1))
    if npad != n:
        asT = jnp.concatenate(
            [asT, jnp.zeros((nb, _H, npad - n), jnp.float32)], axis=2)
    nums, dens = [], []
    for h in range(_H):
        arow = asT[:, h:h + 1, :]
        adh = ad3[:, :, h:h + 1]
        pos = (adh + arow) >= 0
        seld = jnp.where(pos, jnp.exp(adh), jnp.exp(0.2 * adh))
        sels = jnp.where(pos, jnp.exp(arow), jnp.exp(0.2 * arow))
        num = acnt * seld * sels
        nums.append(num)
        dens.append(jnp.sum(num, axis=2, keepdims=True))
    recc = 1.0 / (jnp.concatenate(dens, axis=2) + 1e-16)
    hmask = _hmasks()
    r8 = jnp.concatenate(hmask, axis=0)
    outs = []
    for b in range(nb):
        if npad == n:
            xpb = xp3[b]
        else:
            xpb = jnp.concatenate(
                [xp3[b], jnp.zeros((npad - n, _G), jnp.float32)], axis=0)
        o = None
        for h in range(_H):
            oh = jnp.dot(nums[h][b], xpb,
                         preferred_element_type=jnp.float32) * hmask[h]
            o = oh if o is None else o + oh
        r = jnp.dot(recc[b], r8, preferred_element_type=jnp.float32)
        outs.append(_leaky(o * r + bias))
    return outs


def _spatial_kernel(x_ref, acnt_ref, wf_ref, bf_ref, mss_ref, mds_ref,
                    bias_ref, out_ref):
    xb = x_ref[0]
    xp = jnp.dot(xb.reshape(_TT * _CP, _F), wf_ref[...],
                 preferred_element_type=jnp.float32) + bf_ref[...]
    asm = jnp.dot(xp, mss_ref[...], preferred_element_type=jnp.float32)
    ad = jnp.dot(xp, mds_ref[...], preferred_element_type=jnp.float32)
    xp3 = xp.reshape(_TT, _CP, _G)
    outs = _gat_tile(xp3, asm.reshape(_TT, _CP, _H), ad.reshape(_TT, _CP, _H),
                     acnt_ref[...], bias_ref[...], _TT, _CP, _T)
    out_ref[0] = jnp.concatenate([g[:, None, :] for g in outs], axis=1)


def _temporal_kernel(gs_ref, acnt_ref, wt_ref, mst_ref, mdt_ref, bias_ref,
                     out_ref):
    xin = gs_ref[0]
    xp = jnp.dot(xin.reshape(_CCT * _T, _G), wt_ref[...],
                 preferred_element_type=jnp.float32)
    asm = jnp.dot(xp, mst_ref[...], preferred_element_type=jnp.float32)
    ad = jnp.dot(xp, mdt_ref[...], preferred_element_type=jnp.float32)
    xp3 = xp.reshape(_CCT, _T, _G)
    outs = _gat_tile(xp3, asm.reshape(_CCT, _T, _H), ad.reshape(_CCT, _T, _H),
                     acnt_ref[...], bias_ref[...], _CCT, _T, _T)
    out_ref[0] = jnp.concatenate(outs, axis=1)


def _shift_rows(x, s):
    if s == 0:
        return x
    return jnp.concatenate(
        [jnp.zeros((s, x.shape[1]), x.dtype), x[:-s]], axis=0)


def _causal_conv(xin, w_ref, b, d):
    acc = jnp.dot(_shift_rows(xin, 2 * d), w_ref[0],
                  preferred_element_type=jnp.float32)
    acc = acc + jnp.dot(_shift_rows(xin, d), w_ref[1],
                        preferred_element_type=jnp.float32)
    acc = acc + jnp.dot(xin, w_ref[2], preferred_element_type=jnp.float32)
    return acc + b


def _tcn_kernel(x_ref, w1a_ref, w1b_ref, dw_ref, w2a_ref, w2b_ref,
                b1a_ref, b1b_ref, db_ref, g1_ref, be1_ref, m1_ref, v1_ref,
                b2a_ref, b2b_ref, g2_ref, be2_ref, m2_ref, v2_ref, out_ref):
    x = x_ref[0]
    res = jnp.dot(x, dw_ref[...], preferred_element_type=jnp.float32) \
        + db_ref[...]
    h = jax.nn.relu(_causal_conv(x, w1a_ref, b1a_ref[...], 1))
    h = jax.nn.relu(_causal_conv(h, w1b_ref, b1b_ref[...], 1))
    h = h + res
    scale1 = g1_ref[...] * jax.lax.rsqrt(v1_ref[...] + 1e-5)
    h = (h - m1_ref[...]) * scale1 + be1_ref[...]
    res2 = h
    h = jax.nn.relu(_causal_conv(h, w2a_ref, b2a_ref[...], 2))
    h = jax.nn.relu(_causal_conv(h, w2b_ref, b2b_ref[...], 2))
    h = h + res2
    scale2 = g2_ref[...] * jax.lax.rsqrt(v2_ref[...] + 1e-5)
    h = (h - m2_ref[...]) * scale2 + be2_ref[...]
    out_ref[0] = jnp.max(h, axis=0, keepdims=True)


def kernel(x, spatial_edge_index, temporal_edge_index, W_spec, b_spec, Ws,
           asrc_s, adst_s, bias_s, Wt, asrc_t, adst_t, bias_t,
           tb1_w1, tb1_b1, tb1_w2, tb1_b2, tb1_dw, tb1_db,
           tb1_gamma, tb1_beta, tb1_mean, tb1_var,
           tb2_w1, tb2_b1, tb2_w2, tb2_b2,
           tb2_gamma, tb2_beta, tb2_mean, tb2_var):
    f32 = jnp.float32
    idt = spatial_edge_index.dtype

    sl_c = jnp.arange(_C, dtype=idt)
    sl_t = jnp.arange(_T, dtype=idt)
    src_s = jnp.concatenate(
        [spatial_edge_index[0], sl_c, jnp.zeros((_ESP - _ES - _C,), idt)])
    dst_s = jnp.concatenate(
        [spatial_edge_index[1], sl_c, jnp.full((_ESP - _ES - _C,), _CP, idt)])
    src_t = jnp.concatenate([temporal_edge_index[0], sl_t])
    dst_t = jnp.concatenate([temporal_edge_index[1], sl_t])

    rows_s, rows_t, wf, bf, mss, mst, mds, mdt = pl.pallas_call(
        _prep_kernel,
        out_shape=(
            jax.ShapeDtypeStruct((_ESP, _T), f32),
            jax.ShapeDtypeStruct((_ETP, _T), f32),
            jax.ShapeDtypeStruct((_F, _G), f32),
            jax.ShapeDtypeStruct((1, _G), f32),
            jax.ShapeDtypeStruct((_G, _H), f32),
            jax.ShapeDtypeStruct((_G, _H), f32),
            jax.ShapeDtypeStruct((_G, _H), f32),
            jax.ShapeDtypeStruct((_G, _H), f32),
        ),
    )(src_s.reshape(_ESP, 1).astype(jnp.int32),
      src_t.reshape(_ETP, 1).astype(jnp.int32),
      W_spec, Ws, b_spec.reshape(1, _DS),
      asrc_s.reshape(_G, 1), asrc_t.reshape(_G, 1),
      adst_s.reshape(_G, 1), adst_t.reshape(_G, 1))

    a_s, a_t = _sc_counts(rows_s, rows_t, dst_s.astype(jnp.int32),
                          dst_t.astype(jnp.int32), jnp.zeros((_ETP, _T), f32))

    xT = jnp.pad(jnp.transpose(x, (0, 3, 2, 1)),
                 ((0, 0), (0, 0), (0, _CP - _C), (0, 0)))
    gs = pl.pallas_call(
        _spatial_kernel,
        grid=(_B, _T // _TT),
        in_specs=[
            pl.BlockSpec((1, _TT, _CP, _F), lambda b, t: (b, t, 0, 0)),
            pl.BlockSpec((_CP, _T), lambda b, t: (0, 0)),
            pl.BlockSpec((_F, _G), lambda b, t: (0, 0)),
            pl.BlockSpec((1, _G), lambda b, t: (0, 0)),
            pl.BlockSpec((_G, _H), lambda b, t: (0, 0)),
            pl.BlockSpec((_G, _H), lambda b, t: (0, 0)),
            pl.BlockSpec((1, _G), lambda b, t: (0, 0)),
        ],
        out_specs=pl.BlockSpec((1, _CP, _TT, _G), lambda b, t: (b, 0, t, 0)),
        out_shape=jax.ShapeDtypeStruct((_B, _CP, _T, _G), f32),
    )(xT, a_s, wf, bf, mss, mds, bias_s.reshape(1, _G))

    tcnin = pl.pallas_call(
        _temporal_kernel,
        grid=(_B, _CP // _CCT),
        in_specs=[
            pl.BlockSpec((1, _CCT, _T, _G), lambda b, c: (b, c, 0, 0)),
            pl.BlockSpec((_T, _T), lambda b, c: (0, 0)),
            pl.BlockSpec((_G, _G), lambda b, c: (0, 0)),
            pl.BlockSpec((_G, _H), lambda b, c: (0, 0)),
            pl.BlockSpec((_G, _H), lambda b, c: (0, 0)),
            pl.BlockSpec((1, _G), lambda b, c: (0, 0)),
        ],
        out_specs=pl.BlockSpec((1, _T, _CCT * _G), lambda b, c: (b, 0, c)),
        out_shape=jax.ShapeDtypeStruct((_B, _T, _CHP), f32),
    )(gs, a_t, Wt, mst, mdt, bias_t.reshape(1, _G))

    zpad = jnp.zeros((3, _CHP - _CH, _O), f32)
    w1a = jnp.concatenate([jnp.transpose(tb1_w1, (2, 1, 0)), zpad], axis=1)
    w1b = jnp.transpose(tb1_w2, (2, 1, 0))
    dw = jnp.concatenate(
        [jnp.transpose(tb1_dw[:, :, 0], (1, 0)),
         jnp.zeros((_CHP - _CH, _O), f32)], axis=0)
    w2a = jnp.transpose(tb2_w1, (2, 1, 0))
    w2b = jnp.transpose(tb2_w2, (2, 1, 0))

    def row(v):
        return v.reshape(1, _O)

    def full(*shape):
        return [pl.BlockSpec(shape, lambda b: tuple(0 for _ in shape))]

    out = pl.pallas_call(
        _tcn_kernel,
        grid=(_B,),
        in_specs=(
            [pl.BlockSpec((1, _T, _CHP), lambda b: (b, 0, 0))]
            + full(3, _CHP, _O) + full(3, _O, _O) + full(_CHP, _O)
            + full(3, _O, _O) + full(3, _O, _O)
            + full(1, _O) * 13
        ),
        out_specs=pl.BlockSpec((1, 1, _O), lambda b: (b, 0, 0)),
        out_shape=jax.ShapeDtypeStruct((_B, 1, _O), f32),
    )(tcnin, w1a, w1b, dw, w2a, w2b,
      row(tb1_b1), row(tb1_b2), row(tb1_db),
      row(tb1_gamma), row(tb1_beta), row(tb1_mean), row(tb1_var),
      row(tb2_b1), row(tb2_b2),
      row(tb2_gamma), row(tb2_beta), row(tb2_mean), row(tb2_var))

    return out.reshape(_B, _O)

# --- scband reference (transcript-rebuilt; emitter-appended) ---
"""Pipeline reference for scband-ss-emerge-encoder-2688649527648 (READ-ONLY COPY).

The authoritative reference and input builder live on the scoring server;
editing this copy changes nothing except your own understanding.
"""

import jax, jax.numpy as jnp
import numpy as np

B = 16
F_BANDS = 5
D_SPEC = 64
C_CH = 62
T_STEPS = 128
GAT_OUT = 32
HEADS = 4
DH = GAT_OUT // HEADS
TCN_CH = [128, 128]
K = 3
DIL = [1, 2]
TCN_IN = C_CH * GAT_OUT
E_S = 512
E_T = 512


def _leaky(x, slope=0.2):
    return jnp.where(x >= 0, x, slope * x)


def _gat(x, edge_index, W, a_src, a_dst, bias, N):
    # x: [Nb, N, din]; batched GAT with shared edge_index (self-loops added, PyG default)
    Nb = x.shape[0]
    sl = jnp.arange(N, dtype=edge_index.dtype)
    src = jnp.concatenate([edge_index[0], sl])
    dst = jnp.concatenate([edge_index[1], sl])
    xp = (x @ W).reshape(Nb, N, HEADS, DH)
    a_s = jnp.einsum('bnhd,hd->bnh', xp, a_src)
    a_d = jnp.einsum('bnhd,hd->bnh', xp, a_dst)
    e = _leaky(a_s[:, src] + a_d[:, dst])  # [Nb, E, H]
    e = jnp.transpose(e, (1, 0, 2))  # [E, Nb, H]
    m = jax.lax.stop_gradient(jax.ops.segment_max(e, dst, num_segments=N))
    ex = jnp.exp(e - m[dst])
    den = jax.ops.segment_sum(ex, dst, num_segments=N)
    alpha = ex / (den[dst] + 1e-16)  # [E, Nb, H]
    xs = jnp.transpose(xp, (1, 0, 2, 3))[src]  # [E, Nb, H, DH]
    out = jax.ops.segment_sum(xs * alpha[..., None], dst, num_segments=N)  # [N, Nb, H, DH]
    out = jnp.transpose(out, (1, 0, 2, 3)).reshape(Nb, N, HEADS * DH)
    return out + bias


def _conv1d(x, w, b, dil):
    out = jax.lax.conv_general_dilated(x, w, (1,), 'VALID', rhs_dilation=(dil,), dimension_numbers=('NCH', 'OIH', 'NCH'))
    return out + b[None, :, None]


def _tcn_block(x, w1, b1, w2, b2, gamma, beta, rmean, rvar, dil, dw=None, db=None):
    residual = x if dw is None else _conv1d(x, dw, db, 1)
    pad = (K - 1) * dil
    out = jnp.pad(x, ((0, 0), (0, 0), (pad, 0)))
    out = jax.nn.relu(_conv1d(out, w1, b1, dil))
    out = jnp.pad(out, ((0, 0), (0, 0), (pad, 0)))
    out = jax.nn.relu(_conv1d(out, w2, b2, dil))
    out = out + residual
    inv = gamma / jnp.sqrt(rvar + 1e-5)
    return (out - rmean[None, :, None]) * inv[None, :, None] + beta[None, :, None]


def _forward(x, W_spec, b_spec, Ws, asrc_s, adst_s, bias_s, Wt, asrc_t, adst_t, bias_t, tb1_w1, tb1_b1, tb1_w2, tb1_b2, tb1_dw, tb1_db, tb1_gamma, tb1_beta, tb1_mean, tb1_var, tb2_w1, tb2_b1, tb2_w2, tb2_b2, tb2_gamma, tb2_beta, tb2_mean, tb2_var, sei, tei):
    Bb = x.shape[0]
    z = jnp.einsum('bfct,fd->bctd', x, W_spec) + b_spec  # [B,C,T,D]
    zs = jnp.transpose(z, (0, 2, 1, 3)).reshape(Bb * T_STEPS, C_CH, D_SPEC)
    gs = _leaky(_gat(zs, sei, Ws, asrc_s, adst_s, bias_s, C_CH))
    gs = jnp.transpose(gs.reshape(Bb, T_STEPS, C_CH, GAT_OUT), (0, 2, 1, 3))  # [B,C,T,G]
    gt = _leaky(_gat(gs.reshape(Bb * C_CH, T_STEPS, GAT_OUT), tei, Wt, asrc_t, adst_t, bias_t, T_STEPS))
    gt = gt.reshape(Bb, C_CH, T_STEPS, GAT_OUT)
    tcn_in = jnp.transpose(jnp.transpose(gt, (0, 2, 1, 3)).reshape(Bb, T_STEPS, TCN_IN), (0, 2, 1))  # [B, C*G, T]
    h = _tcn_block(tcn_in, tb1_w1, tb1_b1, tb1_w2, tb1_b2, tb1_gamma, tb1_beta, tb1_mean, tb1_var, DIL[0], tb1_dw, tb1_db)
    h = _tcn_block(h, tb2_w1, tb2_b1, tb2_w2, tb2_b2, tb2_gamma, tb2_beta, tb2_mean, tb2_var, DIL[1])
    return jnp.max(h, axis=-1)  # AdaptiveMaxPool1d(1).squeeze(-1)


def setup_inputs(seed: int = 0):
    key = jax.random.key(seed)
    ks = jax.random.split(key, 20)
    inp = {}
    inp['x'] = jax.random.normal(ks[0], (B, F_BANDS, C_CH, T_STEPS), dtype=jnp.float32)
    inp['spatial_edge_index'] = jax.random.randint(ks[1], (2, E_S), 0, C_CH, dtype=jnp.int32)
    inp['temporal_edge_index'] = jax.random.randint(ks[2], (2, E_T), 0, T_STEPS, dtype=jnp.int32)
    inp['W_spec'] = jax.random.normal(ks[3], (F_BANDS, D_SPEC), jnp.float32) / np.sqrt(F_BANDS)
    inp['b_spec'] = jnp.zeros((D_SPEC,), jnp.float32)
    inp['Ws'] = jax.random.normal(ks[4], (D_SPEC, GAT_OUT), jnp.float32) / np.sqrt(D_SPEC)
    inp['asrc_s'] = jax.random.normal(ks[5], (HEADS, DH), jnp.float32) * 0.1
    inp['adst_s'] = jax.random.normal(ks[6], (HEADS, DH), jnp.float32) * 0.1
    inp['bias_s'] = jnp.zeros((GAT_OUT,), jnp.float32)
    inp['Wt'] = jax.random.normal(ks[7], (GAT_OUT, GAT_OUT), jnp.float32) / np.sqrt(GAT_OUT)
    inp['asrc_t'] = jax.random.normal(ks[8], (HEADS, DH), jnp.float32) * 0.1
    inp['adst_t'] = jax.random.normal(ks[9], (HEADS, DH), jnp.float32) * 0.1
    inp['bias_t'] = jnp.zeros((GAT_OUT,), jnp.float32)
    inp['tb1_w1'] = jax.random.normal(ks[10], (TCN_CH[0], TCN_IN, K), jnp.float32) / np.sqrt(TCN_IN * K)
    inp['tb1_b1'] = jnp.zeros((TCN_CH[0],), jnp.float32)
    inp['tb1_w2'] = jax.random.normal(ks[11], (TCN_CH[0], TCN_CH[0], K), jnp.float32) / np.sqrt(TCN_CH[0] * K)
    inp['tb1_b2'] = jnp.zeros((TCN_CH[0],), jnp.float32)
    inp['tb1_dw'] = jax.random.normal(ks[12], (TCN_CH[0], TCN_IN, 1), jnp.float32) / np.sqrt(TCN_IN)
    inp['tb1_db'] = jnp.zeros((TCN_CH[0],), jnp.float32)
    inp['tb1_gamma'] = jnp.ones((TCN_CH[0],), jnp.float32)
    inp['tb1_beta'] = jnp.zeros((TCN_CH[0],), jnp.float32)
    inp['tb1_mean'] = jnp.zeros((TCN_CH[0],), jnp.float32)
    inp['tb1_var'] = jnp.ones((TCN_CH[0],), jnp.float32)
    inp['tb2_w1'] = jax.random.normal(ks[13], (TCN_CH[1], TCN_CH[0], K), jnp.float32) / np.sqrt(TCN_CH[0] * K)
    inp['tb2_b1'] = jnp.zeros((TCN_CH[1],), jnp.float32)
    inp['tb2_w2'] = jax.random.normal(ks[14], (TCN_CH[1], TCN_CH[1], K), jnp.float32) / np.sqrt(TCN_CH[1] * K)
    inp['tb2_b2'] = jnp.zeros((TCN_CH[1],), jnp.float32)
    inp['tb2_gamma'] = jnp.ones((TCN_CH[1],), jnp.float32)
    inp['tb2_beta'] = jnp.zeros((TCN_CH[1],), jnp.float32)
    inp['tb2_mean'] = jnp.zeros((TCN_CH[1],), jnp.float32)
    inp['tb2_var'] = jnp.ones((TCN_CH[1],), jnp.float32)
    return inp


def reference(x, spatial_edge_index, temporal_edge_index, W_spec, b_spec, Ws, asrc_s, adst_s, bias_s, Wt, asrc_t, adst_t, bias_t, tb1_w1, tb1_b1, tb1_w2, tb1_b2, tb1_dw, tb1_db, tb1_gamma, tb1_beta, tb1_mean, tb1_var, tb2_w1, tb2_b1, tb2_w2, tb2_b2, tb2_gamma, tb2_beta, tb2_mean, tb2_var):
    return _forward(x, W_spec, b_spec, Ws, asrc_s, adst_s, bias_s, Wt, asrc_t, adst_t, bias_t, tb1_w1, tb1_b1, tb1_w2, tb1_b2, tb1_dw, tb1_db, tb1_gamma, tb1_beta, tb1_mean, tb1_var, tb2_w1, tb2_b1, tb2_w2, tb2_b2, tb2_gamma, tb2_beta, tb2_mean, tb2_var, spatial_edge_index, temporal_edge_index)

if __name__ == "__main__":
    import jax
    _d = setup_inputs()
    print(jax.jit(kernel)(*tuple(_d.values())))

</pallas_src>

<mosaic_0001>
#map = affine_map<(d0, d1) -> (0, 0)>
#map1 = affine_map<(d0, d1) -> (0)>
module attributes {stable_mosaic.version = 14 : i64} {
  func.func @_sc_count_kernel(%arg0: i32, %arg1: i32, %arg2: memref<576x128xf32, #tpu.memory_space<hbm>>, %arg3: memref<640x128xf32, #tpu.memory_space<hbm>>, %arg4: memref<576xi32, #tpu.memory_space<hbm>>, %arg5: memref<640xi32, #tpu.memory_space<hbm>>, %arg6: memref<640x128xf32, #tpu.memory_space<hbm>>, %arg7: memref<64x128xf32, #tpu.memory_space<hbm>>, %arg8: memref<128x128xf32, #tpu.memory_space<hbm>>, %arg9: memref<640x128xf32, #tpu.memory_space<vmem>>, %arg10: memref<576xi32, #tpu.memory_space<vmem>>, %arg11: memref<640xi32, #tpu.memory_space<vmem>>, %arg12: memref<72x128xf32, #tpu.memory_space<vmem_shared>>, %arg13: memref<136x128xf32, #tpu.memory_space<vmem_shared>>) attributes {dimension_semantics = [#tpu.dimension_semantics<core_parallel>, #tpu.dimension_semantics<subcore_parallel>], iteration_bounds = array<i64: 2, 16>, scalar_prefetch = 0 : i64, scratch_operands = 5 : i64, tpu.core_type = #tpu.core_type<sc_vector_subcore>, window_params = [{transform_indices = #map}, {transform_indices = #map}, {transform_indices = #map1}, {transform_indices = #map1}, {transform_indices = #map}, {transform_indices = #map}, {transform_indices = #map}]} {
    %mul3A = arith.constant 2 : i32
    %mul3A_0 = arith.muli %arg1, %mul3A : i32
    %add3A = arith.addi %mul3A_0, %arg0 : i32
    %eq3A = arith.constant 0 : i32
    %eq3A_1 = arith.cmpi eq, %add3A, %eq3A : i32
    %convert_element_type3A = arith.extui %eq3A_1 : i1 to i32
    %cond3A = arith.constant 0 : i32
    %cond3A_2 = arith.cmpi ne, %convert_element_type3A, %cond3A : i32
    scf.if %cond3A_2 {
      "tpu.region"() ({
        %run_scoped3A = tpu.sem_alloc : memref<!tpu.dma_semaphore, #tpu.memory_space<semaphore_mem>>
        tpu.enqueue_dma source(%arg4 : memref<576xi32, #tpu.memory_space<hbm>>) target(%arg10 : memref<576xi32, #tpu.memory_space<vmem>>) target_semaphore(%run_scoped3A : memref<!tpu.dma_semaphore, #tpu.memory_space<semaphore_mem>>)
        tpu.wait_dma2 semaphore(%run_scoped3A : memref<!tpu.dma_semaphore, #tpu.memory_space<semaphore_mem>>) src(%arg4 : memref<576xi32, #tpu.memory_space<hbm>>) dst(%arg10 : memref<576xi32, #tpu.memory_space<vmem>>)
        tpu.yield
      }) : () -> ()
      "tpu.region"() ({
        %run_scoped3A = tpu.sem_alloc : memref<!tpu.dma_semaphore, #tpu.memory_space<semaphore_mem>>
        tpu.enqueue_dma source(%arg5 : memref<640xi32, #tpu.memory_space<hbm>>) target(%arg11 : memref<640xi32, #tpu.memory_space<vmem>>) target_semaphore(%run_scoped3A : memref<!tpu.dma_semaphore, #tpu.memory_space<semaphore_mem>>)
        tpu.wait_dma2 semaphore(%run_scoped3A : memref<!tpu.dma_semaphore, #tpu.memory_space<semaphore_mem>>) src(%arg5 : memref<640xi32, #tpu.memory_space<hbm>>) dst(%arg11 : memref<640xi32, #tpu.memory_space<vmem>>)
        tpu.yield
      }) : () -> ()
      "tpu.region"() ({
        %run_scoped3A = tpu.sem_alloc : memref<!tpu.dma_semaphore, #tpu.memory_space<semaphore_mem>>
        %dma_start3A = arith.constant 0 : i32
        %dma_start3A_3 = arith.constant 0 : i32
        %dma_start3A_4 = tpu.memref_slice %arg6[%dma_start3A, %dma_start3A_3] : memref<640x128xf32, #tpu.memory_space<hbm>> -> memref<72x128xf32, #tpu.memory_space<hbm>>
        tpu.enqueue_dma source(%dma_start3A_4 : memref<72x128xf32, #tpu.memory_space<hbm>>) target(%arg12 : memref<72x128xf32, #tpu.memory_space<vmem_shared>>) target_semaphore(%run_scoped3A : memref<!tpu.dma_semaphore, #tpu.memory_space<semaphore_mem>>)
        %dma_wait3A = arith.constant 0 : i32
        %dma_wait3A_5 = arith.constant 0 : i32
        %dma_wait3A_6 = tpu.memref_slice %arg6[%dma_wait3A, %dma_wait3A_5] : memref<640x128xf32, #tpu.memory_space<hbm>> -> memref<72x128xf32, #tpu.memory_space<hbm>>
        tpu.wait_dma2 semaphore(%run_scoped3A : memref<!tpu.dma_semaphore, #tpu.memory_space<semaphore_mem>>) src(%dma_wait3A_6 : memref<72x128xf32, #tpu.memory_space<hbm>>) dst(%arg12 : memref<72x128xf32, #tpu.memory_space<vmem_shared>>)
        tpu.yield
      }) : () -> ()
      "tpu.region"() ({
        %run_scoped3A = tpu.sem_alloc : memref<!tpu.dma_semaphore, #tpu.memory_space<semaphore_mem>>
        %dma_start3A = arith.constant 0 : i32
        %dma_start3A_3 = arith.constant 0 : i32
        %dma_start3A_4 = tpu.memref_slice %arg6[%dma_start3A, %dma_start3A_3] : memref<640x128xf32, #tpu.memory_space<hbm>> -> memref<136x128xf32, #tpu.memory_space<hbm>>
        tpu.enqueue_dma source(%dma_start3A_4 : memref<136x128xf32, #tpu.memory_space<hbm>>) target(%arg13 : memref<136x128xf32, #tpu.memory_space<vmem_shared>>) target_semaphore(%run_scoped3A : memref<!tpu.dma_semaphore, #tpu.memory_space<semaphore_mem>>)
        %dma_wait3A = arith.constant 0 : i32
        %dma_wait3A_5 = arith.constant 0 : i32
        %dma_wait3A_6 = tpu.memref_slice %arg6[%dma_wait3A, %dma_wait3A_5] : memref<640x128xf32, #tpu.memory_space<hbm>> -> memref<136x128xf32, #tpu.memory_space<hbm>>
        tpu.wait_dma2 semaphore(%run_scoped3A : memref<!tpu.dma_semaphore, #tpu.memory_space<semaphore_mem>>) src(%dma_wait3A_6 : memref<136x128xf32, #tpu.memory_space<hbm>>) dst(%arg13 : memref<136x128xf32, #tpu.memory_space<vmem_shared>>)
        tpu.yield
      }) : () -> ()
      "tpu.region"() ({
        %run_scoped3A = tpu.sem_alloc : memref<!tpu.dma_semaphore, #tpu.memory_space<semaphore_mem>>
        %dma_start3A = arith.constant 0 : i32
        %dma_start3A_3 = arith.constant 0 : i32
        %dma_start3A_4 = tpu.memref_slice %arg9[%dma_start3A, %dma_start3A_3] : memref<640x128xf32, #tpu.memory_space<vmem>> -> memref<576x128xf32, #tpu.memory_space<vmem>>
        %dma_start3A_5 = arith.constant 0 : i32
        %dma_start3A_6 = arith.constant 0 : i32
        %dma_start3A_7 = tpu.memref_slice %arg9[%dma_start3A_5, %dma_start3A_6] : memref<640x128xf32, #tpu.memory_space<vmem>> -> memref<576x128xf32, #tpu.memory_space<vmem>>
        tpu.enqueue_dma source(%arg2 : memref<576x128xf32, #tpu.memory_space<hbm>>) target(%dma_start3A_7 : memref<576x128xf32, #tpu.memory_space<vmem>>) target_semaphore(%run_scoped3A : memref<!tpu.dma_semaphore, #tpu.memory_space<semaphore_mem>>)
        %dma_wait3A = arith.constant 0 : i32
        %dma_wait3A_8 = arith.constant 0 : i32
        %dma_wait3A_9 = tpu.memref_slice %arg9[%dma_wait3A, %dma_wait3A_8] : memref<640x128xf32, #tpu.memory_space<vmem>> -> memref<576x128xf32, #tpu.memory_space<vmem>>
        %dma_wait3A_10 = arith.constant 0 : i32
        %dma_wait3A_11 = arith.constant 0 : i32
        %dma_wait3A_12 = tpu.memref_slice %arg9[%dma_wait3A_10, %dma_wait3A_11] : memref<640x128xf32, #tpu.memory_space<vmem>> -> memref<576x128xf32, #tpu.memory_space<vmem>>
        tpu.wait_dma2 semaphore(%run_scoped3A : memref<!tpu.dma_semaphore, #tpu.memory_space<semaphore_mem>>) src(%arg2 : memref<576x128xf32, #tpu.memory_space<hbm>>) dst(%dma_wait3A_12 : memref<576x128xf32, #tpu.memory_space<vmem>>)
        tpu.yield
      }) : () -> ()
      "tpu.region"() ({
        %run_scoped3A = tpu.sem_alloc : memref<!tpu.dma_semaphore, #tpu.memory_space<semaphore_mem>>
        %dma_start3A = arith.constant 0 : i32
        %dma_start3A_3 = arith.constant 0 : i32
        %dma_start3A_4 = tpu.memref_slice %arg9[%dma_start3A, %dma_start3A_3] : memref<640x128xf32, #tpu.memory_space<vmem>> -> memref<576x128xf32, #tpu.memory_space<vmem>>
        %dma_start3A_5 = arith.constant 0 : i32
        %dma_start3A_6 = arith.constant 0 : i32
        %dma_start3A_7 = tpu.memref_slice %arg12[%dma_start3A_5, %dma_start3A_6] : memref<72x128xf32, #tpu.memory_space<vmem_shared>> -> memref<72x128xf32, #tpu.memory_space<vmem_shared>>
        tpu.enqueue_indirect_dma source(%dma_start3A_4 : memref<576x128xf32, #tpu.memory_space<vmem>>) target(%dma_start3A_7 : memref<72x128xf32, #tpu.memory_space<vmem_shared>>) offsets(%arg10 : memref<576xi32, #tpu.memory_space<vmem>>) semaphore(%run_scoped3A : memref<!tpu.dma_semaphore, #tpu.memory_space<semaphore_mem>>) {add = true}
        %dma_wait3A = arith.constant 0 : i32
        %dma_wait3A_8 = arith.constant 0 : i32
        %dma_wait3A_9 = tpu.memref_slice %arg9[%dma_wait3A, %dma_wait3A_8] : memref<640x128xf32, #tpu.memory_space<vmem>> -> memref<576x128xf32, #tpu.memory_space<vmem>>
        %dma_wait3A_10 = arith.constant 0 : i32
        %dma_wait3A_11 = arith.constant 0 : i32
        %dma_wait3A_12 = tpu.memref_slice %arg12[%dma_wait3A_10, %dma_wait3A_11] : memref<72x128xf32, #tpu.memory_space<vmem_shared>> -> memref<72x128xf32, #tpu.memory_space<vmem_shared>>
        tpu.wait_indirect_dma semaphore(%run_scoped3A : memref<!tpu.dma_semaphore, #tpu.memory_space<semaphore_mem>>) src(%dma_wait3A_9 : memref<576x128xf32, #tpu.memory_space<vmem>>) dst(%dma_wait3A_12 : memref<72x128xf32, #tpu.memory_space<vmem_shared>>)
        tpu.yield
      }) : () -> ()
      "tpu.region"() ({
        %run_scoped3A = tpu.sem_alloc : memref<!tpu.dma_semaphore, #tpu.memory_space<semaphore_mem>>
        %dma_start3A = arith.constant 0 : i32
        %dma_start3A_3 = arith.constant 0 : i32
        %dma_start3A_4 = tpu.memref_slice %arg12[%dma_start3A, %dma_start3A_3] : memref<72x128xf32, #tpu.memory_space<vmem_shared>> -> memref<64x128xf32, #tpu.memory_space<vmem_shared>>
        tpu.enqueue_dma source(%dma_start3A_4 : memref<64x128xf32, #tpu.memory_space<vmem_shared>>) target(%arg7 : memref<64x128xf32, #tpu.memory_space<hbm>>) target_semaphore(%run_scoped3A : memref<!tpu.dma_semaphore, #tpu.memory_space<semaphore_mem>>)
        %dma_wait3A = arith.constant 0 : i32
        %dma_wait3A_5 = arith.constant 0 : i32
        %dma_wait3A_6 = tpu.memref_slice %arg12[%dma_wait3A, %dma_wait3A_5] : memref<72x128xf32, #tpu.memory_space<vmem_shared>> -> memref<64x128xf32, #tpu.memory_space<vmem_shared>>
        tpu.wait_dma2 semaphore(%run_scoped3A : memref<!tpu.dma_semaphore, #tpu.memory_space<semaphore_mem>>) src(%dma_wait3A_6 : memref<64x128xf32, #tpu.memory_space<vmem_shared>>) dst(%arg7 : memref<64x128xf32, #tpu.memory_space<hbm>>)
        tpu.yield
      }) : () -> ()
      "tpu.region"() ({
        %run_scoped3A = tpu.sem_alloc : memref<!tpu.dma_semaphore, #tpu.memory_space<semaphore_mem>>
        tpu.enqueue_dma source(%arg3 : memref<640x128xf32, #tpu.memory_space<hbm>>) target(%arg9 : memref<640x128xf32, #tpu.memory_space<vmem>>) target_semaphore(%run_scoped3A : memref<!tpu.dma_semaphore, #tpu.memory_space<semaphore_mem>>)
        tpu.wait_dma2 semaphore(%run_scoped3A : memref<!tpu.dma_semaphore, #tpu.memory_space<semaphore_mem>>) src(%arg3 : memref<640x128xf32, #tpu.memory_space<hbm>>) dst(%arg9 : memref<640x128xf32, #tpu.memory_space<vmem>>)
        tpu.yield
      }) : () -> ()
      "tpu.region"() ({
        %run_scoped3A = tpu.sem_alloc : memref<!tpu.dma_semaphore, #tpu.memory_space<semaphore_mem>>
        %dma_start3A = arith.constant 0 : i32
        %dma_start3A_3 = arith.constant 0 : i32
        %dma_start3A_4 = tpu.memref_slice %arg13[%dma_start3A, %dma_start3A_3] : memref<136x128xf32, #tpu.memory_space<vmem_shared>> -> memref<136x128xf32, #tpu.memory_space<vmem_shared>>
        tpu.enqueue_indirect_dma source(%arg9 : memref<640x128xf32, #tpu.memory_space<vmem>>) target(%dma_start3A_4 : memref<136x128xf32, #tpu.memory_space<vmem_shared>>) offsets(%arg11 : memref<640xi32, #tpu.memory_space<vmem>>) semaphore(%run_scoped3A : memref<!tpu.dma_semaphore, #tpu.memory_space<semaphore_mem>>) {add = true}
        %dma_wait3A = arith.constant 0 : i32
        %dma_wait3A_5 = arith.constant 0 : i32
        %dma_wait3A_6 = tpu.memref_slice %arg13[%dma_wait3A, %dma_wait3A_5] : memref<136x128xf32, #tpu.memory_space<vmem_shared>> -> memref<136x128xf32, #tpu.memory_space<vmem_shared>>
        tpu.wait_indirect_dma semaphore(%run_scoped3A : memref<!tpu.dma_semaphore, #tpu.memory_space<semaphore_mem>>) src(%arg9 : memref<640x128xf32, #tpu.memory_space<vmem>>) dst(%dma_wait3A_6 : memref<136x128xf32, #tpu.memory_space<vmem_shared>>)
        tpu.yield
      }) : () -> ()
      "tpu.region"() ({
        %run_scoped3A = tpu.sem_alloc : memref<!tpu.dma_semaphore, #tpu.memory_space<semaphore_mem>>
        %dma_start3A = arith.constant 0 : i32
        %dma_start3A_3 = arith.constant 0 : i32
        %dma_start3A_4 = tpu.memref_slice %arg13[%dma_start3A, %dma_start3A_3] : memref<136x128xf32, #tpu.memory_space<vmem_shared>> -> memref<128x128xf32, #tpu.memory_space<vmem_shared>>
        tpu.enqueue_dma source(%dma_start3A_4 : memref<128x128xf32, #tpu.memory_space<vmem_shared>>) target(%arg8 : memref<128x128xf32, #tpu.memory_space<hbm>>) target_semaphore(%run_scoped3A : memref<!tpu.dma_semaphore, #tpu.memory_space<semaphore_mem>>)
        %dma_wait3A = arith.constant 0 : i32
        %dma_wait3A_5 = arith.constant 0 : i32
        %dma_wait3A_6 = tpu.memref_slice %arg13[%dma_wait3A, %dma_wait3A_5] : memref<136x128xf32, #tpu.memory_space<vmem_shared>> -> memref<128x128xf32, #tpu.memory_space<vmem_shared>>
        tpu.wait_dma2 semaphore(%run_scoped3A : memref<!tpu.dma_semaphore, #tpu.memory_space<semaphore_mem>>) src(%dma_wait3A_6 : memref<128x128xf32, #tpu.memory_space<vmem_shared>>) dst(%arg8 : memref<128x128xf32, #tpu.memory_space<hbm>>)
        tpu.yield
      }) : () -> ()
    } else {
    }
    return
  }
}

module attributes {stable_mosaic.version = 14 : i64} {
  func.func @_prep_kernel(%arg0: memref<576x1xi32, #tpu.memory_space<vmem>>, %arg1: memref<640x1xi32, #tpu.memory_space<vmem>>, %arg2: memref<5x64xf32, #tpu.memory_space<vmem>>, %arg3: memref<64x32xf32, #tpu.memory_space<vmem>>, %arg4: memref<1x64xf32, #tpu.memory_space<vmem>>, %arg5: memref<32x1xf32, #tpu.memory_space<vmem>>, %arg6: memref<32x1xf32, #tpu.memory_space<vmem>>, %arg7: memref<32x1xf32, #tpu.memory_space<vmem>>, %arg8: memref<32x1xf32, #tpu.memory_space<vmem>>, %arg9: memref<576x128xf32, #tpu.memory_space<vmem>>, %arg10: memref<640x128xf32, #tpu.memory_space<vmem>>, %arg11: memref<5x32xf32, #tpu.memory_space<vmem>>, %arg12: memref<1x32xf32, #tpu.memory_space<vmem>>, %arg13: memref<32x4xf32, #tpu.memory_space<vmem>>, %arg14: memref<32x4xf32, #tpu.memory_space<vmem>>, %arg15: memref<32x4xf32, #tpu.memory_space<vmem>>, %arg16: memref<32x4xf32, #tpu.memory_space<vmem>>) attributes {dimension_semantics = [], scalar_prefetch = 0 : i64, scratch_operands = 0 : i64, tpu.core_type = #tpu.core_type<tc>} {
    %iota3A = tpu.iota {dimensions = array<i32: 1>} : vector<576x128xi32>
    %get3A = arith.constant 0 : index
    %get3A_0 = arith.constant 0 : index
    %get3A_1 = vector.load %arg0[%get3A, %get3A_0] : memref<576x1xi32, #tpu.memory_space<vmem>>, vector<576x1xi32>
    %eq3A = vector.broadcast %get3A_1 : vector<576x1xi32> to vector<576x128xi32>
    %eq3A_2 = arith.cmpi eq, %iota3A, %eq3A : vector<576x128xi32>
    %convert_element_type3A = arith.extui %eq3A_2 : vector<576x128xi1> to vector<576x128xi32>
    %convert_element_type3A_3 = arith.sitofp %convert_element_type3A : vector<576x128xi32> to vector<576x128xf32>
    %swap3A = arith.constant 0 : index
    %swap3A_4 = arith.constant 0 : index
    %swap3A_5 = vector.load %arg9[%swap3A, %swap3A_4] : memref<576x128xf32, #tpu.memory_space<vmem>>, vector<576x128xf32>
    tpu.vector_store %arg9[%swap3A, %swap3A_4], %convert_element_type3A_3 {strides = array<i32>} : memref<576x128xf32, #tpu.memory_space<vmem>>, vector<576x128xf32>,
    %iota3A_6 = tpu.iota {dimensions = array<i32: 1>} : vector<640x128xi32>
    %get3A_7 = arith.constant 0 : index
    %get3A_8 = arith.constant 0 : index
    %get3A_9 = vector.load %arg1[%get3A_7, %get3A_8] : memref<640x1xi32, #tpu.memory_space<vmem>>, vector<640x1xi32>
    %eq3A_10 = vector.broadcast %get3A_9 : vector<640x1xi32> to vector<640x128xi32>
    %eq3A_11 = arith.cmpi eq, %iota3A_6, %eq3A_10 : vector<640x128xi32>
    %convert_element_type3A_12 = arith.extui %eq3A_11 : vector<640x128xi1> to vector<640x128xi32>
    %convert_element_type3A_13 = arith.sitofp %convert_element_type3A_12 : vector<640x128xi32> to vector<640x128xf32>
    %swap3A_14 = arith.constant 0 : index
    %swap3A_15 = arith.constant 0 : index
    %swap3A_16 = vector.load %arg10[%swap3A_14, %swap3A_15] : memref<640x128xf32, #tpu.memory_space<vmem>>, vector<640x128xf32>
    tpu.vector_store %arg10[%swap3A_14, %swap3A_15], %convert_element_type3A_13 {strides = array<i32>} : memref<640x128xf32, #tpu.memory_space<vmem>>, vector<640x128xf32>,
    %get3A_17 = arith.constant 0 : index
    %get3A_18 = arith.constant 0 : index
    %get3A_19 = vector.load %arg2[%get3A_17, %get3A_18] : memref<5x64xf32, #tpu.memory_space<vmem>>, vector<5x64xf32>
    %get3A_20 = arith.constant 0 : index
    %get3A_21 = arith.constant 0 : index
    %get3A_22 = vector.load %arg3[%get3A_20, %get3A_21] : memref<64x32xf32, #tpu.memory_space<vmem>>, vector<64x32xf32>
    %dot_general3A = arith.constant dense<0.000000e+00> : vector<5x32xf32>
    %dot_general3A_23 = tpu.matmul %get3A_19, %get3A_22, %dot_general3A {dimension_numbers = #tpu.dot_dimension_numbers<[1], [0], [0], [1], [0, 0, 1, 1], [], []>, transpose_lhs_hint = false} : vector<5x64xf32>, vector<64x32xf32>, vector<5x32xf32> -> vector<5x32xf32>
    %swap3A_24 = arith.constant 0 : index
    %swap3A_25 = arith.constant 0 : index
    %swap3A_26 = vector.load %arg11[%swap3A_24, %swap3A_25] : memref<5x32xf32, #tpu.memory_space<vmem>>, vector<5x32xf32>
    tpu.vector_store %arg11[%swap3A_24, %swap3A_25], %dot_general3A_23 {strides = array<i32>} : memref<5x32xf32, #tpu.memory_space<vmem>>, vector<5x32xf32>,
    %get3A_27 = arith.constant 0 : index
    %get3A_28 = arith.constant 0 : index
    %get3A_29 = vector.load %arg4[%get3A_27, %get3A_28] : memref<1x64xf32, #tpu.memory_space<vmem>>, vector<1x64xf32>
    %get3A_30 = arith.constant 0 : index
    %get3A_31 = arith.constant 0 : index
    %get3A_32 = vector.load %arg3[%get3A_30, %get3A_31] : memref<64x32xf32, #tpu.memory_space<vmem>>, vector<64x32xf32>
    %dot_general3A_33 = arith.constant dense<0.000000e+00> : vector<1x32xf32>
    %dot_general3A_34 = tpu.matmul %get3A_29, %get3A_32, %dot_general3A_33 {dimension_numbers = #tpu.dot_dimension_numbers<[1], [0], [0], [1], [0, 0, 1, 1], [], []>, transpose_lhs_hint = false} : vector<1x64xf32>, vector<64x32xf32>, vector<1x32xf32> -> vector<1x32xf32>
    %swap3A_35 = arith.constant 0 : index
    %swap3A_36 = arith.constant 0 : index
    %swap3A_37 = vector.load %arg12[%swap3A_35, %swap3A_36] : memref<1x32xf32, #tpu.memory_space<vmem>>, vector<1x32xf32>
    tpu.vector_store %arg12[%swap3A_35, %swap3A_36], %dot_general3A_34 {strides = array<i32>} : memref<1x32xf32, #tpu.memory_space<vmem>>, vector<1x32xf32>,
    %iota3A_38 = tpu.iota {dimensions = array<i32: 0>} : vector<32x4xi32>
    %iota3A_39 = tpu.iota {dimensions = array<i32: 1>} : vector<32x4xi32>
    %jit3A = arith.constant 8 : i32
    %div3A = vector.broadcast %jit3A : i32 to vector<32x4xi32>
    %div3A_40 = arith.divsi %iota3A_38, %div3A : vector<32x4xi32>
    %sign3A = arith.constant 0 : i32
    %sign3A_41 = vector.broadcast %sign3A : i32 to vector<32x4xi32>
    %sign3A_42 = arith.cmpi sgt, %iota3A_38, %sign3A_41 : vector<32x4xi32>
    %sign3A_43 = arith.extui %sign3A_42 : vector<32x4xi1> to vector<32x4xi32>
    %sign3A_44 = arith.constant 0 : i32
    %sign3A_45 = vector.broadcast %sign3A_44 : i32 to vector<32x4xi32>
    %sign3A_46 = arith.cmpi slt, %iota3A_38, %sign3A_45 : vector<32x4xi32>
    %sign3A_47 = arith.extui %sign3A_46 : vector<32x4xi1> to vector<32x4xi32>
    %sign3A_48 = arith.subi %sign3A_43, %sign3A_47 : vector<32x4xi32>
    %sign3A_49 = arith.constant 0 : i32
    %sign3A_50 = arith.cmpi sgt, %jit3A, %sign3A_49 : i32
    %sign3A_51 = arith.extui %sign3A_50 : i1 to i32
    %sign3A_52 = arith.constant 0 : i32
    %sign3A_53 = arith.cmpi slt, %jit3A, %sign3A_52 : i32
    %sign3A_54 = arith.extui %sign3A_53 : i1 to i32
    %sign3A_55 = arith.subi %sign3A_51, %sign3A_54 : i32
    %ne3A = vector.broadcast %sign3A_55 : i32 to vector<32x4xi32>
    %ne3A_56 = arith.cmpi ne, %sign3A_48, %ne3A : vector<32x4xi32>
    %rem3A = vector.broadcast %jit3A : i32 to vector<32x4xi32>
    %rem3A_57 = arith.remsi %iota3A_38, %rem3A : vector<32x4xi32>
    %ne3A_58 = arith.constant 0 : i32
    %ne3A_59 = vector.broadcast %ne3A_58 : i32 to vector<32x4xi32>
    %ne3A_60 = arith.cmpi ne, %rem3A_57, %ne3A_59 : vector<32x4xi32>
    %and3A = arith.andi %ne3A_56, %ne3A_60 : vector<32x4xi1>
    %sub3A = arith.constant 1 : i32
    %sub3A_61 = vector.broadcast %sub3A : i32 to vector<32x4xi32>
    %sub3A_62 = arith.subi %div3A_40, %sub3A_61 : vector<32x4xi32>
    %select_n3A = arith.select %and3A, %sub3A_62, %div3A_40 : vector<32x4xi1>, vector<32x4xi32>
    %eq3A_63 = arith.cmpi eq, %select_n3A, %iota3A_39 : vector<32x4xi32>
    %convert_element_type3A_64 = arith.extui %eq3A_63 : vector<32x4xi1> to vector<32x4xi32>
    %convert_element_type3A_65 = arith.sitofp %convert_element_type3A_64 : vector<32x4xi32> to vector<32x4xf32>
    %get3A_66 = arith.constant 0 : index
    %get3A_67 = arith.constant 0 : index
    %get3A_68 = vector.load %arg5[%get3A_66, %get3A_67] : memref<32x1xf32, #tpu.memory_space<vmem>>, vector<32x1xf32>
    %mul3A = vector.broadcast %get3A_68 : vector<32x1xf32> to vector<32x4xf32>
    %mul3A_69 = arith.mulf %mul3A, %convert_element_type3A_65 : vector<32x4xf32>
    %swap3A_70 = arith.constant 0 : index
    %swap3A_71 = arith.constant 0 : index
    %swap3A_72 = vector.load %arg13[%swap3A_70, %swap3A_71] : memref<32x4xf32, #tpu.memory_space<vmem>>, vector<32x4xf32>
    tpu.vector_store %arg13[%swap3A_70, %swap3A_71], %mul3A_69 {strides = array<i32>} : memref<32x4xf32, #tpu.memory_space<vmem>>, vector<32x4xf32>,
    %get3A_73 = arith.constant 0 : index
    %get3A_74 = arith.constant 0 : index
    %get3A_75 = vector.load %arg6[%get3A_73, %get3A_74] : memref<32x1xf32, #tpu.memory_space<vmem>>, vector<32x1xf32>
    %mul3A_76 = vector.broadcast %get3A_75 : vector<32x1xf32> to vector<32x4xf32>
    %mul3A_77 = arith.mulf %mul3A_76, %convert_element_type3A_65 : vector<32x4xf32>
    %swap3A_78 = arith.constant 0 : index
    %swap3A_79 = arith.constant 0 : index
    %swap3A_80 = vector.load %arg14[%swap3A_78, %swap3A_79] : memref<32x4xf32, #tpu.memory_space<vmem>>, vector<32x4xf32>
    tpu.vector_store %arg14[%swap3A_78, %swap3A_79], %mul3A_77 {strides = array<i32>} : memref<32x4xf32, #tpu.memory_space<vmem>>, vector<32x4xf32>,
    %get3A_81 = arith.constant 0 : index
    %get3A_82 = arith.constant 0 : index
    %get3A_83 = vector.load %arg7[%get3A_81, %get3A_82] : memref<32x1xf32, #tpu.memory_space<vmem>>, vector<32x1xf32>
    %mul3A_84 = vector.broadcast %get3A_83 : vector<32x1xf32> to vector<32x4xf32>
    %mul3A_85 = arith.mulf %mul3A_84, %convert_element_type3A_65 : vector<32x4xf32>
    %swap3A_86 = arith.constant 0 : index
    %swap3A_87 = arith.constant 0 : index
    %swap3A_88 = vector.load %arg15[%swap3A_86, %swap3A_87] : memref<32x4xf32, #tpu.memory_space<vmem>>, vector<32x4xf32>
    tpu.vector_store %arg15[%swap3A_86, %swap3A_87], %mul3A_85 {strides = array<i32>} : memref<32x4xf32, #tpu.memory_space<vmem>>, vector<32x4xf32>,
    %get3A_89 = arith.constant 0 : index
    %get3A_90 = arith.constant 0 : index
    %get3A_91 = vector.load %arg8[%get3A_89, %get3A_90] : memref<32x1xf32, #tpu.memory_space<vmem>>, vector<32x1xf32>
    %mul3A_92 = vector.broadcast %get3A_91 : vector<32x1xf32> to vector<32x4xf32>
    %mul3A_93 = arith.mulf %mul3A_92, %convert_element_type3A_65 : vector<32x4xf32>
    %swap3A_94 = arith.constant 0 : index
    %swap3A_95 = arith.constant 0 : index
    %swap3A_96 = vector.load %arg16[%swap3A_94, %swap3A_95] : memref<32x4xf32, #tpu.memory_space<vmem>>, vector<32x4xf32>
    tpu.vector_store %arg16[%swap3A_94, %swap3A_95], %mul3A_93 {strides = array<i32>} : memref<32x4xf32, #tpu.memory_space<vmem>>, vector<32x4xf32>,
    return
  }
}

module attributes {stable_mosaic.version = 14 : i64} {
  func.func @_temporal_kernel(%arg0: i32, %arg1: i32, %arg2: memref<1x16x128x32xf32, #tpu.memory_space<vmem>>, %arg3: memref<128x128xf32, #tpu.memory_space<vmem>>, %arg4: memref<32x32xf32, #tpu.memory_space<vmem>>, %arg5: memref<32x4xf32, #tpu.memory_space<vmem>>, %arg6: memref<32x4xf32, #tpu.memory_space<vmem>>, %arg7: memref<1x32xf32, #tpu.memory_space<vmem>>, %arg8: memref<1x128x512xf32, #tpu.memory_space<vmem>>) attributes {dimension_semantics = [#tpu.dimension_semantics<arbitrary>, #tpu.dimension_semantics<arbitrary>], iteration_bounds = array<i64: 16, 4>, scalar_prefetch = 0 : i64, scratch_operands = 0 : i64, tpu.core_type = #tpu.core_type<tc>, window_params = [{transform_indices = @transform_0, window_bounds = array<i64: 1, 16, 128, 32>}, {pipeline_mode = #tpu.pipeline_mode<synchronous>, transform_indices = @transform_1, window_bounds = array<i64: 128, 128>}, {pipeline_mode = #tpu.pipeline_mode<synchronous>, transform_indices = @transform_2, window_bounds = array<i64: 32, 32>}, {pipeline_mode = #tpu.pipeline_mode<synchronous>, transform_indices = @transform_3, window_bounds = array<i64: 32, 4>}, {pipeline_mode = #tpu.pipeline_mode<synchronous>, transform_indices = @transform_4, window_bounds = array<i64: 32, 4>}, {pipeline_mode = #tpu.pipeline_mode<synchronous>, transform_indices = @transform_5, window_bounds = array<i64: 1, 32>}, {transform_indices = @transform_6, window_bounds = array<i64: 1, 128, 512>}]} {
    %get3A = arith.constant 0 : index
    %get3A_0 = arith.constant 0 : index
    %get3A_1 = arith.constant 0 : index
    %get3A_2 = arith.constant 0 : index
    %get3A_3 = vector.load %arg2[%get3A, %get3A_0, %get3A_1, %get3A_2] : memref<1x16x128x32xf32, #tpu.memory_space<vmem>>, vector<1x16x128x32xf32>
    %get3A_4 = vector.shape_cast %get3A_3 : vector<1x16x128x32xf32> to vector<16x128x32xf32>
    %reshape3A = vector.shape_cast %get3A_4 : vector<16x128x32xf32> to vector<2048x32xf32>
    %get3A_5 = arith.constant 0 : index
    %get3A_6 = arith.constant 0 : index
    %get3A_7 = vector.load %arg4[%get3A_5, %get3A_6] : memref<32x32xf32, #tpu.memory_space<vmem>>, vector<32x32xf32>
    %dot_general3A = arith.constant dense<0.000000e+00> : vector<2048x32xf32>
    %dot_general3A_8 = tpu.matmul %reshape3A, %get3A_7, %dot_general3A {dimension_numbers = #tpu.dot_dimension_numbers<[1], [0], [0], [1], [0, 0, 1, 1], [], []>, transpose_lhs_hint = false} : vector<2048x32xf32>, vector<32x32xf32>, vector<2048x32xf32> -> vector<2048x32xf32>
    %get3A_9 = arith.constant 0 : index
    %get3A_10 = arith.constant 0 : index
    %get3A_11 = vector.load %arg5[%get3A_9, %get3A_10] : memref<32x4xf32, #tpu.memory_space<vmem>>, vector<32x4xf32>
    %dot_general3A_12 = arith.constant dense<0.000000e+00> : vector<2048x4xf32>
    %dot_general3A_13 = tpu.matmul %dot_general3A_8, %get3A_11, %dot_general3A_12 {dimension_numbers = #tpu.dot_dimension_numbers<[1], [0], [0], [1], [0, 0, 1, 1], [], []>, transpose_lhs_hint = false} : vector<2048x32xf32>, vector<32x4xf32>, vector<2048x4xf32> -> vector<2048x4xf32>
    %get3A_14 = arith.constant 0 : index
    %get3A_15 = arith.constant 0 : index
    %get3A_16 = vector.load %arg6[%get3A_14, %get3A_15] : memref<32x4xf32, #tpu.memory_space<vmem>>, vector<32x4xf32>
    %dot_general3A_17 = arith.constant dense<0.000000e+00> : vector<2048x4xf32>
    %dot_general3A_18 = tpu.matmul %dot_general3A_8, %get3A_16, %dot_general3A_17 {dimension_numbers = #tpu.dot_dimension_numbers<[1], [0], [0], [1], [0, 0, 1, 1], [], []>, transpose_lhs_hint = false} : vector<2048x32xf32>, vector<32x4xf32>, vector<2048x4xf32> -> vector<2048x4xf32>
    %reshape3A_19 = vector.shape_cast %dot_general3A_8 : vector<2048x32xf32> to vector<16x128x32xf32>
    %reshape3A_20 = vector.shape_cast %dot_general3A_13 : vector<2048x4xf32> to vector<16x128x4xf32>
    %reshape3A_21 = vector.shape_cast %dot_general3A_18 : vector<2048x4xf32> to vector<16x128x4xf32>
    %get3A_22 = arith.constant 0 : index
    %get3A_23 = arith.constant 0 : index
    %get3A_24 = vector.load %arg3[%get3A_22, %get3A_23] : memref<128x128xf32, #tpu.memory_space<vmem>>, vector<128x128xf32>
    %get3A_25 = arith.constant 0 : index
    %get3A_26 = arith.constant 0 : index
    %get3A_27 = vector.load %arg7[%get3A_25, %get3A_26] : memref<1x32xf32, #tpu.memory_space<vmem>>, vector<1x32xf32>
    %transpose3A = tpu.transpose %reshape3A_20, [0, 2, 1] : vector<16x128x4xf32> -> vector<16x4x128xf32>
    %slice3A = vector.extract_strided_slice %transpose3A {offsets = [0, 0, 0], sizes = [16, 1, 128], strides = [1, 1, 1]} : vector<16x4x128xf32> to vector<16x1x128xf32>
    %slice3A_28 = vector.extract_strided_slice %reshape3A_21 {offsets = [0, 0, 0], sizes = [16, 128, 1], strides = [1, 1, 1]} : vector<16x128x4xf32> to vector<16x128x1xf32>
    %add3A = vector.broadcast %slice3A_28 : vector<16x128x1xf32> to vector<16x128x128xf32>
    %add3A_29 = vector.broadcast %slice3A : vector<16x1x128xf32> to vector<16x128x128xf32>
    %add3A_30 = arith.addf %add3A, %add3A_29 : vector<16x128x128xf32>
    %ge3A = arith.constant 0.000000e+00 : f32
    %ge3A_31 = vector.broadcast %ge3A : f32 to vector<16x128x128xf32>
    %ge3A_32 = arith.cmpf oge, %add3A_30, %ge3A_31 : vector<16x128x128xf32>
    %exp3A = math.exp %slice3A_28 : vector<16x128x1xf32>
    %mul3A = arith.constant 2.000000e-01 : f32
    %mul3A_33 = vector.broadcast %mul3A : f32 to vector<16x128x1xf32>
    %mul3A_34 = arith.mulf %mul3A_33, %slice3A_28 : vector<16x128x1xf32>
    %exp3A_35 = math.exp %mul3A_34 : vector<16x128x1xf32>
    %broadcast_in_dim3A = vector.shape_cast %exp3A : vector<16x128x1xf32> to vector<16x128x1xf32>
    %broadcast_in_dim3A_36 = vector.broadcast %broadcast_in_dim3A : vector<16x128x1xf32> to vector<16x128x128xf32>
    %broadcast_in_dim3A_37 = vector.shape_cast %exp3A_35 : vector<16x128x1xf32> to vector<16x128x1xf32>
    %broadcast_in_dim3A_38 = vector.broadcast %broadcast_in_dim3A_37 : vector<16x128x1xf32> to vector<16x128x128xf32>
    %select_n3A = arith.select %ge3A_32, %broadcast_in_dim3A_36, %broadcast_in_dim3A_38 : vector<16x128x128xi1>, vector<16x128x128xf32>
    %exp3A_39 = math.exp %slice3A : vector<16x1x128xf32>
    %mul3A_40 = arith.constant 2.000000e-01 : f32
    %mul3A_41 = vector.broadcast %mul3A_40 : f32 to vector<16x1x128xf32>
    %mul3A_42 = arith.mulf %mul3A_41, %slice3A : vector<16x1x128xf32>
    %exp3A_43 = math.exp %mul3A_42 : vector<16x1x128xf32>
    %broadcast_in_dim3A_44 = vector.shape_cast %exp3A_39 : vector<16x1x128xf32> to vector<16x1x128xf32>
    %broadcast_in_dim3A_45 = vector.broadcast %broadcast_in_dim3A_44 : vector<16x1x128xf32> to vector<16x128x128xf32>
    %broadcast_in_dim3A_46 = vector.shape_cast %exp3A_43 : vector<16x1x128xf32> to vector<16x1x128xf32>
    %broadcast_in_dim3A_47 = vector.broadcast %broadcast_in_dim3A_46 : vector<16x1x128xf32> to vector<16x128x128xf32>
    %select_n3A_48 = arith.select %ge3A_32, %broadcast_in_dim3A_45, %broadcast_in_dim3A_47 : vector<16x128x128xi1>, vector<16x128x128xf32>
    %broadcast_in_dim3A_49 = vector.shape_cast %get3A_24 : vector<128x128xf32> to vector<1x128x128xf32>
    %mul3A_50 = vector.broadcast %broadcast_in_dim3A_49 : vector<1x128x128xf32> to vector<16x128x128xf32>
    %mul3A_51 = arith.mulf %mul3A_50, %select_n3A : vector<16x128x128xf32>
    %mul3A_52 = arith.mulf %mul3A_51, %select_n3A_48 : vector<16x128x128xf32>
    %reduce_sum3A = arith.constant dense<0.000000e+00> : vector<16x128xf32>
    %reduce_sum3A_53 = vector.multi_reduction <add>, %mul3A_52, %reduce_sum3A [2] : vector<16x128x128xf32> to vector<16x128xf32>
    %broadcast_in_dim3A_54 = vector.shape_cast %reduce_sum3A_53 : vector<16x128xf32> to vector<16x128x1xf32>
    %slice3A_55 = vector.extract_strided_slice %transpose3A {offsets = [0, 1, 0], sizes = [16, 1, 128], strides = [1, 1, 1]} : vector<16x4x128xf32> to vector<16x1x128xf32>
    %slice3A_56 = vector.extract_strided_slice %reshape3A_21 {offsets = [0, 0, 1], sizes = [16, 128, 1], strides = [1, 1, 1]} : vector<16x128x4xf32> to vector<16x128x1xf32>
    %add3A_57 = vector.broadcast %slice3A_56 : vector<16x128x1xf32> to vector<16x128x128xf32>
    %add3A_58 = vector.broadcast %slice3A_55 : vector<16x1x128xf32> to vector<16x128x128xf32>
    %add3A_59 = arith.addf %add3A_57, %add3A_58 : vector<16x128x128xf32>
    %ge3A_60 = arith.constant 0.000000e+00 : f32
    %ge3A_61 = vector.broadcast %ge3A_60 : f32 to vector<16x128x128xf32>
    %ge3A_62 = arith.cmpf oge, %add3A_59, %ge3A_61 : vector<16x128x128xf32>
    %exp3A_63 = math.exp %slice3A_56 : vector<16x128x1xf32>
    %mul3A_64 = arith.constant 2.000000e-01 : f32
    %mul3A_65 = vector.broadcast %mul3A_64 : f32 to vector<16x128x1xf32>
    %mul3A_66 = arith.mulf %mul3A_65, %slice3A_56 : vector<16x128x1xf32>
    %exp3A_67 = math.exp %mul3A_66 : vector<16x128x1xf32>
    %broadcast_in_dim3A_68 = vector.shape_cast %exp3A_63 : vector<16x128x1xf32> to vector<16x128x1xf32>
    %broadcast_in_dim3A_69 = vector.broadcast %broadcast_in_dim3A_68 : vector<16x128x1xf32> to vector<16x128x128xf32>
    %broadcast_in_dim3A_70 = vector.shape_cast %exp3A_67 : vector<16x128x1xf32> to vector<16x128x1xf32>
    %broadcast_in_dim3A_71 = vector.broadcast %broadcast_in_dim3A_70 : vector<16x128x1xf32> to vector<16x128x128xf32>
    %select_n3A_72 = arith.select %ge3A_62, %broadcast_in_dim3A_69, %broadcast_in_dim3A_71 : vector<16x128x128xi1>, vector<16x128x128xf32>
    %exp3A_73 = math.exp %slice3A_55 : vector<16x1x128xf32>
    %mul3A_74 = arith.constant 2.000000e-01 : f32
    %mul3A_75 = vector.broadcast %mul3A_74 : f32 to vector<16x1x128xf32>
    %mul3A_76 = arith.mulf %mul3A_75, %slice3A_55 : vector<16x1x128xf32>
    %exp3A_77 = math.exp %mul3A_76 : vector<16x1x128xf32>
    %broadcast_in_dim3A_78 = vector.shape_cast %exp3A_73 : vector<16x1x128xf32> to vector<16x1x128xf32>
    %broadcast_in_dim3A_79 = vector.broadcast %broadcast_in_dim3A_78 : vector<16x1x128xf32> to vector<16x128x128xf32>
    %broadcast_in_dim3A_80 = vector.shape_cast %exp3A_77 : vector<16x1x128xf32> to vector<16x1x128xf32>
    %broadcast_in_dim3A_81 = vector.broadcast %broadcast_in_dim3A_80 : vector<16x1x128xf32> to vector<16x128x128xf32>
    %select_n3A_82 = arith.select %ge3A_62, %broadcast_in_dim3A_79, %broadcast_in_dim3A_81 : vector<16x128x128xi1>, vector<16x128x128xf32>
    %broadcast_in_dim3A_83 = vector.shape_cast %get3A_24 : vector<128x128xf32> to vector<1x128x128xf32>
    %mul3A_84 = vector.broadcast %broadcast_in_dim3A_83 : vector<1x128x128xf32> to vector<16x128x128xf32>
    %mul3A_85 = arith.mulf %mul3A_84, %select_n3A_72 : vector<16x128x128xf32>
    %mul3A_86 = arith.mulf %mul3A_85, %select_n3A_82 : vector<16x128x128xf32>
    %reduce_sum3A_87 = arith.constant dense<0.000000e+00> : vector<16x128xf32>
    %reduce_sum3A_88 = vector.multi_reduction <add>, %mul3A_86, %reduce_sum3A_87 [2] : vector<16x128x128xf32> to vector<16x128xf32>
    %broadcast_in_dim3A_89 = vector.shape_cast %reduce_sum3A_88 : vector<16x128xf32> to vector<16x128x1xf32>
    %slice3A_90 = vector.extract_strided_slice %transpose3A {offsets = [0, 2, 0], sizes = [16, 1, 128], strides = [1, 1, 1]} : vector<16x4x128xf32> to vector<16x1x128xf32>
    %slice3A_91 = vector.extract_strided_slice %reshape3A_21 {offsets = [0, 0, 2], sizes = [16, 128, 1], strides = [1, 1, 1]} : vector<16x128x4xf32> to vector<16x128x1xf32>
    %add3A_92 = vector.broadcast %slice3A_91 : vector<16x128x1xf32> to vector<16x128x128xf32>
    %add3A_93 = vector.broadcast %slice3A_90 : vector<16x1x128xf32> to vector<16x128x128xf32>
    %add3A_94 = arith.addf %add3A_92, %add3A_93 : vector<16x128x128xf32>
    %ge3A_95 = arith.constant 0.000000e+00 : f32
    %ge3A_96 = vector.broadcast %ge3A_95 : f32 to vector<16x128x128xf32>
    %ge3A_97 = arith.cmpf oge, %add3A_94, %ge3A_96 : vector<16x128x128xf32>
    %exp3A_98 = math.exp %slice3A_91 : vector<16x128x1xf32>
    %mul3A_99 = arith.constant 2.000000e-01 : f32
    %mul3A_100 = vector.broadcast %mul3A_99 : f32 to vector<16x128x1xf32>
    %mul3A_101 = arith.mulf %mul3A_100, %slice3A_91 : vector<16x128x1xf32>
    %exp3A_102 = math.exp %mul3A_101 : vector<16x128x1xf32>
    %broadcast_in_dim3A_103 = vector.shape_cast %exp3A_98 : vector<16x128x1xf32> to vector<16x128x1xf32>
    %broadcast_in_dim3A_104 = vector.broadcast %broadcast_in_dim3A_103 : vector<16x128x1xf32> to vector<16x128x128xf32>
    %broadcast_in_dim3A_105 = vector.shape_cast %exp3A_102 : vector<16x128x1xf32> to vector<16x128x1xf32>
    %broadcast_in_dim3A_106 = vector.broadcast %broadcast_in_dim3A_105 : vector<16x128x1xf32> to vector<16x128x128xf32>
    %select_n3A_107 = arith.select %ge3A_97, %broadcast_in_dim3A_104, %broadcast_in_dim3A_106 : vector<16x128x128xi1>, vector<16x128x128xf32>
    %exp3A_108 = math.exp %slice3A_90 : vector<16x1x128xf32>
    %mul3A_109 = arith.constant 2.000000e-01 : f32
    %mul3A_110 = vector.broadcast %mul3A_109 : f32 to vector<16x1x128xf32>
    %mul3A_111 = arith.mulf %mul3A_110, %slice3A_90 : vector<16x1x128xf32>
    %exp3A_112 = math.exp %mul3A_111 : vector<16x1x128xf32>
    %broadcast_in_dim3A_113 = vector.shape_cast %exp3A_108 : vector<16x1x128xf32> to vector<16x1x128xf32>
    %broadcast_in_dim3A_114 = vector.broadcast %broadcast_in_dim3A_113 : vector<16x1x128xf32> to vector<16x128x128xf32>
    %broadcast_in_dim3A_115 = vector.shape_cast %exp3A_112 : vector<16x1x128xf32> to vector<16x1x128xf32>
    %broadcast_in_dim3A_116 = vector.broadcast %broadcast_in_dim3A_115 : vector<16x1x128xf32> to vector<16x128x128xf32>
    %select_n3A_117 = arith.select %ge3A_97, %broadcast_in_dim3A_114, %broadcast_in_dim3A_116 : vector<16x128x128xi1>, vector<16x128x128xf32>
    %broadcast_in_dim3A_118 = vector.shape_cast %get3A_24 : vector<128x128xf32> to vector<1x128x128xf32>
    %mul3A_119 = vector.broadcast %broadcast_in_dim3A_118 : vector<1x128x128xf32> to vector<16x128x128xf32>
    %mul3A_120 = arith.mulf %mul3A_119, %select_n3A_107 : vector<16x128x128xf32>
    %mul3A_121 = arith.mulf %mul3A_120, %select_n3A_117 : vector<16x128x128xf32>
    %reduce_sum3A_122 = arith.constant dense<0.000000e+00> : vector<16x128xf32>
    %reduce_sum3A_123 = vector.multi_reduction <add>, %mul3A_121, %reduce_sum3A_122 [2] : vector<16x128x128xf32> to vector<16x128xf32>
    %broadcast_in_dim3A_124 = vector.shape_cast %reduce_sum3A_123 : vector<16x128xf32> to vector<16x128x1xf32>
    %slice3A_125 = vector.extract_strided_slice %transpose3A {offsets = [0, 3, 0], sizes = [16, 1, 128], strides = [1, 1, 1]} : vector<16x4x128xf32> to vector<16x1x128xf32>
    %slice3A_126 = vector.extract_strided_slice %reshape3A_21 {offsets = [0, 0, 3], sizes = [16, 128, 1], strides = [1, 1, 1]} : vector<16x128x4xf32> to vector<16x128x1xf32>
    %add3A_127 = vector.broadcast %slice3A_126 : vector<16x128x1xf32> to vector<16x128x128xf32>
    %add3A_128 = vector.broadcast %slice3A_125 : vector<16x1x128xf32> to vector<16x128x128xf32>
    %add3A_129 = arith.addf %add3A_127, %add3A_128 : vector<16x128x128xf32>
    %ge3A_130 = arith.constant 0.000000e+00 : f32
    %ge3A_131 = vector.broadcast %ge3A_130 : f32 to vector<16x128x128xf32>
    %ge3A_132 = arith.cmpf oge, %add3A_129, %ge3A_131 : vector<16x128x128xf32>
    %exp3A_133 = math.exp %slice3A_126 : vector<16x128x1xf32>
    %mul3A_134 = arith.constant 2.000000e-01 : f32
    %mul3A_135 = vector.broadcast %mul3A_134 : f32 to vector<16x128x1xf32>
    %mul3A_136 = arith.mulf %mul3A_135, %slice3A_126 : vector<16x128x1xf32>
    %exp3A_137 = math.exp %mul3A_136 : vector<16x128x1xf32>
    %broadcast_in_dim3A_138 = vector.shape_cast %exp3A_133 : vector<16x128x1xf32> to vector<16x128x1xf32>
    %broadcast_in_dim3A_139 = vector.broadcast %broadcast_in_dim3A_138 : vector<16x128x1xf32> to vector<16x128x128xf32>
    %broadcast_in_dim3A_140 = vector.shape_cast %exp3A_137 : vector<16x128x1xf32> to vector<16x128x1xf32>
    %broadcast_in_dim3A_141 = vector.broadcast %broadcast_in_dim3A_140 : vector<16x128x1xf32> to vector<16x128x128xf32>
    %select_n3A_142 = arith.select %ge3A_132, %broadcast_in_dim3A_139, %broadcast_in_dim3A_141 : vector<16x128x128xi1>, vector<16x128x128xf32>
    %exp3A_143 = math.exp %slice3A_125 : vector<16x1x128xf32>
    %mul3A_144 = arith.constant 2.000000e-01 : f32
    %mul3A_145 = vector.broadcast %mul3A_144 : f32 to vector<16x1x128xf32>
    %mul3A_146 = arith.mulf %mul3A_145, %slice3A_125 : vector<16x1x128xf32>
    %exp3A_147 = math.exp %mul3A_146 : vector<16x1x128xf32>
    %broadcast_in_dim3A_148 = vector.shape_cast %exp3A_143 : vector<16x1x128xf32> to vector<16x1x128xf32>
    %broadcast_in_dim3A_149 = vector.broadcast %broadcast_in_dim3A_148 : vector<16x1x128xf32> to vector<16x128x128xf32>
    %broadcast_in_dim3A_150 = vector.shape_cast %exp3A_147 : vector<16x1x128xf32> to vector<16x1x128xf32>
    %broadcast_in_dim3A_151 = vector.broadcast %broadcast_in_dim3A_150 : vector<16x1x128xf32> to vector<16x128x128xf32>
    %select_n3A_152 = arith.select %ge3A_132, %broadcast_in_dim3A_149, %broadcast_in_dim3A_151 : vector<16x128x128xi1>, vector<16x128x128xf32>
    %broadcast_in_dim3A_153 = vector.shape_cast %get3A_24 : vector<128x128xf32> to vector<1x128x128xf32>
    %mul3A_154 = vector.broadcast %broadcast_in_dim3A_153 : vector<1x128x128xf32> to vector<16x128x128xf32>
    %mul3A_155 = arith.mulf %mul3A_154, %select_n3A_142 : vector<16x128x128xf32>
    %mul3A_156 = arith.mulf %mul3A_155, %select_n3A_152 : vector<16x128x128xf32>
    %reduce_sum3A_157 = arith.constant dense<0.000000e+00> : vector<16x128xf32>
    %reduce_sum3A_158 = vector.multi_reduction <add>, %mul3A_156, %reduce_sum3A_157 [2] : vector<16x128x128xf32> to vector<16x128xf32>
    %broadcast_in_dim3A_159 = vector.shape_cast %reduce_sum3A_158 : vector<16x128xf32> to vector<16x128x1xf32>
    %concatenate3A = tpu.concatenate %broadcast_in_dim3A_54, %broadcast_in_dim3A_89, %broadcast_in_dim3A_124, %broadcast_in_dim3A_159 in 2 : vector<16x128x1xf32>, vector<16x128x1xf32>, vector<16x128x1xf32>, vector<16x128x1xf32> -> vector<16x128x4xf32>
    %add3A_160 = arith.constant 1.000000e-16 : f32
    %add3A_161 = vector.broadcast %add3A_160 : f32 to vector<16x128x4xf32>
    %add3A_162 = arith.addf %concatenate3A, %add3A_161 : vector<16x128x4xf32>
    %div3A = arith.constant 1.000000e+00 : f32
    %div3A_163 = vector.broadcast %div3A : f32 to vector<16x128x4xf32>
    %div3A_164 = arith.divf %div3A_163, %add3A_162 : vector<16x128x4xf32>
    %iota3A = tpu.iota {dimensions = array<i32: 1>} : vector<1x32xi32>
    %jit3A = arith.constant 8 : i32
    %div3A_165 = vector.broadcast %jit3A : i32 to vector<1x32xi32>
    %div3A_166 = arith.divsi %iota3A, %div3A_165 : vector<1x32xi32>
    %sign3A = arith.constant 0 : i32
    %sign3A_167 = vector.broadcast %sign3A : i32 to vector<1x32xi32>
    %sign3A_168 = arith.cmpi sgt, %iota3A, %sign3A_167 : vector<1x32xi32>
    %sign3A_169 = arith.extui %sign3A_168 : vector<1x32xi1> to vector<1x32xi32>
    %sign3A_170 = arith.constant 0 : i32
    %sign3A_171 = vector.broadcast %sign3A_170 : i32 to vector<1x32xi32>
    %sign3A_172 = arith.cmpi slt, %iota3A, %sign3A_171 : vector<1x32xi32>
    %sign3A_173 = arith.extui %sign3A_172 : vector<1x32xi1> to vector<1x32xi32>
    %sign3A_174 = arith.subi %sign3A_169, %sign3A_173 : vector<1x32xi32>
    %sign3A_175 = arith.constant 0 : i32
    %sign3A_176 = arith.cmpi sgt, %jit3A, %sign3A_175 : i32
    %sign3A_177 = arith.extui %sign3A_176 : i1 to i32
    %sign3A_178 = arith.constant 0 : i32
    %sign3A_179 = arith.cmpi slt, %jit3A, %sign3A_178 : i32
    %sign3A_180 = arith.extui %sign3A_179 : i1 to i32
    %sign3A_181 = arith.subi %sign3A_177, %sign3A_180 : i32
    %ne3A = vector.broadcast %sign3A_181 : i32 to vector<1x32xi32>
    %ne3A_182 = arith.cmpi ne, %sign3A_174, %ne3A : vector<1x32xi32>
    %rem3A = vector.broadcast %jit3A : i32 to vector<1x32xi32>
    %rem3A_183 = arith.remsi %iota3A, %rem3A : vector<1x32xi32>
    %ne3A_184 = arith.constant 0 : i32
    %ne3A_185 = vector.broadcast %ne3A_184 : i32 to vector<1x32xi32>
    %ne3A_186 = arith.cmpi ne, %rem3A_183, %ne3A_185 : vector<1x32xi32>
    %and3A = arith.andi %ne3A_182, %ne3A_186 : vector<1x32xi1>
    %sub3A = arith.constant 1 : i32
    %sub3A_187 = vector.broadcast %sub3A : i32 to vector<1x32xi32>
    %sub3A_188 = arith.subi %div3A_166, %sub3A_187 : vector<1x32xi32>
    %select_n3A_189 = arith.select %and3A, %sub3A_188, %div3A_166 : vector<1x32xi1>, vector<1x32xi32>
    %eq3A = arith.constant 0 : i32
    %eq3A_190 = vector.broadcast %eq3A : i32 to vector<1x32xi32>
    %eq3A_191 = arith.cmpi eq, %select_n3A_189, %eq3A_190 : vector<1x32xi32>
    %convert_element_type3A = arith.extui %eq3A_191 : vector<1x32xi1> to vector<1x32xi32>
    %convert_element_type3A_192 = arith.sitofp %convert_element_type3A : vector<1x32xi32> to vector<1x32xf32>
    %iota3A_193 = tpu.iota {dimensions = array<i32: 1>} : vector<1x32xi32>
    %jit3A_194 = arith.constant 8 : i32
    %div3A_195 = vector.broadcast %jit3A_194 : i32 to vector<1x32xi32>
    %div3A_196 = arith.divsi %iota3A_193, %div3A_195 : vector<1x32xi32>
    %sign3A_197 = arith.constant 0 : i32
    %sign3A_198 = vector.broadcast %sign3A_197 : i32 to vector<1x32xi32>
    %sign3A_199 = arith.cmpi sgt, %iota3A_193, %sign3A_198 : vector<1x32xi32>
    %sign3A_200 = arith.extui %sign3A_199 : vector<1x32xi1> to vector<1x32xi32>
    %sign3A_201 = arith.constant 0 : i32
    %sign3A_202 = vector.broadcast %sign3A_201 : i32 to vector<1x32xi32>
    %sign3A_203 = arith.cmpi slt, %iota3A_193, %sign3A_202 : vector<1x32xi32>
    %sign3A_204 = arith.extui %sign3A_203 : vector<1x32xi1> to vector<1x32xi32>
    %sign3A_205 = arith.subi %sign3A_200, %sign3A_204 : vector<1x32xi32>
    %sign3A_206 = arith.constant 0 : i32
    %sign3A_207 = arith.cmpi sgt, %jit3A_194, %sign3A_206 : i32
    %sign3A_208 = arith.extui %sign3A_207 : i1 to i32
    %sign3A_209 = arith.constant 0 : i32
    %sign3A_210 = arith.cmpi slt, %jit3A_194, %sign3A_209 : i32
    %sign3A_211 = arith.extui %sign3A_210 : i1 to i32
    %sign3A_212 = arith.subi %sign3A_208, %sign3A_211 : i32
    %ne3A_213 = vector.broadcast %sign3A_212 : i32 to vector<1x32xi32>
    %ne3A_214 = arith.cmpi ne, %sign3A_205, %ne3A_213 : vector<1x32xi32>
    %rem3A_215 = vector.broadcast %jit3A_194 : i32 to vector<1x32xi32>
    %rem3A_216 = arith.remsi %iota3A_193, %rem3A_215 : vector<1x32xi32>
    %ne3A_217 = arith.constant 0 : i32
    %ne3A_218 = vector.broadcast %ne3A_217 : i32 to vector<1x32xi32>
    %ne3A_219 = arith.cmpi ne, %rem3A_216, %ne3A_218 : vector<1x32xi32>
    %and3A_220 = arith.andi %ne3A_214, %ne3A_219 : vector<1x32xi1>
    %sub3A_221 = arith.constant 1 : i32
    %sub3A_222 = vector.broadcast %sub3A_221 : i32 to vector<1x32xi32>
    %sub3A_223 = arith.subi %div3A_196, %sub3A_222 : vector<1x32xi32>
    %select_n3A_224 = arith.select %and3A_220, %sub3A_223, %div3A_196 : vector<1x32xi1>, vector<1x32xi32>
    %eq3A_225 = arith.constant 1 : i32
    %eq3A_226 = vector.broadcast %eq3A_225 : i32 to vector<1x32xi32>
    %eq3A_227 = arith.cmpi eq, %select_n3A_224, %eq3A_226 : vector<1x32xi32>
    %convert_element_type3A_228 = arith.extui %eq3A_227 : vector<1x32xi1> to vector<1x32xi32>
    %convert_element_type3A_229 = arith.sitofp %convert_element_type3A_228 : vector<1x32xi32> to vector<1x32xf32>
    %iota3A_230 = tpu.iota {dimensions = array<i32: 1>} : vector<1x32xi32>
    %jit3A_231 = arith.constant 8 : i32
    %div3A_232 = vector.broadcast %jit3A_231 : i32 to vector<1x32xi32>
    %div3A_233 = arith.divsi %iota3A_230, %div3A_232 : vector<1x32xi32>
    %sign3A_234 = arith.constant 0 : i32
    %sign3A_235 = vector.broadcast %sign3A_234 : i32 to vector<1x32xi32>
    %sign3A_236 = arith.cmpi sgt, %iota3A_230, %sign3A_235 : vector<1x32xi32>
    %sign3A_237 = arith.extui %sign3A_236 : vector<1x32xi1> to vector<1x32xi32>
    %sign3A_238 = arith.constant 0 : i32
    %sign3A_239 = vector.broadcast %sign3A_238 : i32 to vector<1x32xi32>
    %sign3A_240 = arith.cmpi slt, %iota3A_230, %sign3A_239 : vector<1x32xi32>
    %sign3A_241 = arith.extui %sign3A_240 : vector<1x32xi1> to vector<1x32xi32>
    %sign3A_242 = arith.subi %sign3A_237, %sign3A_241 : vector<1x32xi32>
    %sign3A_243 = arith.constant 0 : i32
    %sign3A_244 = arith.cmpi sgt, %jit3A_231, %sign3A_243 : i32
    %sign3A_245 = arith.extui %sign3A_244 : i1 to i32
    %sign3A_246 = arith.constant 0 : i32
    %sign3A_247 = arith.cmpi slt, %jit3A_231, %sign3A_246 : i32
    %sign3A_248 = arith.extui %sign3A_247 : i1 to i32
    %sign3A_249 = arith.subi %sign3A_245, %sign3A_248 : i32
    %ne3A_250 = vector.broadcast %sign3A_249 : i32 to vector<1x32xi32>
    %ne3A_251 = arith.cmpi ne, %sign3A_242, %ne3A_250 : vector<1x32xi32>
    %rem3A_252 = vector.broadcast %jit3A_231 : i32 to vector<1x32xi32>
    %rem3A_253 = arith.remsi %iota3A_230, %rem3A_252 : vector<1x32xi32>
    %ne3A_254 = arith.constant 0 : i32
    %ne3A_255 = vector.broadcast %ne3A_254 : i32 to vector<1x32xi32>
    %ne3A_256 = arith.cmpi ne, %rem3A_253, %ne3A_255 : vector<1x32xi32>
    %and3A_257 = arith.andi %ne3A_251, %ne3A_256 : vector<1x32xi1>
    %sub3A_258 = arith.constant 1 : i32
    %sub3A_259 = vector.broadcast %sub3A_258 : i32 to vector<1x32xi32>
    %sub3A_260 = arith.subi %div3A_233, %sub3A_259 : vector<1x32xi32>
    %select_n3A_261 = arith.select %and3A_257, %sub3A_260, %div3A_233 : vector<1x32xi1>, vector<1x32xi32>
    %eq3A_262 = arith.constant 2 : i32
    %eq3A_263 = vector.broadcast %eq3A_262 : i32 to vector<1x32xi32>
    %eq3A_264 = arith.cmpi eq, %select_n3A_261, %eq3A_263 : vector<1x32xi32>
    %convert_element_type3A_265 = arith.extui %eq3A_264 : vector<1x32xi1> to vector<1x32xi32>
    %convert_element_type3A_266 = arith.sitofp %convert_element_type3A_265 : vector<1x32xi32> to vector<1x32xf32>
    %iota3A_267 = tpu.iota {dimensions = array<i32: 1>} : vector<1x32xi32>
    %jit3A_268 = arith.constant 8 : i32
    %div3A_269 = vector.broadcast %jit3A_268 : i32 to vector<1x32xi32>
    %div3A_270 = arith.divsi %iota3A_267, %div3A_269 : vector<1x32xi32>
    %sign3A_271 = arith.constant 0 : i32
    %sign3A_272 = vector.broadcast %sign3A_271 : i32 to vector<1x32xi32>
    %sign3A_273 = arith.cmpi sgt, %iota3A_267, %sign3A_272 : vector<1x32xi32>
    %sign3A_274 = arith.extui %sign3A_273 : vector<1x32xi1> to vector<1x32xi32>
    %sign3A_275 = arith.constant 0 : i32
    %sign3A_276 = vector.broadcast %sign3A_275 : i32 to vector<1x32xi32>
    %sign3A_277 = arith.cmpi slt, %iota3A_267, %sign3A_276 : vector<1x32xi32>
    %sign3A_278 = arith.extui %sign3A_277 : vector<1x32xi1> to vector<1x32xi32>
    %sign3A_279 = arith.subi %sign3A_274, %sign3A_278 : vector<1x32xi32>
    %sign3A_280 = arith.constant 0 : i32
    %sign3A_281 = arith.cmpi sgt, %jit3A_268, %sign3A_280 : i32
    %sign3A_282 = arith.extui %sign3A_281 : i1 to i32
    %sign3A_283 = arith.constant 0 : i32
    %sign3A_284 = arith.cmpi slt, %jit3A_268, %sign3A_283 : i32
    %sign3A_285 = arith.extui %sign3A_284 : i1 to i32
    %sign3A_286 = arith.subi %sign3A_282, %sign3A_285 : i32
    %ne3A_287 = vector.broadcast %sign3A_286 : i32 to vector<1x32xi32>
    %ne3A_288 = arith.cmpi ne, %sign3A_279, %ne3A_287 : vector<1x32xi32>
    %rem3A_289 = vector.broadcast %jit3A_268 : i32 to vector<1x32xi32>
    %rem3A_290 = arith.remsi %iota3A_267, %rem3A_289 : vector<1x32xi32>
    %ne3A_291 = arith.constant 0 : i32
    %ne3A_292 = vector.broadcast %ne3A_291 : i32 to vector<1x32xi32>
    %ne3A_293 = arith.cmpi ne, %rem3A_290, %ne3A_292 : vector<1x32xi32>
    %and3A_294 = arith.andi %ne3A_288, %ne3A_293 : vector<1x32xi1>
    %sub3A_295 = arith.constant 1 : i32
    %sub3A_296 = vector.broadcast %sub3A_295 : i32 to vector<1x32xi32>
    %sub3A_297 = arith.subi %div3A_270, %sub3A_296 : vector<1x32xi32>
    %select_n3A_298 = arith.select %and3A_294, %sub3A_297, %div3A_270 : vector<1x32xi1>, vector<1x32xi32>
    %eq3A_299 = arith.constant 3 : i32
    %eq3A_300 = vector.broadcast %eq3A_299 : i32 to vector<1x32xi32>
    %eq3A_301 = arith.cmpi eq, %select_n3A_298, %eq3A_300 : vector<1x32xi32>
    %convert_element_type3A_302 = arith.extui %eq3A_301 : vector<1x32xi1> to vector<1x32xi32>
    %convert_element_type3A_303 = arith.sitofp %convert_element_type3A_302 : vector<1x32xi32> to vector<1x32xf32>
    %concatenate3A_304 = tpu.concatenate %convert_element_type3A_192, %convert_element_type3A_229, %convert_element_type3A_266, %convert_element_type3A_303 in 0 : vector<1x32xf32>, vector<1x32xf32>, vector<1x32xf32>, vector<1x32xf32> -> vector<4x32xf32>
    %slice3A_305 = vector.extract_strided_slice %reshape3A_19 {offsets = [0, 0, 0], sizes = [1, 128, 32], strides = [1, 1, 1]} : vector<16x128x32xf32> to vector<1x128x32xf32>
    %squeeze3A = vector.shape_cast %slice3A_305 : vector<1x128x32xf32> to vector<128x32xf32>
    %slice3A_306 = vector.extract_strided_slice %mul3A_52 {offsets = [0, 0, 0], sizes = [1, 128, 128], strides = [1, 1, 1]} : vector<16x128x128xf32> to vector<1x128x128xf32>
    %squeeze3A_307 = vector.shape_cast %slice3A_306 : vector<1x128x128xf32> to vector<128x128xf32>
    %dot_general3A_308 = arith.constant dense<0.000000e+00> : vector<128x32xf32>
    %dot_general3A_309 = tpu.matmul %squeeze3A_307, %squeeze3A, %dot_general3A_308 {dimension_numbers = #tpu.dot_dimension_numbers<[1], [0], [0], [1], [0, 0, 1, 1], [], []>, transpose_lhs_hint = false} : vector<128x128xf32>, vector<128x32xf32>, vector<128x32xf32> -> vector<128x32xf32>
    %mul3A_310 = vector.broadcast %convert_element_type3A_192 : vector<1x32xf32> to vector<128x32xf32>
    %mul3A_311 = arith.mulf %dot_general3A_309, %mul3A_310 : vector<128x32xf32>
    %slice3A_312 = vector.extract_strided_slice %mul3A_86 {offsets = [0, 0, 0], sizes = [1, 128, 128], strides = [1, 1, 1]} : vector<16x128x128xf32> to vector<1x128x128xf32>
    %squeeze3A_313 = vector.shape_cast %slice3A_312 : vector<1x128x128xf32> to vector<128x128xf32>
    %dot_general3A_314 = arith.constant dense<0.000000e+00> : vector<128x32xf32>
    %dot_general3A_315 = tpu.matmul %squeeze3A_313, %squeeze3A, %dot_general3A_314 {dimension_numbers = #tpu.dot_dimension_numbers<[1], [0], [0], [1], [0, 0, 1, 1], [], []>, transpose_lhs_hint = false} : vector<128x128xf32>, vector<128x32xf32>, vector<128x32xf32> -> vector<128x32xf32>
    %mul3A_316 = vector.broadcast %convert_element_type3A_229 : vector<1x32xf32> to vector<128x32xf32>
    %mul3A_317 = arith.mulf %dot_general3A_315, %mul3A_316 : vector<128x32xf32>
    %add3A_318 = arith.addf %mul3A_311, %mul3A_317 : vector<128x32xf32>
    %slice3A_319 = vector.extract_strided_slice %mul3A_121 {offsets = [0, 0, 0], sizes = [1, 128, 128], strides = [1, 1, 1]} : vector<16x128x128xf32> to vector<1x128x128xf32>
    %squeeze3A_320 = vector.shape_cast %slice3A_319 : vector<1x128x128xf32> to vector<128x128xf32>
    %dot_general3A_321 = arith.constant dense<0.000000e+00> : vector<128x32xf32>
    %dot_general3A_322 = tpu.matmul %squeeze3A_320, %squeeze3A, %dot_general3A_321 {dimension_numbers = #tpu.dot_dimension_numbers<[1], [0], [0], [1], [0, 0, 1, 1], [], []>, transpose_lhs_hint = false} : vector<128x128xf32>, vector<128x32xf32>, vector<128x32xf32> -> vector<128x32xf32>
    %mul3A_323 = vector.broadcast %convert_element_type3A_266 : vector<1x32xf32> to vector<128x32xf32>
    %mul3A_324 = arith.mulf %dot_general3A_322, %mul3A_323 : vector<128x32xf32>
    %add3A_325 = arith.addf %add3A_318, %mul3A_324 : vector<128x32xf32>
    %slice3A_326 = vector.extract_strided_slice %mul3A_156 {offsets = [0, 0, 0], sizes = [1, 128, 128], strides = [1, 1, 1]} : vector<16x128x128xf32> to vector<1x128x128xf32>
    %squeeze3A_327 = vector.shape_cast %slice3A_326 : vector<1x128x128xf32> to vector<128x128xf32>
    %dot_general3A_328 = arith.constant dense<0.000000e+00> : vector<128x32xf32>
    %dot_general3A_329 = tpu.matmul %squeeze3A_327, %squeeze3A, %dot_general3A_328 {dimension_numbers = #tpu.dot_dimension_numbers<[1], [0], [0], [1], [0, 0, 1, 1], [], []>, transpose_lhs_hint = false} : vector<128x128xf32>, vector<128x32xf32>, vector<128x32xf32> -> vector<128x32xf32>
    %mul3A_330 = vector.broadcast %convert_element_type3A_303 : vector<1x32xf32> to vector<128x32xf32>
    %mul3A_331 = arith.mulf %dot_general3A_329, %mul3A_330 : vector<128x32xf32>
    %add3A_332 = arith.addf %add3A_325, %mul3A_331 : vector<128x32xf32>
    %slice3A_333 = vector.extract_strided_slice %div3A_164 {offsets = [0, 0, 0], sizes = [1, 128, 4], strides = [1, 1, 1]} : vector<16x128x4xf32> to vector<1x128x4xf32>
    %squeeze3A_334 = vector.shape_cast %slice3A_333 : vector<1x128x4xf32> to vector<128x4xf32>
    %dot_general3A_335 = arith.constant dense<0.000000e+00> : vector<128x32xf32>
    %dot_general3A_336 = tpu.matmul %squeeze3A_334, %concatenate3A_304, %dot_general3A_335 {dimension_numbers = #tpu.dot_dimension_numbers<[1], [0], [0], [1], [0, 0, 1, 1], [], []>, transpose_lhs_hint = false} : vector<128x4xf32>, vector<4x32xf32>, vector<128x32xf32> -> vector<128x32xf32>
    %mul3A_337 = arith.mulf %add3A_332, %dot_general3A_336 : vector<128x32xf32>
    %add3A_338 = vector.broadcast %get3A_27 : vector<1x32xf32> to vector<128x32xf32>
    %add3A_339 = arith.addf %mul3A_337, %add3A_338 : vector<128x32xf32>
    %ge3A_340 = arith.constant 0.000000e+00 : f32
    %ge3A_341 = vector.broadcast %ge3A_340 : f32 to vector<128x32xf32>
    %ge3A_342 = arith.cmpf oge, %add3A_339, %ge3A_341 : vector<128x32xf32>
    %mul3A_343 = arith.constant 2.000000e-01 : f32
    %mul3A_344 = vector.broadcast %mul3A_343 : f32 to vector<128x32xf32>
    %mul3A_345 = arith.mulf %mul3A_344, %add3A_339 : vector<128x32xf32>
    %select_n3A_346 = arith.select %ge3A_342, %add3A_339, %mul3A_345 : vector<128x32xi1>, vector<128x32xf32>
    %slice3A_347 = vector.extract_strided_slice %reshape3A_19 {offsets = [1, 0, 0], sizes = [1, 128, 32], strides = [1, 1, 1]} : vector<16x128x32xf32> to vector<1x128x32xf32>
    %squeeze3A_348 = vector.shape_cast %slice3A_347 : vector<1x128x32xf32> to vector<128x32xf32>
    %slice3A_349 = vector.extract_strided_slice %mul3A_52 {offsets = [1, 0, 0], sizes = [1, 128, 128], strides = [1, 1, 1]} : vector<16x128x128xf32> to vector<1x128x128xf32>
    %squeeze3A_350 = vector.shape_cast %slice3A_349 : vector<1x128x128xf32> to vector<128x128xf32>
    %dot_general3A_351 = arith.constant dense<0.000000e+00> : vector<128x32xf32>
    %dot_general3A_352 = tpu.matmul %squeeze3A_350, %squeeze3A_348, %dot_general3A_351 {dimension_numbers = #tpu.dot_dimension_numbers<[1], [0], [0], [1], [0, 0, 1, 1], [], []>, transpose_lhs_hint = false} : vector<128x128xf32>, vector<128x32xf32>, vector<128x32xf32> -> vector<128x32xf32>
    %mul3A_353 = vector.broadcast %convert_element_type3A_192 : vector<1x32xf32> to vector<128x32xf32>
    %mul3A_354 = arith.mulf %dot_general3A_352, %mul3A_353 : vector<128x32xf32>
    %slice3A_355 = vector.extract_strided_slice %mul3A_86 {offsets = [1, 0, 0], sizes = [1, 128, 128], strides = [1, 1, 1]} : vector<16x128x128xf32> to vector<1x128x128xf32>
    %squeeze3A_356 = vector.shape_cast %slice3A_355 : vector<1x128x128xf32> to vector<128x128xf32>
    %dot_general3A_357 = arith.constant dense<0.000000e+00> : vector<128x32xf32>
    %dot_general3A_358 = tpu.matmul %squeeze3A_356, %squeeze3A_348, %dot_general3A_357 {dimension_numbers = #tpu.dot_dimension_numbers<[1], [0], [0], [1], [0, 0, 1, 1], [], []>, transpose_lhs_hint = false} : vector<128x128xf32>, vector<128x32xf32>, vector<128x32xf32> -> vector<128x32xf32>
    %mul3A_359 = vector.broadcast %convert_element_type3A_229 : vector<1x32xf32> to vector<128x32xf32>
    %mul3A_360 = arith.mulf %dot_general3A_358, %mul3A_359 : vector<128x32xf32>
    %add3A_361 = arith.addf %mul3A_354, %mul3A_360 : vector<128x32xf32>
    %slice3A_362 = vector.extract_strided_slice %mul3A_121 {offsets = [1, 0, 0], sizes = [1, 128, 128], strides = [1, 1, 1]} : vector<16x128x128xf32> to vector<1x128x128xf32>
    %squeeze3A_363 = vector.shape_cast %slice3A_362 : vector<1x128x128xf32> to vector<128x128xf32>
    %dot_general3A_364 = arith.constant dense<0.000000e+00> : vector<128x32xf32>
    %dot_general3A_365 = tpu.matmul %squeeze3A_363, %squeeze3A_348, %dot_general3A_364 {dimension_numbers = #tpu.dot_dimension_numbers<[1], [0], [0], [1], [0, 0, 1, 1], [], []>, transpose_lhs_hint = false} : vector<128x128xf32>, vector<128x32xf32>, vector<128x32xf32> -> vector<128x32xf32>
    %mul3A_366 = vector.broadcast %convert_element_type3A_266 : vector<1x32xf32> to vector<128x32xf32>
    %mul3A_367 = arith.mulf %dot_general3A_365, %mul3A_366 : vector<128x32xf32>
    %add3A_368 = arith.addf %add3A_361, %mul3A_367 : vector<128x32xf32>
    %slice3A_369 = vector.extract_strided_slice %mul3A_156 {offsets = [1, 0, 0], sizes = [1, 128, 128], strides = [1, 1, 1]} : vector<16x128x128xf32> to vector<1x128x128xf32>
    %squeeze3A_370 = vector.shape_cast %slice3A_369 : vector<1x128x128xf32> to vector<128x128xf32>
    %dot_general3A_371 = arith.constant dense<0.000000e+00> : vector<128x32xf32>
    %dot_general3A_372 = tpu.matmul %squeeze3A_370, %squeeze3A_348, %dot_general3A_371 {dimension_numbers = #tpu.dot_dimension_numbers<[1], [0], [0], [1], [0, 0, 1, 1], [], []>, transpose_lhs_hint = false} : vector<128x128xf32>, vector<128x32xf32>, vector<128x32xf32> -> vector<128x32xf32>
    %mul3A_373 = vector.broadcast %convert_element_type3A_303 : vector<1x32xf32> to vector<128x32xf32>
    %mul3A_374 = arith.mulf %dot_general3A_372, %mul3A_373 : vector<128x32xf32>
    %add3A_375 = arith.addf %add3A_368, %mul3A_374 : vector<128x32xf32>
    %slice3A_376 = vector.extract_strided_slice %div3A_164 {offsets = [1, 0, 0], sizes = [1, 128, 4], strides = [1, 1, 1]} : vector<16x128x4xf32> to vector<1x128x4xf32>
    %squeeze3A_377 = vector.shape_cast %slice3A_376 : vector<1x128x4xf32> to vector<128x4xf32>
    %dot_general3A_378 = arith.constant dense<0.000000e+00> : vector<128x32xf32>
    %dot_general3A_379 = tpu.matmul %squeeze3A_377, %concatenate3A_304, %dot_general3A_378 {dimension_numbers = #tpu.dot_dimension_numbers<[1], [0], [0], [1], [0, 0, 1, 1], [], []>, transpose_lhs_hint = false} : vector<128x4xf32>, vector<4x32xf32>, vector<128x32xf32> -> vector<128x32xf32>
    %mul3A_380 = arith.mulf %add3A_375, %dot_general3A_379 : vector<128x32xf32>
    %add3A_381 = vector.broadcast %get3A_27 : vector<1x32xf32> to vector<128x32xf32>
    %add3A_382 = arith.addf %mul3A_380, %add3A_381 : vector<128x32xf32>
    %ge3A_383 = arith.constant 0.000000e+00 : f32
    %ge3A_384 = vector.broadcast %ge3A_383 : f32 to vector<128x32xf32>
    %ge3A_385 = arith.cmpf oge, %add3A_382, %ge3A_384 : vector<128x32xf32>
    %mul3A_386 = arith.constant 2.000000e-01 : f32
    %mul3A_387 = vector.broadcast %mul3A_386 : f32 to vector<128x32xf32>
    %mul3A_388 = arith.mulf %mul3A_387, %add3A_382 : vector<128x32xf32>
    %select_n3A_389 = arith.select %ge3A_385, %add3A_382, %mul3A_388 : vector<128x32xi1>, vector<128x32xf32>
    %slice3A_390 = vector.extract_strided_slice %reshape3A_19 {offsets = [2, 0, 0], sizes = [1, 128, 32], strides = [1, 1, 1]} : vector<16x128x32xf32> to vector<1x128x32xf32>
    %squeeze3A_391 = vector.shape_cast %slice3A_390 : vector<1x128x32xf32> to vector<128x32xf32>
    %slice3A_392 = vector.extract_strided_slice %mul3A_52 {offsets = [2, 0, 0], sizes = [1, 128, 128], strides = [1, 1, 1]} : vector<16x128x128xf32> to vector<1x128x128xf32>
    %squeeze3A_393 = vector.shape_cast %slice3A_392 : vector<1x128x128xf32> to vector<128x128xf32>
    %dot_general3A_394 = arith.constant dense<0.000000e+00> : vector<128x32xf32>
    %dot_general3A_395 = tpu.matmul %squeeze3A_393, %squeeze3A_391, %dot_general3A_394 {dimension_numbers = #tpu.dot_dimension_numbers<[1], [0], [0], [1], [0, 0, 1, 1], [], []>, transpose_lhs_hint = false} : vector<128x128xf32>, vector<128x32xf32>, vector<128x32xf32> -> vector<128x32xf32>
    %mul3A_396 = vector.broadcast %convert_element_type3A_192 : vector<1x32xf32> to vector<128x32xf32>
    %mul3A_397 = arith.mulf %dot_general3A_395, %mul3A_396 : vector<128x32xf32>
    %slice3A_398 = vector.extract_strided_slice %mul3A_86 {offsets = [2, 0, 0], sizes = [1, 128, 128], strides = [1, 1, 1]} : vector<16x128x128xf32> to vector<1x128x128xf32>
    %squeeze3A_399 = vector.shape_cast %slice3A_398 : vector<1x128x128xf32> to vector<128x128xf32>
    %dot_general3A_400 = arith.constant dense<0.000000e+00> : vector<128x32xf32>
    %dot_general3A_401 = tpu.matmul %squeeze3A_399, %squeeze3A_391, %dot_general3A_400 {dimension_numbers = #tpu.dot_dimension_numbers<[1], [0], [0], [1], [0, 0, 1, 1], [], []>, transpose_lhs_hint = false} : vector<128x128xf32>, vector<128x32xf32>, vector<128x32xf32> -> vector<128x32xf32>
    %mul3A_402 = vector.broadcast %convert_element_type3A_229 : vector<1x32xf32> to vector<128x32xf32>
    %mul3A_403 = arith.mulf %dot_general3A_401, %mul3A_402 : vector<128x32xf32>
    %add3A_404 = arith.addf %mul3A_397, %mul3A_403 : vector<128x32xf32>
    %slice3A_405 = vector.extract_strided_slice %mul3A_121 {offsets = [2, 0, 0], sizes = [1, 128, 128], strides = [1, 1, 1]} : vector<16x128x128xf32> to vector<1x128x128xf32>
    %squeeze3A_406 = vector.shape_cast %slice3A_405 : vector<1x128x128xf32> to vector<128x128xf32>
    %dot_general3A_407 = arith.constant dense<0.000000e+00> : vector<128x32xf32>
    %dot_general3A_408 = tpu.matmul %squeeze3A_406, %squeeze3A_391, %dot_general3A_407 {dimension_numbers = #tpu.dot_dimension_numbers<[1], [0], [0], [1], [0, 0, 1, 1], [], []>, transpose_lhs_hint = false} : vector<128x128xf32>, vector<128x32xf32>, vector<128x32xf32> -> vector<128x32xf32>
    %mul3A_409 = vector.broadcast %convert_element_type3A_266 : vector<1x32xf32> to vector<128x32xf32>
    %mul3A_410 = arith.mulf %dot_general3A_408, %mul3A_409 : vector<128x32xf32>
    %add3A_411 = arith.addf %add3A_404, %mul3A_410 : vector<128x32xf32>
    %slice3A_412 = vector.extract_strided_slice %mul3A_156 {offsets = [2, 0, 0], sizes = [1, 128, 128], strides = [1, 1, 1]} : vector<16x128x128xf32> to vector<1x128x128xf32>
    %squeeze3A_413 = vector.shape_cast %slice3A_412 : vector<1x128x128xf32> to vector<128x128xf32>
    %dot_general3A_414 = arith.constant dense<0.000000e+00> : vector<128x32xf32>
    %dot_general3A_415 = tpu.matmul %squeeze3A_413, %squeeze3A_391, %dot_general3A_414 {dimension_numbers = #tpu.dot_dimension_numbers<[1], [0], [0], [1], [0, 0, 1, 1], [], []>, transpose_lhs_hint = false} : vector<128x128xf32>, vector<128x32xf32>, vector<128x32xf32> -> vector<128x32xf32>
    %mul3A_416 = vector.broadcast %convert_element_type3A_303 : vector<1x32xf32> to vector<128x32xf32>
    %mul3A_417 = arith.mulf %dot_general3A_415, %mul3A_416 : vector<128x32xf32>
    %add3A_418 = arith.addf %add3A_411, %mul3A_417 : vector<128x32xf32>
    %slice3A_419 = vector.extract_strided_slice %div3A_164 {offsets = [2, 0, 0], sizes = [1, 128, 4], strides = [1, 1, 1]} : vector<16x128x4xf32> to vector<1x128x4xf32>
    %squeeze3A_420 = vector.shape_cast %slice3A_419 : vector<1x128x4xf32> to vector<128x4xf32>
    %dot_general3A_421 = arith.constant dense<0.000000e+00> : vector<128x32xf32>
    %dot_general3A_422 = tpu.matmul %squeeze3A_420, %concatenate3A_304, %dot_general3A_421 {dimension_numbers = #tpu.dot_dimension_numbers<[1], [0], [0], [1], [0, 0, 1, 1], [], []>, transpose_lhs_hint = false} : vector<128x4xf32>, vector<4x32xf32>, vector<128x32xf32> -> vector<128x32xf32>
    %mul3A_423 = arith.mulf %add3A_418, %dot_general3A_422 : vector<128x32xf32>
    %add3A_424 = vector.broadcast %get3A_27 : vector<1x32xf32> to vector<128x32xf32>
    %add3A_425 = arith.addf %mul3A_423, %add3A_424 : vector<128x32xf32>
    %ge3A_426 = arith.constant 0.000000e+00 : f32
    %ge3A_427 = vector.broadcast %ge3A_426 : f32 to vector<128x32xf32>
    %ge3A_428 = arith.cmpf oge, %add3A_425, %ge3A_427 : vector<128x32xf32>
    %mul3A_429 = arith.constant 2.000000e-01 : f32
    %mul3A_430 = vector.broadcast %mul3A_429 : f32 to vector<128x32xf32>
    %mul3A_431 = arith.mulf %mul3A_430, %add3A_425 : vector<128x32xf32>
    %select_n3A_432 = arith.select %ge3A_428, %add3A_425, %mul3A_431 : vector<128x32xi1>, vector<128x32xf32>
    %slice3A_433 = vector.extract_strided_slice %reshape3A_19 {offsets = [3, 0, 0], sizes = [1, 128, 32], strides = [1, 1, 1]} : vector<16x128x32xf32> to vector<1x128x32xf32>
    %squeeze3A_434 = vector.shape_cast %slice3A_433 : vector<1x128x32xf32> to vector<128x32xf32>
    %slice3A_435 = vector.extract_strided_slice %mul3A_52 {offsets = [3, 0, 0], sizes = [1, 128, 128], strides = [1, 1, 1]} : vector<16x128x128xf32> to vector<1x128x128xf32>
    %squeeze3A_436 = vector.shape_cast %slice3A_435 : vector<1x128x128xf32> to vector<128x128xf32>
    %dot_general3A_437 = arith.constant dense<0.000000e+00> : vector<128x32xf32>
    %dot_general3A_438 = tpu.matmul %squeeze3A_436, %squeeze3A_434, %dot_general3A_437 {dimension_numbers = #tpu.dot_dimension_numbers<[1], [0], [0], [1], [0, 0, 1, 1], [], []>, transpose_lhs_hint = false} : vector<128x128xf32>, vector<128x32xf32>, vector<128x32xf32> -> vector<128x32xf32>
    %mul3A_439 = vector.broadcast %convert_element_type3A_192 : vector<1x32xf32> to vector<128x32xf32>
    %mul3A_440 = arith.mulf %dot_general3A_438, %mul3A_439 : vector<128x32xf32>
    %slice3A_441 = vector.extract_strided_slice %mul3A_86 {offsets = [3, 0, 0], sizes = [1, 128, 128], strides = [1, 1, 1]} : vector<16x128x128xf32> to vector<1x128x128xf32>
    %squeeze3A_442 = vector.shape_cast %slice3A_441 : vector<1x128x128xf32> to vector<128x128xf32>
    %dot_general3A_443 = arith.constant dense<0.000000e+00> : vector<128x32xf32>
    %dot_general3A_444 = tpu.matmul %squeeze3A_442, %squeeze3A_434, %dot_general3A_443 {dimension_numbers = #tpu.dot_dimension_numbers<[1], [0], [0], [1], [0, 0, 1, 1], [], []>, transpose_lhs_hint = false} : vector<128x128xf32>, vector<128x32xf32>, vector<128x32xf32> -> vector<128x32xf32>
    %mul3A_445 = vector.broadcast %convert_element_type3A_229 : vector<1x32xf32> to vector<128x32xf32>
    %mul3A_446 = arith.mulf %dot_general3A_444, %mul3A_445 : vector<128x32xf32>
    %add3A_447 = arith.addf %mul3A_440, %mul3A_446 : vector<128x32xf32>
    %slice3A_448 = vector.extract_strided_slice %mul3A_121 {offsets = [3, 0, 0], sizes = [1, 128, 128], strides = [1, 1, 1]} : vector<16x128x128xf32> to vector<1x128x128xf32>
    %squeeze3A_449 = vector.shape_cast %slice3A_448 : vector<1x128x128xf32> to vector<128x128xf32>
    %dot_general3A_450 = arith.constant dense<0.000000e+00> : vector<128x32xf32>
    %dot_general3A_451 = tpu.matmul %squeeze3A_449, %squeeze3A_434, %dot_general3A_450 {dimension_numbers = #tpu.dot_dimension_numbers<[1], [0], [0], [1], [0, 0, 1, 1], [], []>, transpose_lhs_hint = false} : vector<128x128xf32>, vector<128x32xf32>, vector<128x32xf32> -> vector<128x32xf32>
    %mul3A_452 = vector.broadcast %convert_element_type3A_266 : vector<1x32xf32> to vector<128x32xf32>
    %mul3A_453 = arith.mulf %dot_general3A_451, %mul3A_452 : vector<128x32xf32>
    %add3A_454 = arith.addf %add3A_447, %mul3A_453 : vector<128x32xf32>
    %slice3A_455 = vector.extract_strided_slice %mul3A_156 {offsets = [3, 0, 0], sizes = [1, 128, 128], strides = [1, 1, 1]} : vector<16x128x128xf32> to vector<1x128x128xf32>
    %squeeze3A_456 = vector.shape_cast %slice3A_455 : vector<1x128x128xf32> to vector<128x128xf32>
    %dot_general3A_457 = arith.constant dense<0.000000e+00> : vector<128x32xf32>
    %dot_general3A_458 = tpu.matmul %squeeze3A_456, %squeeze3A_434, %dot_general3A_457 {dimension_numbers = #tpu.dot_dimension_numbers<[1], [0], [0], [1], [0, 0, 1, 1], [], []>, transpose_lhs_hint = false} : vector<128x128xf32>, vector<128x32xf32>, vector<128x32xf32> -> vector<128x32xf32>
    %mul3A_459 = vector.broadcast %convert_element_type3A_303 : vector<1x32xf32> to vector<128x32xf32>
    %mul3A_460 = arith.mulf %dot_general3A_458, %mul3A_459 : vector<128x32xf32>
    %add3A_461 = arith.addf %add3A_454, %mul3A_460 : vector<128x32xf32>
    %slice3A_462 = vector.extract_strided_slice %div3A_164 {offsets = [3, 0, 0], sizes = [1, 128, 4], strides = [1, 1, 1]} : vector<16x128x4xf32> to vector<1x128x4xf32>
    %squeeze3A_463 = vector.shape_cast %slice3A_462 : vector<1x128x4xf32> to vector<128x4xf32>
    %dot_general3A_464 = arith.constant dense<0.000000e+00> : vector<128x32xf32>
    %dot_general3A_465 = tpu.matmul %squeeze3A_463, %concatenate3A_304, %dot_general3A_464 {dimension_numbers = #tpu.dot_dimension_numbers<[1], [0], [0], [1], [0, 0, 1, 1], [], []>, transpose_lhs_hint = false} : vector<128x4xf32>, vector<4x32xf32>, vector<128x32xf32> -> vector<128x32xf32>
    %mul3A_466 = arith.mulf %add3A_461, %dot_general3A_465 : vector<128x32xf32>
    %add3A_467 = vector.broadcast %get3A_27 : vector<1x32xf32> to vector<128x32xf32>
    %add3A_468 = arith.addf %mul3A_466, %add3A_467 : vector<128x32xf32>
    %ge3A_469 = arith.constant 0.000000e+00 : f32
    %ge3A_470 = vector.broadcast %ge3A_469 : f32 to vector<128x32xf32>
    %ge3A_471 = arith.cmpf oge, %add3A_468, %ge3A_470 : vector<128x32xf32>
    %mul3A_472 = arith.constant 2.000000e-01 : f32
    %mul3A_473 = vector.broadcast %mul3A_472 : f32 to vector<128x32xf32>
    %mul3A_474 = arith.mulf %mul3A_473, %add3A_468 : vector<128x32xf32>
    %select_n3A_475 = arith.select %ge3A_471, %add3A_468, %mul3A_474 : vector<128x32xi1>, vector<128x32xf32>
    %slice3A_476 = vector.extract_strided_slice %reshape3A_19 {offsets = [4, 0, 0], sizes = [1, 128, 32], strides = [1, 1, 1]} : vector<16x128x32xf32> to vector<1x128x32xf32>
    %squeeze3A_477 = vector.shape_cast %slice3A_476 : vector<1x128x32xf32> to vector<128x32xf32>
    %slice3A_478 = vector.extract_strided_slice %mul3A_52 {offsets = [4, 0, 0], sizes = [1, 128, 128], strides = [1, 1, 1]} : vector<16x128x128xf32> to vector<1x128x128xf32>
    %squeeze3A_479 = vector.shape_cast %slice3A_478 : vector<1x128x128xf32> to vector<128x128xf32>
    %dot_general3A_480 = arith.constant dense<0.000000e+00> : vector<128x32xf32>
    %dot_general3A_481 = tpu.matmul %squeeze3A_479, %squeeze3A_477, %dot_general3A_480 {dimension_numbers = #tpu.dot_dimension_numbers<[1], [0], [0], [1], [0, 0, 1, 1], [], []>, transpose_lhs_hint = false} : vector<128x128xf32>, vector<128x32xf32>, vector<128x32xf32> -> vector<128x32xf32>
    %mul3A_482 = vector.broadcast %convert_element_type3A_192 : vector<1x32xf32> to vector<128x32xf32>
    %mul3A_483 = arith.mulf %dot_general3A_481, %mul3A_482 : vector<128x32xf32>
    %slice3A_484 = vector.extract_strided_slice %mul3A_86 {offsets = [4, 0, 0], sizes = [1, 128, 128], strides = [1, 1, 1]} : vector<16x128x128xf32> to vector<1x128x128xf32>
    %squeeze3A_485 = vector.shape_cast %slice3A_484 : vector<1x128x128xf32> to vector<128x128xf32>
    %dot_general3A_486 = arith.constant dense<0.000000e+00> : vector<128x32xf32>
    %dot_general3A_487 = tpu.matmul %squeeze3A_485, %squeeze3A_477, %dot_general3A_486 {dimension_numbers = #tpu.dot_dimension_numbers<[1], [0], [0], [1], [0, 0, 1, 1], [], []>, transpose_lhs_hint = false} : vector<128x128xf32>, vector<128x32xf32>, vector<128x32xf32> -> vector<128x32xf32>
    %mul3A_488 = vector.broadcast %convert_element_type3A_229 : vector<1x32xf32> to vector<128x32xf32>
    %mul3A_489 = arith.mulf %dot_general3A_487, %mul3A_488 : vector<128x32xf32>
    %add3A_490 = arith.addf %mul3A_483, %mul3A_489 : vector<128x32xf32>
    %slice3A_491 = vector.extract_strided_slice %mul3A_121 {offsets = [4, 0, 0], sizes = [1, 128, 128], strides = [1, 1, 1]} : vector<16x128x128xf32> to vector<1x128x128xf32>
    %squeeze3A_492 = vector.shape_cast %slice3A_491 : vector<1x128x128xf32> to vector<128x128xf32>
    %dot_general3A_493 = arith.constant dense<0.000000e+00> : vector<128x32xf32>
    %dot_general3A_494 = tpu.matmul %squeeze3A_492, %squeeze3A_477, %dot_general3A_493 {dimension_numbers = #tpu.dot_dimension_numbers<[1], [0], [0], [1], [0, 0, 1, 1], [], []>, transpose_lhs_hint = false} : vector<128x128xf32>, vector<128x32xf32>, vector<128x32xf32> -> vector<128x32xf32>
    %mul3A_495 = vector.broadcast %convert_element_type3A_266 : vector<1x32xf32> to vector<128x32xf32>
    %mul3A_496 = arith.mulf %dot_general3A_494, %mul3A_495 : vector<128x32xf32>
    %add3A_497 = arith.addf %add3A_490, %mul3A_496 : vector<128x32xf32>
    %slice3A_498 = vector.extract_strided_slice %mul3A_156 {offsets = [4, 0, 0], sizes = [1, 128, 128], strides = [1, 1, 1]} : vector<16x128x128xf32> to vector<1x128x128xf32>
    %squeeze3A_499 = vector.shape_cast %slice3A_498 : vector<1x128x128xf32> to vector<128x128xf32>
    %dot_general3A_500 = arith.constant dense<0.000000e+00> : vector<128x32xf32>
    %dot_general3A_501 = tpu.matmul %squeeze3A_499, %squeeze3A_477, %dot_general3A_500 {dimension_numbers = #tpu.dot_dimension_numbers<[1], [0], [0], [1], [0, 0, 1, 1], [], []>, transpose_lhs_hint = false} : vector<128x128xf32>, vector<128x32xf32>, vector<128x32xf32> -> vector<128x32xf32>
    %mul3A_502 = vector.broadcast %convert_element_type3A_303 : vector<1x32xf32> to vector<128x32xf32>
    %mul3A_503 = arith.mulf %dot_general3A_501, %mul3A_502 : vector<128x32xf32>
    %add3A_504 = arith.addf %add3A_497, %mul3A_503 : vector<128x32xf32>
    %slice3A_505 = vector.extract_strided_slice %div3A_164 {offsets = [4, 0, 0], sizes = [1, 128, 4], strides = [1, 1, 1]} : vector<16x128x4xf32> to vector<1x128x4xf32>
    %squeeze3A_506 = vector.shape_cast %slice3A_505 : vector<1x128x4xf32> to vector<128x4xf32>
    %dot_general3A_507 = arith.constant dense<0.000000e+00> : vector<128x32xf32>
    %dot_general3A_508 = tpu.matmul %squeeze3A_506, %concatenate3A_304, %dot_general3A_507 {dimension_numbers = #tpu.dot_dimension_numbers<[1], [0], [0], [1], [0, 0, 1, 1], [], []>, transpose_lhs_hint = false} : vector<128x4xf32>, vector<4x32xf32>, vector<128x32xf32> -> vector<128x32xf32>
    %mul3A_509 = arith.mulf %add3A_504, %dot_general3A_508 : vector<128x32xf32>
    %add3A_510 = vector.broadcast %get3A_27 : vector<1x32xf32> to vector<128x32xf32>
    %add3A_511 = arith.addf %mul3A_509, %add3A_510 : vector<128x32xf32>
    %ge3A_512 = arith.constant 0.000000e+00 : f32
    %ge3A_513 = vector.broadcast %ge3A_512 : f32 to vector<128x32xf32>
    %ge3A_514 = arith.cmpf oge, %add3A_511, %ge3A_513 : vector<128x32xf32>
    %mul3A_515 = arith.constant 2.000000e-01 : f32
    %mul3A_516 = vector.broadcast %mul3A_515 : f32 to vector<128x32xf32>
    %mul3A_517 = arith.mulf %mul3A_516, %add3A_511 : vector<128x32xf32>
    %select_n3A_518 = arith.select %ge3A_514, %add3A_511, %mul3A_517 : vector<128x32xi1>, vector<128x32xf32>
    %slice3A_519 = vector.extract_strided_slice %reshape3A_19 {offsets = [5, 0, 0], sizes = [1, 128, 32], strides = [1, 1, 1]} : vector<16x128x32xf32> to vector<1x128x32xf32>
    %squeeze3A_520 = vector.shape_cast %slice3A_519 : vector<1x128x32xf32> to vector<128x32xf32>
    %slice3A_521 = vector.extract_strided_slice %mul3A_52 {offsets = [5, 0, 0], sizes = [1, 128, 128], strides = [1, 1, 1]} : vector<16x128x128xf32> to vector<1x128x128xf32>
    %squeeze3A_522 = vector.shape_cast %slice3A_521 : vector<1x128x128xf32> to vector<128x128xf32>
    %dot_general3A_523 = arith.constant dense<0.000000e+00> : vector<128x32xf32>
    %dot_general3A_524 = tpu.matmul %squeeze3A_522, %squeeze3A_520, %dot_general3A_523 {dimension_numbers = #tpu.dot_dimension_numbers<[1], [0], [0], [1], [0, 0, 1, 1], [], []>, transpose_lhs_hint = false} : vector<128x128xf32>, vector<128x32xf32>, vector<128x32xf32> -> vector<128x32xf32>
    %mul3A_525 = vector.broadcast %convert_element_type3A_192 : vector<1x32xf32> to vector<128x32xf32>
    %mul3A_526 = arith.mulf %dot_general3A_524, %mul3A_525 : vector<128x32xf32>
    %slice3A_527 = vector.extract_strided_slice %mul3A_86 {offsets = [5, 0, 0], sizes = [1, 128, 128], strides = [1, 1, 1]} : vector<16x128x128xf32> to vector<1x128x128xf32>
    %squeeze3A_528 = vector.shape_cast %slice3A_527 : vector<1x128x128xf32> to vector<128x128xf32>
    %dot_general3A_529 = arith.constant dense<0.000000e+00> : vector<128x32xf32>
    %dot_general3A_530 = tpu.matmul %squeeze3A_528, %squeeze3A_520, %dot_general3A_529 {dimension_numbers = #tpu.dot_dimension_numbers<[1], [0], [0], [1], [0, 0, 1, 1], [], []>, transpose_lhs_hint = false} : vector<128x128xf32>, vector<128x32xf32>, vector<128x32xf32> -> vector<128x32xf32>
    %mul3A_531 = vector.broadcast %convert_element_type3A_229 : vector<1x32xf32> to vector<128x32xf32>
    %mul3A_532 = arith.mulf %dot_general3A_530, %mul3A_531 : vector<128x32xf32>
    %add3A_533 = arith.addf %mul3A_526, %mul3A_532 : vector<128x32xf32>
    %slice3A_534 = vector.extract_strided_slice %mul3A_121 {offsets = [5, 0, 0], sizes = [1, 128, 128], strides = [1, 1, 1]} : vector<16x128x128xf32> to vector<1x128x128xf32>
    %squeeze3A_535 = vector.shape_cast %slice3A_534 : vector<1x128x128xf32> to vector<128x128xf32>
    %dot_general3A_536 = arith.constant dense<0.000000e+00> : vector<128x32xf32>
    %dot_general3A_537 = tpu.matmul %squeeze3A_535, %squeeze3A_520, %dot_general3A_536 {dimension_numbers = #tpu.dot_dimension_numbers<[1], [0], [0], [1], [0, 0, 1, 1], [], []>, transpose_lhs_hint = false} : vector<128x128xf32>, vector<128x32xf32>, vector<128x32xf32> -> vector<128x32xf32>
    %mul3A_538 = vector.broadcast %convert_element_type3A_266 : vector<1x32xf32> to vector<128x32xf32>
    %mul3A_539 = arith.mulf %dot_general3A_537, %mul3A_538 : vector<128x32xf32>
    %add3A_540 = arith.addf %add3A_533, %mul3A_539 : vector<128x32xf32>
    %slice3A_541 = vector.extract_strided_slice %mul3A_156 {offsets = [5, 0, 0], sizes = [1, 128, 128], strides = [1, 1, 1]} : vector<16x128x128xf32> to vector<1x128x128xf32>
    %squeeze3A_542 = vector.shape_cast %slice3A_541 : vector<1x128x128xf32> to vector<128x128xf32>
    %dot_general3A_543 = arith.constant dense<0.000000e+00> : vector<128x32xf32>
    %dot_general3A_544 = tpu.matmul %squeeze3A_542, %squeeze3A_520, %dot_general3A_543 {dimension_numbers = #tpu.dot_dimension_numbers<[1], [0], [0], [1], [0, 0, 1, 1], [], []>, transpose_lhs_hint = false} : vector<128x128xf32>, vector<128x32xf32>, vector<128x32xf32> -> vector<128x32xf32>
    %mul3A_545 = vector.broadcast %convert_element_type3A_303 : vector<1x32xf32> to vector<128x32xf32>
    %mul3A_546 = arith.mulf %dot_general3A_544, %mul3A_545 : vector<128x32xf32>
    %add3A_547 = arith.addf %add3A_540, %mul3A_546 : vector<128x32xf32>
    %slice3A_548 = vector.extract_strided_slice %div3A_164 {offsets = [5, 0, 0], sizes = [1, 128, 4], strides = [1, 1, 1]} : vector<16x128x4xf32> to vector<1x128x4xf32>
    %squeeze3A_549 = vector.shape_cast %slice3A_548 : vector<1x128x4xf32> to vector<128x4xf32>
    %dot_general3A_550 = arith.constant dense<0.000000e+00> : vector<128x32xf32>
    %dot_general3A_551 = tpu.matmul %squeeze3A_549, %concatenate3A_304, %dot_general3A_550 {dimension_numbers = #tpu.dot_dimension_numbers<[1], [0], [0], [1], [0, 0, 1, 1], [], []>, transpose_lhs_hint = false} : vector<128x4xf32>, vector<4x32xf32>, vector<128x32xf32> -> vector<128x32xf32>
    %mul3A_552 = arith.mulf %add3A_547, %dot_general3A_551 : vector<128x32xf32>
    %add3A_553 = vector.broadcast %get3A_27 : vector<1x32xf32> to vector<128x32xf32>
    %add3A_554 = arith.addf %mul3A_552, %add3A_553 : vector<128x32xf32>
    %ge3A_555 = arith.constant 0.000000e+00 : f32
    %ge3A_556 = vector.broadcast %ge3A_555 : f32 to vector<128x32xf32>
    %ge3A_557 = arith.cmpf oge, %add3A_554, %ge3A_556 : vector<128x32xf32>
    %mul3A_558 = arith.constant 2.000000e-01 : f32
    %mul3A_559 = vector.broadcast %mul3A_558 : f32 to vector<128x32xf32>
    %mul3A_560 = arith.mulf %mul3A_559, %add3A_554 : vector<128x32xf32>
    %select_n3A_561 = arith.select %ge3A_557, %add3A_554, %mul3A_560 : vector<128x32xi1>, vector<128x32xf32>
    %slice3A_562 = vector.extract_strided_slice %reshape3A_19 {offsets = [6, 0, 0], sizes = [1, 128, 32], strides = [1, 1, 1]} : vector<16x128x32xf32> to vector<1x128x32xf32>
    %squeeze3A_563 = vector.shape_cast %slice3A_562 : vector<1x128x32xf32> to vector<128x32xf32>
    %slice3A_564 = vector.extract_strided_slice %mul3A_52 {offsets = [6, 0, 0], sizes = [1, 128, 128], strides = [1, 1, 1]} : vector<16x128x128xf32> to vector<1x128x128xf32>
    %squeeze3A_565 = vector.shape_cast %slice3A_564 : vector<1x128x128xf32> to vector<128x128xf32>
    %dot_general3A_566 = arith.constant dense<0.000000e+00> : vector<128x32xf32>
    %dot_general3A_567 = tpu.matmul %squeeze3A_565, %squeeze3A_563, %dot_general3A_566 {dimension_numbers = #tpu.dot_dimension_numbers<[1], [0], [0], [1], [0, 0, 1, 1], [], []>, transpose_lhs_hint = false} : vector<128x128xf32>, vector<128x32xf32>, vector<128x32xf32> -> vector<128x32xf32>
    %mul3A_568 = vector.broadcast %convert_element_type3A_192 : vector<1x32xf32> to vector<128x32xf32>
    %mul3A_569 = arith.mulf %dot_general3A_567, %mul3A_568 : vector<128x32xf32>
    %slice3A_570 = vector.extract_strided_slice %mul3A_86 {offsets = [6, 0, 0], sizes = [1, 128, 128], strides = [1, 1, 1]} : vector<16x128x128xf32> to vector<1x128x128xf32>
    %squeeze3A_571 = vector.shape_cast %slice3A_570 : vector<1x128x128xf32> to vector<128x128xf32>
    %dot_general3A_572 = arith.constant dense<0.000000e+00> : vector<128x32xf32>
    %dot_general3A_573 = tpu.matmul %squeeze3A_571, %squeeze3A_563, %dot_general3A_572 {dimension_numbers = #tpu.dot_dimension_numbers<[1], [0], [0], [1], [0, 0, 1, 1], [], []>, transpose_lhs_hint = false} : vector<128x128xf32>, vector<128x32xf32>, vector<128x32xf32> -> vector<128x32xf32>
    %mul3A_574 = vector.broadcast %convert_element_type3A_229 : vector<1x32xf32> to vector<128x32xf32>
    %mul3A_575 = arith.mulf %dot_general3A_573, %mul3A_574 : vector<128x32xf32>
    %add3A_576 = arith.addf %mul3A_569, %mul3A_575 : vector<128x32xf32>
    %slice3A_577 = vector.extract_strided_slice %mul3A_121 {offsets = [6, 0, 0], sizes = [1, 128, 128], strides = [1, 1, 1]} : vector<16x128x128xf32> to vector<1x128x128xf32>
    %squeeze3A_578 = vector.shape_cast %slice3A_577 : vector<1x128x128xf32> to vector<128x128xf32>
    %dot_general3A_579 = arith.constant dense<0.000000e+00> : vector<128x32xf32>
    %dot_general3A_580 = tpu.matmul %squeeze3A_578, %squeeze3A_563, %dot_general3A_579 {dimension_numbers = #tpu.dot_dimension_numbers<[1], [0], [0], [1], [0, 0, 1, 1], [], []>, transpose_lhs_hint = false} : vector<128x128xf32>, vector<128x32xf32>, vector<128x32xf32> -> vector<128x32xf32>
    %mul3A_581 = vector.broadcast %convert_element_type3A_266 : vector<1x32xf32> to vector<128x32xf32>
    %mul3A_582 = arith.mulf %dot_general3A_580, %mul3A_581 : vector<128x32xf32>
    %add3A_583 = arith.addf %add3A_576, %mul3A_582 : vector<128x32xf32>
    %slice3A_584 = vector.extract_strided_slice %mul3A_156 {offsets = [6, 0, 0], sizes = [1, 128, 128], strides = [1, 1, 1]} : vector<16x128x128xf32> to vector<1x128x128xf32>
    %squeeze3A_585 = vector.shape_cast %slice3A_584 : vector<1x128x128xf32> to vector<128x128xf32>
    %dot_general3A_586 = arith.constant dense<0.000000e+00> : vector<128x32xf32>
    %dot_general3A_587 = tpu.matmul %squeeze3A_585, %squeeze3A_563, %dot_general3A_586 {dimension_numbers = #tpu.dot_dimension_numbers<[1], [0], [0], [1], [0, 0, 1, 1], [], []>, transpose_lhs_hint = false} : vector<128x128xf32>, vector<128x32xf32>, vector<128x32xf32> -> vector<128x32xf32>
    %mul3A_588 = vector.broadcast %convert_element_type3A_303 : vector<1x32xf32> to vector<128x32xf32>
    %mul3A_589 = arith.mulf %dot_general3A_587, %mul3A_588 : vector<128x32xf32>
    %add3A_590 = arith.addf %add3A_583, %mul3A_589 : vector<128x32xf32>
    %slice3A_591 = vector.extract_strided_slice %div3A_164 {offsets = [6, 0, 0], sizes = [1, 128, 4], strides = [1, 1, 1]} : vector<16x128x4xf32> to vector<1x128x4xf32>
    %squeeze3A_592 = vector.shape_cast %slice3A_591 : vector<1x128x4xf32> to vector<128x4xf32>
    %dot_general3A_593 = arith.constant dense<0.000000e+00> : vector<128x32xf32>
    %dot_general3A_594 = tpu.matmul %squeeze3A_592, %concatenate3A_304, %dot_general3A_593 {dimension_numbers = #tpu.dot_dimension_numbers<[1], [0], [0], [1], [0, 0, 1, 1], [], []>, transpose_lhs_hint = false} : vector<128x4xf32>, vector<4x32xf32>, vector<128x32xf32> -> vector<128x32xf32>
    %mul3A_595 = arith.mulf %add3A_590, %dot_general3A_594 : vector<128x32xf32>
    %add3A_596 = vector.broadcast %get3A_27 : vector<1x32xf32> to vector<128x32xf32>
    %add3A_597 = arith.addf %mul3A_595, %add3A_596 : vector<128x32xf32>
    %ge3A_598 = arith.constant 0.000000e+00 : f32
    %ge3A_599 = vector.broadcast %ge3A_598 : f32 to vector<128x32xf32>
    %ge3A_600 = arith.cmpf oge, %add3A_597, %ge3A_599 : vector<128x32xf32>
    %mul3A_601 = arith.constant 2.000000e-01 : f32
    %mul3A_602 = vector.broadcast %mul3A_601 : f32 to vector<128x32xf32>
    %mul3A_603 = arith.mulf %mul3A_602, %add3A_597 : vector<128x32xf32>
    %select_n3A_604 = arith.select %ge3A_600, %add3A_597, %mul3A_603 : vector<128x32xi1>, vector<128x32xf32>
    %slice3A_605 = vector.extract_strided_slice %reshape3A_19 {offsets = [7, 0, 0], sizes = [1, 128, 32], strides = [1, 1, 1]} : vector<16x128x32xf32> to vector<1x128x32xf32>
    %squeeze3A_606 = vector.shape_cast %slice3A_605 : vector<1x128x32xf32> to vector<128x32xf32>
    %slice3A_607 = vector.extract_strided_slice %mul3A_52 {offsets = [7, 0, 0], sizes = [1, 128, 128], strides = [1, 1, 1]} : vector<16x128x128xf32> to vector<1x128x128xf32>
    %squeeze3A_608 = vector.shape_cast %slice3A_607 : vector<1x128x128xf32> to vector<128x128xf32>
    %dot_general3A_609 = arith.constant dense<0.000000e+00> : vector<128x32xf32>
    %dot_general3A_610 = tpu.matmul %squeeze3A_608, %squeeze3A_606, %dot_general3A_609 {dimension_numbers = #tpu.dot_dimension_numbers<[1], [0], [0], [1], [0, 0, 1, 1], [], []>, transpose_lhs_hint = false} : vector<128x128xf32>, vector<128x32xf32>, vector<128x32xf32> -> vector<128x32xf32>
    %mul3A_611 = vector.broadcast %convert_element_type3A_192 : vector<1x32xf32> to vector<128x32xf32>
    %mul3A_612 = arith.mulf %dot_general3A_610, %mul3A_611 : vector<128x32xf32>
    %slice3A_613 = vector.extract_strided_slice %mul3A_86 {offsets = [7, 0, 0], sizes = [1, 128, 128], strides = [1, 1, 1]} : vector<16x128x128xf32> to vector<1x128x128xf32>
    %squeeze3A_614 = vector.shape_cast %slice3A_613 : vector<1x128x128xf32> to vector<128x128xf32>
    %dot_general3A_615 = arith.constant dense<0.000000e+00> : vector<128x32xf32>
    %dot_general3A_616 = tpu.matmul %squeeze3A_614, %squeeze3A_606, %dot_general3A_615 {dimension_numbers = #tpu.dot_dimension_numbers<[1], [0], [0], [1], [0, 0, 1, 1], [], []>, transpose_lhs_hint = false} : vector<128x128xf32>, vector<128x32xf32>, vector<128x32xf32> -> vector<128x32xf32>
    %mul3A_617 = vector.broadcast %convert_element_type3A_229 : vector<1x32xf32> to vector<128x32xf32>
    %mul3A_618 = arith.mulf %dot_general3A_616, %mul3A_617 : vector<128x32xf32>
    %add3A_619 = arith.addf %mul3A_612, %mul3A_618 : vector<128x32xf32>
    %slice3A_620 = vector.extract_strided_slice %mul3A_121 {offsets = [7, 0, 0], sizes = [1, 128, 128], strides = [1, 1, 1]} : vector<16x128x128xf32> to vector<1x128x128xf32>
    %squeeze3A_621 = vector.shape_cast %slice3A_620 : vector<1x128x128xf32> to vector<128x128xf32>
    %dot_general3A_622 = arith.constant dense<0.000000e+00> : vector<128x32xf32>
    %dot_general3A_623 = tpu.matmul %squeeze3A_621, %squeeze3A_606, %dot_general3A_622 {dimension_numbers = #tpu.dot_dimension_numbers<[1], [0], [0], [1], [0, 0, 1, 1], [], []>, transpose_lhs_hint = false} : vector<128x128xf32>, vector<128x32xf32>, vector<128x32xf32> -> vector<128x32xf32>
    %mul3A_624 = vector.broadcast %convert_element_type3A_266 : vector<1x32xf32> to vector<128x32xf32>
    %mul3A_625 = arith.mulf %dot_general3A_623, %mul3A_624 : vector<128x32xf32>
    %add3A_626 = arith.addf %add3A_619, %mul3A_625 : vector<128x32xf32>
    %slice3A_627 = vector.extract_strided_slice %mul3A_156 {offsets = [7, 0, 0], sizes = [1, 128, 128], strides = [1, 1, 1]} : vector<16x128x128xf32> to vector<1x128x128xf32>
    %squeeze3A_628 = vector.shape_cast %slice3A_627 : vector<1x128x128xf32> to vector<128x128xf32>
    %dot_general3A_629 = arith.constant dense<0.000000e+00> : vector<128x32xf32>
    %dot_general3A_630 = tpu.matmul %squeeze3A_628, %squeeze3A_606, %dot_general3A_629 {dimension_numbers = #tpu.dot_dimension_numbers<[1], [0], [0], [1], [0, 0, 1, 1], [], []>, transpose_lhs_hint = false} : vector<128x128xf32>, vector<128x32xf32>, vector<128x32xf32> -> vector<128x32xf32>
    %mul3A_631 = vector.broadcast %convert_element_type3A_303 : vector<1x32xf32> to vector<128x32xf32>
    %mul3A_632 = arith.mulf %dot_general3A_630, %mul3A_631 : vector<128x32xf32>
    %add3A_633 = arith.addf %add3A_626, %mul3A_632 : vector<128x32xf32>
    %slice3A_634 = vector.extract_strided_slice %div3A_164 {offsets = [7, 0, 0], sizes = [1, 128, 4], strides = [1, 1, 1]} : vector<16x128x4xf32> to vector<1x128x4xf32>
    %squeeze3A_635 = vector.shape_cast %slice3A_634 : vector<1x128x4xf32> to vector<128x4xf32>
    %dot_general3A_636 = arith.constant dense<0.000000e+00> : vector<128x32xf32>
    %dot_general3A_637 = tpu.matmul %squeeze3A_635, %concatenate3A_304, %dot_general3A_636 {dimension_numbers = #tpu.dot_dimension_numbers<[1], [0], [0], [1], [0, 0, 1, 1], [], []>, transpose_lhs_hint = false} : vector<128x4xf32>, vector<4x32xf32>, vector<128x32xf32> -> vector<128x32xf32>
    %mul3A_638 = arith.mulf %add3A_633, %dot_general3A_637 : vector<128x32xf32>
    %add3A_639 = vector.broadcast %get3A_27 : vector<1x32xf32> to vector<128x32xf32>
    %add3A_640 = arith.addf %mul3A_638, %add3A_639 : vector<128x32xf32>
    %ge3A_641 = arith.constant 0.000000e+00 : f32
    %ge3A_642 = vector.broadcast %ge3A_641 : f32 to vector<128x32xf32>
    %ge3A_643 = arith.cmpf oge, %add3A_640, %ge3A_642 : vector<128x32xf32>
    %mul3A_644 = arith.constant 2.000000e-01 : f32
    %mul3A_645 = vector.broadcast %mul3A_644 : f32 to vector<128x32xf32>
    %mul3A_646 = arith.mulf %mul3A_645, %add3A_640 : vector<128x32xf32>
    %select_n3A_647 = arith.select %ge3A_643, %add3A_640, %mul3A_646 : vector<128x32xi1>, vector<128x32xf32>
    %slice3A_648 = vector.extract_strided_slice %reshape3A_19 {offsets = [8, 0, 0], sizes = [1, 128, 32], strides = [1, 1, 1]} : vector<16x128x32xf32> to vector<1x128x32xf32>
    %squeeze3A_649 = vector.shape_cast %slice3A_648 : vector<1x128x32xf32> to vector<128x32xf32>
    %slice3A_650 = vector.extract_strided_slice %mul3A_52 {offsets = [8, 0, 0], sizes = [1, 128, 128], strides = [1, 1, 1]} : vector<16x128x128xf32> to vector<1x128x128xf32>
    %squeeze3A_651 = vector.shape_cast %slice3A_650 : vector<1x128x128xf32> to vector<128x128xf32>
    %dot_general3A_652 = arith.constant dense<0.000000e+00> : vector<128x32xf32>
    %dot_general3A_653 = tpu.matmul %squeeze3A_651, %squeeze3A_649, %dot_general3A_652 {dimension_numbers = #tpu.dot_dimension_numbers<[1], [0], [0], [1], [0, 0, 1, 1], [], []>, transpose_lhs_hint = false} : vector<128x128xf32>, vector<128x32xf32>, vector<128x32xf32> -> vector<128x32xf32>
    %mul3A_654 = vector.broadcast %convert_element_type3A_192 : vector<1x32xf32> to vector<128x32xf32>
    %mul3A_655 = arith.mulf %dot_general3A_653, %mul3A_654 : vector<128x32xf32>
    %slice3A_656 = vector.extract_strided_slice %mul3A_86 {offsets = [8, 0, 0], sizes = [1, 128, 128], strides = [1, 1, 1]} : vector<16x128x128xf32> to vector<1x128x128xf32>
    %squeeze3A_657 = vector.shape_cast %slice3A_656 : vector<1x128x128xf32> to vector<128x128xf32>
    %dot_general3A_658 = arith.constant dense<0.000000e+00> : vector<128x32xf32>
    %dot_general3A_659 = tpu.matmul %squeeze3A_657, %squeeze3A_649, %dot_general3A_658 {dimension_numbers = #tpu.dot_dimension_numbers<[1], [0], [0], [1], [0, 0, 1, 1], [], []>, transpose_lhs_hint = false} : vector<128x128xf32>, vector<128x32xf32>, vector<128x32xf32> -> vector<128x32xf32>
    %mul3A_660 = vector.broadcast %convert_element_type3A_229 : vector<1x32xf32> to vector<128x32xf32>
    %mul3A_661 = arith.mulf %dot_general3A_659, %mul3A_660 : vector<128x32xf32>
    %add3A_662 = arith.addf %mul3A_655, %mul3A_661 : vector<128x32xf32>
    %slice3A_663 = vector.extract_strided_slice %mul3A_121 {offsets = [8, 0, 0], sizes = [1, 128, 128], strides = [1, 1, 1]} : vector<16x128x128xf32> to vector<1x128x128xf32>
    %squeeze3A_664 = vector.shape_cast %slice3A_663 : vector<1x128x128xf32> to vector<128x128xf32>
    %dot_general3A_665 = arith.constant dense<0.000000e+00> : vector<128x32xf32>
    %dot_general3A_666 = tpu.matmul %squeeze3A_664, %squeeze3A_649, %dot_general3A_665 {dimension_numbers = #tpu.dot_dimension_numbers<[1], [0], [0], [1], [0, 0, 1, 1], [], []>, transpose_lhs_hint = false} : vector<128x128xf32>, vector<128x32xf32>, vector<128x32xf32> -> vector<128x32xf32>
    %mul3A_667 = vector.broadcast %convert_element_type3A_266 : vector<1x32xf32> to vector<128x32xf32>
    %mul3A_668 = arith.mulf %dot_general3A_666, %mul3A_667 : vector<128x32xf32>
    %add3A_669 = arith.addf %add3A_662, %mul3A_668 : vector<128x32xf32>
    %slice3A_670 = vector.extract_strided_slice %mul3A_156 {offsets = [8, 0, 0], sizes = [1, 128, 128], strides = [1, 1, 1]} : vector<16x128x128xf32> to vector<1x128x128xf32>
    %squeeze3A_671 = vector.shape_cast %slice3A_670 : vector<1x128x128xf32> to vector<128x128xf32>
    %dot_general3A_672 = arith.constant dense<0.000000e+00> : vector<128x32xf32>
    %dot_general3A_673 = tpu.matmul %squeeze3A_671, %squeeze3A_649, %dot_general3A_672 {dimension_numbers = #tpu.dot_dimension_numbers<[1], [0], [0], [1], [0, 0, 1, 1], [], []>, transpose_lhs_hint = false} : vector<128x128xf32>, vector<128x32xf32>, vector<128x32xf32> -> vector<128x32xf32>
    %mul3A_674 = vector.broadcast %convert_element_type3A_303 : vector<1x32xf32> to vector<128x32xf32>
    %mul3A_675 = arith.mulf %dot_general3A_673, %mul3A_674 : vector<128x32xf32>
    %add3A_676 = arith.addf %add3A_669, %mul3A_675 : vector<128x32xf32>
    %slice3A_677 = vector.extract_strided_slice %div3A_164 {offsets = [8, 0, 0], sizes = [1, 128, 4], strides = [1, 1, 1]} : vector<16x128x4xf32> to vector<1x128x4xf32>
    %squeeze3A_678 = vector.shape_cast %slice3A_677 : vector<1x128x4xf32> to vector<128x4xf32>
    %dot_general3A_679 = arith.constant dense<0.000000e+00> : vector<128x32xf32>
    %dot_general3A_680 = tpu.matmul %squeeze3A_678, %concatenate3A_304, %dot_general3A_679 {dimension_numbers = #tpu.dot_dimension_numbers<[1], [0], [0], [1], [0, 0, 1, 1], [], []>, transpose_lhs_hint = false} : vector<128x4xf32>, vector<4x32xf32>, vector<128x32xf32> -> vector<128x32xf32>
    %mul3A_681 = arith.mulf %add3A_676, %dot_general3A_680 : vector<128x32xf32>
    %add3A_682 = vector.broadcast %get3A_27 : vector<1x32xf32> to vector<128x32xf32>
    %add3A_683 = arith.addf %mul3A_681, %add3A_682 : vector<128x32xf32>
    %ge3A_684 = arith.constant 0.000000e+00 : f32
    %ge3A_685 = vector.broadcast %ge3A_684 : f32 to vector<128x32xf32>
    %ge3A_686 = arith.cmpf oge, %add3A_683, %ge3A_685 : vector<128x32xf32>
    %mul3A_687 = arith.constant 2.000000e-01 : f32
    %mul3A_688 = vector.broadcast %mul3A_687 : f32 to vector<128x32xf32>
    %mul3A_689 = arith.mulf %mul3A_688, %add3A_683 : vector<128x32xf32>
    %select_n3A_690 = arith.select %ge3A_686, %add3A_683, %mul3A_689 : vector<128x32xi1>, vector<128x32xf32>
    %slice3A_691 = vector.extract_strided_slice %reshape3A_19 {offsets = [9, 0, 0], sizes = [1, 128, 32], strides = [1, 1, 1]} : vector<16x128x32xf32> to vector<1x128x32xf32>
    %squeeze3A_692 = vector.shape_cast %slice3A_691 : vector<1x128x32xf32> to vector<128x32xf32>
    %slice3A_693 = vector.extract_strided_slice %mul3A_52 {offsets = [9, 0, 0], sizes = [1, 128, 128], strides = [1, 1, 1]} : vector<16x128x128xf32> to vector<1x128x128xf32>
    %squeeze3A_694 = vector.shape_cast %slice3A_693 : vector<1x128x128xf32> to vector<128x128xf32>
    %dot_general3A_695 = arith.constant dense<0.000000e+00> : vector<128x32xf32>
    %dot_general3A_696 = tpu.matmul %squeeze3A_694, %squeeze3A_692, %dot_general3A_695 {dimension_numbers = #tpu.dot_dimension_numbers<[1], [0], [0], [1], [0, 0, 1, 1], [], []>, transpose_lhs_hint = false} : vector<128x128xf32>, vector<128x32xf32>, vector<128x32xf32> -> vector<128x32xf32>
    %mul3A_697 = vector.broadcast %convert_element_type3A_192 : vector<1x32xf32> to vector<128x32xf32>
    %mul3A_698 = arith.mulf %dot_general3A_696, %mul3A_697 : vector<128x32xf32>
    %slice3A_699 = vector.extract_strided_slice %mul3A_86 {offsets = [9, 0, 0], sizes = [1, 128, 128], strides = [1, 1, 1]} : vector<16x128x128xf32> to vector<1x128x128xf32>
    %squeeze3A_700 = vector.shape_cast %slice3A_699 : vector<1x128x128xf32> to vector<128x128xf32>
    %dot_general3A_701 = arith.constant dense<0.000000e+00> : vector<128x32xf32>
    %dot_general3A_702 = tpu.matmul %squeeze3A_700, %squeeze3A_692, %dot_general3A_701 {dimension_numbers = #tpu.dot_dimension_numbers<[1], [0], [0], [1], [0, 0, 1, 1], [], []>, transpose_lhs_hint = false} : vector<128x128xf32>, vector<128x32xf32>, vector<128x32xf32> -> vector<128x32xf32>
    %mul3A_703 = vector.broadcast %convert_element_type3A_229 : vector<1x32xf32> to vector<128x32xf32>
    %mul3A_704 = arith.mulf %dot_general3A_702, %mul3A_703 : vector<128x32xf32>
    %add3A_705 = arith.addf %mul3A_698, %mul3A_704 : vector<128x32xf32>
    %slice3A_706 = vector.extract_strided_slice %mul3A_121 {offsets = [9, 0, 0], sizes = [1, 128, 128], strides = [1, 1, 1]} : vector<16x128x128xf32> to vector<1x128x128xf32>
    %squeeze3A_707 = vector.shape_cast %slice3A_706 : vector<1x128x128xf32> to vector<128x128xf32>
    %dot_general3A_708 = arith.constant dense<0.000000e+00> : vector<128x32xf32>
    %dot_general3A_709 = tpu.matmul %squeeze3A_707, %squeeze3A_692, %dot_general3A_708 {dimension_numbers = #tpu.dot_dimension_numbers<[1], [0], [0], [1], [0, 0, 1, 1], [], []>, transpose_lhs_hint = false} : vector<128x128xf32>, vector<128x32xf32>, vector<128x32xf32> -> vector<128x32xf32>
    %mul3A_710 = vector.broadcast %convert_element_type3A_266 : vector<1x32xf32> to vector<128x32xf32>
    %mul3A_711 = arith.mulf %dot_general3A_709, %mul3A_710 : vector<128x32xf32>
    %add3A_712 = arith.addf %add3A_705, %mul3A_711 : vector<128x32xf32>
    %slice3A_713 = vector.extract_strided_slice %mul3A_156 {offsets = [9, 0, 0], sizes = [1, 128, 128], strides = [1, 1, 1]} : vector<16x128x128xf32> to vector<1x128x128xf32>
    %squeeze3A_714 = vector.shape_cast %slice3A_713 : vector<1x128x128xf32> to vector<128x128xf32>
    %dot_general3A_715 = arith.constant dense<0.000000e+00> : vector<128x32xf32>
    %dot_general3A_716 = tpu.matmul %squeeze3A_714, %squeeze3A_692, %dot_general3A_715 {dimension_numbers = #tpu.dot_dimension_numbers<[1], [0], [0], [1], [0, 0, 1, 1], [], []>, transpose_lhs_hint = false} : vector<128x128xf32>, vector<128x32xf32>, vector<128x32xf32> -> vector<128x32xf32>
    %mul3A_717 = vector.broadcast %convert_element_type3A_303 : vector<1x32xf32> to vector<128x32xf32>
    %mul3A_718 = arith.mulf %dot_general3A_716, %mul3A_717 : vector<128x32xf32>
    %add3A_719 = arith.addf %add3A_712, %mul3A_718 : vector<128x32xf32>
    %slice3A_720 = vector.extract_strided_slice %div3A_164 {offsets = [9, 0, 0], sizes = [1, 128, 4], strides = [1, 1, 1]} : vector<16x128x4xf32> to vector<1x128x4xf32>
    %squeeze3A_721 = vector.shape_cast %slice3A_720 : vector<1x128x4xf32> to vector<128x4xf32>
    %dot_general3A_722 = arith.constant dense<0.000000e+00> : vector<128x32xf32>
    %dot_general3A_723 = tpu.matmul %squeeze3A_721, %concatenate3A_304, %dot_general3A_722 {dimension_numbers = #tpu.dot_dimension_numbers<[1], [0], [0], [1], [0, 0, 1, 1], [], []>, transpose_lhs_hint = false} : vector<128x4xf32>, vector<4x32xf32>, vector<128x32xf32> -> vector<128x32xf32>
    %mul3A_724 = arith.mulf %add3A_719, %dot_general3A_723 : vector<128x32xf32>
    %add3A_725 = vector.broadcast %get3A_27 : vector<1x32xf32> to vector<128x32xf32>
    %add3A_726 = arith.addf %mul3A_724, %add3A_725 : vector<128x32xf32>
    %ge3A_727 = arith.constant 0.000000e+00 : f32
    %ge3A_728 = vector.broadcast %ge3A_727 : f32 to vector<128x32xf32>
    %ge3A_729 = arith.cmpf oge, %add3A_726, %ge3A_728 : vector<128x32xf32>
    %mul3A_730 = arith.constant 2.000000e-01 : f32
    %mul3A_731 = vector.broadcast %mul3A_730 : f32 to vector<128x32xf32>
    %mul3A_732 = arith.mulf %mul3A_731, %add3A_726 : vector<128x32xf32>
    %select_n3A_733 = arith.select %ge3A_729, %add3A_726, %mul3A_732 : vector<128x32xi1>, vector<128x32xf32>
    %slice3A_734 = vector.extract_strided_slice %reshape3A_19 {offsets = [10, 0, 0], sizes = [1, 128, 32], strides = [1, 1, 1]} : vector<16x128x32xf32> to vector<1x128x32xf32>
    %squeeze3A_735 = vector.shape_cast %slice3A_734 : vector<1x128x32xf32> to vector<128x32xf32>
    %slice3A_736 = vector.extract_strided_slice %mul3A_52 {offsets = [10, 0, 0], sizes = [1, 128, 128], strides = [1, 1, 1]} : vector<16x128x128xf32> to vector<1x128x128xf32>
    %squeeze3A_737 = vector.shape_cast %slice3A_736 : vector<1x128x128xf32> to vector<128x128xf32>
    %dot_general3A_738 = arith.constant dense<0.000000e+00> : vector<128x32xf32>
    %dot_general3A_739 = tpu.matmul %squeeze3A_737, %squeeze3A_735, %dot_general3A_738 {dimension_numbers = #tpu.dot_dimension_numbers<[1], [0], [0], [1], [0, 0, 1, 1], [], []>, transpose_lhs_hint = false} : vector<128x128xf32>, vector<128x32xf32>, vector<128x32xf32> -> vector<128x32xf32>
    %mul3A_740 = vector.broadcast %convert_element_type3A_192 : vector<1x32xf32> to vector<128x32xf32>
    %mul3A_741 = arith.mulf %dot_general3A_739, %mul3A_740 : vector<128x32xf32>
    %slice3A_742 = vector.extract_strided_slice %mul3A_86 {offsets = [10, 0, 0], sizes = [1, 128, 128], strides = [1, 1, 1]} : vector<16x128x128xf32> to vector<1x128x128xf32>
    %squeeze3A_743 = vector.shape_cast %slice3A_742 : vector<1x128x128xf32> to vector<128x128xf32>
    %dot_general3A_744 = arith.constant dense<0.000000e+00> : vector<128x32xf32>
    %dot_general3A_745 = tpu.matmul %squeeze3A_743, %squeeze3A_735, %dot_general3A_744 {dimension_numbers = #tpu.dot_dimension_numbers<[1], [0], [0], [1], [0, 0, 1, 1], [], []>, transpose_lhs_hint = false} : vector<128x128xf32>, vector<128x32xf32>, vector<128x32xf32> -> vector<128x32xf32>
    %mul3A_746 = vector.broadcast %convert_element_type3A_229 : vector<1x32xf32> to vector<128x32xf32>
    %mul3A_747 = arith.mulf %dot_general3A_745, %mul3A_746 : vector<128x32xf32>
    %add3A_748 = arith.addf %mul3A_741, %mul3A_747 : vector<128x32xf32>
    %slice3A_749 = vector.extract_strided_slice %mul3A_121 {offsets = [10, 0, 0], sizes = [1, 128, 128], strides = [1, 1, 1]} : vector<16x128x128xf32> to vector<1x128x128xf32>
    %squeeze3A_750 = vector.shape_cast %slice3A_749 : vector<1x128x128xf32> to vector<128x128xf32>
    %dot_general3A_751 = arith.constant dense<0.000000e+00> : vector<128x32xf32>
    %dot_general3A_752 = tpu.matmul %squeeze3A_750, %squeeze3A_735, %dot_general3A_751 {dimension_numbers = #tpu.dot_dimension_numbers<[1], [0], [0], [1], [0, 0, 1, 1], [], []>, transpose_lhs_hint = false} : vector<128x128xf32>, vector<128x32xf32>, vector<128x32xf32> -> vector<128x32xf32>
    %mul3A_753 = vector.broadcast %convert_element_type3A_266 : vector<1x32xf32> to vector<128x32xf32>
    %mul3A_754 = arith.mulf %dot_general3A_752, %mul3A_753 : vector<128x32xf32>
    %add3A_755 = arith.addf %add3A_748, %mul3A_754 : vector<128x32xf32>
    %slice3A_756 = vector.extract_strided_slice %mul3A_156 {offsets = [10, 0, 0], sizes = [1, 128, 128], strides = [1, 1, 1]} : vector<16x128x128xf32> to vector<1x128x128xf32>
    %squeeze3A_757 = vector.shape_cast %slice3A_756 : vector<1x128x128xf32> to vector<128x128xf32>
    %dot_general3A_758 = arith.constant dense<0.000000e+00> : vector<128x32xf32>
    %dot_general3A_759 = tpu.matmul %squeeze3A_757, %squeeze3A_735, %dot_general3A_758 {dimension_numbers = #tpu.dot_dimension_numbers<[1], [0], [0], [1], [0, 0, 1, 1], [], []>, transpose_lhs_hint = false} : vector<128x128xf32>, vector<128x32xf32>, vector<128x32xf32> -> vector<128x32xf32>
    %mul3A_760 = vector.broadcast %convert_element_type3A_303 : vector<1x32xf32> to vector<128x32xf32>
    %mul3A_761 = arith.mulf %dot_general3A_759, %mul3A_760 : vector<128x32xf32>
    %add3A_762 = arith.addf %add3A_755, %mul3A_761 : vector<128x32xf32>
    %slice3A_763 = vector.extract_strided_slice %div3A_164 {offsets = [10, 0, 0], sizes = [1, 128, 4], strides = [1, 1, 1]} : vector<16x128x4xf32> to vector<1x128x4xf32>
    %squeeze3A_764 = vector.shape_cast %slice3A_763 : vector<1x128x4xf32> to vector<128x4xf32>
    %dot_general3A_765 = arith.constant dense<0.000000e+00> : vector<128x32xf32>
    %dot_general3A_766 = tpu.matmul %squeeze3A_764, %concatenate3A_304, %dot_general3A_765 {dimension_numbers = #tpu.dot_dimension_numbers<[1], [0], [0], [1], [0, 0, 1, 1], [], []>, transpose_lhs_hint = false} : vector<128x4xf32>, vector<4x32xf32>, vector<128x32xf32> -> vector<128x32xf32>
    %mul3A_767 = arith.mulf %add3A_762, %dot_general3A_766 : vector<128x32xf32>
    %add3A_768 = vector.broadcast %get3A_27 : vector<1x32xf32> to vector<128x32xf32>
    %add3A_769 = arith.addf %mul3A_767, %add3A_768 : vector<128x32xf32>
    %ge3A_770 = arith.constant 0.000000e+00 : f32
    %ge3A_771 = vector.broadcast %ge3A_770 : f32 to vector<128x32xf32>
    %ge3A_772 = arith.cmpf oge, %add3A_769, %ge3A_771 : vector<128x32xf32>
    %mul3A_773 = arith.constant 2.000000e-01 : f32
    %mul3A_774 = vector.broadcast %mul3A_773 : f32 to vector<128x32xf32>
    %mul3A_775 = arith.mulf %mul3A_774, %add3A_769 : vector<128x32xf32>
    %select_n3A_776 = arith.select %ge3A_772, %add3A_769, %mul3A_775 : vector<128x32xi1>, vector<128x32xf32>
    %slice3A_777 = vector.extract_strided_slice %reshape3A_19 {offsets = [11, 0, 0], sizes = [1, 128, 32], strides = [1, 1, 1]} : vector<16x128x32xf32> to vector<1x128x32xf32>
    %squeeze3A_778 = vector.shape_cast %slice3A_777 : vector<1x128x32xf32> to vector<128x32xf32>
    %slice3A_779 = vector.extract_strided_slice %mul3A_52 {offsets = [11, 0, 0], sizes = [1, 128, 128], strides = [1, 1, 1]} : vector<16x128x128xf32> to vector<1x128x128xf32>
    %squeeze3A_780 = vector.shape_cast %slice3A_779 : vector<1x128x128xf32> to vector<128x128xf32>
    %dot_general3A_781 = arith.constant dense<0.000000e+00> : vector<128x32xf32>
    %dot_general3A_782 = tpu.matmul %squeeze3A_780, %squeeze3A_778, %dot_general3A_781 {dimension_numbers = #tpu.dot_dimension_numbers<[1], [0], [0], [1], [0, 0, 1, 1], [], []>, transpose_lhs_hint = false} : vector<128x128xf32>, vector<128x32xf32>, vector<128x32xf32> -> vector<128x32xf32>
    %mul3A_783 = vector.broadcast %convert_element_type3A_192 : vector<1x32xf32> to vector<128x32xf32>
    %mul3A_784 = arith.mulf %dot_general3A_782, %mul3A_783 : vector<128x32xf32>
    %slice3A_785 = vector.extract_strided_slice %mul3A_86 {offsets = [11, 0, 0], sizes = [1, 128, 128], strides = [1, 1, 1]} : vector<16x128x128xf32> to vector<1x128x128xf32>
    %squeeze3A_786 = vector.shape_cast %slice3A_785 : vector<1x128x128xf32> to vector<128x128xf32>
    %dot_general3A_787 = arith.constant dense<0.000000e+00> : vector<128x32xf32>
    %dot_general3A_788 = tpu.matmul %squeeze3A_786, %squeeze3A_778, %dot_general3A_787 {dimension_numbers = #tpu.dot_dimension_numbers<[1], [0], [0], [1], [0, 0, 1, 1], [], []>, transpose_lhs_hint = false} : vector<128x128xf32>, vector<128x32xf32>, vector<128x32xf32> -> vector<128x32xf32>
    %mul3A_789 = vector.broadcast %convert_element_type3A_229 : vector<1x32xf32> to vector<128x32xf32>
    %mul3A_790 = arith.mulf %dot_general3A_788, %mul3A_789 : vector<128x32xf32>
    %add3A_791 = arith.addf %mul3A_784, %mul3A_790 : vector<128x32xf32>
    %slice3A_792 = vector.extract_strided_slice %mul3A_121 {offsets = [11, 0, 0], sizes = [1, 128, 128], strides = [1, 1, 1]} : vector<16x128x128xf32> to vector<1x128x128xf32>
    %squeeze3A_793 = vector.shape_cast %slice3A_792 : vector<1x128x128xf32> to vector<128x128xf32>
    %dot_general3A_794 = arith.constant dense<0.000000e+00> : vector<128x32xf32>
    %dot_general3A_795 = tpu.matmul %squeeze3A_793, %squeeze3A_778, %dot_general3A_794 {dimension_numbers = #tpu.dot_dimension_numbers<[1], [0], [0], [1], [0, 0, 1, 1], [], []>, transpose_lhs_hint = false} : vector<128x128xf32>, vector<128x32xf32>, vector<128x32xf32> -> vector<128x32xf32>
    %mul3A_796 = vector.broadcast %convert_element_type3A_266 : vector<1x32xf32> to vector<128x32xf32>
    %mul3A_797 = arith.mulf %dot_general3A_795, %mul3A_796 : vector<128x32xf32>
    %add3A_798 = arith.addf %add3A_791, %mul3A_797 : vector<128x32xf32>
    %slice3A_799 = vector.extract_strided_slice %mul3A_156 {offsets = [11, 0, 0], sizes = [1, 128, 128], strides = [1, 1, 1]} : vector<16x128x128xf32> to vector<1x128x128xf32>
    %squeeze3A_800 = vector.shape_cast %slice3A_799 : vector<1x128x128xf32> to vector<128x128xf32>
    %dot_general3A_801 = arith.constant dense<0.000000e+00> : vector<128x32xf32>
    %dot_general3A_802 = tpu.matmul %squeeze3A_800, %squeeze3A_778, %dot_general3A_801 {dimension_numbers = #tpu.dot_dimension_numbers<[1], [0], [0], [1], [0, 0, 1, 1], [], []>, transpose_lhs_hint = false} : vector<128x128xf32>, vector<128x32xf32>, vector<128x32xf32> -> vector<128x32xf32>
    %mul3A_803 = vector.broadcast %convert_element_type3A_303 : vector<1x32xf32> to vector<128x32xf32>
    %mul3A_804 = arith.mulf %dot_general3A_802, %mul3A_803 : vector<128x32xf32>
    %add3A_805 = arith.addf %add3A_798, %mul3A_804 : vector<128x32xf32>
    %slice3A_806 = vector.extract_strided_slice %div3A_164 {offsets = [11, 0, 0], sizes = [1, 128, 4], strides = [1, 1, 1]} : vector<16x128x4xf32> to vector<1x128x4xf32>
    %squeeze3A_807 = vector.shape_cast %slice3A_806 : vector<1x128x4xf32> to vector<128x4xf32>
    %dot_general3A_808 = arith.constant dense<0.000000e+00> : vector<128x32xf32>
    %dot_general3A_809 = tpu.matmul %squeeze3A_807, %concatenate3A_304, %dot_general3A_808 {dimension_numbers = #tpu.dot_dimension_numbers<[1], [0], [0], [1], [0, 0, 1, 1], [], []>, transpose_lhs_hint = false} : vector<128x4xf32>, vector<4x32xf32>, vector<128x32xf32> -> vector<128x32xf32>
    %mul3A_810 = arith.mulf %add3A_805, %dot_general3A_809 : vector<128x32xf32>
    %add3A_811 = vector.broadcast %get3A_27 : vector<1x32xf32> to vector<128x32xf32>
    %add3A_812 = arith.addf %mul3A_810, %add3A_811 : vector<128x32xf32>
    %ge3A_813 = arith.constant 0.000000e+00 : f32
    %ge3A_814 = vector.broadcast %ge3A_813 : f32 to vector<128x32xf32>
    %ge3A_815 = arith.cmpf oge, %add3A_812, %ge3A_814 : vector<128x32xf32>
    %mul3A_816 = arith.constant 2.000000e-01 : f32
    %mul3A_817 = vector.broadcast %mul3A_816 : f32 to vector<128x32xf32>
    %mul3A_818 = arith.mulf %mul3A_817, %add3A_812 : vector<128x32xf32>
    %select_n3A_819 = arith.select %ge3A_815, %add3A_812, %mul3A_818 : vector<128x32xi1>, vector<128x32xf32>
    %slice3A_820 = vector.extract_strided_slice %reshape3A_19 {offsets = [12, 0, 0], sizes = [1, 128, 32], strides = [1, 1, 1]} : vector<16x128x32xf32> to vector<1x128x32xf32>
    %squeeze3A_821 = vector.shape_cast %slice3A_820 : vector<1x128x32xf32> to vector<128x32xf32>
    %slice3A_822 = vector.extract_strided_slice %mul3A_52 {offsets = [12, 0, 0], sizes = [1, 128, 128], strides = [1, 1, 1]} : vector<16x128x128xf32> to vector<1x128x128xf32>
    %squeeze3A_823 = vector.shape_cast %slice3A_822 : vector<1x128x128xf32> to vector<128x128xf32>
    %dot_general3A_824 = arith.constant dense<0.000000e+00> : vector<128x32xf32>
    %dot_general3A_825 = tpu.matmul %squeeze3A_823, %squeeze3A_821, %dot_general3A_824 {dimension_numbers = #tpu.dot_dimension_numbers<[1], [0], [0], [1], [0, 0, 1, 1], [], []>, transpose_lhs_hint = false} : vector<128x128xf32>, vector<128x32xf32>, vector<128x32xf32> -> vector<128x32xf32>
    %mul3A_826 = vector.broadcast %convert_element_type3A_192 : vector<1x32xf32> to vector<128x32xf32>
    %mul3A_827 = arith.mulf %dot_general3A_825, %mul3A_826 : vector<128x32xf32>
    %slice3A_828 = vector.extract_strided_slice %mul3A_86 {offsets = [12, 0, 0], sizes = [1, 128, 128], strides = [1, 1, 1]} : vector<16x128x128xf32> to vector<1x128x128xf32>
    %squeeze3A_829 = vector.shape_cast %slice3A_828 : vector<1x128x128xf32> to vector<128x128xf32>
    %dot_general3A_830 = arith.constant dense<0.000000e+00> : vector<128x32xf32>
    %dot_general3A_831 = tpu.matmul %squeeze3A_829, %squeeze3A_821, %dot_general3A_830 {dimension_numbers = #tpu.dot_dimension_numbers<[1], [0], [0], [1], [0, 0, 1, 1], [], []>, transpose_lhs_hint = false} : vector<128x128xf32>, vector<128x32xf32>, vector<128x32xf32> -> vector<128x32xf32>
    %mul3A_832 = vector.broadcast %convert_element_type3A_229 : vector<1x32xf32> to vector<128x32xf32>
    %mul3A_833 = arith.mulf %dot_general3A_831, %mul3A_832 : vector<128x32xf32>
    %add3A_834 = arith.addf %mul3A_827, %mul3A_833 : vector<128x32xf32>
    %slice3A_835 = vector.extract_strided_slice %mul3A_121 {offsets = [12, 0, 0], sizes = [1, 128, 128], strides = [1, 1, 1]} : vector<16x128x128xf32> to vector<1x128x128xf32>
    %squeeze3A_836 = vector.shape_cast %slice3A_835 : vector<1x128x128xf32> to vector<128x128xf32>
    %dot_general3A_837 = arith.constant dense<0.000000e+00> : vector<128x32xf32>
    %dot_general3A_838 = tpu.matmul %squeeze3A_836, %squeeze3A_821, %dot_general3A_837 {dimension_numbers = #tpu.dot_dimension_numbers<[1], [0], [0], [1], [0, 0, 1, 1], [], []>, transpose_lhs_hint = false} : vector<128x128xf32>, vector<128x32xf32>, vector<128x32xf32> -> vector<128x32xf32>
    %mul3A_839 = vector.broadcast %convert_element_type3A_266 : vector<1x32xf32> to vector<128x32xf32>
    %mul3A_840 = arith.mulf %dot_general3A_838, %mul3A_839 : vector<128x32xf32>
    %add3A_841 = arith.addf %add3A_834, %mul3A_840 : vector<128x32xf32>
    %slice3A_842 = vector.extract_strided_slice %mul3A_156 {offsets = [12, 0, 0], sizes = [1, 128, 128], strides = [1, 1, 1]} : vector<16x128x128xf32> to vector<1x128x128xf32>
    %squeeze3A_843 = vector.shape_cast %slice3A_842 : vector<1x128x128xf32> to vector<128x128xf32>
    %dot_general3A_844 = arith.constant dense<0.000000e+00> : vector<128x32xf32>
    %dot_general3A_845 = tpu.matmul %squeeze3A_843, %squeeze3A_821, %dot_general3A_844 {dimension_numbers = #tpu.dot_dimension_numbers<[1], [0], [0], [1], [0, 0, 1, 1], [], []>, transpose_lhs_hint = false} : vector<128x128xf32>, vector<128x32xf32>, vector<128x32xf32> -> vector<128x32xf32>
    %mul3A_846 = vector.broadcast %convert_element_type3A_303 : vector<1x32xf32> to vector<128x32xf32>
    %mul3A_847 = arith.mulf %dot_general3A_845, %mul3A_846 : vector<128x32xf32>
    %add3A_848 = arith.addf %add3A_841, %mul3A_847 : vector<128x32xf32>
    %slice3A_849 = vector.extract_strided_slice %div3A_164 {offsets = [12, 0, 0], sizes = [1, 128, 4], strides = [1, 1, 1]} : vector<16x128x4xf32> to vector<1x128x4xf32>
    %squeeze3A_850 = vector.shape_cast %slice3A_849 : vector<1x128x4xf32> to vector<128x4xf32>
    %dot_general3A_851 = arith.constant dense<0.000000e+00> : vector<128x32xf32>
    %dot_general3A_852 = tpu.matmul %squeeze3A_850, %concatenate3A_304, %dot_general3A_851 {dimension_numbers = #tpu.dot_dimension_numbers<[1], [0], [0], [1], [0, 0, 1, 1], [], []>, transpose_lhs_hint = false} : vector<128x4xf32>, vector<4x32xf32>, vector<128x32xf32> -> vector<128x32xf32>
    %mul3A_853 = arith.mulf %add3A_848, %dot_general3A_852 : vector<128x32xf32>
    %add3A_854 = vector.broadcast %get3A_27 : vector<1x32xf32> to vector<128x32xf32>
    %add3A_855 = arith.addf %mul3A_853, %add3A_854 : vector<128x32xf32>
    %ge3A_856 = arith.constant 0.000000e+00 : f32
    %ge3A_857 = vector.broadcast %ge3A_856 : f32 to vector<128x32xf32>
    %ge3A_858 = arith.cmpf oge, %add3A_855, %ge3A_857 : vector<128x32xf32>
    %mul3A_859 = arith.constant 2.000000e-01 : f32
    %mul3A_860 = vector.broadcast %mul3A_859 : f32 to vector<128x32xf32>
    %mul3A_861 = arith.mulf %mul3A_860, %add3A_855 : vector<128x32xf32>
    %select_n3A_862 = arith.select %ge3A_858, %add3A_855, %mul3A_861 : vector<128x32xi1>, vector<128x32xf32>
    %slice3A_863 = vector.extract_strided_slice %reshape3A_19 {offsets = [13, 0, 0], sizes = [1, 128, 32], strides = [1, 1, 1]} : vector<16x128x32xf32> to vector<1x128x32xf32>
    %squeeze3A_864 = vector.shape_cast %slice3A_863 : vector<1x128x32xf32> to vector<128x32xf32>
    %slice3A_865 = vector.extract_strided_slice %mul3A_52 {offsets = [13, 0, 0], sizes = [1, 128, 128], strides = [1, 1, 1]} : vector<16x128x128xf32> to vector<1x128x128xf32>
    %squeeze3A_866 = vector.shape_cast %slice3A_865 : vector<1x128x128xf32> to vector<128x128xf32>
    %dot_general3A_867 = arith.constant dense<0.000000e+00> : vector<128x32xf32>
    %dot_general3A_868 = tpu.matmul %squeeze3A_866, %squeeze3A_864, %dot_general3A_867 {dimension_numbers = #tpu.dot_dimension_numbers<[1], [0], [0], [1], [0, 0, 1, 1], [], []>, transpose_lhs_hint = false} : vector<128x128xf32>, vector<128x32xf32>, vector<128x32xf32> -> vector<128x32xf32>
    %mul3A_869 = vector.broadcast %convert_element_type3A_192 : vector<1x32xf32> to vector<128x32xf32>
    %mul3A_870 = arith.mulf %dot_general3A_868, %mul3A_869 : vector<128x32xf32>
    %slice3A_871 = vector.extract_strided_slice %mul3A_86 {offsets = [13, 0, 0], sizes = [1, 128, 128], strides = [1, 1, 1]} : vector<16x128x128xf32> to vector<1x128x128xf32>
    %squeeze3A_872 = vector.shape_cast %slice3A_871 : vector<1x128x128xf32> to vector<128x128xf32>
    %dot_general3A_873 = arith.constant dense<0.000000e+00> : vector<128x32xf32>
    %dot_general3A_874 = tpu.matmul %squeeze3A_872, %squeeze3A_864, %dot_general3A_873 {dimension_numbers = #tpu.dot_dimension_numbers<[1], [0], [0], [1], [0, 0, 1, 1], [], []>, transpose_lhs_hint = false} : vector<128x128xf32>, vector<128x32xf32>, vector<128x32xf32> -> vector<128x32xf32>
    %mul3A_875 = vector.broadcast %convert_element_type3A_229 : vector<1x32xf32> to vector<128x32xf32>
    %mul3A_876 = arith.mulf %dot_general3A_874, %mul3A_875 : vector<128x32xf32>
    %add3A_877 = arith.addf %mul3A_870, %mul3A_876 : vector<128x32xf32>
    %slice3A_878 = vector.extract_strided_slice %mul3A_121 {offsets = [13, 0, 0], sizes = [1, 128, 128], strides = [1, 1, 1]} : vector<16x128x128xf32> to vector<1x128x128xf32>
    %squeeze3A_879 = vector.shape_cast %slice3A_878 : vector<1x128x128xf32> to vector<128x128xf32>
    %dot_general3A_880 = arith.constant dense<0.000000e+00> : vector<128x32xf32>
    %dot_general3A_881 = tpu.matmul %squeeze3A_879, %squeeze3A_864, %dot_general3A_880 {dimension_numbers = #tpu.dot_dimension_numbers<[1], [0], [0], [1], [0, 0, 1, 1], [], []>, transpose_lhs_hint = false} : vector<128x128xf32>, vector<128x32xf32>, vector<128x32xf32> -> vector<128x32xf32>
    %mul3A_882 = vector.broadcast %convert_element_type3A_266 : vector<1x32xf32> to vector<128x32xf32>
    %mul3A_883 = arith.mulf %dot_general3A_881, %mul3A_882 : vector<128x32xf32>
    %add3A_884 = arith.addf %add3A_877, %mul3A_883 : vector<128x32xf32>
    %slice3A_885 = vector.extract_strided_slice %mul3A_156 {offsets = [13, 0, 0], sizes = [1, 128, 128], strides = [1, 1, 1]} : vector<16x128x128xf32> to vector<1x128x128xf32>
    %squeeze3A_886 = vector.shape_cast %slice3A_885 : vector<1x128x128xf32> to vector<128x128xf32>
    %dot_general3A_887 = arith.constant dense<0.000000e+00> : vector<128x32xf32>
    %dot_general3A_888 = tpu.matmul %squeeze3A_886, %squeeze3A_864, %dot_general3A_887 {dimension_numbers = #tpu.dot_dimension_numbers<[1], [0], [0], [1], [0, 0, 1, 1], [], []>, transpose_lhs_hint = false} : vector<128x128xf32>, vector<128x32xf32>, vector<128x32xf32> -> vector<128x32xf32>
    %mul3A_889 = vector.broadcast %convert_element_type3A_303 : vector<1x32xf32> to vector<128x32xf32>
    %mul3A_890 = arith.mulf %dot_general3A_888, %mul3A_889 : vector<128x32xf32>
    %add3A_891 = arith.addf %add3A_884, %mul3A_890 : vector<128x32xf32>
    %slice3A_892 = vector.extract_strided_slice %div3A_164 {offsets = [13, 0, 0], sizes = [1, 128, 4], strides = [1, 1, 1]} : vector<16x128x4xf32> to vector<1x128x4xf32>
    %squeeze3A_893 = vector.shape_cast %slice3A_892 : vector<1x128x4xf32> to vector<128x4xf32>
    %dot_general3A_894 = arith.constant dense<0.000000e+00> : vector<128x32xf32>
    %dot_general3A_895 = tpu.matmul %squeeze3A_893, %concatenate3A_304, %dot_general3A_894 {dimension_numbers = #tpu.dot_dimension_numbers<[1], [0], [0], [1], [0, 0, 1, 1], [], []>, transpose_lhs_hint = false} : vector<128x4xf32>, vector<4x32xf32>, vector<128x32xf32> -> vector<128x32xf32>
    %mul3A_896 = arith.mulf %add3A_891, %dot_general3A_895 : vector<128x32xf32>
    %add3A_897 = vector.broadcast %get3A_27 : vector<1x32xf32> to vector<128x32xf32>
    %add3A_898 = arith.addf %mul3A_896, %add3A_897 : vector<128x32xf32>
    %ge3A_899 = arith.constant 0.000000e+00 : f32
    %ge3A_900 = vector.broadcast %ge3A_899 : f32 to vector<128x32xf32>
    %ge3A_901 = arith.cmpf oge, %add3A_898, %ge3A_900 : vector<128x32xf32>
    %mul3A_902 = arith.constant 2.000000e-01 : f32
    %mul3A_903 = vector.broadcast %mul3A_902 : f32 to vector<128x32xf32>
    %mul3A_904 = arith.mulf %mul3A_903, %add3A_898 : vector<128x32xf32>
    %select_n3A_905 = arith.select %ge3A_901, %add3A_898, %mul3A_904 : vector<128x32xi1>, vector<128x32xf32>
    %slice3A_906 = vector.extract_strided_slice %reshape3A_19 {offsets = [14, 0, 0], sizes = [1, 128, 32], strides = [1, 1, 1]} : vector<16x128x32xf32> to vector<1x128x32xf32>
    %squeeze3A_907 = vector.shape_cast %slice3A_906 : vector<1x128x32xf32> to vector<128x32xf32>
    %slice3A_908 = vector.extract_strided_slice %mul3A_52 {offsets = [14, 0, 0], sizes = [1, 128, 128], strides = [1, 1, 1]} : vector<16x128x128xf32> to vector<1x128x128xf32>
    %squeeze3A_909 = vector.shape_cast %slice3A_908 : vector<1x128x128xf32> to vector<128x128xf32>
    %dot_general3A_910 = arith.constant dense<0.000000e+00> : vector<128x32xf32>
    %dot_general3A_911 = tpu.matmul %squeeze3A_909, %squeeze3A_907, %dot_general3A_910 {dimension_numbers = #tpu.dot_dimension_numbers<[1], [0], [0], [1], [0, 0, 1, 1], [], []>, transpose_lhs_hint = false} : vector<128x128xf32>, vector<128x32xf32>, vector<128x32xf32> -> vector<128x32xf32>
    %mul3A_912 = vector.broadcast %convert_element_type3A_192 : vector<1x32xf32> to vector<128x32xf32>
    %mul3A_913 = arith.mulf %dot_general3A_911, %mul3A_912 : vector<128x32xf32>
    %slice3A_914 = vector.extract_strided_slice %mul3A_86 {offsets = [14, 0, 0], sizes = [1, 128, 128], strides = [1, 1, 1]} : vector<16x128x128xf32> to vector<1x128x128xf32>
    %squeeze3A_915 = vector.shape_cast %slice3A_914 : vector<1x128x128xf32> to vector<128x128xf32>
    %dot_general3A_916 = arith.constant dense<0.000000e+00> : vector<128x32xf32>
    %dot_general3A_917 = tpu.matmul %squeeze3A_915, %squeeze3A_907, %dot_general3A_916 {dimension_numbers = #tpu.dot_dimension_numbers<[1], [0], [0], [1], [0, 0, 1, 1], [], []>, transpose_lhs_hint = false} : vector<128x128xf32>, vector<128x32xf32>, vector<128x32xf32> -> vector<128x32xf32>
    %mul3A_918 = vector.broadcast %convert_element_type3A_229 : vector<1x32xf32> to vector<128x32xf32>
    %mul3A_919 = arith.mulf %dot_general3A_917, %mul3A_918 : vector<128x32xf32>
    %add3A_920 = arith.addf %mul3A_913, %mul3A_919 : vector<128x32xf32>
    %slice3A_921 = vector.extract_strided_slice %mul3A_121 {offsets = [14, 0, 0], sizes = [1, 128, 128], strides = [1, 1, 1]} : vector<16x128x128xf32> to vector<1x128x128xf32>
    %squeeze3A_922 = vector.shape_cast %slice3A_921 : vector<1x128x128xf32> to vector<128x128xf32>
    %dot_general3A_923 = arith.constant dense<0.000000e+00> : vector<128x32xf32>
    %dot_general3A_924 = tpu.matmul %squeeze3A_922, %squeeze3A_907, %dot_general3A_923 {dimension_numbers = #tpu.dot_dimension_numbers<[1], [0], [0], [1], [0, 0, 1, 1], [], []>, transpose_lhs_hint = false} : vector<128x128xf32>, vector<128x32xf32>, vector<128x32xf32> -> vector<128x32xf32>
    %mul3A_925 = vector.broadcast %convert_element_type3A_266 : vector<1x32xf32> to vector<128x32xf32>
    %mul3A_926 = arith.mulf %dot_general3A_924, %mul3A_925 : vector<128x32xf32>
    %add3A_927 = arith.addf %add3A_920, %mul3A_926 : vector<128x32xf32>
    %slice3A_928 = vector.extract_strided_slice %mul3A_156 {offsets = [14, 0, 0], sizes = [1, 128, 128], strides = [1, 1, 1]} : vector<16x128x128xf32> to vector<1x128x128xf32>
    %squeeze3A_929 = vector.shape_cast %slice3A_928 : vector<1x128x128xf32> to vector<128x128xf32>
    %dot_general3A_930 = arith.constant dense<0.000000e+00> : vector<128x32xf32>
    %dot_general3A_931 = tpu.matmul %squeeze3A_929, %squeeze3A_907, %dot_general3A_930 {dimension_numbers = #tpu.dot_dimension_numbers<[1], [0], [0], [1], [0, 0, 1, 1], [], []>, transpose_lhs_hint = false} : vector<128x128xf32>, vector<128x32xf32>, vector<128x32xf32> -> vector<128x32xf32>
    %mul3A_932 = vector.broadcast %convert_element_type3A_303 : vector<1x32xf32> to vector<128x32xf32>
    %mul3A_933 = arith.mulf %dot_general3A_931, %mul3A_932 : vector<128x32xf32>
    %add3A_934 = arith.addf %add3A_927, %mul3A_933 : vector<128x32xf32>
    %slice3A_935 = vector.extract_strided_slice %div3A_164 {offsets = [14, 0, 0], sizes = [1, 128, 4], strides = [1, 1, 1]} : vector<16x128x4xf32> to vector<1x128x4xf32>
    %squeeze3A_936 = vector.shape_cast %slice3A_935 : vector<1x128x4xf32> to vector<128x4xf32>
    %dot_general3A_937 = arith.constant dense<0.000000e+00> : vector<128x32xf32>
    %dot_general3A_938 = tpu.matmul %squeeze3A_936, %concatenate3A_304, %dot_general3A_937 {dimension_numbers = #tpu.dot_dimension_numbers<[1], [0], [0], [1], [0, 0, 1, 1], [], []>, transpose_lhs_hint = false} : vector<128x4xf32>, vector<4x32xf32>, vector<128x32xf32> -> vector<128x32xf32>
    %mul3A_939 = arith.mulf %add3A_934, %dot_general3A_938 : vector<128x32xf32>
    %add3A_940 = vector.broadcast %get3A_27 : vector<1x32xf32> to vector<128x32xf32>
    %add3A_941 = arith.addf %mul3A_939, %add3A_940 : vector<128x32xf32>
    %ge3A_942 = arith.constant 0.000000e+00 : f32
    %ge3A_943 = vector.broadcast %ge3A_942 : f32 to vector<128x32xf32>
    %ge3A_944 = arith.cmpf oge, %add3A_941, %ge3A_943 : vector<128x32xf32>
    %mul3A_945 = arith.constant 2.000000e-01 : f32
    %mul3A_946 = vector.broadcast %mul3A_945 : f32 to vector<128x32xf32>
    %mul3A_947 = arith.mulf %mul3A_946, %add3A_941 : vector<128x32xf32>
    %select_n3A_948 = arith.select %ge3A_944, %add3A_941, %mul3A_947 : vector<128x32xi1>, vector<128x32xf32>
    %slice3A_949 = vector.extract_strided_slice %reshape3A_19 {offsets = [15, 0, 0], sizes = [1, 128, 32], strides = [1, 1, 1]} : vector<16x128x32xf32> to vector<1x128x32xf32>
    %squeeze3A_950 = vector.shape_cast %slice3A_949 : vector<1x128x32xf32> to vector<128x32xf32>
    %slice3A_951 = vector.extract_strided_slice %mul3A_52 {offsets = [15, 0, 0], sizes = [1, 128, 128], strides = [1, 1, 1]} : vector<16x128x128xf32> to vector<1x128x128xf32>
    %squeeze3A_952 = vector.shape_cast %slice3A_951 : vector<1x128x128xf32> to vector<128x128xf32>
    %dot_general3A_953 = arith.constant dense<0.000000e+00> : vector<128x32xf32>
    %dot_general3A_954 = tpu.matmul %squeeze3A_952, %squeeze3A_950, %dot_general3A_953 {dimension_numbers = #tpu.dot_dimension_numbers<[1], [0], [0], [1], [0, 0, 1, 1], [], []>, transpose_lhs_hint = false} : vector<128x128xf32>, vector<128x32xf32>, vector<128x32xf32> -> vector<128x32xf32>
    %mul3A_955 = vector.broadcast %convert_element_type3A_192 : vector<1x32xf32> to vector<128x32xf32>
    %mul3A_956 = arith.mulf %dot_general3A_954, %mul3A_955 : vector<128x32xf32>
    %slice3A_957 = vector.extract_strided_slice %mul3A_86 {offsets = [15, 0, 0], sizes = [1, 128, 128], strides = [1, 1, 1]} : vector<16x128x128xf32> to vector<1x128x128xf32>
    %squeeze3A_958 = vector.shape_cast %slice3A_957 : vector<1x128x128xf32> to vector<128x128xf32>
    %dot_general3A_959 = arith.constant dense<0.000000e+00> : vector<128x32xf32>
    %dot_general3A_960 = tpu.matmul %squeeze3A_958, %squeeze3A_950, %dot_general3A_959 {dimension_numbers = #tpu.dot_dimension_numbers<[1], [0], [0], [1], [0, 0, 1, 1], [], []>, transpose_lhs_hint = false} : vector<128x128xf32>, vector<128x32xf32>, vector<128x32xf32> -> vector<128x32xf32>
    %mul3A_961 = vector.broadcast %convert_element_type3A_229 : vector<1x32xf32> to vector<128x32xf32>
    %mul3A_962 = arith.mulf %dot_general3A_960, %mul3A_961 : vector<128x32xf32>
    %add3A_963 = arith.addf %mul3A_956, %mul3A_962 : vector<128x32xf32>
    %slice3A_964 = vector.extract_strided_slice %mul3A_121 {offsets = [15, 0, 0], sizes = [1, 128, 128], strides = [1, 1, 1]} : vector<16x128x128xf32> to vector<1x128x128xf32>
    %squeeze3A_965 = vector.shape_cast %slice3A_964 : vector<1x128x128xf32> to vector<128x128xf32>
    %dot_general3A_966 = arith.constant dense<0.000000e+00> : vector<128x32xf32>
    %dot_general3A_967 = tpu.matmul %squeeze3A_965, %squeeze3A_950, %dot_general3A_966 {dimension_numbers = #tpu.dot_dimension_numbers<[1], [0], [0], [1], [0, 0, 1, 1], [], []>, transpose_lhs_hint = false} : vector<128x128xf32>, vector<128x32xf32>, vector<128x32xf32> -> vector<128x32xf32>
    %mul3A_968 = vector.broadcast %convert_element_type3A_266 : vector<1x32xf32> to vector<128x32xf32>
    %mul3A_969 = arith.mulf %dot_general3A_967, %mul3A_968 : vector<128x32xf32>
    %add3A_970 = arith.addf %add3A_963, %mul3A_969 : vector<128x32xf32>
    %slice3A_971 = vector.extract_strided_slice %mul3A_156 {offsets = [15, 0, 0], sizes = [1, 128, 128], strides = [1, 1, 1]} : vector<16x128x128xf32> to vector<1x128x128xf32>
    %squeeze3A_972 = vector.shape_cast %slice3A_971 : vector<1x128x128xf32> to vector<128x128xf32>
    %dot_general3A_973 = arith.constant dense<0.000000e+00> : vector<128x32xf32>
    %dot_general3A_974 = tpu.matmul %squeeze3A_972, %squeeze3A_950, %dot_general3A_973 {dimension_numbers = #tpu.dot_dimension_numbers<[1], [0], [0], [1], [0, 0, 1, 1], [], []>, transpose_lhs_hint = false} : vector<128x128xf32>, vector<128x32xf32>, vector<128x32xf32> -> vector<128x32xf32>
    %mul3A_975 = vector.broadcast %convert_element_type3A_303 : vector<1x32xf32> to vector<128x32xf32>
    %mul3A_976 = arith.mulf %dot_general3A_974, %mul3A_975 : vector<128x32xf32>
    %add3A_977 = arith.addf %add3A_970, %mul3A_976 : vector<128x32xf32>
    %slice3A_978 = vector.extract_strided_slice %div3A_164 {offsets = [15, 0, 0], sizes = [1, 128, 4], strides = [1, 1, 1]} : vector<16x128x4xf32> to vector<1x128x4xf32>
    %squeeze3A_979 = vector.shape_cast %slice3A_978 : vector<1x128x4xf32> to vector<128x4xf32>
    %dot_general3A_980 = arith.constant dense<0.000000e+00> : vector<128x32xf32>
    %dot_general3A_981 = tpu.matmul %squeeze3A_979, %concatenate3A_304, %dot_general3A_980 {dimension_numbers = #tpu.dot_dimension_numbers<[1], [0], [0], [1], [0, 0, 1, 1], [], []>, transpose_lhs_hint = false} : vector<128x4xf32>, vector<4x32xf32>, vector<128x32xf32> -> vector<128x32xf32>
    %mul3A_982 = arith.mulf %add3A_977, %dot_general3A_981 : vector<128x32xf32>
    %add3A_983 = vector.broadcast %get3A_27 : vector<1x32xf32> to vector<128x32xf32>
    %add3A_984 = arith.addf %mul3A_982, %add3A_983 : vector<128x32xf32>
    %ge3A_985 = arith.constant 0.000000e+00 : f32
    %ge3A_986 = vector.broadcast %ge3A_985 : f32 to vector<128x32xf32>
    %ge3A_987 = arith.cmpf oge, %add3A_984, %ge3A_986 : vector<128x32xf32>
    %mul3A_988 = arith.constant 2.000000e-01 : f32
    %mul3A_989 = vector.broadcast %mul3A_988 : f32 to vector<128x32xf32>
    %mul3A_990 = arith.mulf %mul3A_989, %add3A_984 : vector<128x32xf32>
    %select_n3A_991 = arith.select %ge3A_987, %add3A_984, %mul3A_990 : vector<128x32xi1>, vector<128x32xf32>
    %concatenate3A_992 = tpu.concatenate %select_n3A_346, %select_n3A_389, %select_n3A_432, %select_n3A_475, %select_n3A_518, %select_n3A_561, %select_n3A_604, %select_n3A_647, %select_n3A_690, %select_n3A_733, %select_n3A_776, %select_n3A_819, %select_n3A_862, %select_n3A_905, %select_n3A_948, %select_n3A_991 in 1 : vector<128x32xf32>, vector<128x32xf32>, vector<128x32xf32>, vector<128x32xf32>, vector<128x32xf32>, vector<128x32xf32>, vector<128x32xf32>, vector<128x32xf32>, vector<128x32xf32>, vector<128x32xf32>, vector<128x32xf32>, vector<128x32xf32>, vector<128x32xf32>, vector<128x32xf32>, vector<128x32xf32>, vector<128x32xf32> -> vector<128x512xf32>
    %swap3A = arith.constant 0 : index
    %swap3A_993 = arith.constant 0 : index
    %swap3A_994 = arith.constant 0 : index
    %swap3A_995 = vector.load %arg8[%swap3A, %swap3A_993, %swap3A_994] : memref<1x128x512xf32, #tpu.memory_space<vmem>>, vector<1x128x512xf32>
    %swap3A_996 = vector.shape_cast %swap3A_995 : vector<1x128x512xf32> to vector<128x512xf32>
    %swap3A_997 = vector.shape_cast %concatenate3A_992 : vector<128x512xf32> to vector<1x128x512xf32>
    tpu.vector_store %arg8[%swap3A, %swap3A_993, %swap3A_994], %swap3A_997 {strides = array<i32>} : memref<1x128x512xf32, #tpu.memory_space<vmem>>, vector<1x128x512xf32>,
    return
  }
  func.func @transform_0(%arg0: i32, %arg1: i32) -> (i32, i32, i32, i32) {
    %c0_i32 = arith.constant 0 : i32
    %c0_i32_0 = arith.constant 0 : i32
    %c0_i32_1 = arith.constant 0 : i32
    return %arg0, %arg1, %c0_i32, %c0_i32_0 : i32, i32, i32, i32
  }
  func.func @transform_1(%arg0: i32, %arg1: i32) -> (i32, i32) {
    %c0_i32 = arith.constant 0 : i32
    %c0_i32_0 = arith.constant 0 : i32
    %c0_i32_1 = arith.constant 0 : i32
    return %c0_i32, %c0_i32_0 : i32, i32
  }
  func.func @transform_2(%arg0: i32, %arg1: i32) -> (i32, i32) {
    %c0_i32 = arith.constant 0 : i32
    %c0_i32_0 = arith.constant 0 : i32
    %c0_i32_1 = arith.constant 0 : i32
    return %c0_i32, %c0_i32_0 : i32, i32
  }
  func.func @transform_3(%arg0: i32, %arg1: i32) -> (i32, i32) {
    %c0_i32 = arith.constant 0 : i32
    %c0_i32_0 = arith.constant 0 : i32
    %c0_i32_1 = arith.constant 0 : i32
    return %c0_i32, %c0_i32_0 : i32, i32
  }
  func.func @transform_4(%arg0: i32, %arg1: i32) -> (i32, i32) {
    %c0_i32 = arith.constant 0 : i32
    %c0_i32_0 = arith.constant 0 : i32
    %c0_i32_1 = arith.constant 0 : i32
    return %c0_i32, %c0_i32_0 : i32, i32
  }
  func.func @transform_5(%arg0: i32, %arg1: i32) -> (i32, i32) {
    %c0_i32 = arith.constant 0 : i32
    %c0_i32_0 = arith.constant 0 : i32
    %c0_i32_1 = arith.constant 0 : i32
    return %c0_i32, %c0_i32_0 : i32, i32
  }
  func.func @transform_6(%arg0: i32, %arg1: i32) -> (i32, i32, i32) {
    %c0_i32 = arith.constant 0 : i32
    %c0_i32_0 = arith.constant 0 : i32
    return %arg0, %c0_i32, %arg1 : i32, i32, i32
  }
}

module attributes {stable_mosaic.version = 14 : i64} {
  func.func @_spatial_kernel(%arg0: i32, %arg1: i32, %arg2: memref<1x32x64x5xf32, #tpu.memory_space<vmem>>, %arg3: memref<64x128xf32, #tpu.memory_space<vmem>>, %arg4: memref<5x32xf32, #tpu.memory_space<vmem>>, %arg5: memref<1x32xf32, #tpu.memory_space<vmem>>, %arg6: memref<32x4xf32, #tpu.memory_space<vmem>>, %arg7: memref<32x4xf32, #tpu.memory_space<vmem>>, %arg8: memref<1x32xf32, #tpu.memory_space<vmem>>, %arg9: memref<1x64x32x32xf32, #tpu.memory_space<vmem>>) attributes {dimension_semantics = [#tpu.dimension_semantics<arbitrary>, #tpu.dimension_semantics<arbitrary>], iteration_bounds = array<i64: 16, 4>, scalar_prefetch = 0 : i64, scratch_operands = 0 : i64, tpu.core_type = #tpu.core_type<tc>, window_params = [{transform_indices = @transform_0, window_bounds = array<i64: 1, 32, 64, 5>}, {pipeline_mode = #tpu.pipeline_mode<synchronous>, transform_indices = @transform_1, window_bounds = array<i64: 64, 128>}, {pipeline_mode = #tpu.pipeline_mode<synchronous>, transform_indices = @transform_2, window_bounds = array<i64: 5, 32>}, {pipeline_mode = #tpu.pipeline_mode<synchronous>, transform_indices = @transform_3, window_bounds = array<i64: 1, 32>}, {pipeline_mode = #tpu.pipeline_mode<synchronous>, transform_indices = @transform_4, window_bounds = array<i64: 32, 4>}, {pipeline_mode = #tpu.pipeline_mode<synchronous>, transform_indices = @transform_5, window_bounds = array<i64: 32, 4>}, {pipeline_mode = #tpu.pipeline_mode<synchronous>, transform_indices = @transform_6, window_bounds = array<i64: 1, 32>}, {transform_indices = @transform_7, window_bounds = array<i64: 1, 64, 32, 32>}]} {
    %get3A = arith.constant 0 : index
    %get3A_0 = arith.constant 0 : index
    %get3A_1 = arith.constant 0 : index
    %get3A_2 = arith.constant 0 : index
    %get3A_3 = vector.load %arg2[%get3A, %get3A_0, %get3A_1, %get3A_2] : memref<1x32x64x5xf32, #tpu.memory_space<vmem>>, vector<1x32x64x5xf32>
    %get3A_4 = vector.shape_cast %get3A_3 : vector<1x32x64x5xf32> to vector<32x64x5xf32>
    %reshape3A = vector.shape_cast %get3A_4 : vector<32x64x5xf32> to vector<2048x5xf32>
    %get3A_5 = arith.constant 0 : index
    %get3A_6 = arith.constant 0 : index
    %get3A_7 = vector.load %arg4[%get3A_5, %get3A_6] : memref<5x32xf32, #tpu.memory_space<vmem>>, vector<5x32xf32>
    %dot_general3A = arith.constant dense<0.000000e+00> : vector<2048x32xf32>
    %dot_general3A_8 = tpu.matmul %reshape3A, %get3A_7, %dot_general3A {dimension_numbers = #tpu.dot_dimension_numbers<[1], [0], [0], [1], [0, 0, 1, 1], [], []>, transpose_lhs_hint = false} : vector<2048x5xf32>, vector<5x32xf32>, vector<2048x32xf32> -> vector<2048x32xf32>
    %get3A_9 = arith.constant 0 : index
    %get3A_10 = arith.constant 0 : index
    %get3A_11 = vector.load %arg5[%get3A_9, %get3A_10] : memref<1x32xf32, #tpu.memory_space<vmem>>, vector<1x32xf32>
    %add3A = vector.broadcast %get3A_11 : vector<1x32xf32> to vector<2048x32xf32>
    %add3A_12 = arith.addf %dot_general3A_8, %add3A : vector<2048x32xf32>
    %get3A_13 = arith.constant 0 : index
    %get3A_14 = arith.constant 0 : index
    %get3A_15 = vector.load %arg6[%get3A_13, %get3A_14] : memref<32x4xf32, #tpu.memory_space<vmem>>, vector<32x4xf32>
    %dot_general3A_16 = arith.constant dense<0.000000e+00> : vector<2048x4xf32>
    %dot_general3A_17 = tpu.matmul %add3A_12, %get3A_15, %dot_general3A_16 {dimension_numbers = #tpu.dot_dimension_numbers<[1], [0], [0], [1], [0, 0, 1, 1], [], []>, transpose_lhs_hint = false} : vector<2048x32xf32>, vector<32x4xf32>, vector<2048x4xf32> -> vector<2048x4xf32>
    %get3A_18 = arith.constant 0 : index
    %get3A_19 = arith.constant 0 : index
    %get3A_20 = vector.load %arg7[%get3A_18, %get3A_19] : memref<32x4xf32, #tpu.memory_space<vmem>>, vector<32x4xf32>
    %dot_general3A_21 = arith.constant dense<0.000000e+00> : vector<2048x4xf32>
    %dot_general3A_22 = tpu.matmul %add3A_12, %get3A_20, %dot_general3A_21 {dimension_numbers = #tpu.dot_dimension_numbers<[1], [0], [0], [1], [0, 0, 1, 1], [], []>, transpose_lhs_hint = false} : vector<2048x32xf32>, vector<32x4xf32>, vector<2048x4xf32> -> vector<2048x4xf32>
    %reshape3A_23 = vector.shape_cast %add3A_12 : vector<2048x32xf32> to vector<32x64x32xf32>
    %reshape3A_24 = vector.shape_cast %dot_general3A_17 : vector<2048x4xf32> to vector<32x64x4xf32>
    %reshape3A_25 = vector.shape_cast %dot_general3A_22 : vector<2048x4xf32> to vector<32x64x4xf32>
    %get3A_26 = arith.constant 0 : index
    %get3A_27 = arith.constant 0 : index
    %get3A_28 = vector.load %arg3[%get3A_26, %get3A_27] : memref<64x128xf32, #tpu.memory_space<vmem>>, vector<64x128xf32>
    %get3A_29 = arith.constant 0 : index
    %get3A_30 = arith.constant 0 : index
    %get3A_31 = vector.load %arg8[%get3A_29, %get3A_30] : memref<1x32xf32, #tpu.memory_space<vmem>>, vector<1x32xf32>
    %transpose3A = tpu.transpose %reshape3A_24, [0, 2, 1] : vector<32x64x4xf32> -> vector<32x4x64xf32>
    %broadcast_in_dim3A = arith.constant 0.000000e+00 : f32
    %broadcast_in_dim3A_32 = vector.broadcast %broadcast_in_dim3A : f32 to vector<32x4x64xf32>
    %concatenate3A = tpu.concatenate %transpose3A, %broadcast_in_dim3A_32 in 2 : vector<32x4x64xf32>, vector<32x4x64xf32> -> vector<32x4x128xf32>
    %slice3A = vector.extract_strided_slice %concatenate3A {offsets = [0, 0, 0], sizes = [32, 1, 128], strides = [1, 1, 1]} : vector<32x4x128xf32> to vector<32x1x128xf32>
    %slice3A_33 = vector.extract_strided_slice %reshape3A_25 {offsets = [0, 0, 0], sizes = [32, 64, 1], strides = [1, 1, 1]} : vector<32x64x4xf32> to vector<32x64x1xf32>
    %add3A_34 = vector.broadcast %slice3A_33 : vector<32x64x1xf32> to vector<32x64x128xf32>
    %add3A_35 = vector.broadcast %slice3A : vector<32x1x128xf32> to vector<32x64x128xf32>
    %add3A_36 = arith.addf %add3A_34, %add3A_35 : vector<32x64x128xf32>
    %ge3A = arith.constant 0.000000e+00 : f32
    %ge3A_37 = vector.broadcast %ge3A : f32 to vector<32x64x128xf32>
    %ge3A_38 = arith.cmpf oge, %add3A_36, %ge3A_37 : vector<32x64x128xf32>
    %exp3A = math.exp %slice3A_33 : vector<32x64x1xf32>
    %mul3A = arith.constant 2.000000e-01 : f32
    %mul3A_39 = vector.broadcast %mul3A : f32 to vector<32x64x1xf32>
    %mul3A_40 = arith.mulf %mul3A_39, %slice3A_33 : vector<32x64x1xf32>
    %exp3A_41 = math.exp %mul3A_40 : vector<32x64x1xf32>
    %broadcast_in_dim3A_42 = vector.shape_cast %exp3A : vector<32x64x1xf32> to vector<32x64x1xf32>
    %broadcast_in_dim3A_43 = vector.broadcast %broadcast_in_dim3A_42 : vector<32x64x1xf32> to vector<32x64x128xf32>
    %broadcast_in_dim3A_44 = vector.shape_cast %exp3A_41 : vector<32x64x1xf32> to vector<32x64x1xf32>
    %broadcast_in_dim3A_45 = vector.broadcast %broadcast_in_dim3A_44 : vector<32x64x1xf32> to vector<32x64x128xf32>
    %select_n3A = arith.select %ge3A_38, %broadcast_in_dim3A_43, %broadcast_in_dim3A_45 : vector<32x64x128xi1>, vector<32x64x128xf32>
    %exp3A_46 = math.exp %slice3A : vector<32x1x128xf32>
    %mul3A_47 = arith.constant 2.000000e-01 : f32
    %mul3A_48 = vector.broadcast %mul3A_47 : f32 to vector<32x1x128xf32>
    %mul3A_49 = arith.mulf %mul3A_48, %slice3A : vector<32x1x128xf32>
    %exp3A_50 = math.exp %mul3A_49 : vector<32x1x128xf32>
    %broadcast_in_dim3A_51 = vector.shape_cast %exp3A_46 : vector<32x1x128xf32> to vector<32x1x128xf32>
    %broadcast_in_dim3A_52 = vector.broadcast %broadcast_in_dim3A_51 : vector<32x1x128xf32> to vector<32x64x128xf32>
    %broadcast_in_dim3A_53 = vector.shape_cast %exp3A_50 : vector<32x1x128xf32> to vector<32x1x128xf32>
    %broadcast_in_dim3A_54 = vector.broadcast %broadcast_in_dim3A_53 : vector<32x1x128xf32> to vector<32x64x128xf32>
    %select_n3A_55 = arith.select %ge3A_38, %broadcast_in_dim3A_52, %broadcast_in_dim3A_54 : vector<32x64x128xi1>, vector<32x64x128xf32>
    %broadcast_in_dim3A_56 = vector.shape_cast %get3A_28 : vector<64x128xf32> to vector<1x64x128xf32>
    %mul3A_57 = vector.broadcast %broadcast_in_dim3A_56 : vector<1x64x128xf32> to vector<32x64x128xf32>
    %mul3A_58 = arith.mulf %mul3A_57, %select_n3A : vector<32x64x128xf32>
    %mul3A_59 = arith.mulf %mul3A_58, %select_n3A_55 : vector<32x64x128xf32>
    %reduce_sum3A = arith.constant dense<0.000000e+00> : vector<32x64xf32>
    %reduce_sum3A_60 = vector.multi_reduction <add>, %mul3A_59, %reduce_sum3A [2] : vector<32x64x128xf32> to vector<32x64xf32>
    %broadcast_in_dim3A_61 = vector.shape_cast %reduce_sum3A_60 : vector<32x64xf32> to vector<32x64x1xf32>
    %slice3A_62 = vector.extract_strided_slice %concatenate3A {offsets = [0, 1, 0], sizes = [32, 1, 128], strides = [1, 1, 1]} : vector<32x4x128xf32> to vector<32x1x128xf32>
    %slice3A_63 = vector.extract_strided_slice %reshape3A_25 {offsets = [0, 0, 1], sizes = [32, 64, 1], strides = [1, 1, 1]} : vector<32x64x4xf32> to vector<32x64x1xf32>
    %add3A_64 = vector.broadcast %slice3A_63 : vector<32x64x1xf32> to vector<32x64x128xf32>
    %add3A_65 = vector.broadcast %slice3A_62 : vector<32x1x128xf32> to vector<32x64x128xf32>
    %add3A_66 = arith.addf %add3A_64, %add3A_65 : vector<32x64x128xf32>
    %ge3A_67 = arith.constant 0.000000e+00 : f32
    %ge3A_68 = vector.broadcast %ge3A_67 : f32 to vector<32x64x128xf32>
    %ge3A_69 = arith.cmpf oge, %add3A_66, %ge3A_68 : vector<32x64x128xf32>
    %exp3A_70 = math.exp %slice3A_63 : vector<32x64x1xf32>
    %mul3A_71 = arith.constant 2.000000e-01 : f32
    %mul3A_72 = vector.broadcast %mul3A_71 : f32 to vector<32x64x1xf32>
    %mul3A_73 = arith.mulf %mul3A_72, %slice3A_63 : vector<32x64x1xf32>
    %exp3A_74 = math.exp %mul3A_73 : vector<32x64x1xf32>
    %broadcast_in_dim3A_75 = vector.shape_cast %exp3A_70 : vector<32x64x1xf32> to vector<32x64x1xf32>
    %broadcast_in_dim3A_76 = vector.broadcast %broadcast_in_dim3A_75 : vector<32x64x1xf32> to vector<32x64x128xf32>
    %broadcast_in_dim3A_77 = vector.shape_cast %exp3A_74 : vector<32x64x1xf32> to vector<32x64x1xf32>
    %broadcast_in_dim3A_78 = vector.broadcast %broadcast_in_dim3A_77 : vector<32x64x1xf32> to vector<32x64x128xf32>
    %select_n3A_79 = arith.select %ge3A_69, %broadcast_in_dim3A_76, %broadcast_in_dim3A_78 : vector<32x64x128xi1>, vector<32x64x128xf32>
    %exp3A_80 = math.exp %slice3A_62 : vector<32x1x128xf32>
    %mul3A_81 = arith.constant 2.000000e-01 : f32
    %mul3A_82 = vector.broadcast %mul3A_81 : f32 to vector<32x1x128xf32>
    %mul3A_83 = arith.mulf %mul3A_82, %slice3A_62 : vector<32x1x128xf32>
    %exp3A_84 = math.exp %mul3A_83 : vector<32x1x128xf32>
    %broadcast_in_dim3A_85 = vector.shape_cast %exp3A_80 : vector<32x1x128xf32> to vector<32x1x128xf32>
    %broadcast_in_dim3A_86 = vector.broadcast %broadcast_in_dim3A_85 : vector<32x1x128xf32> to vector<32x64x128xf32>
    %broadcast_in_dim3A_87 = vector.shape_cast %exp3A_84 : vector<32x1x128xf32> to vector<32x1x128xf32>
    %broadcast_in_dim3A_88 = vector.broadcast %broadcast_in_dim3A_87 : vector<32x1x128xf32> to vector<32x64x128xf32>
    %select_n3A_89 = arith.select %ge3A_69, %broadcast_in_dim3A_86, %broadcast_in_dim3A_88 : vector<32x64x128xi1>, vector<32x64x128xf32>
    %broadcast_in_dim3A_90 = vector.shape_cast %get3A_28 : vector<64x128xf32> to vector<1x64x128xf32>
    %mul3A_91 = vector.broadcast %broadcast_in_dim3A_90 : vector<1x64x128xf32> to vector<32x64x128xf32>
    %mul3A_92 = arith.mulf %mul3A_91, %select_n3A_79 : vector<32x64x128xf32>
    %mul3A_93 = arith.mulf %mul3A_92, %select_n3A_89 : vector<32x64x128xf32>
    %reduce_sum3A_94 = arith.constant dense<0.000000e+00> : vector<32x64xf32>
    %reduce_sum3A_95 = vector.multi_reduction <add>, %mul3A_93, %reduce_sum3A_94 [2] : vector<32x64x128xf32> to vector<32x64xf32>
    %broadcast_in_dim3A_96 = vector.shape_cast %reduce_sum3A_95 : vector<32x64xf32> to vector<32x64x1xf32>
    %slice3A_97 = vector.extract_strided_slice %concatenate3A {offsets = [0, 2, 0], sizes = [32, 1, 128], strides = [1, 1, 1]} : vector<32x4x128xf32> to vector<32x1x128xf32>
    %slice3A_98 = vector.extract_strided_slice %reshape3A_25 {offsets = [0, 0, 2], sizes = [32, 64, 1], strides = [1, 1, 1]} : vector<32x64x4xf32> to vector<32x64x1xf32>
    %add3A_99 = vector.broadcast %slice3A_98 : vector<32x64x1xf32> to vector<32x64x128xf32>
    %add3A_100 = vector.broadcast %slice3A_97 : vector<32x1x128xf32> to vector<32x64x128xf32>
    %add3A_101 = arith.addf %add3A_99, %add3A_100 : vector<32x64x128xf32>
    %ge3A_102 = arith.constant 0.000000e+00 : f32
    %ge3A_103 = vector.broadcast %ge3A_102 : f32 to vector<32x64x128xf32>
    %ge3A_104 = arith.cmpf oge, %add3A_101, %ge3A_103 : vector<32x64x128xf32>
    %exp3A_105 = math.exp %slice3A_98 : vector<32x64x1xf32>
    %mul3A_106 = arith.constant 2.000000e-01 : f32
    %mul3A_107 = vector.broadcast %mul3A_106 : f32 to vector<32x64x1xf32>
    %mul3A_108 = arith.mulf %mul3A_107, %slice3A_98 : vector<32x64x1xf32>
    %exp3A_109 = math.exp %mul3A_108 : vector<32x64x1xf32>
    %broadcast_in_dim3A_110 = vector.shape_cast %exp3A_105 : vector<32x64x1xf32> to vector<32x64x1xf32>
    %broadcast_in_dim3A_111 = vector.broadcast %broadcast_in_dim3A_110 : vector<32x64x1xf32> to vector<32x64x128xf32>
    %broadcast_in_dim3A_112 = vector.shape_cast %exp3A_109 : vector<32x64x1xf32> to vector<32x64x1xf32>
    %broadcast_in_dim3A_113 = vector.broadcast %broadcast_in_dim3A_112 : vector<32x64x1xf32> to vector<32x64x128xf32>
    %select_n3A_114 = arith.select %ge3A_104, %broadcast_in_dim3A_111, %broadcast_in_dim3A_113 : vector<32x64x128xi1>, vector<32x64x128xf32>
    %exp3A_115 = math.exp %slice3A_97 : vector<32x1x128xf32>
    %mul3A_116 = arith.constant 2.000000e-01 : f32
    %mul3A_117 = vector.broadcast %mul3A_116 : f32 to vector<32x1x128xf32>
    %mul3A_118 = arith.mulf %mul3A_117, %slice3A_97 : vector<32x1x128xf32>
    %exp3A_119 = math.exp %mul3A_118 : vector<32x1x128xf32>
    %broadcast_in_dim3A_120 = vector.shape_cast %exp3A_115 : vector<32x1x128xf32> to vector<32x1x128xf32>
    %broadcast_in_dim3A_121 = vector.broadcast %broadcast_in_dim3A_120 : vector<32x1x128xf32> to vector<32x64x128xf32>
    %broadcast_in_dim3A_122 = vector.shape_cast %exp3A_119 : vector<32x1x128xf32> to vector<32x1x128xf32>
    %broadcast_in_dim3A_123 = vector.broadcast %broadcast_in_dim3A_122 : vector<32x1x128xf32> to vector<32x64x128xf32>
    %select_n3A_124 = arith.select %ge3A_104, %broadcast_in_dim3A_121, %broadcast_in_dim3A_123 : vector<32x64x128xi1>, vector<32x64x128xf32>
    %broadcast_in_dim3A_125 = vector.shape_cast %get3A_28 : vector<64x128xf32> to vector<1x64x128xf32>
    %mul3A_126 = vector.broadcast %broadcast_in_dim3A_125 : vector<1x64x128xf32> to vector<32x64x128xf32>
    %mul3A_127 = arith.mulf %mul3A_126, %select_n3A_114 : vector<32x64x128xf32>
    %mul3A_128 = arith.mulf %mul3A_127, %select_n3A_124 : vector<32x64x128xf32>
    %reduce_sum3A_129 = arith.constant dense<0.000000e+00> : vector<32x64xf32>
    %reduce_sum3A_130 = vector.multi_reduction <add>, %mul3A_128, %reduce_sum3A_129 [2] : vector<32x64x128xf32> to vector<32x64xf32>
    %broadcast_in_dim3A_131 = vector.shape_cast %reduce_sum3A_130 : vector<32x64xf32> to vector<32x64x1xf32>
    %slice3A_132 = vector.extract_strided_slice %concatenate3A {offsets = [0, 3, 0], sizes = [32, 1, 128], strides = [1, 1, 1]} : vector<32x4x128xf32> to vector<32x1x128xf32>
    %slice3A_133 = vector.extract_strided_slice %reshape3A_25 {offsets = [0, 0, 3], sizes = [32, 64, 1], strides = [1, 1, 1]} : vector<32x64x4xf32> to vector<32x64x1xf32>
    %add3A_134 = vector.broadcast %slice3A_133 : vector<32x64x1xf32> to vector<32x64x128xf32>
    %add3A_135 = vector.broadcast %slice3A_132 : vector<32x1x128xf32> to vector<32x64x128xf32>
    %add3A_136 = arith.addf %add3A_134, %add3A_135 : vector<32x64x128xf32>
    %ge3A_137 = arith.constant 0.000000e+00 : f32
    %ge3A_138 = vector.broadcast %ge3A_137 : f32 to vector<32x64x128xf32>
    %ge3A_139 = arith.cmpf oge, %add3A_136, %ge3A_138 : vector<32x64x128xf32>
    %exp3A_140 = math.exp %slice3A_133 : vector<32x64x1xf32>
    %mul3A_141 = arith.constant 2.000000e-01 : f32
    %mul3A_142 = vector.broadcast %mul3A_141 : f32 to vector<32x64x1xf32>
    %mul3A_143 = arith.mulf %mul3A_142, %slice3A_133 : vector<32x64x1xf32>
    %exp3A_144 = math.exp %mul3A_143 : vector<32x64x1xf32>
    %broadcast_in_dim3A_145 = vector.shape_cast %exp3A_140 : vector<32x64x1xf32> to vector<32x64x1xf32>
    %broadcast_in_dim3A_146 = vector.broadcast %broadcast_in_dim3A_145 : vector<32x64x1xf32> to vector<32x64x128xf32>
    %broadcast_in_dim3A_147 = vector.shape_cast %exp3A_144 : vector<32x64x1xf32> to vector<32x64x1xf32>
    %broadcast_in_dim3A_148 = vector.broadcast %broadcast_in_dim3A_147 : vector<32x64x1xf32> to vector<32x64x128xf32>
    %select_n3A_149 = arith.select %ge3A_139, %broadcast_in_dim3A_146, %broadcast_in_dim3A_148 : vector<32x64x128xi1>, vector<32x64x128xf32>
    %exp3A_150 = math.exp %slice3A_132 : vector<32x1x128xf32>
    %mul3A_151 = arith.constant 2.000000e-01 : f32
    %mul3A_152 = vector.broadcast %mul3A_151 : f32 to vector<32x1x128xf32>
    %mul3A_153 = arith.mulf %mul3A_152, %slice3A_132 : vector<32x1x128xf32>
    %exp3A_154 = math.exp %mul3A_153 : vector<32x1x128xf32>
    %broadcast_in_dim3A_155 = vector.shape_cast %exp3A_150 : vector<32x1x128xf32> to vector<32x1x128xf32>
    %broadcast_in_dim3A_156 = vector.broadcast %broadcast_in_dim3A_155 : vector<32x1x128xf32> to vector<32x64x128xf32>
    %broadcast_in_dim3A_157 = vector.shape_cast %exp3A_154 : vector<32x1x128xf32> to vector<32x1x128xf32>
    %broadcast_in_dim3A_158 = vector.broadcast %broadcast_in_dim3A_157 : vector<32x1x128xf32> to vector<32x64x128xf32>
    %select_n3A_159 = arith.select %ge3A_139, %broadcast_in_dim3A_156, %broadcast_in_dim3A_158 : vector<32x64x128xi1>, vector<32x64x128xf32>
    %broadcast_in_dim3A_160 = vector.shape_cast %get3A_28 : vector<64x128xf32> to vector<1x64x128xf32>
    %mul3A_161 = vector.broadcast %broadcast_in_dim3A_160 : vector<1x64x128xf32> to vector<32x64x128xf32>
    %mul3A_162 = arith.mulf %mul3A_161, %select_n3A_149 : vector<32x64x128xf32>
    %mul3A_163 = arith.mulf %mul3A_162, %select_n3A_159 : vector<32x64x128xf32>
    %reduce_sum3A_164 = arith.constant dense<0.000000e+00> : vector<32x64xf32>
    %reduce_sum3A_165 = vector.multi_reduction <add>, %mul3A_163, %reduce_sum3A_164 [2] : vector<32x64x128xf32> to vector<32x64xf32>
    %broadcast_in_dim3A_166 = vector.shape_cast %reduce_sum3A_165 : vector<32x64xf32> to vector<32x64x1xf32>
    %concatenate3A_167 = tpu.concatenate %broadcast_in_dim3A_61, %broadcast_in_dim3A_96, %broadcast_in_dim3A_131, %broadcast_in_dim3A_166 in 2 : vector<32x64x1xf32>, vector<32x64x1xf32>, vector<32x64x1xf32>, vector<32x64x1xf32> -> vector<32x64x4xf32>
    %add3A_168 = arith.constant 1.000000e-16 : f32
    %add3A_169 = vector.broadcast %add3A_168 : f32 to vector<32x64x4xf32>
    %add3A_170 = arith.addf %concatenate3A_167, %add3A_169 : vector<32x64x4xf32>
    %div3A = arith.constant 1.000000e+00 : f32
    %div3A_171 = vector.broadcast %div3A : f32 to vector<32x64x4xf32>
    %div3A_172 = arith.divf %div3A_171, %add3A_170 : vector<32x64x4xf32>
    %iota3A = tpu.iota {dimensions = array<i32: 1>} : vector<1x32xi32>
    %jit3A = arith.constant 8 : i32
    %div3A_173 = vector.broadcast %jit3A : i32 to vector<1x32xi32>
    %div3A_174 = arith.divsi %iota3A, %div3A_173 : vector<1x32xi32>
    %sign3A = arith.constant 0 : i32
    %sign3A_175 = vector.broadcast %sign3A : i32 to vector<1x32xi32>
    %sign3A_176 = arith.cmpi sgt, %iota3A, %sign3A_175 : vector<1x32xi32>
    %sign3A_177 = arith.extui %sign3A_176 : vector<1x32xi1> to vector<1x32xi32>
    %sign3A_178 = arith.constant 0 : i32
    %sign3A_179 = vector.broadcast %sign3A_178 : i32 to vector<1x32xi32>
    %sign3A_180 = arith.cmpi slt, %iota3A, %sign3A_179 : vector<1x32xi32>
    %sign3A_181 = arith.extui %sign3A_180 : vector<1x32xi1> to vector<1x32xi32>
    %sign3A_182 = arith.subi %sign3A_177, %sign3A_181 : vector<1x32xi32>
    %sign3A_183 = arith.constant 0 : i32
    %sign3A_184 = arith.cmpi sgt, %jit3A, %sign3A_183 : i32
    %sign3A_185 = arith.extui %sign3A_184 : i1 to i32
    %sign3A_186 = arith.constant 0 : i32
    %sign3A_187 = arith.cmpi slt, %jit3A, %sign3A_186 : i32
    %sign3A_188 = arith.extui %sign3A_187 : i1 to i32
    %sign3A_189 = arith.subi %sign3A_185, %sign3A_188 : i32
    %ne3A = vector.broadcast %sign3A_189 : i32 to vector<1x32xi32>
    %ne3A_190 = arith.cmpi ne, %sign3A_182, %ne3A : vector<1x32xi32>
    %rem3A = vector.broadcast %jit3A : i32 to vector<1x32xi32>
    %rem3A_191 = arith.remsi %iota3A, %rem3A : vector<1x32xi32>
    %ne3A_192 = arith.constant 0 : i32
    %ne3A_193 = vector.broadcast %ne3A_192 : i32 to vector<1x32xi32>
    %ne3A_194 = arith.cmpi ne, %rem3A_191, %ne3A_193 : vector<1x32xi32>
    %and3A = arith.andi %ne3A_190, %ne3A_194 : vector<1x32xi1>
    %sub3A = arith.constant 1 : i32
    %sub3A_195 = vector.broadcast %sub3A : i32 to vector<1x32xi32>
    %sub3A_196 = arith.subi %div3A_174, %sub3A_195 : vector<1x32xi32>
    %select_n3A_197 = arith.select %and3A, %sub3A_196, %div3A_174 : vector<1x32xi1>, vector<1x32xi32>
    %eq3A = arith.constant 0 : i32
    %eq3A_198 = vector.broadcast %eq3A : i32 to vector<1x32xi32>
    %eq3A_199 = arith.cmpi eq, %select_n3A_197, %eq3A_198 : vector<1x32xi32>
    %convert_element_type3A = arith.extui %eq3A_199 : vector<1x32xi1> to vector<1x32xi32>
    %convert_element_type3A_200 = arith.sitofp %convert_element_type3A : vector<1x32xi32> to vector<1x32xf32>
    %iota3A_201 = tpu.iota {dimensions = array<i32: 1>} : vector<1x32xi32>
    %jit3A_202 = arith.constant 8 : i32
    %div3A_203 = vector.broadcast %jit3A_202 : i32 to vector<1x32xi32>
    %div3A_204 = arith.divsi %iota3A_201, %div3A_203 : vector<1x32xi32>
    %sign3A_205 = arith.constant 0 : i32
    %sign3A_206 = vector.broadcast %sign3A_205 : i32 to vector<1x32xi32>
    %sign3A_207 = arith.cmpi sgt, %iota3A_201, %sign3A_206 : vector<1x32xi32>
    %sign3A_208 = arith.extui %sign3A_207 : vector<1x32xi1> to vector<1x32xi32>
    %sign3A_209 = arith.constant 0 : i32
    %sign3A_210 = vector.broadcast %sign3A_209 : i32 to vector<1x32xi32>
    %sign3A_211 = arith.cmpi slt, %iota3A_201, %sign3A_210 : vector<1x32xi32>
    %sign3A_212 = arith.extui %sign3A_211 : vector<1x32xi1> to vector<1x32xi32>
    %sign3A_213 = arith.subi %sign3A_208, %sign3A_212 : vector<1x32xi32>
    %sign3A_214 = arith.constant 0 : i32
    %sign3A_215 = arith.cmpi sgt, %jit3A_202, %sign3A_214 : i32
    %sign3A_216 = arith.extui %sign3A_215 : i1 to i32
    %sign3A_217 = arith.constant 0 : i32
    %sign3A_218 = arith.cmpi slt, %jit3A_202, %sign3A_217 : i32
    %sign3A_219 = arith.extui %sign3A_218 : i1 to i32
    %sign3A_220 = arith.subi %sign3A_216, %sign3A_219 : i32
    %ne3A_221 = vector.broadcast %sign3A_220 : i32 to vector<1x32xi32>
    %ne3A_222 = arith.cmpi ne, %sign3A_213, %ne3A_221 : vector<1x32xi32>
    %rem3A_223 = vector.broadcast %jit3A_202 : i32 to vector<1x32xi32>
    %rem3A_224 = arith.remsi %iota3A_201, %rem3A_223 : vector<1x32xi32>
    %ne3A_225 = arith.constant 0 : i32
    %ne3A_226 = vector.broadcast %ne3A_225 : i32 to vector<1x32xi32>
    %ne3A_227 = arith.cmpi ne, %rem3A_224, %ne3A_226 : vector<1x32xi32>
    %and3A_228 = arith.andi %ne3A_222, %ne3A_227 : vector<1x32xi1>
    %sub3A_229 = arith.constant 1 : i32
    %sub3A_230 = vector.broadcast %sub3A_229 : i32 to vector<1x32xi32>
    %sub3A_231 = arith.subi %div3A_204, %sub3A_230 : vector<1x32xi32>
    %select_n3A_232 = arith.select %and3A_228, %sub3A_231, %div3A_204 : vector<1x32xi1>, vector<1x32xi32>
    %eq3A_233 = arith.constant 1 : i32
    %eq3A_234 = vector.broadcast %eq3A_233 : i32 to vector<1x32xi32>
    %eq3A_235 = arith.cmpi eq, %select_n3A_232, %eq3A_234 : vector<1x32xi32>
    %convert_element_type3A_236 = arith.extui %eq3A_235 : vector<1x32xi1> to vector<1x32xi32>
    %convert_element_type3A_237 = arith.sitofp %convert_element_type3A_236 : vector<1x32xi32> to vector<1x32xf32>
    %iota3A_238 = tpu.iota {dimensions = array<i32: 1>} : vector<1x32xi32>
    %jit3A_239 = arith.constant 8 : i32
    %div3A_240 = vector.broadcast %jit3A_239 : i32 to vector<1x32xi32>
    %div3A_241 = arith.divsi %iota3A_238, %div3A_240 : vector<1x32xi32>
    %sign3A_242 = arith.constant 0 : i32
    %sign3A_243 = vector.broadcast %sign3A_242 : i32 to vector<1x32xi32>
    %sign3A_244 = arith.cmpi sgt, %iota3A_238, %sign3A_243 : vector<1x32xi32>
    %sign3A_245 = arith.extui %sign3A_244 : vector<1x32xi1> to vector<1x32xi32>
    %sign3A_246 = arith.constant 0 : i32
    %sign3A_247 = vector.broadcast %sign3A_246 : i32 to vector<1x32xi32>
    %sign3A_248 = arith.cmpi slt, %iota3A_238, %sign3A_247 : vector<1x32xi32>
    %sign3A_249 = arith.extui %sign3A_248 : vector<1x32xi1> to vector<1x32xi32>
    %sign3A_250 = arith.subi %sign3A_245, %sign3A_249 : vector<1x32xi32>
    %sign3A_251 = arith.constant 0 : i32
    %sign3A_252 = arith.cmpi sgt, %jit3A_239, %sign3A_251 : i32
    %sign3A_253 = arith.extui %sign3A_252 : i1 to i32
    %sign3A_254 = arith.constant 0 : i32
    %sign3A_255 = arith.cmpi slt, %jit3A_239, %sign3A_254 : i32
    %sign3A_256 = arith.extui %sign3A_255 : i1 to i32
    %sign3A_257 = arith.subi %sign3A_253, %sign3A_256 : i32
    %ne3A_258 = vector.broadcast %sign3A_257 : i32 to vector<1x32xi32>
    %ne3A_259 = arith.cmpi ne, %sign3A_250, %ne3A_258 : vector<1x32xi32>
    %rem3A_260 = vector.broadcast %jit3A_239 : i32 to vector<1x32xi32>
    %rem3A_261 = arith.remsi %iota3A_238, %rem3A_260 : vector<1x32xi32>
    %ne3A_262 = arith.constant 0 : i32
    %ne3A_263 = vector.broadcast %ne3A_262 : i32 to vector<1x32xi32>
    %ne3A_264 = arith.cmpi ne, %rem3A_261, %ne3A_263 : vector<1x32xi32>
    %and3A_265 = arith.andi %ne3A_259, %ne3A_264 : vector<1x32xi1>
    %sub3A_266 = arith.constant 1 : i32
    %sub3A_267 = vector.broadcast %sub3A_266 : i32 to vector<1x32xi32>
    %sub3A_268 = arith.subi %div3A_241, %sub3A_267 : vector<1x32xi32>
    %select_n3A_269 = arith.select %and3A_265, %sub3A_268, %div3A_241 : vector<1x32xi1>, vector<1x32xi32>
    %eq3A_270 = arith.constant 2 : i32
    %eq3A_271 = vector.broadcast %eq3A_270 : i32 to vector<1x32xi32>
    %eq3A_272 = arith.cmpi eq, %select_n3A_269, %eq3A_271 : vector<1x32xi32>
    %convert_element_type3A_273 = arith.extui %eq3A_272 : vector<1x32xi1> to vector<1x32xi32>
    %convert_element_type3A_274 = arith.sitofp %convert_element_type3A_273 : vector<1x32xi32> to vector<1x32xf32>
    %iota3A_275 = tpu.iota {dimensions = array<i32: 1>} : vector<1x32xi32>
    %jit3A_276 = arith.constant 8 : i32
    %div3A_277 = vector.broadcast %jit3A_276 : i32 to vector<1x32xi32>
    %div3A_278 = arith.divsi %iota3A_275, %div3A_277 : vector<1x32xi32>
    %sign3A_279 = arith.constant 0 : i32
    %sign3A_280 = vector.broadcast %sign3A_279 : i32 to vector<1x32xi32>
    %sign3A_281 = arith.cmpi sgt, %iota3A_275, %sign3A_280 : vector<1x32xi32>
    %sign3A_282 = arith.extui %sign3A_281 : vector<1x32xi1> to vector<1x32xi32>
    %sign3A_283 = arith.constant 0 : i32
    %sign3A_284 = vector.broadcast %sign3A_283 : i32 to vector<1x32xi32>
    %sign3A_285 = arith.cmpi slt, %iota3A_275, %sign3A_284 : vector<1x32xi32>
    %sign3A_286 = arith.extui %sign3A_285 : vector<1x32xi1> to vector<1x32xi32>
    %sign3A_287 = arith.subi %sign3A_282, %sign3A_286 : vector<1x32xi32>
    %sign3A_288 = arith.constant 0 : i32
    %sign3A_289 = arith.cmpi sgt, %jit3A_276, %sign3A_288 : i32
    %sign3A_290 = arith.extui %sign3A_289 : i1 to i32
    %sign3A_291 = arith.constant 0 : i32
    %sign3A_292 = arith.cmpi slt, %jit3A_276, %sign3A_291 : i32
    %sign3A_293 = arith.extui %sign3A_292 : i1 to i32
    %sign3A_294 = arith.subi %sign3A_290, %sign3A_293 : i32
    %ne3A_295 = vector.broadcast %sign3A_294 : i32 to vector<1x32xi32>
    %ne3A_296 = arith.cmpi ne, %sign3A_287, %ne3A_295 : vector<1x32xi32>
    %rem3A_297 = vector.broadcast %jit3A_276 : i32 to vector<1x32xi32>
    %rem3A_298 = arith.remsi %iota3A_275, %rem3A_297 : vector<1x32xi32>
    %ne3A_299 = arith.constant 0 : i32
    %ne3A_300 = vector.broadcast %ne3A_299 : i32 to vector<1x32xi32>
    %ne3A_301 = arith.cmpi ne, %rem3A_298, %ne3A_300 : vector<1x32xi32>
    %and3A_302 = arith.andi %ne3A_296, %ne3A_301 : vector<1x32xi1>
    %sub3A_303 = arith.constant 1 : i32
    %sub3A_304 = vector.broadcast %sub3A_303 : i32 to vector<1x32xi32>
    %sub3A_305 = arith.subi %div3A_278, %sub3A_304 : vector<1x32xi32>
    %select_n3A_306 = arith.select %and3A_302, %sub3A_305, %div3A_278 : vector<1x32xi1>, vector<1x32xi32>
    %eq3A_307 = arith.constant 3 : i32
    %eq3A_308 = vector.broadcast %eq3A_307 : i32 to vector<1x32xi32>
    %eq3A_309 = arith.cmpi eq, %select_n3A_306, %eq3A_308 : vector<1x32xi32>
    %convert_element_type3A_310 = arith.extui %eq3A_309 : vector<1x32xi1> to vector<1x32xi32>
    %convert_element_type3A_311 = arith.sitofp %convert_element_type3A_310 : vector<1x32xi32> to vector<1x32xf32>
    %concatenate3A_312 = tpu.concatenate %convert_element_type3A_200, %convert_element_type3A_237, %convert_element_type3A_274, %convert_element_type3A_311 in 0 : vector<1x32xf32>, vector<1x32xf32>, vector<1x32xf32>, vector<1x32xf32> -> vector<4x32xf32>
    %slice3A_313 = vector.extract_strided_slice %reshape3A_23 {offsets = [0, 0, 0], sizes = [1, 64, 32], strides = [1, 1, 1]} : vector<32x64x32xf32> to vector<1x64x32xf32>
    %squeeze3A = vector.shape_cast %slice3A_313 : vector<1x64x32xf32> to vector<64x32xf32>
    %broadcast_in_dim3A_314 = arith.constant 0.000000e+00 : f32
    %broadcast_in_dim3A_315 = vector.broadcast %broadcast_in_dim3A_314 : f32 to vector<64x32xf32>
    %concatenate3A_316 = tpu.concatenate %squeeze3A, %broadcast_in_dim3A_315 in 0 : vector<64x32xf32>, vector<64x32xf32> -> vector<128x32xf32>
    %slice3A_317 = vector.extract_strided_slice %mul3A_59 {offsets = [0, 0, 0], sizes = [1, 64, 128], strides = [1, 1, 1]} : vector<32x64x128xf32> to vector<1x64x128xf32>
    %squeeze3A_318 = vector.shape_cast %slice3A_317 : vector<1x64x128xf32> to vector<64x128xf32>
    %dot_general3A_319 = arith.constant dense<0.000000e+00> : vector<64x32xf32>
    %dot_general3A_320 = tpu.matmul %squeeze3A_318, %concatenate3A_316, %dot_general3A_319 {dimension_numbers = #tpu.dot_dimension_numbers<[1], [0], [0], [1], [0, 0, 1, 1], [], []>, transpose_lhs_hint = false} : vector<64x128xf32>, vector<128x32xf32>, vector<64x32xf32> -> vector<64x32xf32>
    %mul3A_321 = vector.broadcast %convert_element_type3A_200 : vector<1x32xf32> to vector<64x32xf32>
    %mul3A_322 = arith.mulf %dot_general3A_320, %mul3A_321 : vector<64x32xf32>
    %slice3A_323 = vector.extract_strided_slice %mul3A_93 {offsets = [0, 0, 0], sizes = [1, 64, 128], strides = [1, 1, 1]} : vector<32x64x128xf32> to vector<1x64x128xf32>
    %squeeze3A_324 = vector.shape_cast %slice3A_323 : vector<1x64x128xf32> to vector<64x128xf32>
    %dot_general3A_325 = arith.constant dense<0.000000e+00> : vector<64x32xf32>
    %dot_general3A_326 = tpu.matmul %squeeze3A_324, %concatenate3A_316, %dot_general3A_325 {dimension_numbers = #tpu.dot_dimension_numbers<[1], [0], [0], [1], [0, 0, 1, 1], [], []>, transpose_lhs_hint = false} : vector<64x128xf32>, vector<128x32xf32>, vector<64x32xf32> -> vector<64x32xf32>
    %mul3A_327 = vector.broadcast %convert_element_type3A_237 : vector<1x32xf32> to vector<64x32xf32>
    %mul3A_328 = arith.mulf %dot_general3A_326, %mul3A_327 : vector<64x32xf32>
    %add3A_329 = arith.addf %mul3A_322, %mul3A_328 : vector<64x32xf32>
    %slice3A_330 = vector.extract_strided_slice %mul3A_128 {offsets = [0, 0, 0], sizes = [1, 64, 128], strides = [1, 1, 1]} : vector<32x64x128xf32> to vector<1x64x128xf32>
    %squeeze3A_331 = vector.shape_cast %slice3A_330 : vector<1x64x128xf32> to vector<64x128xf32>
    %dot_general3A_332 = arith.constant dense<0.000000e+00> : vector<64x32xf32>
    %dot_general3A_333 = tpu.matmul %squeeze3A_331, %concatenate3A_316, %dot_general3A_332 {dimension_numbers = #tpu.dot_dimension_numbers<[1], [0], [0], [1], [0, 0, 1, 1], [], []>, transpose_lhs_hint = false} : vector<64x128xf32>, vector<128x32xf32>, vector<64x32xf32> -> vector<64x32xf32>
    %mul3A_334 = vector.broadcast %convert_element_type3A_274 : vector<1x32xf32> to vector<64x32xf32>
    %mul3A_335 = arith.mulf %dot_general3A_333, %mul3A_334 : vector<64x32xf32>
    %add3A_336 = arith.addf %add3A_329, %mul3A_335 : vector<64x32xf32>
    %slice3A_337 = vector.extract_strided_slice %mul3A_163 {offsets = [0, 0, 0], sizes = [1, 64, 128], strides = [1, 1, 1]} : vector<32x64x128xf32> to vector<1x64x128xf32>
    %squeeze3A_338 = vector.shape_cast %slice3A_337 : vector<1x64x128xf32> to vector<64x128xf32>
    %dot_general3A_339 = arith.constant dense<0.000000e+00> : vector<64x32xf32>
    %dot_general3A_340 = tpu.matmul %squeeze3A_338, %concatenate3A_316, %dot_general3A_339 {dimension_numbers = #tpu.dot_dimension_numbers<[1], [0], [0], [1], [0, 0, 1, 1], [], []>, transpose_lhs_hint = false} : vector<64x128xf32>, vector<128x32xf32>, vector<64x32xf32> -> vector<64x32xf32>
    %mul3A_341 = vector.broadcast %convert_element_type3A_311 : vector<1x32xf32> to vector<64x32xf32>
    %mul3A_342 = arith.mulf %dot_general3A_340, %mul3A_341 : vector<64x32xf32>
    %add3A_343 = arith.addf %add3A_336, %mul3A_342 : vector<64x32xf32>
    %slice3A_344 = vector.extract_strided_slice %div3A_172 {offsets = [0, 0, 0], sizes = [1, 64, 4], strides = [1, 1, 1]} : vector<32x64x4xf32> to vector<1x64x4xf32>
    %squeeze3A_345 = vector.shape_cast %slice3A_344 : vector<1x64x4xf32> to vector<64x4xf32>
    %dot_general3A_346 = arith.constant dense<0.000000e+00> : vector<64x32xf32>
    %dot_general3A_347 = tpu.matmul %squeeze3A_345, %concatenate3A_312, %dot_general3A_346 {dimension_numbers = #tpu.dot_dimension_numbers<[1], [0], [0], [1], [0, 0, 1, 1], [], []>, transpose_lhs_hint = false} : vector<64x4xf32>, vector<4x32xf32>, vector<64x32xf32> -> vector<64x32xf32>
    %mul3A_348 = arith.mulf %add3A_343, %dot_general3A_347 : vector<64x32xf32>
    %add3A_349 = vector.broadcast %get3A_31 : vector<1x32xf32> to vector<64x32xf32>
    %add3A_350 = arith.addf %mul3A_348, %add3A_349 : vector<64x32xf32>
    %ge3A_351 = arith.constant 0.000000e+00 : f32
    %ge3A_352 = vector.broadcast %ge3A_351 : f32 to vector<64x32xf32>
    %ge3A_353 = arith.cmpf oge, %add3A_350, %ge3A_352 : vector<64x32xf32>
    %mul3A_354 = arith.constant 2.000000e-01 : f32
    %mul3A_355 = vector.broadcast %mul3A_354 : f32 to vector<64x32xf32>
    %mul3A_356 = arith.mulf %mul3A_355, %add3A_350 : vector<64x32xf32>
    %select_n3A_357 = arith.select %ge3A_353, %add3A_350, %mul3A_356 : vector<64x32xi1>, vector<64x32xf32>
    %slice3A_358 = vector.extract_strided_slice %reshape3A_23 {offsets = [1, 0, 0], sizes = [1, 64, 32], strides = [1, 1, 1]} : vector<32x64x32xf32> to vector<1x64x32xf32>
    %squeeze3A_359 = vector.shape_cast %slice3A_358 : vector<1x64x32xf32> to vector<64x32xf32>
    %broadcast_in_dim3A_360 = arith.constant 0.000000e+00 : f32
    %broadcast_in_dim3A_361 = vector.broadcast %broadcast_in_dim3A_360 : f32 to vector<64x32xf32>
    %concatenate3A_362 = tpu.concatenate %squeeze3A_359, %broadcast_in_dim3A_361 in 0 : vector<64x32xf32>, vector<64x32xf32> -> vector<128x32xf32>
    %slice3A_363 = vector.extract_strided_slice %mul3A_59 {offsets = [1, 0, 0], sizes = [1, 64, 128], strides = [1, 1, 1]} : vector<32x64x128xf32> to vector<1x64x128xf32>
    %squeeze3A_364 = vector.shape_cast %slice3A_363 : vector<1x64x128xf32> to vector<64x128xf32>
    %dot_general3A_365 = arith.constant dense<0.000000e+00> : vector<64x32xf32>
    %dot_general3A_366 = tpu.matmul %squeeze3A_364, %concatenate3A_362, %dot_general3A_365 {dimension_numbers = #tpu.dot_dimension_numbers<[1], [0], [0], [1], [0, 0, 1, 1], [], []>, transpose_lhs_hint = false} : vector<64x128xf32>, vector<128x32xf32>, vector<64x32xf32> -> vector<64x32xf32>
    %mul3A_367 = vector.broadcast %convert_element_type3A_200 : vector<1x32xf32> to vector<64x32xf32>
    %mul3A_368 = arith.mulf %dot_general3A_366, %mul3A_367 : vector<64x32xf32>
    %slice3A_369 = vector.extract_strided_slice %mul3A_93 {offsets = [1, 0, 0], sizes = [1, 64, 128], strides = [1, 1, 1]} : vector<32x64x128xf32> to vector<1x64x128xf32>
    %squeeze3A_370 = vector.shape_cast %slice3A_369 : vector<1x64x128xf32> to vector<64x128xf32>
    %dot_general3A_371 = arith.constant dense<0.000000e+00> : vector<64x32xf32>
    %dot_general3A_372 = tpu.matmul %squeeze3A_370, %concatenate3A_362, %dot_general3A_371 {dimension_numbers = #tpu.dot_dimension_numbers<[1], [0], [0], [1], [0, 0, 1, 1], [], []>, transpose_lhs_hint = false} : vector<64x128xf32>, vector<128x32xf32>, vector<64x32xf32> -> vector<64x32xf32>
    %mul3A_373 = vector.broadcast %convert_element_type3A_237 : vector<1x32xf32> to vector<64x32xf32>
    %mul3A_374 = arith.mulf %dot_general3A_372, %mul3A_373 : vector<64x32xf32>
    %add3A_375 = arith.addf %mul3A_368, %mul3A_374 : vector<64x32xf32>
    %slice3A_376 = vector.extract_strided_slice %mul3A_128 {offsets = [1, 0, 0], sizes = [1, 64, 128], strides = [1, 1, 1]} : vector<32x64x128xf32> to vector<1x64x128xf32>
    %squeeze3A_377 = vector.shape_cast %slice3A_376 : vector<1x64x128xf32> to vector<64x128xf32>
    %dot_general3A_378 = arith.constant dense<0.000000e+00> : vector<64x32xf32>
    %dot_general3A_379 = tpu.matmul %squeeze3A_377, %concatenate3A_362, %dot_general3A_378 {dimension_numbers = #tpu.dot_dimension_numbers<[1], [0], [0], [1], [0, 0, 1, 1], [], []>, transpose_lhs_hint = false} : vector<64x128xf32>, vector<128x32xf32>, vector<64x32xf32> -> vector<64x32xf32>
    %mul3A_380 = vector.broadcast %convert_element_type3A_274 : vector<1x32xf32> to vector<64x32xf32>
    %mul3A_381 = arith.mulf %dot_general3A_379, %mul3A_380 : vector<64x32xf32>
    %add3A_382 = arith.addf %add3A_375, %mul3A_381 : vector<64x32xf32>
    %slice3A_383 = vector.extract_strided_slice %mul3A_163 {offsets = [1, 0, 0], sizes = [1, 64, 128], strides = [1, 1, 1]} : vector<32x64x128xf32> to vector<1x64x128xf32>
    %squeeze3A_384 = vector.shape_cast %slice3A_383 : vector<1x64x128xf32> to vector<64x128xf32>
    %dot_general3A_385 = arith.constant dense<0.000000e+00> : vector<64x32xf32>
    %dot_general3A_386 = tpu.matmul %squeeze3A_384, %concatenate3A_362, %dot_general3A_385 {dimension_numbers = #tpu.dot_dimension_numbers<[1], [0], [0], [1], [0, 0, 1, 1], [], []>, transpose_lhs_hint = false} : vector<64x128xf32>, vector<128x32xf32>, vector<64x32xf32> -> vector<64x32xf32>
    %mul3A_387 = vector.broadcast %convert_element_type3A_311 : vector<1x32xf32> to vector<64x32xf32>
    %mul3A_388 = arith.mulf %dot_general3A_386, %mul3A_387 : vector<64x32xf32>
    %add3A_389 = arith.addf %add3A_382, %mul3A_388 : vector<64x32xf32>
    %slice3A_390 = vector.extract_strided_slice %div3A_172 {offsets = [1, 0, 0], sizes = [1, 64, 4], strides = [1, 1, 1]} : vector<32x64x4xf32> to vector<1x64x4xf32>
    %squeeze3A_391 = vector.shape_cast %slice3A_390 : vector<1x64x4xf32> to vector<64x4xf32>
    %dot_general3A_392 = arith.constant dense<0.000000e+00> : vector<64x32xf32>
    %dot_general3A_393 = tpu.matmul %squeeze3A_391, %concatenate3A_312, %dot_general3A_392 {dimension_numbers = #tpu.dot_dimension_numbers<[1], [0], [0], [1], [0, 0, 1, 1], [], []>, transpose_lhs_hint = false} : vector<64x4xf32>, vector<4x32xf32>, vector<64x32xf32> -> vector<64x32xf32>
    %mul3A_394 = arith.mulf %add3A_389, %dot_general3A_393 : vector<64x32xf32>
    %add3A_395 = vector.broadcast %get3A_31 : vector<1x32xf32> to vector<64x32xf32>
    %add3A_396 = arith.addf %mul3A_394, %add3A_395 : vector<64x32xf32>
    %ge3A_397 = arith.constant 0.000000e+00 : f32
    %ge3A_398 = vector.broadcast %ge3A_397 : f32 to vector<64x32xf32>
    %ge3A_399 = arith.cmpf oge, %add3A_396, %ge3A_398 : vector<64x32xf32>
    %mul3A_400 = arith.constant 2.000000e-01 : f32
    %mul3A_401 = vector.broadcast %mul3A_400 : f32 to vector<64x32xf32>
    %mul3A_402 = arith.mulf %mul3A_401, %add3A_396 : vector<64x32xf32>
    %select_n3A_403 = arith.select %ge3A_399, %add3A_396, %mul3A_402 : vector<64x32xi1>, vector<64x32xf32>
    %slice3A_404 = vector.extract_strided_slice %reshape3A_23 {offsets = [2, 0, 0], sizes = [1, 64, 32], strides = [1, 1, 1]} : vector<32x64x32xf32> to vector<1x64x32xf32>
    %squeeze3A_405 = vector.shape_cast %slice3A_404 : vector<1x64x32xf32> to vector<64x32xf32>
    %broadcast_in_dim3A_406 = arith.constant 0.000000e+00 : f32
    %broadcast_in_dim3A_407 = vector.broadcast %broadcast_in_dim3A_406 : f32 to vector<64x32xf32>
    %concatenate3A_408 = tpu.concatenate %squeeze3A_405, %broadcast_in_dim3A_407 in 0 : vector<64x32xf32>, vector<64x32xf32> -> vector<128x32xf32>
    %slice3A_409 = vector.extract_strided_slice %mul3A_59 {offsets = [2, 0, 0], sizes = [1, 64, 128], strides = [1, 1, 1]} : vector<32x64x128xf32> to vector<1x64x128xf32>
    %squeeze3A_410 = vector.shape_cast %slice3A_409 : vector<1x64x128xf32> to vector<64x128xf32>
    %dot_general3A_411 = arith.constant dense<0.000000e+00> : vector<64x32xf32>
    %dot_general3A_412 = tpu.matmul %squeeze3A_410, %concatenate3A_408, %dot_general3A_411 {dimension_numbers = #tpu.dot_dimension_numbers<[1], [0], [0], [1], [0, 0, 1, 1], [], []>, transpose_lhs_hint = false} : vector<64x128xf32>, vector<128x32xf32>, vector<64x32xf32> -> vector<64x32xf32>
    %mul3A_413 = vector.broadcast %convert_element_type3A_200 : vector<1x32xf32> to vector<64x32xf32>
    %mul3A_414 = arith.mulf %dot_general3A_412, %mul3A_413 : vector<64x32xf32>
    %slice3A_415 = vector.extract_strided_slice %mul3A_93 {offsets = [2, 0, 0], sizes = [1, 64, 128], strides = [1, 1, 1]} : vector<32x64x128xf32> to vector<1x64x128xf32>
    %squeeze3A_416 = vector.shape_cast %slice3A_415 : vector<1x64x128xf32> to vector<64x128xf32>
    %dot_general3A_417 = arith.constant dense<0.000000e+00> : vector<64x32xf32>
    %dot_general3A_418 = tpu.matmul %squeeze3A_416, %concatenate3A_408, %dot_general3A_417 {dimension_numbers = #tpu.dot_dimension_numbers<[1], [0], [0], [1], [0, 0, 1, 1], [], []>, transpose_lhs_hint = false} : vector<64x128xf32>, vector<128x32xf32>, vector<64x32xf32> -> vector<64x32xf32>
    %mul3A_419 = vector.broadcast %convert_element_type3A_237 : vector<1x32xf32> to vector<64x32xf32>
    %mul3A_420 = arith.mulf %dot_general3A_418, %mul3A_419 : vector<64x32xf32>
    %add3A_421 = arith.addf %mul3A_414, %mul3A_420 : vector<64x32xf32>
    %slice3A_422 = vector.extract_strided_slice %mul3A_128 {offsets = [2, 0, 0], sizes = [1, 64, 128], strides = [1, 1, 1]} : vector<32x64x128xf32> to vector<1x64x128xf32>
    %squeeze3A_423 = vector.shape_cast %slice3A_422 : vector<1x64x128xf32> to vector<64x128xf32>
    %dot_general3A_424 = arith.constant dense<0.000000e+00> : vector<64x32xf32>
    %dot_general3A_425 = tpu.matmul %squeeze3A_423, %concatenate3A_408, %dot_general3A_424 {dimension_numbers = #tpu.dot_dimension_numbers<[1], [0], [0], [1], [0, 0, 1, 1], [], []>, transpose_lhs_hint = false} : vector<64x128xf32>, vector<128x32xf32>, vector<64x32xf32> -> vector<64x32xf32>
    %mul3A_426 = vector.broadcast %convert_element_type3A_274 : vector<1x32xf32> to vector<64x32xf32>
    %mul3A_427 = arith.mulf %dot_general3A_425, %mul3A_426 : vector<64x32xf32>
    %add3A_428 = arith.addf %add3A_421, %mul3A_427 : vector<64x32xf32>
    %slice3A_429 = vector.extract_strided_slice %mul3A_163 {offsets = [2, 0, 0], sizes = [1, 64, 128], strides = [1, 1, 1]} : vector<32x64x128xf32> to vector<1x64x128xf32>
    %squeeze3A_430 = vector.shape_cast %slice3A_429 : vector<1x64x128xf32> to vector<64x128xf32>
    %dot_general3A_431 = arith.constant dense<0.000000e+00> : vector<64x32xf32>
    %dot_general3A_432 = tpu.matmul %squeeze3A_430, %concatenate3A_408, %dot_general3A_431 {dimension_numbers = #tpu.dot_dimension_numbers<[1], [0], [0], [1], [0, 0, 1, 1], [], []>, transpose_lhs_hint = false} : vector<64x128xf32>, vector<128x32xf32>, vector<64x32xf32> -> vector<64x32xf32>
    %mul3A_433 = vector.broadcast %convert_element_type3A_311 : vector<1x32xf32> to vector<64x32xf32>
    %mul3A_434 = arith.mulf %dot_general3A_432, %mul3A_433 : vector<64x32xf32>
    %add3A_435 = arith.addf %add3A_428, %mul3A_434 : vector<64x32xf32>
    %slice3A_436 = vector.extract_strided_slice %div3A_172 {offsets = [2, 0, 0], sizes = [1, 64, 4], strides = [1, 1, 1]} : vector<32x64x4xf32> to vector<1x64x4xf32>
    %squeeze3A_437 = vector.shape_cast %slice3A_436 : vector<1x64x4xf32> to vector<64x4xf32>
    %dot_general3A_438 = arith.constant dense<0.000000e+00> : vector<64x32xf32>
    %dot_general3A_439 = tpu.matmul %squeeze3A_437, %concatenate3A_312, %dot_general3A_438 {dimension_numbers = #tpu.dot_dimension_numbers<[1], [0], [0], [1], [0, 0, 1, 1], [], []>, transpose_lhs_hint = false} : vector<64x4xf32>, vector<4x32xf32>, vector<64x32xf32> -> vector<64x32xf32>
    %mul3A_440 = arith.mulf %add3A_435, %dot_general3A_439 : vector<64x32xf32>
    %add3A_441 = vector.broadcast %get3A_31 : vector<1x32xf32> to vector<64x32xf32>
    %add3A_442 = arith.addf %mul3A_440, %add3A_441 : vector<64x32xf32>
    %ge3A_443 = arith.constant 0.000000e+00 : f32
    %ge3A_444 = vector.broadcast %ge3A_443 : f32 to vector<64x32xf32>
    %ge3A_445 = arith.cmpf oge, %add3A_442, %ge3A_444 : vector<64x32xf32>
    %mul3A_446 = arith.constant 2.000000e-01 : f32
    %mul3A_447 = vector.broadcast %mul3A_446 : f32 to vector<64x32xf32>
    %mul3A_448 = arith.mulf %mul3A_447, %add3A_442 : vector<64x32xf32>
    %select_n3A_449 = arith.select %ge3A_445, %add3A_442, %mul3A_448 : vector<64x32xi1>, vector<64x32xf32>
    %slice3A_450 = vector.extract_strided_slice %reshape3A_23 {offsets = [3, 0, 0], sizes = [1, 64, 32], strides = [1, 1, 1]} : vector<32x64x32xf32> to vector<1x64x32xf32>
    %squeeze3A_451 = vector.shape_cast %slice3A_450 : vector<1x64x32xf32> to vector<64x32xf32>
    %broadcast_in_dim3A_452 = arith.constant 0.000000e+00 : f32
    %broadcast_in_dim3A_453 = vector.broadcast %broadcast_in_dim3A_452 : f32 to vector<64x32xf32>
    %concatenate3A_454 = tpu.concatenate %squeeze3A_451, %broadcast_in_dim3A_453 in 0 : vector<64x32xf32>, vector<64x32xf32> -> vector<128x32xf32>
    %slice3A_455 = vector.extract_strided_slice %mul3A_59 {offsets = [3, 0, 0], sizes = [1, 64, 128], strides = [1, 1, 1]} : vector<32x64x128xf32> to vector<1x64x128xf32>
    %squeeze3A_456 = vector.shape_cast %slice3A_455 : vector<1x64x128xf32> to vector<64x128xf32>
    %dot_general3A_457 = arith.constant dense<0.000000e+00> : vector<64x32xf32>
    %dot_general3A_458 = tpu.matmul %squeeze3A_456, %concatenate3A_454, %dot_general3A_457 {dimension_numbers = #tpu.dot_dimension_numbers<[1], [0], [0], [1], [0, 0, 1, 1], [], []>, transpose_lhs_hint = false} : vector<64x128xf32>, vector<128x32xf32>, vector<64x32xf32> -> vector<64x32xf32>
    %mul3A_459 = vector.broadcast %convert_element_type3A_200 : vector<1x32xf32> to vector<64x32xf32>
    %mul3A_460 = arith.mulf %dot_general3A_458, %mul3A_459 : vector<64x32xf32>
    %slice3A_461 = vector.extract_strided_slice %mul3A_93 {offsets = [3, 0, 0], sizes = [1, 64, 128], strides = [1, 1, 1]} : vector<32x64x128xf32> to vector<1x64x128xf32>
    %squeeze3A_462 = vector.shape_cast %slice3A_461 : vector<1x64x128xf32> to vector<64x128xf32>
    %dot_general3A_463 = arith.constant dense<0.000000e+00> : vector<64x32xf32>
    %dot_general3A_464 = tpu.matmul %squeeze3A_462, %concatenate3A_454, %dot_general3A_463 {dimension_numbers = #tpu.dot_dimension_numbers<[1], [0], [0], [1], [0, 0, 1, 1], [], []>, transpose_lhs_hint = false} : vector<64x128xf32>, vector<128x32xf32>, vector<64x32xf32> -> vector<64x32xf32>
    %mul3A_465 = vector.broadcast %convert_element_type3A_237 : vector<1x32xf32> to vector<64x32xf32>
    %mul3A_466 = arith.mulf %dot_general3A_464, %mul3A_465 : vector<64x32xf32>
    %add3A_467 = arith.addf %mul3A_460, %mul3A_466 : vector<64x32xf32>
    %slice3A_468 = vector.extract_strided_slice %mul3A_128 {offsets = [3, 0, 0], sizes = [1, 64, 128], strides = [1, 1, 1]} : vector<32x64x128xf32> to vector<1x64x128xf32>
    %squeeze3A_469 = vector.shape_cast %slice3A_468 : vector<1x64x128xf32> to vector<64x128xf32>
    %dot_general3A_470 = arith.constant dense<0.000000e+00> : vector<64x32xf32>
    %dot_general3A_471 = tpu.matmul %squeeze3A_469, %concatenate3A_454, %dot_general3A_470 {dimension_numbers = #tpu.dot_dimension_numbers<[1], [0], [0], [1], [0, 0, 1, 1], [], []>, transpose_lhs_hint = false} : vector<64x128xf32>, vector<128x32xf32>, vector<64x32xf32> -> vector<64x32xf32>
    %mul3A_472 = vector.broadcast %convert_element_type3A_274 : vector<1x32xf32> to vector<64x32xf32>
    %mul3A_473 = arith.mulf %dot_general3A_471, %mul3A_472 : vector<64x32xf32>
    %add3A_474 = arith.addf %add3A_467, %mul3A_473 : vector<64x32xf32>
    %slice3A_475 = vector.extract_strided_slice %mul3A_163 {offsets = [3, 0, 0], sizes = [1, 64, 128], strides = [1, 1, 1]} : vector<32x64x128xf32> to vector<1x64x128xf32>
    %squeeze3A_476 = vector.shape_cast %slice3A_475 : vector<1x64x128xf32> to vector<64x128xf32>
    %dot_general3A_477 = arith.constant dense<0.000000e+00> : vector<64x32xf32>
    %dot_general3A_478 = tpu.matmul %squeeze3A_476, %concatenate3A_454, %dot_general3A_477 {dimension_numbers = #tpu.dot_dimension_numbers<[1], [0], [0], [1], [0, 0, 1, 1], [], []>, transpose_lhs_hint = false} : vector<64x128xf32>, vector<128x32xf32>, vector<64x32xf32> -> vector<64x32xf32>
    %mul3A_479 = vector.broadcast %convert_element_type3A_311 : vector<1x32xf32> to vector<64x32xf32>
    %mul3A_480 = arith.mulf %dot_general3A_478, %mul3A_479 : vector<64x32xf32>
    %add3A_481 = arith.addf %add3A_474, %mul3A_480 : vector<64x32xf32>
    %slice3A_482 = vector.extract_strided_slice %div3A_172 {offsets = [3, 0, 0], sizes = [1, 64, 4], strides = [1, 1, 1]} : vector<32x64x4xf32> to vector<1x64x4xf32>
    %squeeze3A_483 = vector.shape_cast %slice3A_482 : vector<1x64x4xf32> to vector<64x4xf32>
    %dot_general3A_484 = arith.constant dense<0.000000e+00> : vector<64x32xf32>
    %dot_general3A_485 = tpu.matmul %squeeze3A_483, %concatenate3A_312, %dot_general3A_484 {dimension_numbers = #tpu.dot_dimension_numbers<[1], [0], [0], [1], [0, 0, 1, 1], [], []>, transpose_lhs_hint = false} : vector<64x4xf32>, vector<4x32xf32>, vector<64x32xf32> -> vector<64x32xf32>
    %mul3A_486 = arith.mulf %add3A_481, %dot_general3A_485 : vector<64x32xf32>
    %add3A_487 = vector.broadcast %get3A_31 : vector<1x32xf32> to vector<64x32xf32>
    %add3A_488 = arith.addf %mul3A_486, %add3A_487 : vector<64x32xf32>
    %ge3A_489 = arith.constant 0.000000e+00 : f32
    %ge3A_490 = vector.broadcast %ge3A_489 : f32 to vector<64x32xf32>
    %ge3A_491 = arith.cmpf oge, %add3A_488, %ge3A_490 : vector<64x32xf32>
    %mul3A_492 = arith.constant 2.000000e-01 : f32
    %mul3A_493 = vector.broadcast %mul3A_492 : f32 to vector<64x32xf32>
    %mul3A_494 = arith.mulf %mul3A_493, %add3A_488 : vector<64x32xf32>
    %select_n3A_495 = arith.select %ge3A_491, %add3A_488, %mul3A_494 : vector<64x32xi1>, vector<64x32xf32>
    %slice3A_496 = vector.extract_strided_slice %reshape3A_23 {offsets = [4, 0, 0], sizes = [1, 64, 32], strides = [1, 1, 1]} : vector<32x64x32xf32> to vector<1x64x32xf32>
    %squeeze3A_497 = vector.shape_cast %slice3A_496 : vector<1x64x32xf32> to vector<64x32xf32>
    %broadcast_in_dim3A_498 = arith.constant 0.000000e+00 : f32
    %broadcast_in_dim3A_499 = vector.broadcast %broadcast_in_dim3A_498 : f32 to vector<64x32xf32>
    %concatenate3A_500 = tpu.concatenate %squeeze3A_497, %broadcast_in_dim3A_499 in 0 : vector<64x32xf32>, vector<64x32xf32> -> vector<128x32xf32>
    %slice3A_501 = vector.extract_strided_slice %mul3A_59 {offsets = [4, 0, 0], sizes = [1, 64, 128], strides = [1, 1, 1]} : vector<32x64x128xf32> to vector<1x64x128xf32>
    %squeeze3A_502 = vector.shape_cast %slice3A_501 : vector<1x64x128xf32> to vector<64x128xf32>
    %dot_general3A_503 = arith.constant dense<0.000000e+00> : vector<64x32xf32>
    %dot_general3A_504 = tpu.matmul %squeeze3A_502, %concatenate3A_500, %dot_general3A_503 {dimension_numbers = #tpu.dot_dimension_numbers<[1], [0], [0], [1], [0, 0, 1, 1], [], []>, transpose_lhs_hint = false} : vector<64x128xf32>, vector<128x32xf32>, vector<64x32xf32> -> vector<64x32xf32>
    %mul3A_505 = vector.broadcast %convert_element_type3A_200 : vector<1x32xf32> to vector<64x32xf32>
    %mul3A_506 = arith.mulf %dot_general3A_504, %mul3A_505 : vector<64x32xf32>
    %slice3A_507 = vector.extract_strided_slice %mul3A_93 {offsets = [4, 0, 0], sizes = [1, 64, 128], strides = [1, 1, 1]} : vector<32x64x128xf32> to vector<1x64x128xf32>
    %squeeze3A_508 = vector.shape_cast %slice3A_507 : vector<1x64x128xf32> to vector<64x128xf32>
    %dot_general3A_509 = arith.constant dense<0.000000e+00> : vector<64x32xf32>
    %dot_general3A_510 = tpu.matmul %squeeze3A_508, %concatenate3A_500, %dot_general3A_509 {dimension_numbers = #tpu.dot_dimension_numbers<[1], [0], [0], [1], [0, 0, 1, 1], [], []>, transpose_lhs_hint = false} : vector<64x128xf32>, vector<128x32xf32>, vector<64x32xf32> -> vector<64x32xf32>
    %mul3A_511 = vector.broadcast %convert_element_type3A_237 : vector<1x32xf32> to vector<64x32xf32>
    %mul3A_512 = arith.mulf %dot_general3A_510, %mul3A_511 : vector<64x32xf32>
    %add3A_513 = arith.addf %mul3A_506, %mul3A_512 : vector<64x32xf32>
    %slice3A_514 = vector.extract_strided_slice %mul3A_128 {offsets = [4, 0, 0], sizes = [1, 64, 128], strides = [1, 1, 1]} : vector<32x64x128xf32> to vector<1x64x128xf32>
    %squeeze3A_515 = vector.shape_cast %slice3A_514 : vector<1x64x128xf32> to vector<64x128xf32>
    %dot_general3A_516 = arith.constant dense<0.000000e+00> : vector<64x32xf32>
    %dot_general3A_517 = tpu.matmul %squeeze3A_515, %concatenate3A_500, %dot_general3A_516 {dimension_numbers = #tpu.dot_dimension_numbers<[1], [0], [0], [1], [0, 0, 1, 1], [], []>, transpose_lhs_hint = false} : vector<64x128xf32>, vector<128x32xf32>, vector<64x32xf32> -> vector<64x32xf32>
    %mul3A_518 = vector.broadcast %convert_element_type3A_274 : vector<1x32xf32> to vector<64x32xf32>
    %mul3A_519 = arith.mulf %dot_general3A_517, %mul3A_518 : vector<64x32xf32>
    %add3A_520 = arith.addf %add3A_513, %mul3A_519 : vector<64x32xf32>
    %slice3A_521 = vector.extract_strided_slice %mul3A_163 {offsets = [4, 0, 0], sizes = [1, 64, 128], strides = [1, 1, 1]} : vector<32x64x128xf32> to vector<1x64x128xf32>
    %squeeze3A_522 = vector.shape_cast %slice3A_521 : vector<1x64x128xf32> to vector<64x128xf32>
    %dot_general3A_523 = arith.constant dense<0.000000e+00> : vector<64x32xf32>
    %dot_general3A_524 = tpu.matmul %squeeze3A_522, %concatenate3A_500, %dot_general3A_523 {dimension_numbers = #tpu.dot_dimension_numbers<[1], [0], [0], [1], [0, 0, 1, 1], [], []>, transpose_lhs_hint = false} : vector<64x128xf32>, vector<128x32xf32>, vector<64x32xf32> -> vector<64x32xf32>
    %mul3A_525 = vector.broadcast %convert_element_type3A_311 : vector<1x32xf32> to vector<64x32xf32>
    %mul3A_526 = arith.mulf %dot_general3A_524, %mul3A_525 : vector<64x32xf32>
    %add3A_527 = arith.addf %add3A_520, %mul3A_526 : vector<64x32xf32>
    %slice3A_528 = vector.extract_strided_slice %div3A_172 {offsets = [4, 0, 0], sizes = [1, 64, 4], strides = [1, 1, 1]} : vector<32x64x4xf32> to vector<1x64x4xf32>
    %squeeze3A_529 = vector.shape_cast %slice3A_528 : vector<1x64x4xf32> to vector<64x4xf32>
    %dot_general3A_530 = arith.constant dense<0.000000e+00> : vector<64x32xf32>
    %dot_general3A_531 = tpu.matmul %squeeze3A_529, %concatenate3A_312, %dot_general3A_530 {dimension_numbers = #tpu.dot_dimension_numbers<[1], [0], [0], [1], [0, 0, 1, 1], [], []>, transpose_lhs_hint = false} : vector<64x4xf32>, vector<4x32xf32>, vector<64x32xf32> -> vector<64x32xf32>
    %mul3A_532 = arith.mulf %add3A_527, %dot_general3A_531 : vector<64x32xf32>
    %add3A_533 = vector.broadcast %get3A_31 : vector<1x32xf32> to vector<64x32xf32>
    %add3A_534 = arith.addf %mul3A_532, %add3A_533 : vector<64x32xf32>
    %ge3A_535 = arith.constant 0.000000e+00 : f32
    %ge3A_536 = vector.broadcast %ge3A_535 : f32 to vector<64x32xf32>
    %ge3A_537 = arith.cmpf oge, %add3A_534, %ge3A_536 : vector<64x32xf32>
    %mul3A_538 = arith.constant 2.000000e-01 : f32
    %mul3A_539 = vector.broadcast %mul3A_538 : f32 to vector<64x32xf32>
    %mul3A_540 = arith.mulf %mul3A_539, %add3A_534 : vector<64x32xf32>
    %select_n3A_541 = arith.select %ge3A_537, %add3A_534, %mul3A_540 : vector<64x32xi1>, vector<64x32xf32>
    %slice3A_542 = vector.extract_strided_slice %reshape3A_23 {offsets = [5, 0, 0], sizes = [1, 64, 32], strides = [1, 1, 1]} : vector<32x64x32xf32> to vector<1x64x32xf32>
    %squeeze3A_543 = vector.shape_cast %slice3A_542 : vector<1x64x32xf32> to vector<64x32xf32>
    %broadcast_in_dim3A_544 = arith.constant 0.000000e+00 : f32
    %broadcast_in_dim3A_545 = vector.broadcast %broadcast_in_dim3A_544 : f32 to vector<64x32xf32>
    %concatenate3A_546 = tpu.concatenate %squeeze3A_543, %broadcast_in_dim3A_545 in 0 : vector<64x32xf32>, vector<64x32xf32> -> vector<128x32xf32>
    %slice3A_547 = vector.extract_strided_slice %mul3A_59 {offsets = [5, 0, 0], sizes = [1, 64, 128], strides = [1, 1, 1]} : vector<32x64x128xf32> to vector<1x64x128xf32>
    %squeeze3A_548 = vector.shape_cast %slice3A_547 : vector<1x64x128xf32> to vector<64x128xf32>
    %dot_general3A_549 = arith.constant dense<0.000000e+00> : vector<64x32xf32>
    %dot_general3A_550 = tpu.matmul %squeeze3A_548, %concatenate3A_546, %dot_general3A_549 {dimension_numbers = #tpu.dot_dimension_numbers<[1], [0], [0], [1], [0, 0, 1, 1], [], []>, transpose_lhs_hint = false} : vector<64x128xf32>, vector<128x32xf32>, vector<64x32xf32> -> vector<64x32xf32>
    %mul3A_551 = vector.broadcast %convert_element_type3A_200 : vector<1x32xf32> to vector<64x32xf32>
    %mul3A_552 = arith.mulf %dot_general3A_550, %mul3A_551 : vector<64x32xf32>
    %slice3A_553 = vector.extract_strided_slice %mul3A_93 {offsets = [5, 0, 0], sizes = [1, 64, 128], strides = [1, 1, 1]} : vector<32x64x128xf32> to vector<1x64x128xf32>
    %squeeze3A_554 = vector.shape_cast %slice3A_553 : vector<1x64x128xf32> to vector<64x128xf32>
    %dot_general3A_555 = arith.constant dense<0.000000e+00> : vector<64x32xf32>
    %dot_general3A_556 = tpu.matmul %squeeze3A_554, %concatenate3A_546, %dot_general3A_555 {dimension_numbers = #tpu.dot_dimension_numbers<[1], [0], [0], [1], [0, 0, 1, 1], [], []>, transpose_lhs_hint = false} : vector<64x128xf32>, vector<128x32xf32>, vector<64x32xf32> -> vector<64x32xf32>
    %mul3A_557 = vector.broadcast %convert_element_type3A_237 : vector<1x32xf32> to vector<64x32xf32>
    %mul3A_558 = arith.mulf %dot_general3A_556, %mul3A_557 : vector<64x32xf32>
    %add3A_559 = arith.addf %mul3A_552, %mul3A_558 : vector<64x32xf32>
    %slice3A_560 = vector.extract_strided_slice %mul3A_128 {offsets = [5, 0, 0], sizes = [1, 64, 128], strides = [1, 1, 1]} : vector<32x64x128xf32> to vector<1x64x128xf32>
    %squeeze3A_561 = vector.shape_cast %slice3A_560 : vector<1x64x128xf32> to vector<64x128xf32>
    %dot_general3A_562 = arith.constant dense<0.000000e+00> : vector<64x32xf32>
    %dot_general3A_563 = tpu.matmul %squeeze3A_561, %concatenate3A_546, %dot_general3A_562 {dimension_numbers = #tpu.dot_dimension_numbers<[1], [0], [0], [1], [0, 0, 1, 1], [], []>, transpose_lhs_hint = false} : vector<64x128xf32>, vector<128x32xf32>, vector<64x32xf32> -> vector<64x32xf32>
    %mul3A_564 = vector.broadcast %convert_element_type3A_274 : vector<1x32xf32> to vector<64x32xf32>
    %mul3A_565 = arith.mulf %dot_general3A_563, %mul3A_564 : vector<64x32xf32>
    %add3A_566 = arith.addf %add3A_559, %mul3A_565 : vector<64x32xf32>
    %slice3A_567 = vector.extract_strided_slice %mul3A_163 {offsets = [5, 0, 0], sizes = [1, 64, 128], strides = [1, 1, 1]} : vector<32x64x128xf32> to vector<1x64x128xf32>
    %squeeze3A_568 = vector.shape_cast %slice3A_567 : vector<1x64x128xf32> to vector<64x128xf32>
    %dot_general3A_569 = arith.constant dense<0.000000e+00> : vector<64x32xf32>
    %dot_general3A_570 = tpu.matmul %squeeze3A_568, %concatenate3A_546, %dot_general3A_569 {dimension_numbers = #tpu.dot_dimension_numbers<[1], [0], [0], [1], [0, 0, 1, 1], [], []>, transpose_lhs_hint = false} : vector<64x128xf32>, vector<128x32xf32>, vector<64x32xf32> -> vector<64x32xf32>
    %mul3A_571 = vector.broadcast %convert_element_type3A_311 : vector<1x32xf32> to vector<64x32xf32>
    %mul3A_572 = arith.mulf %dot_general3A_570, %mul3A_571 : vector<64x32xf32>
    %add3A_573 = arith.addf %add3A_566, %mul3A_572 : vector<64x32xf32>
    %slice3A_574 = vector.extract_strided_slice %div3A_172 {offsets = [5, 0, 0], sizes = [1, 64, 4], strides = [1, 1, 1]} : vector<32x64x4xf32> to vector<1x64x4xf32>
    %squeeze3A_575 = vector.shape_cast %slice3A_574 : vector<1x64x4xf32> to vector<64x4xf32>
    %dot_general3A_576 = arith.constant dense<0.000000e+00> : vector<64x32xf32>
    %dot_general3A_577 = tpu.matmul %squeeze3A_575, %concatenate3A_312, %dot_general3A_576 {dimension_numbers = #tpu.dot_dimension_numbers<[1], [0], [0], [1], [0, 0, 1, 1], [], []>, transpose_lhs_hint = false} : vector<64x4xf32>, vector<4x32xf32>, vector<64x32xf32> -> vector<64x32xf32>
    %mul3A_578 = arith.mulf %add3A_573, %dot_general3A_577 : vector<64x32xf32>
    %add3A_579 = vector.broadcast %get3A_31 : vector<1x32xf32> to vector<64x32xf32>
    %add3A_580 = arith.addf %mul3A_578, %add3A_579 : vector<64x32xf32>
    %ge3A_581 = arith.constant 0.000000e+00 : f32
    %ge3A_582 = vector.broadcast %ge3A_581 : f32 to vector<64x32xf32>
    %ge3A_583 = arith.cmpf oge, %add3A_580, %ge3A_582 : vector<64x32xf32>
    %mul3A_584 = arith.constant 2.000000e-01 : f32
    %mul3A_585 = vector.broadcast %mul3A_584 : f32 to vector<64x32xf32>
    %mul3A_586 = arith.mulf %mul3A_585, %add3A_580 : vector<64x32xf32>
    %select_n3A_587 = arith.select %ge3A_583, %add3A_580, %mul3A_586 : vector<64x32xi1>, vector<64x32xf32>
    %slice3A_588 = vector.extract_strided_slice %reshape3A_23 {offsets = [6, 0, 0], sizes = [1, 64, 32], strides = [1, 1, 1]} : vector<32x64x32xf32> to vector<1x64x32xf32>
    %squeeze3A_589 = vector.shape_cast %slice3A_588 : vector<1x64x32xf32> to vector<64x32xf32>
    %broadcast_in_dim3A_590 = arith.constant 0.000000e+00 : f32
    %broadcast_in_dim3A_591 = vector.broadcast %broadcast_in_dim3A_590 : f32 to vector<64x32xf32>
    %concatenate3A_592 = tpu.concatenate %squeeze3A_589, %broadcast_in_dim3A_591 in 0 : vector<64x32xf32>, vector<64x32xf32> -> vector<128x32xf32>
    %slice3A_593 = vector.extract_strided_slice %mul3A_59 {offsets = [6, 0, 0], sizes = [1, 64, 128], strides = [1, 1, 1]} : vector<32x64x128xf32> to vector<1x64x128xf32>
    %squeeze3A_594 = vector.shape_cast %slice3A_593 : vector<1x64x128xf32> to vector<64x128xf32>
    %dot_general3A_595 = arith.constant dense<0.000000e+00> : vector<64x32xf32>
    %dot_general3A_596 = tpu.matmul %squeeze3A_594, %concatenate3A_592, %dot_general3A_595 {dimension_numbers = #tpu.dot_dimension_numbers<[1], [0], [0], [1], [0, 0, 1, 1], [], []>, transpose_lhs_hint = false} : vector<64x128xf32>, vector<128x32xf32>, vector<64x32xf32> -> vector<64x32xf32>
    %mul3A_597 = vector.broadcast %convert_element_type3A_200 : vector<1x32xf32> to vector<64x32xf32>
    %mul3A_598 = arith.mulf %dot_general3A_596, %mul3A_597 : vector<64x32xf32>
    %slice3A_599 = vector.extract_strided_slice %mul3A_93 {offsets = [6, 0, 0], sizes = [1, 64, 128], strides = [1, 1, 1]} : vector<32x64x128xf32> to vector<1x64x128xf32>
    %squeeze3A_600 = vector.shape_cast %slice3A_599 : vector<1x64x128xf32> to vector<64x128xf32>
    %dot_general3A_601 = arith.constant dense<0.000000e+00> : vector<64x32xf32>
    %dot_general3A_602 = tpu.matmul %squeeze3A_600, %concatenate3A_592, %dot_general3A_601 {dimension_numbers = #tpu.dot_dimension_numbers<[1], [0], [0], [1], [0, 0, 1, 1], [], []>, transpose_lhs_hint = false} : vector<64x128xf32>, vector<128x32xf32>, vector<64x32xf32> -> vector<64x32xf32>
    %mul3A_603 = vector.broadcast %convert_element_type3A_237 : vector<1x32xf32> to vector<64x32xf32>
    %mul3A_604 = arith.mulf %dot_general3A_602, %mul3A_603 : vector<64x32xf32>
    %add3A_605 = arith.addf %mul3A_598, %mul3A_604 : vector<64x32xf32>
    %slice3A_606 = vector.extract_strided_slice %mul3A_128 {offsets = [6, 0, 0], sizes = [1, 64, 128], strides = [1, 1, 1]} : vector<32x64x128xf32> to vector<1x64x128xf32>
    %squeeze3A_607 = vector.shape_cast %slice3A_606 : vector<1x64x128xf32> to vector<64x128xf32>
    %dot_general3A_608 = arith.constant dense<0.000000e+00> : vector<64x32xf32>
    %dot_general3A_609 = tpu.matmul %squeeze3A_607, %concatenate3A_592, %dot_general3A_608 {dimension_numbers = #tpu.dot_dimension_numbers<[1], [0], [0], [1], [0, 0, 1, 1], [], []>, transpose_lhs_hint = false} : vector<64x128xf32>, vector<128x32xf32>, vector<64x32xf32> -> vector<64x32xf32>
    %mul3A_610 = vector.broadcast %convert_element_type3A_274 : vector<1x32xf32> to vector<64x32xf32>
    %mul3A_611 = arith.mulf %dot_general3A_609, %mul3A_610 : vector<64x32xf32>
    %add3A_612 = arith.addf %add3A_605, %mul3A_611 : vector<64x32xf32>
    %slice3A_613 = vector.extract_strided_slice %mul3A_163 {offsets = [6, 0, 0], sizes = [1, 64, 128], strides = [1, 1, 1]} : vector<32x64x128xf32> to vector<1x64x128xf32>
    %squeeze3A_614 = vector.shape_cast %slice3A_613 : vector<1x64x128xf32> to vector<64x128xf32>
    %dot_general3A_615 = arith.constant dense<0.000000e+00> : vector<64x32xf32>
    %dot_general3A_616 = tpu.matmul %squeeze3A_614, %concatenate3A_592, %dot_general3A_615 {dimension_numbers = #tpu.dot_dimension_numbers<[1], [0], [0], [1], [0, 0, 1, 1], [], []>, transpose_lhs_hint = false} : vector<64x128xf32>, vector<128x32xf32>, vector<64x32xf32> -> vector<64x32xf32>
    %mul3A_617 = vector.broadcast %convert_element_type3A_311 : vector<1x32xf32> to vector<64x32xf32>
    %mul3A_618 = arith.mulf %dot_general3A_616, %mul3A_617 : vector<64x32xf32>
    %add3A_619 = arith.addf %add3A_612, %mul3A_618 : vector<64x32xf32>
    %slice3A_620 = vector.extract_strided_slice %div3A_172 {offsets = [6, 0, 0], sizes = [1, 64, 4], strides = [1, 1, 1]} : vector<32x64x4xf32> to vector<1x64x4xf32>
    %squeeze3A_621 = vector.shape_cast %slice3A_620 : vector<1x64x4xf32> to vector<64x4xf32>
    %dot_general3A_622 = arith.constant dense<0.000000e+00> : vector<64x32xf32>
    %dot_general3A_623 = tpu.matmul %squeeze3A_621, %concatenate3A_312, %dot_general3A_622 {dimension_numbers = #tpu.dot_dimension_numbers<[1], [0], [0], [1], [0, 0, 1, 1], [], []>, transpose_lhs_hint = false} : vector<64x4xf32>, vector<4x32xf32>, vector<64x32xf32> -> vector<64x32xf32>
    %mul3A_624 = arith.mulf %add3A_619, %dot_general3A_623 : vector<64x32xf32>
    %add3A_625 = vector.broadcast %get3A_31 : vector<1x32xf32> to vector<64x32xf32>
    %add3A_626 = arith.addf %mul3A_624, %add3A_625 : vector<64x32xf32>
    %ge3A_627 = arith.constant 0.000000e+00 : f32
    %ge3A_628 = vector.broadcast %ge3A_627 : f32 to vector<64x32xf32>
    %ge3A_629 = arith.cmpf oge, %add3A_626, %ge3A_628 : vector<64x32xf32>
    %mul3A_630 = arith.constant 2.000000e-01 : f32
    %mul3A_631 = vector.broadcast %mul3A_630 : f32 to vector<64x32xf32>
    %mul3A_632 = arith.mulf %mul3A_631, %add3A_626 : vector<64x32xf32>
    %select_n3A_633 = arith.select %ge3A_629, %add3A_626, %mul3A_632 : vector<64x32xi1>, vector<64x32xf32>
    %slice3A_634 = vector.extract_strided_slice %reshape3A_23 {offsets = [7, 0, 0], sizes = [1, 64, 32], strides = [1, 1, 1]} : vector<32x64x32xf32> to vector<1x64x32xf32>
    %squeeze3A_635 = vector.shape_cast %slice3A_634 : vector<1x64x32xf32> to vector<64x32xf32>
    %broadcast_in_dim3A_636 = arith.constant 0.000000e+00 : f32
    %broadcast_in_dim3A_637 = vector.broadcast %broadcast_in_dim3A_636 : f32 to vector<64x32xf32>
    %concatenate3A_638 = tpu.concatenate %squeeze3A_635, %broadcast_in_dim3A_637 in 0 : vector<64x32xf32>, vector<64x32xf32> -> vector<128x32xf32>
    %slice3A_639 = vector.extract_strided_slice %mul3A_59 {offsets = [7, 0, 0], sizes = [1, 64, 128], strides = [1, 1, 1]} : vector<32x64x128xf32> to vector<1x64x128xf32>
    %squeeze3A_640 = vector.shape_cast %slice3A_639 : vector<1x64x128xf32> to vector<64x128xf32>
    %dot_general3A_641 = arith.constant dense<0.000000e+00> : vector<64x32xf32>
    %dot_general3A_642 = tpu.matmul %squeeze3A_640, %concatenate3A_638, %dot_general3A_641 {dimension_numbers = #tpu.dot_dimension_numbers<[1], [0], [0], [1], [0, 0, 1, 1], [], []>, transpose_lhs_hint = false} : vector<64x128xf32>, vector<128x32xf32>, vector<64x32xf32> -> vector<64x32xf32>
    %mul3A_643 = vector.broadcast %convert_element_type3A_200 : vector<1x32xf32> to vector<64x32xf32>
    %mul3A_644 = arith.mulf %dot_general3A_642, %mul3A_643 : vector<64x32xf32>
    %slice3A_645 = vector.extract_strided_slice %mul3A_93 {offsets = [7, 0, 0], sizes = [1, 64, 128], strides = [1, 1, 1]} : vector<32x64x128xf32> to vector<1x64x128xf32>
    %squeeze3A_646 = vector.shape_cast %slice3A_645 : vector<1x64x128xf32> to vector<64x128xf32>
    %dot_general3A_647 = arith.constant dense<0.000000e+00> : vector<64x32xf32>
    %dot_general3A_648 = tpu.matmul %squeeze3A_646, %concatenate3A_638, %dot_general3A_647 {dimension_numbers = #tpu.dot_dimension_numbers<[1], [0], [0], [1], [0, 0, 1, 1], [], []>, transpose_lhs_hint = false} : vector<64x128xf32>, vector<128x32xf32>, vector<64x32xf32> -> vector<64x32xf32>
    %mul3A_649 = vector.broadcast %convert_element_type3A_237 : vector<1x32xf32> to vector<64x32xf32>
    %mul3A_650 = arith.mulf %dot_general3A_648, %mul3A_649 : vector<64x32xf32>
    %add3A_651 = arith.addf %mul3A_644, %mul3A_650 : vector<64x32xf32>
    %slice3A_652 = vector.extract_strided_slice %mul3A_128 {offsets = [7, 0, 0], sizes = [1, 64, 128], strides = [1, 1, 1]} : vector<32x64x128xf32> to vector<1x64x128xf32>
    %squeeze3A_653 = vector.shape_cast %slice3A_652 : vector<1x64x128xf32> to vector<64x128xf32>
    %dot_general3A_654 = arith.constant dense<0.000000e+00> : vector<64x32xf32>
    %dot_general3A_655 = tpu.matmul %squeeze3A_653, %concatenate3A_638, %dot_general3A_654 {dimension_numbers = #tpu.dot_dimension_numbers<[1], [0], [0], [1], [0, 0, 1, 1], [], []>, transpose_lhs_hint = false} : vector<64x128xf32>, vector<128x32xf32>, vector<64x32xf32> -> vector<64x32xf32>
    %mul3A_656 = vector.broadcast %convert_element_type3A_274 : vector<1x32xf32> to vector<64x32xf32>
    %mul3A_657 = arith.mulf %dot_general3A_655, %mul3A_656 : vector<64x32xf32>
    %add3A_658 = arith.addf %add3A_651, %mul3A_657 : vector<64x32xf32>
    %slice3A_659 = vector.extract_strided_slice %mul3A_163 {offsets = [7, 0, 0], sizes = [1, 64, 128], strides = [1, 1, 1]} : vector<32x64x128xf32> to vector<1x64x128xf32>
    %squeeze3A_660 = vector.shape_cast %slice3A_659 : vector<1x64x128xf32> to vector<64x128xf32>
    %dot_general3A_661 = arith.constant dense<0.000000e+00> : vector<64x32xf32>
    %dot_general3A_662 = tpu.matmul %squeeze3A_660, %concatenate3A_638, %dot_general3A_661 {dimension_numbers = #tpu.dot_dimension_numbers<[1], [0], [0], [1], [0, 0, 1, 1], [], []>, transpose_lhs_hint = false} : vector<64x128xf32>, vector<128x32xf32>, vector<64x32xf32> -> vector<64x32xf32>
    %mul3A_663 = vector.broadcast %convert_element_type3A_311 : vector<1x32xf32> to vector<64x32xf32>
    %mul3A_664 = arith.mulf %dot_general3A_662, %mul3A_663 : vector<64x32xf32>
    %add3A_665 = arith.addf %add3A_658, %mul3A_664 : vector<64x32xf32>
    %slice3A_666 = vector.extract_strided_slice %div3A_172 {offsets = [7, 0, 0], sizes = [1, 64, 4], strides = [1, 1, 1]} : vector<32x64x4xf32> to vector<1x64x4xf32>
    %squeeze3A_667 = vector.shape_cast %slice3A_666 : vector<1x64x4xf32> to vector<64x4xf32>
    %dot_general3A_668 = arith.constant dense<0.000000e+00> : vector<64x32xf32>
    %dot_general3A_669 = tpu.matmul %squeeze3A_667, %concatenate3A_312, %dot_general3A_668 {dimension_numbers = #tpu.dot_dimension_numbers<[1], [0], [0], [1], [0, 0, 1, 1], [], []>, transpose_lhs_hint = false} : vector<64x4xf32>, vector<4x32xf32>, vector<64x32xf32> -> vector<64x32xf32>
    %mul3A_670 = arith.mulf %add3A_665, %dot_general3A_669 : vector<64x32xf32>
    %add3A_671 = vector.broadcast %get3A_31 : vector<1x32xf32> to vector<64x32xf32>
    %add3A_672 = arith.addf %mul3A_670, %add3A_671 : vector<64x32xf32>
    %ge3A_673 = arith.constant 0.000000e+00 : f32
    %ge3A_674 = vector.broadcast %ge3A_673 : f32 to vector<64x32xf32>
    %ge3A_675 = arith.cmpf oge, %add3A_672, %ge3A_674 : vector<64x32xf32>
    %mul3A_676 = arith.constant 2.000000e-01 : f32
    %mul3A_677 = vector.broadcast %mul3A_676 : f32 to vector<64x32xf32>
    %mul3A_678 = arith.mulf %mul3A_677, %add3A_672 : vector<64x32xf32>
    %select_n3A_679 = arith.select %ge3A_675, %add3A_672, %mul3A_678 : vector<64x32xi1>, vector<64x32xf32>
    %slice3A_680 = vector.extract_strided_slice %reshape3A_23 {offsets = [8, 0, 0], sizes = [1, 64, 32], strides = [1, 1, 1]} : vector<32x64x32xf32> to vector<1x64x32xf32>
    %squeeze3A_681 = vector.shape_cast %slice3A_680 : vector<1x64x32xf32> to vector<64x32xf32>
    %broadcast_in_dim3A_682 = arith.constant 0.000000e+00 : f32
    %broadcast_in_dim3A_683 = vector.broadcast %broadcast_in_dim3A_682 : f32 to vector<64x32xf32>
    %concatenate3A_684 = tpu.concatenate %squeeze3A_681, %broadcast_in_dim3A_683 in 0 : vector<64x32xf32>, vector<64x32xf32> -> vector<128x32xf32>
    %slice3A_685 = vector.extract_strided_slice %mul3A_59 {offsets = [8, 0, 0], sizes = [1, 64, 128], strides = [1, 1, 1]} : vector<32x64x128xf32> to vector<1x64x128xf32>
    %squeeze3A_686 = vector.shape_cast %slice3A_685 : vector<1x64x128xf32> to vector<64x128xf32>
    %dot_general3A_687 = arith.constant dense<0.000000e+00> : vector<64x32xf32>
    %dot_general3A_688 = tpu.matmul %squeeze3A_686, %concatenate3A_684, %dot_general3A_687 {dimension_numbers = #tpu.dot_dimension_numbers<[1], [0], [0], [1], [0, 0, 1, 1], [], []>, transpose_lhs_hint = false} : vector<64x128xf32>, vector<128x32xf32>, vector<64x32xf32> -> vector<64x32xf32>
    %mul3A_689 = vector.broadcast %convert_element_type3A_200 : vector<1x32xf32> to vector<64x32xf32>
    %mul3A_690 = arith.mulf %dot_general3A_688, %mul3A_689 : vector<64x32xf32>
    %slice3A_691 = vector.extract_strided_slice %mul3A_93 {offsets = [8, 0, 0], sizes = [1, 64, 128], strides = [1, 1, 1]} : vector<32x64x128xf32> to vector<1x64x128xf32>
    %squeeze3A_692 = vector.shape_cast %slice3A_691 : vector<1x64x128xf32> to vector<64x128xf32>
    %dot_general3A_693 = arith.constant dense<0.000000e+00> : vector<64x32xf32>
    %dot_general3A_694 = tpu.matmul %squeeze3A_692, %concatenate3A_684, %dot_general3A_693 {dimension_numbers = #tpu.dot_dimension_numbers<[1], [0], [0], [1], [0, 0, 1, 1], [], []>, transpose_lhs_hint = false} : vector<64x128xf32>, vector<128x32xf32>, vector<64x32xf32> -> vector<64x32xf32>
    %mul3A_695 = vector.broadcast %convert_element_type3A_237 : vector<1x32xf32> to vector<64x32xf32>
    %mul3A_696 = arith.mulf %dot_general3A_694, %mul3A_695 : vector<64x32xf32>
    %add3A_697 = arith.addf %mul3A_690, %mul3A_696 : vector<64x32xf32>
    %slice3A_698 = vector.extract_strided_slice %mul3A_128 {offsets = [8, 0, 0], sizes = [1, 64, 128], strides = [1, 1, 1]} : vector<32x64x128xf32> to vector<1x64x128xf32>
    %squeeze3A_699 = vector.shape_cast %slice3A_698 : vector<1x64x128xf32> to vector<64x128xf32>
    %dot_general3A_700 = arith.constant dense<0.000000e+00> : vector<64x32xf32>
    %dot_general3A_701 = tpu.matmul %squeeze3A_699, %concatenate3A_684, %dot_general3A_700 {dimension_numbers = #tpu.dot_dimension_numbers<[1], [0], [0], [1], [0, 0, 1, 1], [], []>, transpose_lhs_hint = false} : vector<64x128xf32>, vector<128x32xf32>, vector<64x32xf32> -> vector<64x32xf32>
    %mul3A_702 = vector.broadcast %convert_element_type3A_274 : vector<1x32xf32> to vector<64x32xf32>
    %mul3A_703 = arith.mulf %dot_general3A_701, %mul3A_702 : vector<64x32xf32>
    %add3A_704 = arith.addf %add3A_697, %mul3A_703 : vector<64x32xf32>
    %slice3A_705 = vector.extract_strided_slice %mul3A_163 {offsets = [8, 0, 0], sizes = [1, 64, 128], strides = [1, 1, 1]} : vector<32x64x128xf32> to vector<1x64x128xf32>
    %squeeze3A_706 = vector.shape_cast %slice3A_705 : vector<1x64x128xf32> to vector<64x128xf32>
    %dot_general3A_707 = arith.constant dense<0.000000e+00> : vector<64x32xf32>
    %dot_general3A_708 = tpu.matmul %squeeze3A_706, %concatenate3A_684, %dot_general3A_707 {dimension_numbers = #tpu.dot_dimension_numbers<[1], [0], [0], [1], [0, 0, 1, 1], [], []>, transpose_lhs_hint = false} : vector<64x128xf32>, vector<128x32xf32>, vector<64x32xf32> -> vector<64x32xf32>
    %mul3A_709 = vector.broadcast %convert_element_type3A_311 : vector<1x32xf32> to vector<64x32xf32>
    %mul3A_710 = arith.mulf %dot_general3A_708, %mul3A_709 : vector<64x32xf32>
    %add3A_711 = arith.addf %add3A_704, %mul3A_710 : vector<64x32xf32>
    %slice3A_712 = vector.extract_strided_slice %div3A_172 {offsets = [8, 0, 0], sizes = [1, 64, 4], strides = [1, 1, 1]} : vector<32x64x4xf32> to vector<1x64x4xf32>
    %squeeze3A_713 = vector.shape_cast %slice3A_712 : vector<1x64x4xf32> to vector<64x4xf32>
    %dot_general3A_714 = arith.constant dense<0.000000e+00> : vector<64x32xf32>
    %dot_general3A_715 = tpu.matmul %squeeze3A_713, %concatenate3A_312, %dot_general3A_714 {dimension_numbers = #tpu.dot_dimension_numbers<[1], [0], [0], [1], [0, 0, 1, 1], [], []>, transpose_lhs_hint = false} : vector<64x4xf32>, vector<4x32xf32>, vector<64x32xf32> -> vector<64x32xf32>
    %mul3A_716 = arith.mulf %add3A_711, %dot_general3A_715 : vector<64x32xf32>
    %add3A_717 = vector.broadcast %get3A_31 : vector<1x32xf32> to vector<64x32xf32>
    %add3A_718 = arith.addf %mul3A_716, %add3A_717 : vector<64x32xf32>
    %ge3A_719 = arith.constant 0.000000e+00 : f32
    %ge3A_720 = vector.broadcast %ge3A_719 : f32 to vector<64x32xf32>
    %ge3A_721 = arith.cmpf oge, %add3A_718, %ge3A_720 : vector<64x32xf32>
    %mul3A_722 = arith.constant 2.000000e-01 : f32
    %mul3A_723 = vector.broadcast %mul3A_722 : f32 to vector<64x32xf32>
    %mul3A_724 = arith.mulf %mul3A_723, %add3A_718 : vector<64x32xf32>
    %select_n3A_725 = arith.select %ge3A_721, %add3A_718, %mul3A_724 : vector<64x32xi1>, vector<64x32xf32>
    %slice3A_726 = vector.extract_strided_slice %reshape3A_23 {offsets = [9, 0, 0], sizes = [1, 64, 32], strides = [1, 1, 1]} : vector<32x64x32xf32> to vector<1x64x32xf32>
    %squeeze3A_727 = vector.shape_cast %slice3A_726 : vector<1x64x32xf32> to vector<64x32xf32>
    %broadcast_in_dim3A_728 = arith.constant 0.000000e+00 : f32
    %broadcast_in_dim3A_729 = vector.broadcast %broadcast_in_dim3A_728 : f32 to vector<64x32xf32>
    %concatenate3A_730 = tpu.concatenate %squeeze3A_727, %broadcast_in_dim3A_729 in 0 : vector<64x32xf32>, vector<64x32xf32> -> vector<128x32xf32>
    %slice3A_731 = vector.extract_strided_slice %mul3A_59 {offsets = [9, 0, 0], sizes = [1, 64, 128], strides = [1, 1, 1]} : vector<32x64x128xf32> to vector<1x64x128xf32>
    %squeeze3A_732 = vector.shape_cast %slice3A_731 : vector<1x64x128xf32> to vector<64x128xf32>
    %dot_general3A_733 = arith.constant dense<0.000000e+00> : vector<64x32xf32>
    %dot_general3A_734 = tpu.matmul %squeeze3A_732, %concatenate3A_730, %dot_general3A_733 {dimension_numbers = #tpu.dot_dimension_numbers<[1], [0], [0], [1], [0, 0, 1, 1], [], []>, transpose_lhs_hint = false} : vector<64x128xf32>, vector<128x32xf32>, vector<64x32xf32> -> vector<64x32xf32>
    %mul3A_735 = vector.broadcast %convert_element_type3A_200 : vector<1x32xf32> to vector<64x32xf32>
    %mul3A_736 = arith.mulf %dot_general3A_734, %mul3A_735 : vector<64x32xf32>
    %slice3A_737 = vector.extract_strided_slice %mul3A_93 {offsets = [9, 0, 0], sizes = [1, 64, 128], strides = [1, 1, 1]} : vector<32x64x128xf32> to vector<1x64x128xf32>
    %squeeze3A_738 = vector.shape_cast %slice3A_737 : vector<1x64x128xf32> to vector<64x128xf32>
    %dot_general3A_739 = arith.constant dense<0.000000e+00> : vector<64x32xf32>
    %dot_general3A_740 = tpu.matmul %squeeze3A_738, %concatenate3A_730, %dot_general3A_739 {dimension_numbers = #tpu.dot_dimension_numbers<[1], [0], [0], [1], [0, 0, 1, 1], [], []>, transpose_lhs_hint = false} : vector<64x128xf32>, vector<128x32xf32>, vector<64x32xf32> -> vector<64x32xf32>
    %mul3A_741 = vector.broadcast %convert_element_type3A_237 : vector<1x32xf32> to vector<64x32xf32>
    %mul3A_742 = arith.mulf %dot_general3A_740, %mul3A_741 : vector<64x32xf32>
    %add3A_743 = arith.addf %mul3A_736, %mul3A_742 : vector<64x32xf32>
    %slice3A_744 = vector.extract_strided_slice %mul3A_128 {offsets = [9, 0, 0], sizes = [1, 64, 128], strides = [1, 1, 1]} : vector<32x64x128xf32> to vector<1x64x128xf32>
    %squeeze3A_745 = vector.shape_cast %slice3A_744 : vector<1x64x128xf32> to vector<64x128xf32>
    %dot_general3A_746 = arith.constant dense<0.000000e+00> : vector<64x32xf32>
    %dot_general3A_747 = tpu.matmul %squeeze3A_745, %concatenate3A_730, %dot_general3A_746 {dimension_numbers = #tpu.dot_dimension_numbers<[1], [0], [0], [1], [0, 0, 1, 1], [], []>, transpose_lhs_hint = false} : vector<64x128xf32>, vector<128x32xf32>, vector<64x32xf32> -> vector<64x32xf32>
    %mul3A_748 = vector.broadcast %convert_element_type3A_274 : vector<1x32xf32> to vector<64x32xf32>
    %mul3A_749 = arith.mulf %dot_general3A_747, %mul3A_748 : vector<64x32xf32>
    %add3A_750 = arith.addf %add3A_743, %mul3A_749 : vector<64x32xf32>
    %slice3A_751 = vector.extract_strided_slice %mul3A_163 {offsets = [9, 0, 0], sizes = [1, 64, 128], strides = [1, 1, 1]} : vector<32x64x128xf32> to vector<1x64x128xf32>
    %squeeze3A_752 = vector.shape_cast %slice3A_751 : vector<1x64x128xf32> to vector<64x128xf32>
    %dot_general3A_753 = arith.constant dense<0.000000e+00> : vector<64x32xf32>
    %dot_general3A_754 = tpu.matmul %squeeze3A_752, %concatenate3A_730, %dot_general3A_753 {dimension_numbers = #tpu.dot_dimension_numbers<[1], [0], [0], [1], [0, 0, 1, 1], [], []>, transpose_lhs_hint = false} : vector<64x128xf32>, vector<128x32xf32>, vector<64x32xf32> -> vector<64x32xf32>
    %mul3A_755 = vector.broadcast %convert_element_type3A_311 : vector<1x32xf32> to vector<64x32xf32>
    %mul3A_756 = arith.mulf %dot_general3A_754, %mul3A_755 : vector<64x32xf32>
    %add3A_757 = arith.addf %add3A_750, %mul3A_756 : vector<64x32xf32>
    %slice3A_758 = vector.extract_strided_slice %div3A_172 {offsets = [9, 0, 0], sizes = [1, 64, 4], strides = [1, 1, 1]} : vector<32x64x4xf32> to vector<1x64x4xf32>
    %squeeze3A_759 = vector.shape_cast %slice3A_758 : vector<1x64x4xf32> to vector<64x4xf32>
    %dot_general3A_760 = arith.constant dense<0.000000e+00> : vector<64x32xf32>
    %dot_general3A_761 = tpu.matmul %squeeze3A_759, %concatenate3A_312, %dot_general3A_760 {dimension_numbers = #tpu.dot_dimension_numbers<[1], [0], [0], [1], [0, 0, 1, 1], [], []>, transpose_lhs_hint = false} : vector<64x4xf32>, vector<4x32xf32>, vector<64x32xf32> -> vector<64x32xf32>
    %mul3A_762 = arith.mulf %add3A_757, %dot_general3A_761 : vector<64x32xf32>
    %add3A_763 = vector.broadcast %get3A_31 : vector<1x32xf32> to vector<64x32xf32>
    %add3A_764 = arith.addf %mul3A_762, %add3A_763 : vector<64x32xf32>
    %ge3A_765 = arith.constant 0.000000e+00 : f32
    %ge3A_766 = vector.broadcast %ge3A_765 : f32 to vector<64x32xf32>
    %ge3A_767 = arith.cmpf oge, %add3A_764, %ge3A_766 : vector<64x32xf32>
    %mul3A_768 = arith.constant 2.000000e-01 : f32
    %mul3A_769 = vector.broadcast %mul3A_768 : f32 to vector<64x32xf32>
    %mul3A_770 = arith.mulf %mul3A_769, %add3A_764 : vector<64x32xf32>
    %select_n3A_771 = arith.select %ge3A_767, %add3A_764, %mul3A_770 : vector<64x32xi1>, vector<64x32xf32>
    %slice3A_772 = vector.extract_strided_slice %reshape3A_23 {offsets = [10, 0, 0], sizes = [1, 64, 32], strides = [1, 1, 1]} : vector<32x64x32xf32> to vector<1x64x32xf32>
    %squeeze3A_773 = vector.shape_cast %slice3A_772 : vector<1x64x32xf32> to vector<64x32xf32>
    %broadcast_in_dim3A_774 = arith.constant 0.000000e+00 : f32
    %broadcast_in_dim3A_775 = vector.broadcast %broadcast_in_dim3A_774 : f32 to vector<64x32xf32>
    %concatenate3A_776 = tpu.concatenate %squeeze3A_773, %broadcast_in_dim3A_775 in 0 : vector<64x32xf32>, vector<64x32xf32> -> vector<128x32xf32>
    %slice3A_777 = vector.extract_strided_slice %mul3A_59 {offsets = [10, 0, 0], sizes = [1, 64, 128], strides = [1, 1, 1]} : vector<32x64x128xf32> to vector<1x64x128xf32>
    %squeeze3A_778 = vector.shape_cast %slice3A_777 : vector<1x64x128xf32> to vector<64x128xf32>
    %dot_general3A_779 = arith.constant dense<0.000000e+00> : vector<64x32xf32>
    %dot_general3A_780 = tpu.matmul %squeeze3A_778, %concatenate3A_776, %dot_general3A_779 {dimension_numbers = #tpu.dot_dimension_numbers<[1], [0], [0], [1], [0, 0, 1, 1], [], []>, transpose_lhs_hint = false} : vector<64x128xf32>, vector<128x32xf32>, vector<64x32xf32> -> vector<64x32xf32>
    %mul3A_781 = vector.broadcast %convert_element_type3A_200 : vector<1x32xf32> to vector<64x32xf32>
    %mul3A_782 = arith.mulf %dot_general3A_780, %mul3A_781 : vector<64x32xf32>
    %slice3A_783 = vector.extract_strided_slice %mul3A_93 {offsets = [10, 0, 0], sizes = [1, 64, 128], strides = [1, 1, 1]} : vector<32x64x128xf32> to vector<1x64x128xf32>
    %squeeze3A_784 = vector.shape_cast %slice3A_783 : vector<1x64x128xf32> to vector<64x128xf32>
    %dot_general3A_785 = arith.constant dense<0.000000e+00> : vector<64x32xf32>
    %dot_general3A_786 = tpu.matmul %squeeze3A_784, %concatenate3A_776, %dot_general3A_785 {dimension_numbers = #tpu.dot_dimension_numbers<[1], [0], [0], [1], [0, 0, 1, 1], [], []>, transpose_lhs_hint = false} : vector<64x128xf32>, vector<128x32xf32>, vector<64x32xf32> -> vector<64x32xf32>
    %mul3A_787 = vector.broadcast %convert_element_type3A_237 : vector<1x32xf32> to vector<64x32xf32>
    %mul3A_788 = arith.mulf %dot_general3A_786, %mul3A_787 : vector<64x32xf32>
    %add3A_789 = arith.addf %mul3A_782, %mul3A_788 : vector<64x32xf32>
    %slice3A_790 = vector.extract_strided_slice %mul3A_128 {offsets = [10, 0, 0], sizes = [1, 64, 128], strides = [1, 1, 1]} : vector<32x64x128xf32> to vector<1x64x128xf32>
    %squeeze3A_791 = vector.shape_cast %slice3A_790 : vector<1x64x128xf32> to vector<64x128xf32>
    %dot_general3A_792 = arith.constant dense<0.000000e+00> : vector<64x32xf32>
    %dot_general3A_793 = tpu.matmul %squeeze3A_791, %concatenate3A_776, %dot_general3A_792 {dimension_numbers = #tpu.dot_dimension_numbers<[1], [0], [0], [1], [0, 0, 1, 1], [], []>, transpose_lhs_hint = false} : vector<64x128xf32>, vector<128x32xf32>, vector<64x32xf32> -> vector<64x32xf32>
    %mul3A_794 = vector.broadcast %convert_element_type3A_274 : vector<1x32xf32> to vector<64x32xf32>
    %mul3A_795 = arith.mulf %dot_general3A_793, %mul3A_794 : vector<64x32xf32>
    %add3A_796 = arith.addf %add3A_789, %mul3A_795 : vector<64x32xf32>
    %slice3A_797 = vector.extract_strided_slice %mul3A_163 {offsets = [10, 0, 0], sizes = [1, 64, 128], strides = [1, 1, 1]} : vector<32x64x128xf32> to vector<1x64x128xf32>
    %squeeze3A_798 = vector.shape_cast %slice3A_797 : vector<1x64x128xf32> to vector<64x128xf32>
    %dot_general3A_799 = arith.constant dense<0.000000e+00> : vector<64x32xf32>
    %dot_general3A_800 = tpu.matmul %squeeze3A_798, %concatenate3A_776, %dot_general3A_799 {dimension_numbers = #tpu.dot_dimension_numbers<[1], [0], [0], [1], [0, 0, 1, 1], [], []>, transpose_lhs_hint = false} : vector<64x128xf32>, vector<128x32xf32>, vector<64x32xf32> -> vector<64x32xf32>
    %mul3A_801 = vector.broadcast %convert_element_type3A_311 : vector<1x32xf32> to vector<64x32xf32>
    %mul3A_802 = arith.mulf %dot_general3A_800, %mul3A_801 : vector<64x32xf32>
    %add3A_803 = arith.addf %add3A_796, %mul3A_802 : vector<64x32xf32>
    %slice3A_804 = vector.extract_strided_slice %div3A_172 {offsets = [10, 0, 0], sizes = [1, 64, 4], strides = [1, 1, 1]} : vector<32x64x4xf32> to vector<1x64x4xf32>
    %squeeze3A_805 = vector.shape_cast %slice3A_804 : vector<1x64x4xf32> to vector<64x4xf32>
    %dot_general3A_806 = arith.constant dense<0.000000e+00> : vector<64x32xf32>
    %dot_general3A_807 = tpu.matmul %squeeze3A_805, %concatenate3A_312, %dot_general3A_806 {dimension_numbers = #tpu.dot_dimension_numbers<[1], [0], [0], [1], [0, 0, 1, 1], [], []>, transpose_lhs_hint = false} : vector<64x4xf32>, vector<4x32xf32>, vector<64x32xf32> -> vector<64x32xf32>
    %mul3A_808 = arith.mulf %add3A_803, %dot_general3A_807 : vector<64x32xf32>
    %add3A_809 = vector.broadcast %get3A_31 : vector<1x32xf32> to vector<64x32xf32>
    %add3A_810 = arith.addf %mul3A_808, %add3A_809 : vector<64x32xf32>
    %ge3A_811 = arith.constant 0.000000e+00 : f32
    %ge3A_812 = vector.broadcast %ge3A_811 : f32 to vector<64x32xf32>
    %ge3A_813 = arith.cmpf oge, %add3A_810, %ge3A_812 : vector<64x32xf32>
    %mul3A_814 = arith.constant 2.000000e-01 : f32
    %mul3A_815 = vector.broadcast %mul3A_814 : f32 to vector<64x32xf32>
    %mul3A_816 = arith.mulf %mul3A_815, %add3A_810 : vector<64x32xf32>
    %select_n3A_817 = arith.select %ge3A_813, %add3A_810, %mul3A_816 : vector<64x32xi1>, vector<64x32xf32>
    %slice3A_818 = vector.extract_strided_slice %reshape3A_23 {offsets = [11, 0, 0], sizes = [1, 64, 32], strides = [1, 1, 1]} : vector<32x64x32xf32> to vector<1x64x32xf32>
    %squeeze3A_819 = vector.shape_cast %slice3A_818 : vector<1x64x32xf32> to vector<64x32xf32>
    %broadcast_in_dim3A_820 = arith.constant 0.000000e+00 : f32
    %broadcast_in_dim3A_821 = vector.broadcast %broadcast_in_dim3A_820 : f32 to vector<64x32xf32>
    %concatenate3A_822 = tpu.concatenate %squeeze3A_819, %broadcast_in_dim3A_821 in 0 : vector<64x32xf32>, vector<64x32xf32> -> vector<128x32xf32>
    %slice3A_823 = vector.extract_strided_slice %mul3A_59 {offsets = [11, 0, 0], sizes = [1, 64, 128], strides = [1, 1, 1]} : vector<32x64x128xf32> to vector<1x64x128xf32>
    %squeeze3A_824 = vector.shape_cast %slice3A_823 : vector<1x64x128xf32> to vector<64x128xf32>
    %dot_general3A_825 = arith.constant dense<0.000000e+00> : vector<64x32xf32>
    %dot_general3A_826 = tpu.matmul %squeeze3A_824, %concatenate3A_822, %dot_general3A_825 {dimension_numbers = #tpu.dot_dimension_numbers<[1], [0], [0], [1], [0, 0, 1, 1], [], []>, transpose_lhs_hint = false} : vector<64x128xf32>, vector<128x32xf32>, vector<64x32xf32> -> vector<64x32xf32>
    %mul3A_827 = vector.broadcast %convert_element_type3A_200 : vector<1x32xf32> to vector<64x32xf32>
    %mul3A_828 = arith.mulf %dot_general3A_826, %mul3A_827 : vector<64x32xf32>
    %slice3A_829 = vector.extract_strided_slice %mul3A_93 {offsets = [11, 0, 0], sizes = [1, 64, 128], strides = [1, 1, 1]} : vector<32x64x128xf32> to vector<1x64x128xf32>
    %squeeze3A_830 = vector.shape_cast %slice3A_829 : vector<1x64x128xf32> to vector<64x128xf32>
    %dot_general3A_831 = arith.constant dense<0.000000e+00> : vector<64x32xf32>
    %dot_general3A_832 = tpu.matmul %squeeze3A_830, %concatenate3A_822, %dot_general3A_831 {dimension_numbers = #tpu.dot_dimension_numbers<[1], [0], [0], [1], [0, 0, 1, 1], [], []>, transpose_lhs_hint = false} : vector<64x128xf32>, vector<128x32xf32>, vector<64x32xf32> -> vector<64x32xf32>
    %mul3A_833 = vector.broadcast %convert_element_type3A_237 : vector<1x32xf32> to vector<64x32xf32>
    %mul3A_834 = arith.mulf %dot_general3A_832, %mul3A_833 : vector<64x32xf32>
    %add3A_835 = arith.addf %mul3A_828, %mul3A_834 : vector<64x32xf32>
    %slice3A_836 = vector.extract_strided_slice %mul3A_128 {offsets = [11, 0, 0], sizes = [1, 64, 128], strides = [1, 1, 1]} : vector<32x64x128xf32> to vector<1x64x128xf32>
    %squeeze3A_837 = vector.shape_cast %slice3A_836 : vector<1x64x128xf32> to vector<64x128xf32>
    %dot_general3A_838 = arith.constant dense<0.000000e+00> : vector<64x32xf32>
    %dot_general3A_839 = tpu.matmul %squeeze3A_837, %concatenate3A_822, %dot_general3A_838 {dimension_numbers = #tpu.dot_dimension_numbers<[1], [0], [0], [1], [0, 0, 1, 1], [], []>, transpose_lhs_hint = false} : vector<64x128xf32>, vector<128x32xf32>, vector<64x32xf32> -> vector<64x32xf32>
    %mul3A_840 = vector.broadcast %convert_element_type3A_274 : vector<1x32xf32> to vector<64x32xf32>
    %mul3A_841 = arith.mulf %dot_general3A_839, %mul3A_840 : vector<64x32xf32>
    %add3A_842 = arith.addf %add3A_835, %mul3A_841 : vector<64x32xf32>
    %slice3A_843 = vector.extract_strided_slice %mul3A_163 {offsets = [11, 0, 0], sizes = [1, 64, 128], strides = [1, 1, 1]} : vector<32x64x128xf32> to vector<1x64x128xf32>
    %squeeze3A_844 = vector.shape_cast %slice3A_843 : vector<1x64x128xf32> to vector<64x128xf32>
    %dot_general3A_845 = arith.constant dense<0.000000e+00> : vector<64x32xf32>
    %dot_general3A_846 = tpu.matmul %squeeze3A_844, %concatenate3A_822, %dot_general3A_845 {dimension_numbers = #tpu.dot_dimension_numbers<[1], [0], [0], [1], [0, 0, 1, 1], [], []>, transpose_lhs_hint = false} : vector<64x128xf32>, vector<128x32xf32>, vector<64x32xf32> -> vector<64x32xf32>
    %mul3A_847 = vector.broadcast %convert_element_type3A_311 : vector<1x32xf32> to vector<64x32xf32>
    %mul3A_848 = arith.mulf %dot_general3A_846, %mul3A_847 : vector<64x32xf32>
    %add3A_849 = arith.addf %add3A_842, %mul3A_848 : vector<64x32xf32>
    %slice3A_850 = vector.extract_strided_slice %div3A_172 {offsets = [11, 0, 0], sizes = [1, 64, 4], strides = [1, 1, 1]} : vector<32x64x4xf32> to vector<1x64x4xf32>
    %squeeze3A_851 = vector.shape_cast %slice3A_850 : vector<1x64x4xf32> to vector<64x4xf32>
    %dot_general3A_852 = arith.constant dense<0.000000e+00> : vector<64x32xf32>
    %dot_general3A_853 = tpu.matmul %squeeze3A_851, %concatenate3A_312, %dot_general3A_852 {dimension_numbers = #tpu.dot_dimension_numbers<[1], [0], [0], [1], [0, 0, 1, 1], [], []>, transpose_lhs_hint = false} : vector<64x4xf32>, vector<4x32xf32>, vector<64x32xf32> -> vector<64x32xf32>
    %mul3A_854 = arith.mulf %add3A_849, %dot_general3A_853 : vector<64x32xf32>
    %add3A_855 = vector.broadcast %get3A_31 : vector<1x32xf32> to vector<64x32xf32>
    %add3A_856 = arith.addf %mul3A_854, %add3A_855 : vector<64x32xf32>
    %ge3A_857 = arith.constant 0.000000e+00 : f32
    %ge3A_858 = vector.broadcast %ge3A_857 : f32 to vector<64x32xf32>
    %ge3A_859 = arith.cmpf oge, %add3A_856, %ge3A_858 : vector<64x32xf32>
    %mul3A_860 = arith.constant 2.000000e-01 : f32
    %mul3A_861 = vector.broadcast %mul3A_860 : f32 to vector<64x32xf32>
    %mul3A_862 = arith.mulf %mul3A_861, %add3A_856 : vector<64x32xf32>
    %select_n3A_863 = arith.select %ge3A_859, %add3A_856, %mul3A_862 : vector<64x32xi1>, vector<64x32xf32>
    %slice3A_864 = vector.extract_strided_slice %reshape3A_23 {offsets = [12, 0, 0], sizes = [1, 64, 32], strides = [1, 1, 1]} : vector<32x64x32xf32> to vector<1x64x32xf32>
    %squeeze3A_865 = vector.shape_cast %slice3A_864 : vector<1x64x32xf32> to vector<64x32xf32>
    %broadcast_in_dim3A_866 = arith.constant 0.000000e+00 : f32
    %broadcast_in_dim3A_867 = vector.broadcast %broadcast_in_dim3A_866 : f32 to vector<64x32xf32>
    %concatenate3A_868 = tpu.concatenate %squeeze3A_865, %broadcast_in_dim3A_867 in 0 : vector<64x32xf32>, vector<64x32xf32> -> vector<128x32xf32>
    %slice3A_869 = vector.extract_strided_slice %mul3A_59 {offsets = [12, 0, 0], sizes = [1, 64, 128], strides = [1, 1, 1]} : vector<32x64x128xf32> to vector<1x64x128xf32>
    %squeeze3A_870 = vector.shape_cast %slice3A_869 : vector<1x64x128xf32> to vector<64x128xf32>
    %dot_general3A_871 = arith.constant dense<0.000000e+00> : vector<64x32xf32>
    %dot_general3A_872 = tpu.matmul %squeeze3A_870, %concatenate3A_868, %dot_general3A_871 {dimension_numbers = #tpu.dot_dimension_numbers<[1], [0], [0], [1], [0, 0, 1, 1], [], []>, transpose_lhs_hint = false} : vector<64x128xf32>, vector<128x32xf32>, vector<64x32xf32> -> vector<64x32xf32>
    %mul3A_873 = vector.broadcast %convert_element_type3A_200 : vector<1x32xf32> to vector<64x32xf32>
    %mul3A_874 = arith.mulf %dot_general3A_872, %mul3A_873 : vector<64x32xf32>
    %slice3A_875 = vector.extract_strided_slice %mul3A_93 {offsets = [12, 0, 0], sizes = [1, 64, 128], strides = [1, 1, 1]} : vector<32x64x128xf32> to vector<1x64x128xf32>
    %squeeze3A_876 = vector.shape_cast %slice3A_875 : vector<1x64x128xf32> to vector<64x128xf32>
    %dot_general3A_877 = arith.constant dense<0.000000e+00> : vector<64x32xf32>
    %dot_general3A_878 = tpu.matmul %squeeze3A_876, %concatenate3A_868, %dot_general3A_877 {dimension_numbers = #tpu.dot_dimension_numbers<[1], [0], [0], [1], [0, 0, 1, 1], [], []>, transpose_lhs_hint = false} : vector<64x128xf32>, vector<128x32xf32>, vector<64x32xf32> -> vector<64x32xf32>
    %mul3A_879 = vector.broadcast %convert_element_type3A_237 : vector<1x32xf32> to vector<64x32xf32>
    %mul3A_880 = arith.mulf %dot_general3A_878, %mul3A_879 : vector<64x32xf32>
    %add3A_881 = arith.addf %mul3A_874, %mul3A_880 : vector<64x32xf32>
    %slice3A_882 = vector.extract_strided_slice %mul3A_128 {offsets = [12, 0, 0], sizes = [1, 64, 128], strides = [1, 1, 1]} : vector<32x64x128xf32> to vector<1x64x128xf32>
    %squeeze3A_883 = vector.shape_cast %slice3A_882 : vector<1x64x128xf32> to vector<64x128xf32>
    %dot_general3A_884 = arith.constant dense<0.000000e+00> : vector<64x32xf32>
    %dot_general3A_885 = tpu.matmul %squeeze3A_883, %concatenate3A_868, %dot_general3A_884 {dimension_numbers = #tpu.dot_dimension_numbers<[1], [0], [0], [1], [0, 0, 1, 1], [], []>, transpose_lhs_hint = false} : vector<64x128xf32>, vector<128x32xf32>, vector<64x32xf32> -> vector<64x32xf32>
    %mul3A_886 = vector.broadcast %convert_element_type3A_274 : vector<1x32xf32> to vector<64x32xf32>
    %mul3A_887 = arith.mulf %dot_general3A_885, %mul3A_886 : vector<64x32xf32>
    %add3A_888 = arith.addf %add3A_881, %mul3A_887 : vector<64x32xf32>
    %slice3A_889 = vector.extract_strided_slice %mul3A_163 {offsets = [12, 0, 0], sizes = [1, 64, 128], strides = [1, 1, 1]} : vector<32x64x128xf32> to vector<1x64x128xf32>
    %squeeze3A_890 = vector.shape_cast %slice3A_889 : vector<1x64x128xf32> to vector<64x128xf32>
    %dot_general3A_891 = arith.constant dense<0.000000e+00> : vector<64x32xf32>
    %dot_general3A_892 = tpu.matmul %squeeze3A_890, %concatenate3A_868, %dot_general3A_891 {dimension_numbers = #tpu.dot_dimension_numbers<[1], [0], [0], [1], [0, 0, 1, 1], [], []>, transpose_lhs_hint = false} : vector<64x128xf32>, vector<128x32xf32>, vector<64x32xf32> -> vector<64x32xf32>
    %mul3A_893 = vector.broadcast %convert_element_type3A_311 : vector<1x32xf32> to vector<64x32xf32>
    %mul3A_894 = arith.mulf %dot_general3A_892, %mul3A_893 : vector<64x32xf32>
    %add3A_895 = arith.addf %add3A_888, %mul3A_894 : vector<64x32xf32>
    %slice3A_896 = vector.extract_strided_slice %div3A_172 {offsets = [12, 0, 0], sizes = [1, 64, 4], strides = [1, 1, 1]} : vector<32x64x4xf32> to vector<1x64x4xf32>
    %squeeze3A_897 = vector.shape_cast %slice3A_896 : vector<1x64x4xf32> to vector<64x4xf32>
    %dot_general3A_898 = arith.constant dense<0.000000e+00> : vector<64x32xf32>
    %dot_general3A_899 = tpu.matmul %squeeze3A_897, %concatenate3A_312, %dot_general3A_898 {dimension_numbers = #tpu.dot_dimension_numbers<[1], [0], [0], [1], [0, 0, 1, 1], [], []>, transpose_lhs_hint = false} : vector<64x4xf32>, vector<4x32xf32>, vector<64x32xf32> -> vector<64x32xf32>
    %mul3A_900 = arith.mulf %add3A_895, %dot_general3A_899 : vector<64x32xf32>
    %add3A_901 = vector.broadcast %get3A_31 : vector<1x32xf32> to vector<64x32xf32>
    %add3A_902 = arith.addf %mul3A_900, %add3A_901 : vector<64x32xf32>
    %ge3A_903 = arith.constant 0.000000e+00 : f32
    %ge3A_904 = vector.broadcast %ge3A_903 : f32 to vector<64x32xf32>
    %ge3A_905 = arith.cmpf oge, %add3A_902, %ge3A_904 : vector<64x32xf32>
    %mul3A_906 = arith.constant 2.000000e-01 : f32
    %mul3A_907 = vector.broadcast %mul3A_906 : f32 to vector<64x32xf32>
    %mul3A_908 = arith.mulf %mul3A_907, %add3A_902 : vector<64x32xf32>
    %select_n3A_909 = arith.select %ge3A_905, %add3A_902, %mul3A_908 : vector<64x32xi1>, vector<64x32xf32>
    %slice3A_910 = vector.extract_strided_slice %reshape3A_23 {offsets = [13, 0, 0], sizes = [1, 64, 32], strides = [1, 1, 1]} : vector<32x64x32xf32> to vector<1x64x32xf32>
    %squeeze3A_911 = vector.shape_cast %slice3A_910 : vector<1x64x32xf32> to vector<64x32xf32>
    %broadcast_in_dim3A_912 = arith.constant 0.000000e+00 : f32
    %broadcast_in_dim3A_913 = vector.broadcast %broadcast_in_dim3A_912 : f32 to vector<64x32xf32>
    %concatenate3A_914 = tpu.concatenate %squeeze3A_911, %broadcast_in_dim3A_913 in 0 : vector<64x32xf32>, vector<64x32xf32> -> vector<128x32xf32>
    %slice3A_915 = vector.extract_strided_slice %mul3A_59 {offsets = [13, 0, 0], sizes = [1, 64, 128], strides = [1, 1, 1]} : vector<32x64x128xf32> to vector<1x64x128xf32>
    %squeeze3A_916 = vector.shape_cast %slice3A_915 : vector<1x64x128xf32> to vector<64x128xf32>
    %dot_general3A_917 = arith.constant dense<0.000000e+00> : vector<64x32xf32>
    %dot_general3A_918 = tpu.matmul %squeeze3A_916, %concatenate3A_914, %dot_general3A_917 {dimension_numbers = #tpu.dot_dimension_numbers<[1], [0], [0], [1], [0, 0, 1, 1], [], []>, transpose_lhs_hint = false} : vector<64x128xf32>, vector<128x32xf32>, vector<64x32xf32> -> vector<64x32xf32>
    %mul3A_919 = vector.broadcast %convert_element_type3A_200 : vector<1x32xf32> to vector<64x32xf32>
    %mul3A_920 = arith.mulf %dot_general3A_918, %mul3A_919 : vector<64x32xf32>
    %slice3A_921 = vector.extract_strided_slice %mul3A_93 {offsets = [13, 0, 0], sizes = [1, 64, 128], strides = [1, 1, 1]} : vector<32x64x128xf32> to vector<1x64x128xf32>
    %squeeze3A_922 = vector.shape_cast %slice3A_921 : vector<1x64x128xf32> to vector<64x128xf32>
    %dot_general3A_923 = arith.constant dense<0.000000e+00> : vector<64x32xf32>
    %dot_general3A_924 = tpu.matmul %squeeze3A_922, %concatenate3A_914, %dot_general3A_923 {dimension_numbers = #tpu.dot_dimension_numbers<[1], [0], [0], [1], [0, 0, 1, 1], [], []>, transpose_lhs_hint = false} : vector<64x128xf32>, vector<128x32xf32>, vector<64x32xf32> -> vector<64x32xf32>
    %mul3A_925 = vector.broadcast %convert_element_type3A_237 : vector<1x32xf32> to vector<64x32xf32>
    %mul3A_926 = arith.mulf %dot_general3A_924, %mul3A_925 : vector<64x32xf32>
    %add3A_927 = arith.addf %mul3A_920, %mul3A_926 : vector<64x32xf32>
    %slice3A_928 = vector.extract_strided_slice %mul3A_128 {offsets = [13, 0, 0], sizes = [1, 64, 128], strides = [1, 1, 1]} : vector<32x64x128xf32> to vector<1x64x128xf32>
    %squeeze3A_929 = vector.shape_cast %slice3A_928 : vector<1x64x128xf32> to vector<64x128xf32>
    %dot_general3A_930 = arith.constant dense<0.000000e+00> : vector<64x32xf32>
    %dot_general3A_931 = tpu.matmul %squeeze3A_929, %concatenate3A_914, %dot_general3A_930 {dimension_numbers = #tpu.dot_dimension_numbers<[1], [0], [0], [1], [0, 0, 1, 1], [], []>, transpose_lhs_hint = false} : vector<64x128xf32>, vector<128x32xf32>, vector<64x32xf32> -> vector<64x32xf32>
    %mul3A_932 = vector.broadcast %convert_element_type3A_274 : vector<1x32xf32> to vector<64x32xf32>
    %mul3A_933 = arith.mulf %dot_general3A_931, %mul3A_932 : vector<64x32xf32>
    %add3A_934 = arith.addf %add3A_927, %mul3A_933 : vector<64x32xf32>
    %slice3A_935 = vector.extract_strided_slice %mul3A_163 {offsets = [13, 0, 0], sizes = [1, 64, 128], strides = [1, 1, 1]} : vector<32x64x128xf32> to vector<1x64x128xf32>
    %squeeze3A_936 = vector.shape_cast %slice3A_935 : vector<1x64x128xf32> to vector<64x128xf32>
    %dot_general3A_937 = arith.constant dense<0.000000e+00> : vector<64x32xf32>
    %dot_general3A_938 = tpu.matmul %squeeze3A_936, %concatenate3A_914, %dot_general3A_937 {dimension_numbers = #tpu.dot_dimension_numbers<[1], [0], [0], [1], [0, 0, 1, 1], [], []>, transpose_lhs_hint = false} : vector<64x128xf32>, vector<128x32xf32>, vector<64x32xf32> -> vector<64x32xf32>
    %mul3A_939 = vector.broadcast %convert_element_type3A_311 : vector<1x32xf32> to vector<64x32xf32>
    %mul3A_940 = arith.mulf %dot_general3A_938, %mul3A_939 : vector<64x32xf32>
    %add3A_941 = arith.addf %add3A_934, %mul3A_940 : vector<64x32xf32>
    %slice3A_942 = vector.extract_strided_slice %div3A_172 {offsets = [13, 0, 0], sizes = [1, 64, 4], strides = [1, 1, 1]} : vector<32x64x4xf32> to vector<1x64x4xf32>
    %squeeze3A_943 = vector.shape_cast %slice3A_942 : vector<1x64x4xf32> to vector<64x4xf32>
    %dot_general3A_944 = arith.constant dense<0.000000e+00> : vector<64x32xf32>
    %dot_general3A_945 = tpu.matmul %squeeze3A_943, %concatenate3A_312, %dot_general3A_944 {dimension_numbers = #tpu.dot_dimension_numbers<[1], [0], [0], [1], [0, 0, 1, 1], [], []>, transpose_lhs_hint = false} : vector<64x4xf32>, vector<4x32xf32>, vector<64x32xf32> -> vector<64x32xf32>
    %mul3A_946 = arith.mulf %add3A_941, %dot_general3A_945 : vector<64x32xf32>
    %add3A_947 = vector.broadcast %get3A_31 : vector<1x32xf32> to vector<64x32xf32>
    %add3A_948 = arith.addf %mul3A_946, %add3A_947 : vector<64x32xf32>
    %ge3A_949 = arith.constant 0.000000e+00 : f32
    %ge3A_950 = vector.broadcast %ge3A_949 : f32 to vector<64x32xf32>
    %ge3A_951 = arith.cmpf oge, %add3A_948, %ge3A_950 : vector<64x32xf32>
    %mul3A_952 = arith.constant 2.000000e-01 : f32
    %mul3A_953 = vector.broadcast %mul3A_952 : f32 to vector<64x32xf32>
    %mul3A_954 = arith.mulf %mul3A_953, %add3A_948 : vector<64x32xf32>
    %select_n3A_955 = arith.select %ge3A_951, %add3A_948, %mul3A_954 : vector<64x32xi1>, vector<64x32xf32>
    %slice3A_956 = vector.extract_strided_slice %reshape3A_23 {offsets = [14, 0, 0], sizes = [1, 64, 32], strides = [1, 1, 1]} : vector<32x64x32xf32> to vector<1x64x32xf32>
    %squeeze3A_957 = vector.shape_cast %slice3A_956 : vector<1x64x32xf32> to vector<64x32xf32>
    %broadcast_in_dim3A_958 = arith.constant 0.000000e+00 : f32
    %broadcast_in_dim3A_959 = vector.broadcast %broadcast_in_dim3A_958 : f32 to vector<64x32xf32>
    %concatenate3A_960 = tpu.concatenate %squeeze3A_957, %broadcast_in_dim3A_959 in 0 : vector<64x32xf32>, vector<64x32xf32> -> vector<128x32xf32>
    %slice3A_961 = vector.extract_strided_slice %mul3A_59 {offsets = [14, 0, 0], sizes = [1, 64, 128], strides = [1, 1, 1]} : vector<32x64x128xf32> to vector<1x64x128xf32>
    %squeeze3A_962 = vector.shape_cast %slice3A_961 : vector<1x64x128xf32> to vector<64x128xf32>
    %dot_general3A_963 = arith.constant dense<0.000000e+00> : vector<64x32xf32>
    %dot_general3A_964 = tpu.matmul %squeeze3A_962, %concatenate3A_960, %dot_general3A_963 {dimension_numbers = #tpu.dot_dimension_numbers<[1], [0], [0], [1], [0, 0, 1, 1], [], []>, transpose_lhs_hint = false} : vector<64x128xf32>, vector<128x32xf32>, vector<64x32xf32> -> vector<64x32xf32>
    %mul3A_965 = vector.broadcast %convert_element_type3A_200 : vector<1x32xf32> to vector<64x32xf32>
    %mul3A_966 = arith.mulf %dot_general3A_964, %mul3A_965 : vector<64x32xf32>
    %slice3A_967 = vector.extract_strided_slice %mul3A_93 {offsets = [14, 0, 0], sizes = [1, 64, 128], strides = [1, 1, 1]} : vector<32x64x128xf32> to vector<1x64x128xf32>
    %squeeze3A_968 = vector.shape_cast %slice3A_967 : vector<1x64x128xf32> to vector<64x128xf32>
    %dot_general3A_969 = arith.constant dense<0.000000e+00> : vector<64x32xf32>
    %dot_general3A_970 = tpu.matmul %squeeze3A_968, %concatenate3A_960, %dot_general3A_969 {dimension_numbers = #tpu.dot_dimension_numbers<[1], [0], [0], [1], [0, 0, 1, 1], [], []>, transpose_lhs_hint = false} : vector<64x128xf32>, vector<128x32xf32>, vector<64x32xf32> -> vector<64x32xf32>
    %mul3A_971 = vector.broadcast %convert_element_type3A_237 : vector<1x32xf32> to vector<64x32xf32>
    %mul3A_972 = arith.mulf %dot_general3A_970, %mul3A_971 : vector<64x32xf32>
    %add3A_973 = arith.addf %mul3A_966, %mul3A_972 : vector<64x32xf32>
    %slice3A_974 = vector.extract_strided_slice %mul3A_128 {offsets = [14, 0, 0], sizes = [1, 64, 128], strides = [1, 1, 1]} : vector<32x64x128xf32> to vector<1x64x128xf32>
    %squeeze3A_975 = vector.shape_cast %slice3A_974 : vector<1x64x128xf32> to vector<64x128xf32>
    %dot_general3A_976 = arith.constant dense<0.000000e+00> : vector<64x32xf32>
    %dot_general3A_977 = tpu.matmul %squeeze3A_975, %concatenate3A_960, %dot_general3A_976 {dimension_numbers = #tpu.dot_dimension_numbers<[1], [0], [0], [1], [0, 0, 1, 1], [], []>, transpose_lhs_hint = false} : vector<64x128xf32>, vector<128x32xf32>, vector<64x32xf32> -> vector<64x32xf32>
    %mul3A_978 = vector.broadcast %convert_element_type3A_274 : vector<1x32xf32> to vector<64x32xf32>
    %mul3A_979 = arith.mulf %dot_general3A_977, %mul3A_978 : vector<64x32xf32>
    %add3A_980 = arith.addf %add3A_973, %mul3A_979 : vector<64x32xf32>
    %slice3A_981 = vector.extract_strided_slice %mul3A_163 {offsets = [14, 0, 0], sizes = [1, 64, 128], strides = [1, 1, 1]} : vector<32x64x128xf32> to vector<1x64x128xf32>
    %squeeze3A_982 = vector.shape_cast %slice3A_981 : vector<1x64x128xf32> to vector<64x128xf32>
    %dot_general3A_983 = arith.constant dense<0.000000e+00> : vector<64x32xf32>
    %dot_general3A_984 = tpu.matmul %squeeze3A_982, %concatenate3A_960, %dot_general3A_983 {dimension_numbers = #tpu.dot_dimension_numbers<[1], [0], [0], [1], [0, 0, 1, 1], [], []>, transpose_lhs_hint = false} : vector<64x128xf32>, vector<128x32xf32>, vector<64x32xf32> -> vector<64x32xf32>
    %mul3A_985 = vector.broadcast %convert_element_type3A_311 : vector<1x32xf32> to vector<64x32xf32>
    %mul3A_986 = arith.mulf %dot_general3A_984, %mul3A_985 : vector<64x32xf32>
    %add3A_987 = arith.addf %add3A_980, %mul3A_986 : vector<64x32xf32>
    %slice3A_988 = vector.extract_strided_slice %div3A_172 {offsets = [14, 0, 0], sizes = [1, 64, 4], strides = [1, 1, 1]} : vector<32x64x4xf32> to vector<1x64x4xf32>
    %squeeze3A_989 = vector.shape_cast %slice3A_988 : vector<1x64x4xf32> to vector<64x4xf32>
    %dot_general3A_990 = arith.constant dense<0.000000e+00> : vector<64x32xf32>
    %dot_general3A_991 = tpu.matmul %squeeze3A_989, %concatenate3A_312, %dot_general3A_990 {dimension_numbers = #tpu.dot_dimension_numbers<[1], [0], [0], [1], [0, 0, 1, 1], [], []>, transpose_lhs_hint = false} : vector<64x4xf32>, vector<4x32xf32>, vector<64x32xf32> -> vector<64x32xf32>
    %mul3A_992 = arith.mulf %add3A_987, %dot_general3A_991 : vector<64x32xf32>
    %add3A_993 = vector.broadcast %get3A_31 : vector<1x32xf32> to vector<64x32xf32>
    %add3A_994 = arith.addf %mul3A_992, %add3A_993 : vector<64x32xf32>
    %ge3A_995 = arith.constant 0.000000e+00 : f32
    %ge3A_996 = vector.broadcast %ge3A_995 : f32 to vector<64x32xf32>
    %ge3A_997 = arith.cmpf oge, %add3A_994, %ge3A_996 : vector<64x32xf32>
    %mul3A_998 = arith.constant 2.000000e-01 : f32
    %mul3A_999 = vector.broadcast %mul3A_998 : f32 to vector<64x32xf32>
    %mul3A_1000 = arith.mulf %mul3A_999, %add3A_994 : vector<64x32xf32>
    %select_n3A_1001 = arith.select %ge3A_997, %add3A_994, %mul3A_1000 : vector<64x32xi1>, vector<64x32xf32>
    %slice3A_1002 = vector.extract_strided_slice %reshape3A_23 {offsets = [15, 0, 0], sizes = [1, 64, 32], strides = [1, 1, 1]} : vector<32x64x32xf32> to vector<1x64x32xf32>
    %squeeze3A_1003 = vector.shape_cast %slice3A_1002 : vector<1x64x32xf32> to vector<64x32xf32>
    %broadcast_in_dim3A_1004 = arith.constant 0.000000e+00 : f32
    %broadcast_in_dim3A_1005 = vector.broadcast %broadcast_in_dim3A_1004 : f32 to vector<64x32xf32>
    %concatenate3A_1006 = tpu.concatenate %squeeze3A_1003, %broadcast_in_dim3A_1005 in 0 : vector<64x32xf32>, vector<64x32xf32> -> vector<128x32xf32>
    %slice3A_1007 = vector.extract_strided_slice %mul3A_59 {offsets = [15, 0, 0], sizes = [1, 64, 128], strides = [1, 1, 1]} : vector<32x64x128xf32> to vector<1x64x128xf32>
    %squeeze3A_1008 = vector.shape_cast %slice3A_1007 : vector<1x64x128xf32> to vector<64x128xf32>
    %dot_general3A_1009 = arith.constant dense<0.000000e+00> : vector<64x32xf32>
    %dot_general3A_1010 = tpu.matmul %squeeze3A_1008, %concatenate3A_1006, %dot_general3A_1009 {dimension_numbers = #tpu.dot_dimension_numbers<[1], [0], [0], [1], [0, 0, 1, 1], [], []>, transpose_lhs_hint = false} : vector<64x128xf32>, vector<128x32xf32>, vector<64x32xf32> -> vector<64x32xf32>
    %mul3A_1011 = vector.broadcast %convert_element_type3A_200 : vector<1x32xf32> to vector<64x32xf32>
    %mul3A_1012 = arith.mulf %dot_general3A_1010, %mul3A_1011 : vector<64x32xf32>
    %slice3A_1013 = vector.extract_strided_slice %mul3A_93 {offsets = [15, 0, 0], sizes = [1, 64, 128], strides = [1, 1, 1]} : vector<32x64x128xf32> to vector<1x64x128xf32>
    %squeeze3A_1014 = vector.shape_cast %slice3A_1013 : vector<1x64x128xf32> to vector<64x128xf32>
    %dot_general3A_1015 = arith.constant dense<0.000000e+00> : vector<64x32xf32>
    %dot_general3A_1016 = tpu.matmul %squeeze3A_1014, %concatenate3A_1006, %dot_general3A_1015 {dimension_numbers = #tpu.dot_dimension_numbers<[1], [0], [0], [1], [0, 0, 1, 1], [], []>, transpose_lhs_hint = false} : vector<64x128xf32>, vector<128x32xf32>, vector<64x32xf32> -> vector<64x32xf32>
    %mul3A_1017 = vector.broadcast %convert_element_type3A_237 : vector<1x32xf32> to vector<64x32xf32>
    %mul3A_1018 = arith.mulf %dot_general3A_1016, %mul3A_1017 : vector<64x32xf32>
    %add3A_1019 = arith.addf %mul3A_1012, %mul3A_1018 : vector<64x32xf32>
    %slice3A_1020 = vector.extract_strided_slice %mul3A_128 {offsets = [15, 0, 0], sizes = [1, 64, 128], strides = [1, 1, 1]} : vector<32x64x128xf32> to vector<1x64x128xf32>
    %squeeze3A_1021 = vector.shape_cast %slice3A_1020 : vector<1x64x128xf32> to vector<64x128xf32>
    %dot_general3A_1022 = arith.constant dense<0.000000e+00> : vector<64x32xf32>
    %dot_general3A_1023 = tpu.matmul %squeeze3A_1021, %concatenate3A_1006, %dot_general3A_1022 {dimension_numbers = #tpu.dot_dimension_numbers<[1], [0], [0], [1], [0, 0, 1, 1], [], []>, transpose_lhs_hint = false} : vector<64x128xf32>, vector<128x32xf32>, vector<64x32xf32> -> vector<64x32xf32>
    %mul3A_1024 = vector.broadcast %convert_element_type3A_274 : vector<1x32xf32> to vector<64x32xf32>
    %mul3A_1025 = arith.mulf %dot_general3A_1023, %mul3A_1024 : vector<64x32xf32>
    %add3A_1026 = arith.addf %add3A_1019, %mul3A_1025 : vector<64x32xf32>
    %slice3A_1027 = vector.extract_strided_slice %mul3A_163 {offsets = [15, 0, 0], sizes = [1, 64, 128], strides = [1, 1, 1]} : vector<32x64x128xf32> to vector<1x64x128xf32>
    %squeeze3A_1028 = vector.shape_cast %slice3A_1027 : vector<1x64x128xf32> to vector<64x128xf32>
    %dot_general3A_1029 = arith.constant dense<0.000000e+00> : vector<64x32xf32>
    %dot_general3A_1030 = tpu.matmul %squeeze3A_1028, %concatenate3A_1006, %dot_general3A_1029 {dimension_numbers = #tpu.dot_dimension_numbers<[1], [0], [0], [1], [0, 0, 1, 1], [], []>, transpose_lhs_hint = false} : vector<64x128xf32>, vector<128x32xf32>, vector<64x32xf32> -> vector<64x32xf32>
    %mul3A_1031 = vector.broadcast %convert_element_type3A_311 : vector<1x32xf32> to vector<64x32xf32>
    %mul3A_1032 = arith.mulf %dot_general3A_1030, %mul3A_1031 : vector<64x32xf32>
    %add3A_1033 = arith.addf %add3A_1026, %mul3A_1032 : vector<64x32xf32>
    %slice3A_1034 = vector.extract_strided_slice %div3A_172 {offsets = [15, 0, 0], sizes = [1, 64, 4], strides = [1, 1, 1]} : vector<32x64x4xf32> to vector<1x64x4xf32>
    %squeeze3A_1035 = vector.shape_cast %slice3A_1034 : vector<1x64x4xf32> to vector<64x4xf32>
    %dot_general3A_1036 = arith.constant dense<0.000000e+00> : vector<64x32xf32>
    %dot_general3A_1037 = tpu.matmul %squeeze3A_1035, %concatenate3A_312, %dot_general3A_1036 {dimension_numbers = #tpu.dot_dimension_numbers<[1], [0], [0], [1], [0, 0, 1, 1], [], []>, transpose_lhs_hint = false} : vector<64x4xf32>, vector<4x32xf32>, vector<64x32xf32> -> vector<64x32xf32>
    %mul3A_1038 = arith.mulf %add3A_1033, %dot_general3A_1037 : vector<64x32xf32>
    %add3A_1039 = vector.broadcast %get3A_31 : vector<1x32xf32> to vector<64x32xf32>
    %add3A_1040 = arith.addf %mul3A_1038, %add3A_1039 : vector<64x32xf32>
    %ge3A_1041 = arith.constant 0.000000e+00 : f32
    %ge3A_1042 = vector.broadcast %ge3A_1041 : f32 to vector<64x32xf32>
    %ge3A_1043 = arith.cmpf oge, %add3A_1040, %ge3A_1042 : vector<64x32xf32>
    %mul3A_1044 = arith.constant 2.000000e-01 : f32
    %mul3A_1045 = vector.broadcast %mul3A_1044 : f32 to vector<64x32xf32>
    %mul3A_1046 = arith.mulf %mul3A_1045, %add3A_1040 : vector<64x32xf32>
    %select_n3A_1047 = arith.select %ge3A_1043, %add3A_1040, %mul3A_1046 : vector<64x32xi1>, vector<64x32xf32>
    %slice3A_1048 = vector.extract_strided_slice %reshape3A_23 {offsets = [16, 0, 0], sizes = [1, 64, 32], strides = [1, 1, 1]} : vector<32x64x32xf32> to vector<1x64x32xf32>
    %squeeze3A_1049 = vector.shape_cast %slice3A_1048 : vector<1x64x32xf32> to vector<64x32xf32>
    %broadcast_in_dim3A_1050 = arith.constant 0.000000e+00 : f32
    %broadcast_in_dim3A_1051 = vector.broadcast %broadcast_in_dim3A_1050 : f32 to vector<64x32xf32>
    %concatenate3A_1052 = tpu.concatenate %squeeze3A_1049, %broadcast_in_dim3A_1051 in 0 : vector<64x32xf32>, vector<64x32xf32> -> vector<128x32xf32>
    %slice3A_1053 = vector.extract_strided_slice %mul3A_59 {offsets = [16, 0, 0], sizes = [1, 64, 128], strides = [1, 1, 1]} : vector<32x64x128xf32> to vector<1x64x128xf32>
    %squeeze3A_1054 = vector.shape_cast %slice3A_1053 : vector<1x64x128xf32> to vector<64x128xf32>
    %dot_general3A_1055 = arith.constant dense<0.000000e+00> : vector<64x32xf32>
    %dot_general3A_1056 = tpu.matmul %squeeze3A_1054, %concatenate3A_1052, %dot_general3A_1055 {dimension_numbers = #tpu.dot_dimension_numbers<[1], [0], [0], [1], [0, 0, 1, 1], [], []>, transpose_lhs_hint = false} : vector<64x128xf32>, vector<128x32xf32>, vector<64x32xf32> -> vector<64x32xf32>
    %mul3A_1057 = vector.broadcast %convert_element_type3A_200 : vector<1x32xf32> to vector<64x32xf32>
    %mul3A_1058 = arith.mulf %dot_general3A_1056, %mul3A_1057 : vector<64x32xf32>
    %slice3A_1059 = vector.extract_strided_slice %mul3A_93 {offsets = [16, 0, 0], sizes = [1, 64, 128], strides = [1, 1, 1]} : vector<32x64x128xf32> to vector<1x64x128xf32>
    %squeeze3A_1060 = vector.shape_cast %slice3A_1059 : vector<1x64x128xf32> to vector<64x128xf32>
    %dot_general3A_1061 = arith.constant dense<0.000000e+00> : vector<64x32xf32>
    %dot_general3A_1062 = tpu.matmul %squeeze3A_1060, %concatenate3A_1052, %dot_general3A_1061 {dimension_numbers = #tpu.dot_dimension_numbers<[1], [0], [0], [1], [0, 0, 1, 1], [], []>, transpose_lhs_hint = false} : vector<64x128xf32>, vector<128x32xf32>, vector<64x32xf32> -> vector<64x32xf32>
    %mul3A_1063 = vector.broadcast %convert_element_type3A_237 : vector<1x32xf32> to vector<64x32xf32>
    %mul3A_1064 = arith.mulf %dot_general3A_1062, %mul3A_1063 : vector<64x32xf32>
    %add3A_1065 = arith.addf %mul3A_1058, %mul3A_1064 : vector<64x32xf32>
    %slice3A_1066 = vector.extract_strided_slice %mul3A_128 {offsets = [16, 0, 0], sizes = [1, 64, 128], strides = [1, 1, 1]} : vector<32x64x128xf32> to vector<1x64x128xf32>
    %squeeze3A_1067 = vector.shape_cast %slice3A_1066 : vector<1x64x128xf32> to vector<64x128xf32>
    %dot_general3A_1068 = arith.constant dense<0.000000e+00> : vector<64x32xf32>
    %dot_general3A_1069 = tpu.matmul %squeeze3A_1067, %concatenate3A_1052, %dot_general3A_1068 {dimension_numbers = #tpu.dot_dimension_numbers<[1], [0], [0], [1], [0, 0, 1, 1], [], []>, transpose_lhs_hint = false} : vector<64x128xf32>, vector<128x32xf32>, vector<64x32xf32> -> vector<64x32xf32>
    %mul3A_1070 = vector.broadcast %convert_element_type3A_274 : vector<1x32xf32> to vector<64x32xf32>
    %mul3A_1071 = arith.mulf %dot_general3A_1069, %mul3A_1070 : vector<64x32xf32>
    %add3A_1072 = arith.addf %add3A_1065, %mul3A_1071 : vector<64x32xf32>
    %slice3A_1073 = vector.extract_strided_slice %mul3A_163 {offsets = [16, 0, 0], sizes = [1, 64, 128], strides = [1, 1, 1]} : vector<32x64x128xf32> to vector<1x64x128xf32>
    %squeeze3A_1074 = vector.shape_cast %slice3A_1073 : vector<1x64x128xf32> to vector<64x128xf32>
    %dot_general3A_1075 = arith.constant dense<0.000000e+00> : vector<64x32xf32>
    %dot_general3A_1076 = tpu.matmul %squeeze3A_1074, %concatenate3A_1052, %dot_general3A_1075 {dimension_numbers = #tpu.dot_dimension_numbers<[1], [0], [0], [1], [0, 0, 1, 1], [], []>, transpose_lhs_hint = false} : vector<64x128xf32>, vector<128x32xf32>, vector<64x32xf32> -> vector<64x32xf32>
    %mul3A_1077 = vector.broadcast %convert_element_type3A_311 : vector<1x32xf32> to vector<64x32xf32>
    %mul3A_1078 = arith.mulf %dot_general3A_1076, %mul3A_1077 : vector<64x32xf32>
    %add3A_1079 = arith.addf %add3A_1072, %mul3A_1078 : vector<64x32xf32>
    %slice3A_1080 = vector.extract_strided_slice %div3A_172 {offsets = [16, 0, 0], sizes = [1, 64, 4], strides = [1, 1, 1]} : vector<32x64x4xf32> to vector<1x64x4xf32>
    %squeeze3A_1081 = vector.shape_cast %slice3A_1080 : vector<1x64x4xf32> to vector<64x4xf32>
    %dot_general3A_1082 = arith.constant dense<0.000000e+00> : vector<64x32xf32>
    %dot_general3A_1083 = tpu.matmul %squeeze3A_1081, %concatenate3A_312, %dot_general3A_1082 {dimension_numbers = #tpu.dot_dimension_numbers<[1], [0], [0], [1], [0, 0, 1, 1], [], []>, transpose_lhs_hint = false} : vector<64x4xf32>, vector<4x32xf32>, vector<64x32xf32> -> vector<64x32xf32>
    %mul3A_1084 = arith.mulf %add3A_1079, %dot_general3A_1083 : vector<64x32xf32>
    %add3A_1085 = vector.broadcast %get3A_31 : vector<1x32xf32> to vector<64x32xf32>
    %add3A_1086 = arith.addf %mul3A_1084, %add3A_1085 : vector<64x32xf32>
    %ge3A_1087 = arith.constant 0.000000e+00 : f32
    %ge3A_1088 = vector.broadcast %ge3A_1087 : f32 to vector<64x32xf32>
    %ge3A_1089 = arith.cmpf oge, %add3A_1086, %ge3A_1088 : vector<64x32xf32>
    %mul3A_1090 = arith.constant 2.000000e-01 : f32
    %mul3A_1091 = vector.broadcast %mul3A_1090 : f32 to vector<64x32xf32>
    %mul3A_1092 = arith.mulf %mul3A_1091, %add3A_1086 : vector<64x32xf32>
    %select_n3A_1093 = arith.select %ge3A_1089, %add3A_1086, %mul3A_1092 : vector<64x32xi1>, vector<64x32xf32>
    %slice3A_1094 = vector.extract_strided_slice %reshape3A_23 {offsets = [17, 0, 0], sizes = [1, 64, 32], strides = [1, 1, 1]} : vector<32x64x32xf32> to vector<1x64x32xf32>
    %squeeze3A_1095 = vector.shape_cast %slice3A_1094 : vector<1x64x32xf32> to vector<64x32xf32>
    %broadcast_in_dim3A_1096 = arith.constant 0.000000e+00 : f32
    %broadcast_in_dim3A_1097 = vector.broadcast %broadcast_in_dim3A_1096 : f32 to vector<64x32xf32>
    %concatenate3A_1098 = tpu.concatenate %squeeze3A_1095, %broadcast_in_dim3A_1097 in 0 : vector<64x32xf32>, vector<64x32xf32> -> vector<128x32xf32>
    %slice3A_1099 = vector.extract_strided_slice %mul3A_59 {offsets = [17, 0, 0], sizes = [1, 64, 128], strides = [1, 1, 1]} : vector<32x64x128xf32> to vector<1x64x128xf32>
    %squeeze3A_1100 = vector.shape_cast %slice3A_1099 : vector<1x64x128xf32> to vector<64x128xf32>
    %dot_general3A_1101 = arith.constant dense<0.000000e+00> : vector<64x32xf32>
    %dot_general3A_1102 = tpu.matmul %squeeze3A_1100, %concatenate3A_1098, %dot_general3A_1101 {dimension_numbers = #tpu.dot_dimension_numbers<[1], [0], [0], [1], [0, 0, 1, 1], [], []>, transpose_lhs_hint = false} : vector<64x128xf32>, vector<128x32xf32>, vector<64x32xf32> -> vector<64x32xf32>
    %mul3A_1103 = vector.broadcast %convert_element_type3A_200 : vector<1x32xf32> to vector<64x32xf32>
    %mul3A_1104 = arith.mulf %dot_general3A_1102, %mul3A_1103 : vector<64x32xf32>
    %slice3A_1105 = vector.extract_strided_slice %mul3A_93 {offsets = [17, 0, 0], sizes = [1, 64, 128], strides = [1, 1, 1]} : vector<32x64x128xf32> to vector<1x64x128xf32>
    %squeeze3A_1106 = vector.shape_cast %slice3A_1105 : vector<1x64x128xf32> to vector<64x128xf32>
    %dot_general3A_1107 = arith.constant dense<0.000000e+00> : vector<64x32xf32>
    %dot_general3A_1108 = tpu.matmul %squeeze3A_1106, %concatenate3A_1098, %dot_general3A_1107 {dimension_numbers = #tpu.dot_dimension_numbers<[1], [0], [0], [1], [0, 0, 1, 1], [], []>, transpose_lhs_hint = false} : vector<64x128xf32>, vector<128x32xf32>, vector<64x32xf32> -> vector<64x32xf32>
    %mul3A_1109 = vector.broadcast %convert_element_type3A_237 : vector<1x32xf32> to vector<64x32xf32>
    %mul3A_1110 = arith.mulf %dot_general3A_1108, %mul3A_1109 : vector<64x32xf32>
    %add3A_1111 = arith.addf %mul3A_1104, %mul3A_1110 : vector<64x32xf32>
    %slice3A_1112 = vector.extract_strided_slice %mul3A_128 {offsets = [17, 0, 0], sizes = [1, 64, 128], strides = [1, 1, 1]} : vector<32x64x128xf32> to vector<1x64x128xf32>
    %squeeze3A_1113 = vector.shape_cast %slice3A_1112 : vector<1x64x128xf32> to vector<64x128xf32>
    %dot_general3A_1114 = arith.constant dense<0.000000e+00> : vector<64x32xf32>
    %dot_general3A_1115 = tpu.matmul %squeeze3A_1113, %concatenate3A_1098, %dot_general3A_1114 {dimension_numbers = #tpu.dot_dimension_numbers<[1], [0], [0], [1], [0, 0, 1, 1], [], []>, transpose_lhs_hint = false} : vector<64x128xf32>, vector<128x32xf32>, vector<64x32xf32> -> vector<64x32xf32>
    %mul3A_1116 = vector.broadcast %convert_element_type3A_274 : vector<1x32xf32> to vector<64x32xf32>
    %mul3A_1117 = arith.mulf %dot_general3A_1115, %mul3A_1116 : vector<64x32xf32>
    %add3A_1118 = arith.addf %add3A_1111, %mul3A_1117 : vector<64x32xf32>
    %slice3A_1119 = vector.extract_strided_slice %mul3A_163 {offsets = [17, 0, 0], sizes = [1, 64, 128], strides = [1, 1, 1]} : vector<32x64x128xf32> to vector<1x64x128xf32>
    %squeeze3A_1120 = vector.shape_cast %slice3A_1119 : vector<1x64x128xf32> to vector<64x128xf32>
    %dot_general3A_1121 = arith.constant dense<0.000000e+00> : vector<64x32xf32>
    %dot_general3A_1122 = tpu.matmul %squeeze3A_1120, %concatenate3A_1098, %dot_general3A_1121 {dimension_numbers = #tpu.dot_dimension_numbers<[1], [0], [0], [1], [0, 0, 1, 1], [], []>, transpose_lhs_hint = false} : vector<64x128xf32>, vector<128x32xf32>, vector<64x32xf32> -> vector<64x32xf32>
    %mul3A_1123 = vector.broadcast %convert_element_type3A_311 : vector<1x32xf32> to vector<64x32xf32>
    %mul3A_1124 = arith.mulf %dot_general3A_1122, %mul3A_1123 : vector<64x32xf32>
    %add3A_1125 = arith.addf %add3A_1118, %mul3A_1124 : vector<64x32xf32>
    %slice3A_1126 = vector.extract_strided_slice %div3A_172 {offsets = [17, 0, 0], sizes = [1, 64, 4], strides = [1, 1, 1]} : vector<32x64x4xf32> to vector<1x64x4xf32>
    %squeeze3A_1127 = vector.shape_cast %slice3A_1126 : vector<1x64x4xf32> to vector<64x4xf32>
    %dot_general3A_1128 = arith.constant dense<0.000000e+00> : vector<64x32xf32>
    %dot_general3A_1129 = tpu.matmul %squeeze3A_1127, %concatenate3A_312, %dot_general3A_1128 {dimension_numbers = #tpu.dot_dimension_numbers<[1], [0], [0], [1], [0, 0, 1, 1], [], []>, transpose_lhs_hint = false} : vector<64x4xf32>, vector<4x32xf32>, vector<64x32xf32> -> vector<64x32xf32>
    %mul3A_1130 = arith.mulf %add3A_1125, %dot_general3A_1129 : vector<64x32xf32>
    %add3A_1131 = vector.broadcast %get3A_31 : vector<1x32xf32> to vector<64x32xf32>
    %add3A_1132 = arith.addf %mul3A_1130, %add3A_1131 : vector<64x32xf32>
    %ge3A_1133 = arith.constant 0.000000e+00 : f32
    %ge3A_1134 = vector.broadcast %ge3A_1133 : f32 to vector<64x32xf32>
    %ge3A_1135 = arith.cmpf oge, %add3A_1132, %ge3A_1134 : vector<64x32xf32>
    %mul3A_1136 = arith.constant 2.000000e-01 : f32
    %mul3A_1137 = vector.broadcast %mul3A_1136 : f32 to vector<64x32xf32>
    %mul3A_1138 = arith.mulf %mul3A_1137, %add3A_1132 : vector<64x32xf32>
    %select_n3A_1139 = arith.select %ge3A_1135, %add3A_1132, %mul3A_1138 : vector<64x32xi1>, vector<64x32xf32>
    %slice3A_1140 = vector.extract_strided_slice %reshape3A_23 {offsets = [18, 0, 0], sizes = [1, 64, 32], strides = [1, 1, 1]} : vector<32x64x32xf32> to vector<1x64x32xf32>
    %squeeze3A_1141 = vector.shape_cast %slice3A_1140 : vector<1x64x32xf32> to vector<64x32xf32>
    %broadcast_in_dim3A_1142 = arith.constant 0.000000e+00 : f32
    %broadcast_in_dim3A_1143 = vector.broadcast %broadcast_in_dim3A_1142 : f32 to vector<64x32xf32>
    %concatenate3A_1144 = tpu.concatenate %squeeze3A_1141, %broadcast_in_dim3A_1143 in 0 : vector<64x32xf32>, vector<64x32xf32> -> vector<128x32xf32>
    %slice3A_1145 = vector.extract_strided_slice %mul3A_59 {offsets = [18, 0, 0], sizes = [1, 64, 128], strides = [1, 1, 1]} : vector<32x64x128xf32> to vector<1x64x128xf32>
    %squeeze3A_1146 = vector.shape_cast %slice3A_1145 : vector<1x64x128xf32> to vector<64x128xf32>
    %dot_general3A_1147 = arith.constant dense<0.000000e+00> : vector<64x32xf32>
    %dot_general3A_1148 = tpu.matmul %squeeze3A_1146, %concatenate3A_1144, %dot_general3A_1147 {dimension_numbers = #tpu.dot_dimension_numbers<[1], [0], [0], [1], [0, 0, 1, 1], [], []>, transpose_lhs_hint = false} : vector<64x128xf32>, vector<128x32xf32>, vector<64x32xf32> -> vector<64x32xf32>
    %mul3A_1149 = vector.broadcast %convert_element_type3A_200 : vector<1x32xf32> to vector<64x32xf32>
    %mul3A_1150 = arith.mulf %dot_general3A_1148, %mul3A_1149 : vector<64x32xf32>
    %slice3A_1151 = vector.extract_strided_slice %mul3A_93 {offsets = [18, 0, 0], sizes = [1, 64, 128], strides = [1, 1, 1]} : vector<32x64x128xf32> to vector<1x64x128xf32>
    %squeeze3A_1152 = vector.shape_cast %slice3A_1151 : vector<1x64x128xf32> to vector<64x128xf32>
    %dot_general3A_1153 = arith.constant dense<0.000000e+00> : vector<64x32xf32>
    %dot_general3A_1154 = tpu.matmul %squeeze3A_1152, %concatenate3A_1144, %dot_general3A_1153 {dimension_numbers = #tpu.dot_dimension_numbers<[1], [0], [0], [1], [0, 0, 1, 1], [], []>, transpose_lhs_hint = false} : vector<64x128xf32>, vector<128x32xf32>, vector<64x32xf32> -> vector<64x32xf32>
    %mul3A_1155 = vector.broadcast %convert_element_type3A_237 : vector<1x32xf32> to vector<64x32xf32>
    %mul3A_1156 = arith.mulf %dot_general3A_1154, %mul3A_1155 : vector<64x32xf32>
    %add3A_1157 = arith.addf %mul3A_1150, %mul3A_1156 : vector<64x32xf32>
    %slice3A_1158 = vector.extract_strided_slice %mul3A_128 {offsets = [18, 0, 0], sizes = [1, 64, 128], strides = [1, 1, 1]} : vector<32x64x128xf32> to vector<1x64x128xf32>
    %squeeze3A_1159 = vector.shape_cast %slice3A_1158 : vector<1x64x128xf32> to vector<64x128xf32>
    %dot_general3A_1160 = arith.constant dense<0.000000e+00> : vector<64x32xf32>
    %dot_general3A_1161 = tpu.matmul %squeeze3A_1159, %concatenate3A_1144, %dot_general3A_1160 {dimension_numbers = #tpu.dot_dimension_numbers<[1], [0], [0], [1], [0, 0, 1, 1], [], []>, transpose_lhs_hint = false} : vector<64x128xf32>, vector<128x32xf32>, vector<64x32xf32> -> vector<64x32xf32>
    %mul3A_1162 = vector.broadcast %convert_element_type3A_274 : vector<1x32xf32> to vector<64x32xf32>
    %mul3A_1163 = arith.mulf %dot_general3A_1161, %mul3A_1162 : vector<64x32xf32>
    %add3A_1164 = arith.addf %add3A_1157, %mul3A_1163 : vector<64x32xf32>
    %slice3A_1165 = vector.extract_strided_slice %mul3A_163 {offsets = [18, 0, 0], sizes = [1, 64, 128], strides = [1, 1, 1]} : vector<32x64x128xf32> to vector<1x64x128xf32>
    %squeeze3A_1166 = vector.shape_cast %slice3A_1165 : vector<1x64x128xf32> to vector<64x128xf32>
    %dot_general3A_1167 = arith.constant dense<0.000000e+00> : vector<64x32xf32>
    %dot_general3A_1168 = tpu.matmul %squeeze3A_1166, %concatenate3A_1144, %dot_general3A_1167 {dimension_numbers = #tpu.dot_dimension_numbers<[1], [0], [0], [1], [0, 0, 1, 1], [], []>, transpose_lhs_hint = false} : vector<64x128xf32>, vector<128x32xf32>, vector<64x32xf32> -> vector<64x32xf32>
    %mul3A_1169 = vector.broadcast %convert_element_type3A_311 : vector<1x32xf32> to vector<64x32xf32>
    %mul3A_1170 = arith.mulf %dot_general3A_1168, %mul3A_1169 : vector<64x32xf32>
    %add3A_1171 = arith.addf %add3A_1164, %mul3A_1170 : vector<64x32xf32>
    %slice3A_1172 = vector.extract_strided_slice %div3A_172 {offsets = [18, 0, 0], sizes = [1, 64, 4], strides = [1, 1, 1]} : vector<32x64x4xf32> to vector<1x64x4xf32>
    %squeeze3A_1173 = vector.shape_cast %slice3A_1172 : vector<1x64x4xf32> to vector<64x4xf32>
    %dot_general3A_1174 = arith.constant dense<0.000000e+00> : vector<64x32xf32>
    %dot_general3A_1175 = tpu.matmul %squeeze3A_1173, %concatenate3A_312, %dot_general3A_1174 {dimension_numbers = #tpu.dot_dimension_numbers<[1], [0], [0], [1], [0, 0, 1, 1], [], []>, transpose_lhs_hint = false} : vector<64x4xf32>, vector<4x32xf32>, vector<64x32xf32> -> vector<64x32xf32>
    %mul3A_1176 = arith.mulf %add3A_1171, %dot_general3A_1175 : vector<64x32xf32>
    %add3A_1177 = vector.broadcast %get3A_31 : vector<1x32xf32> to vector<64x32xf32>
    %add3A_1178 = arith.addf %mul3A_1176, %add3A_1177 : vector<64x32xf32>
    %ge3A_1179 = arith.constant 0.000000e+00 : f32
    %ge3A_1180 = vector.broadcast %ge3A_1179 : f32 to vector<64x32xf32>
    %ge3A_1181 = arith.cmpf oge, %add3A_1178, %ge3A_1180 : vector<64x32xf32>
    %mul3A_1182 = arith.constant 2.000000e-01 : f32
    %mul3A_1183 = vector.broadcast %mul3A_1182 : f32 to vector<64x32xf32>
    %mul3A_1184 = arith.mulf %mul3A_1183, %add3A_1178 : vector<64x32xf32>
    %select_n3A_1185 = arith.select %ge3A_1181, %add3A_1178, %mul3A_1184 : vector<64x32xi1>, vector<64x32xf32>
    %slice3A_1186 = vector.extract_strided_slice %reshape3A_23 {offsets = [19, 0, 0], sizes = [1, 64, 32], strides = [1, 1, 1]} : vector<32x64x32xf32> to vector<1x64x32xf32>
    %squeeze3A_1187 = vector.shape_cast %slice3A_1186 : vector<1x64x32xf32> to vector<64x32xf32>
    %broadcast_in_dim3A_1188 = arith.constant 0.000000e+00 : f32
    %broadcast_in_dim3A_1189 = vector.broadcast %broadcast_in_dim3A_1188 : f32 to vector<64x32xf32>
    %concatenate3A_1190 = tpu.concatenate %squeeze3A_1187, %broadcast_in_dim3A_1189 in 0 : vector<64x32xf32>, vector<64x32xf32> -> vector<128x32xf32>
    %slice3A_1191 = vector.extract_strided_slice %mul3A_59 {offsets = [19, 0, 0], sizes = [1, 64, 128], strides = [1, 1, 1]} : vector<32x64x128xf32> to vector<1x64x128xf32>
    %squeeze3A_1192 = vector.shape_cast %slice3A_1191 : vector<1x64x128xf32> to vector<64x128xf32>
    %dot_general3A_1193 = arith.constant dense<0.000000e+00> : vector<64x32xf32>
    %dot_general3A_1194 = tpu.matmul %squeeze3A_1192, %concatenate3A_1190, %dot_general3A_1193 {dimension_numbers = #tpu.dot_dimension_numbers<[1], [0], [0], [1], [0, 0, 1, 1], [], []>, transpose_lhs_hint = false} : vector<64x128xf32>, vector<128x32xf32>, vector<64x32xf32> -> vector<64x32xf32>
    %mul3A_1195 = vector.broadcast %convert_element_type3A_200 : vector<1x32xf32> to vector<64x32xf32>
    %mul3A_1196 = arith.mulf %dot_general3A_1194, %mul3A_1195 : vector<64x32xf32>
    %slice3A_1197 = vector.extract_strided_slice %mul3A_93 {offsets = [19, 0, 0], sizes = [1, 64, 128], strides = [1, 1, 1]} : vector<32x64x128xf32> to vector<1x64x128xf32>
    %squeeze3A_1198 = vector.shape_cast %slice3A_1197 : vector<1x64x128xf32> to vector<64x128xf32>
    %dot_general3A_1199 = arith.constant dense<0.000000e+00> : vector<64x32xf32>
    %dot_general3A_1200 = tpu.matmul %squeeze3A_1198, %concatenate3A_1190, %dot_general3A_1199 {dimension_numbers = #tpu.dot_dimension_numbers<[1], [0], [0], [1], [0, 0, 1, 1], [], []>, transpose_lhs_hint = false} : vector<64x128xf32>, vector<128x32xf32>, vector<64x32xf32> -> vector<64x32xf32>
    %mul3A_1201 = vector.broadcast %convert_element_type3A_237 : vector<1x32xf32> to vector<64x32xf32>
    %mul3A_1202 = arith.mulf %dot_general3A_1200, %mul3A_1201 : vector<64x32xf32>
    %add3A_1203 = arith.addf %mul3A_1196, %mul3A_1202 : vector<64x32xf32>
    %slice3A_1204 = vector.extract_strided_slice %mul3A_128 {offsets = [19, 0, 0], sizes = [1, 64, 128], strides = [1, 1, 1]} : vector<32x64x128xf32> to vector<1x64x128xf32>
    %squeeze3A_1205 = vector.shape_cast %slice3A_1204 : vector<1x64x128xf32> to vector<64x128xf32>
    %dot_general3A_1206 = arith.constant dense<0.000000e+00> : vector<64x32xf32>
    %dot_general3A_1207 = tpu.matmul %squeeze3A_1205, %concatenate3A_1190, %dot_general3A_1206 {dimension_numbers = #tpu.dot_dimension_numbers<[1], [0], [0], [1], [0, 0, 1, 1], [], []>, transpose_lhs_hint = false} : vector<64x128xf32>, vector<128x32xf32>, vector<64x32xf32> -> vector<64x32xf32>
    %mul3A_1208 = vector.broadcast %convert_element_type3A_274 : vector<1x32xf32> to vector<64x32xf32>
    %mul3A_1209 = arith.mulf %dot_general3A_1207, %mul3A_1208 : vector<64x32xf32>
    %add3A_1210 = arith.addf %add3A_1203, %mul3A_1209 : vector<64x32xf32>
    %slice3A_1211 = vector.extract_strided_slice %mul3A_163 {offsets = [19, 0, 0], sizes = [1, 64, 128], strides = [1, 1, 1]} : vector<32x64x128xf32> to vector<1x64x128xf32>
    %squeeze3A_1212 = vector.shape_cast %slice3A_1211 : vector<1x64x128xf32> to vector<64x128xf32>
    %dot_general3A_1213 = arith.constant dense<0.000000e+00> : vector<64x32xf32>
    %dot_general3A_1214 = tpu.matmul %squeeze3A_1212, %concatenate3A_1190, %dot_general3A_1213 {dimension_numbers = #tpu.dot_dimension_numbers<[1], [0], [0], [1], [0, 0, 1, 1], [], []>, transpose_lhs_hint = false} : vector<64x128xf32>, vector<128x32xf32>, vector<64x32xf32> -> vector<64x32xf32>
    %mul3A_1215 = vector.broadcast %convert_element_type3A_311 : vector<1x32xf32> to vector<64x32xf32>
    %mul3A_1216 = arith.mulf %dot_general3A_1214, %mul3A_1215 : vector<64x32xf32>
    %add3A_1217 = arith.addf %add3A_1210, %mul3A_1216 : vector<64x32xf32>
    %slice3A_1218 = vector.extract_strided_slice %div3A_172 {offsets = [19, 0, 0], sizes = [1, 64, 4], strides = [1, 1, 1]} : vector<32x64x4xf32> to vector<1x64x4xf32>
    %squeeze3A_1219 = vector.shape_cast %slice3A_1218 : vector<1x64x4xf32> to vector<64x4xf32>
    %dot_general3A_1220 = arith.constant dense<0.000000e+00> : vector<64x32xf32>
    %dot_general3A_1221 = tpu.matmul %squeeze3A_1219, %concatenate3A_312, %dot_general3A_1220 {dimension_numbers = #tpu.dot_dimension_numbers<[1], [0], [0], [1], [0, 0, 1, 1], [], []>, transpose_lhs_hint = false} : vector<64x4xf32>, vector<4x32xf32>, vector<64x32xf32> -> vector<64x32xf32>
    %mul3A_1222 = arith.mulf %add3A_1217, %dot_general3A_1221 : vector<64x32xf32>
    %add3A_1223 = vector.broadcast %get3A_31 : vector<1x32xf32> to vector<64x32xf32>
    %add3A_1224 = arith.addf %mul3A_1222, %add3A_1223 : vector<64x32xf32>
    %ge3A_1225 = arith.constant 0.000000e+00 : f32
    %ge3A_1226 = vector.broadcast %ge3A_1225 : f32 to vector<64x32xf32>
    %ge3A_1227 = arith.cmpf oge, %add3A_1224, %ge3A_1226 : vector<64x32xf32>
    %mul3A_1228 = arith.constant 2.000000e-01 : f32
    %mul3A_1229 = vector.broadcast %mul3A_1228 : f32 to vector<64x32xf32>
    %mul3A_1230 = arith.mulf %mul3A_1229, %add3A_1224 : vector<64x32xf32>
    %select_n3A_1231 = arith.select %ge3A_1227, %add3A_1224, %mul3A_1230 : vector<64x32xi1>, vector<64x32xf32>
    %slice3A_1232 = vector.extract_strided_slice %reshape3A_23 {offsets = [20, 0, 0], sizes = [1, 64, 32], strides = [1, 1, 1]} : vector<32x64x32xf32> to vector<1x64x32xf32>
    %squeeze3A_1233 = vector.shape_cast %slice3A_1232 : vector<1x64x32xf32> to vector<64x32xf32>
    %broadcast_in_dim3A_1234 = arith.constant 0.000000e+00 : f32
    %broadcast_in_dim3A_1235 = vector.broadcast %broadcast_in_dim3A_1234 : f32 to vector<64x32xf32>
    %concatenate3A_1236 = tpu.concatenate %squeeze3A_1233, %broadcast_in_dim3A_1235 in 0 : vector<64x32xf32>, vector<64x32xf32> -> vector<128x32xf32>
    %slice3A_1237 = vector.extract_strided_slice %mul3A_59 {offsets = [20, 0, 0], sizes = [1, 64, 128], strides = [1, 1, 1]} : vector<32x64x128xf32> to vector<1x64x128xf32>
    %squeeze3A_1238 = vector.shape_cast %slice3A_1237 : vector<1x64x128xf32> to vector<64x128xf32>
    %dot_general3A_1239 = arith.constant dense<0.000000e+00> : vector<64x32xf32>
    %dot_general3A_1240 = tpu.matmul %squeeze3A_1238, %concatenate3A_1236, %dot_general3A_1239 {dimension_numbers = #tpu.dot_dimension_numbers<[1], [0], [0], [1], [0, 0, 1, 1], [], []>, transpose_lhs_hint = false} : vector<64x128xf32>, vector<128x32xf32>, vector<64x32xf32> -> vector<64x32xf32>
    %mul3A_1241 = vector.broadcast %convert_element_type3A_200 : vector<1x32xf32> to vector<64x32xf32>
    %mul3A_1242 = arith.mulf %dot_general3A_1240, %mul3A_1241 : vector<64x32xf32>
    %slice3A_1243 = vector.extract_strided_slice %mul3A_93 {offsets = [20, 0, 0], sizes = [1, 64, 128], strides = [1, 1, 1]} : vector<32x64x128xf32> to vector<1x64x128xf32>
    %squeeze3A_1244 = vector.shape_cast %slice3A_1243 : vector<1x64x128xf32> to vector<64x128xf32>
    %dot_general3A_1245 = arith.constant dense<0.000000e+00> : vector<64x32xf32>
    %dot_general3A_1246 = tpu.matmul %squeeze3A_1244, %concatenate3A_1236, %dot_general3A_1245 {dimension_numbers = #tpu.dot_dimension_numbers<[1], [0], [0], [1], [0, 0, 1, 1], [], []>, transpose_lhs_hint = false} : vector<64x128xf32>, vector<128x32xf32>, vector<64x32xf32> -> vector<64x32xf32>
    %mul3A_1247 = vector.broadcast %convert_element_type3A_237 : vector<1x32xf32> to vector<64x32xf32>
    %mul3A_1248 = arith.mulf %dot_general3A_1246, %mul3A_1247 : vector<64x32xf32>
    %add3A_1249 = arith.addf %mul3A_1242, %mul3A_1248 : vector<64x32xf32>
    %slice3A_1250 = vector.extract_strided_slice %mul3A_128 {offsets = [20, 0, 0], sizes = [1, 64, 128], strides = [1, 1, 1]} : vector<32x64x128xf32> to vector<1x64x128xf32>
    %squeeze3A_1251 = vector.shape_cast %slice3A_1250 : vector<1x64x128xf32> to vector<64x128xf32>
    %dot_general3A_1252 = arith.constant dense<0.000000e+00> : vector<64x32xf32>
    %dot_general3A_1253 = tpu.matmul %squeeze3A_1251, %concatenate3A_1236, %dot_general3A_1252 {dimension_numbers = #tpu.dot_dimension_numbers<[1], [0], [0], [1], [0, 0, 1, 1], [], []>, transpose_lhs_hint = false} : vector<64x128xf32>, vector<128x32xf32>, vector<64x32xf32> -> vector<64x32xf32>
    %mul3A_1254 = vector.broadcast %convert_element_type3A_274 : vector<1x32xf32> to vector<64x32xf32>
    %mul3A_1255 = arith.mulf %dot_general3A_1253, %mul3A_1254 : vector<64x32xf32>
    %add3A_1256 = arith.addf %add3A_1249, %mul3A_1255 : vector<64x32xf32>
    %slice3A_1257 = vector.extract_strided_slice %mul3A_163 {offsets = [20, 0, 0], sizes = [1, 64, 128], strides = [1, 1, 1]} : vector<32x64x128xf32> to vector<1x64x128xf32>
    %squeeze3A_1258 = vector.shape_cast %slice3A_1257 : vector<1x64x128xf32> to vector<64x128xf32>
    %dot_general3A_1259 = arith.constant dense<0.000000e+00> : vector<64x32xf32>
    %dot_general3A_1260 = tpu.matmul %squeeze3A_1258, %concatenate3A_1236, %dot_general3A_1259 {dimension_numbers = #tpu.dot_dimension_numbers<[1], [0], [0], [1], [0, 0, 1, 1], [], []>, transpose_lhs_hint = false} : vector<64x128xf32>, vector<128x32xf32>, vector<64x32xf32> -> vector<64x32xf32>
    %mul3A_1261 = vector.broadcast %convert_element_type3A_311 : vector<1x32xf32> to vector<64x32xf32>
    %mul3A_1262 = arith.mulf %dot_general3A_1260, %mul3A_1261 : vector<64x32xf32>
    %add3A_1263 = arith.addf %add3A_1256, %mul3A_1262 : vector<64x32xf32>
    %slice3A_1264 = vector.extract_strided_slice %div3A_172 {offsets = [20, 0, 0], sizes = [1, 64, 4], strides = [1, 1, 1]} : vector<32x64x4xf32> to vector<1x64x4xf32>
    %squeeze3A_1265 = vector.shape_cast %slice3A_1264 : vector<1x64x4xf32> to vector<64x4xf32>
    %dot_general3A_1266 = arith.constant dense<0.000000e+00> : vector<64x32xf32>
    %dot_general3A_1267 = tpu.matmul %squeeze3A_1265, %concatenate3A_312, %dot_general3A_1266 {dimension_numbers = #tpu.dot_dimension_numbers<[1], [0], [0], [1], [0, 0, 1, 1], [], []>, transpose_lhs_hint = false} : vector<64x4xf32>, vector<4x32xf32>, vector<64x32xf32> -> vector<64x32xf32>
    %mul3A_1268 = arith.mulf %add3A_1263, %dot_general3A_1267 : vector<64x32xf32>
    %add3A_1269 = vector.broadcast %get3A_31 : vector<1x32xf32> to vector<64x32xf32>
    %add3A_1270 = arith.addf %mul3A_1268, %add3A_1269 : vector<64x32xf32>
    %ge3A_1271 = arith.constant 0.000000e+00 : f32
    %ge3A_1272 = vector.broadcast %ge3A_1271 : f32 to vector<64x32xf32>
    %ge3A_1273 = arith.cmpf oge, %add3A_1270, %ge3A_1272 : vector<64x32xf32>
    %mul3A_1274 = arith.constant 2.000000e-01 : f32
    %mul3A_1275 = vector.broadcast %mul3A_1274 : f32 to vector<64x32xf32>
    %mul3A_1276 = arith.mulf %mul3A_1275, %add3A_1270 : vector<64x32xf32>
    %select_n3A_1277 = arith.select %ge3A_1273, %add3A_1270, %mul3A_1276 : vector<64x32xi1>, vector<64x32xf32>
    %slice3A_1278 = vector.extract_strided_slice %reshape3A_23 {offsets = [21, 0, 0], sizes = [1, 64, 32], strides = [1, 1, 1]} : vector<32x64x32xf32> to vector<1x64x32xf32>
    %squeeze3A_1279 = vector.shape_cast %slice3A_1278 : vector<1x64x32xf32> to vector<64x32xf32>
    %broadcast_in_dim3A_1280 = arith.constant 0.000000e+00 : f32
    %broadcast_in_dim3A_1281 = vector.broadcast %broadcast_in_dim3A_1280 : f32 to vector<64x32xf32>
    %concatenate3A_1282 = tpu.concatenate %squeeze3A_1279, %broadcast_in_dim3A_1281 in 0 : vector<64x32xf32>, vector<64x32xf32> -> vector<128x32xf32>
    %slice3A_1283 = vector.extract_strided_slice %mul3A_59 {offsets = [21, 0, 0], sizes = [1, 64, 128], strides = [1, 1, 1]} : vector<32x64x128xf32> to vector<1x64x128xf32>
    %squeeze3A_1284 = vector.shape_cast %slice3A_1283 : vector<1x64x128xf32> to vector<64x128xf32>
    %dot_general3A_1285 = arith.constant dense<0.000000e+00> : vector<64x32xf32>
    %dot_general3A_1286 = tpu.matmul %squeeze3A_1284, %concatenate3A_1282, %dot_general3A_1285 {dimension_numbers = #tpu.dot_dimension_numbers<[1], [0], [0], [1], [0, 0, 1, 1], [], []>, transpose_lhs_hint = false} : vector<64x128xf32>, vector<128x32xf32>, vector<64x32xf32> -> vector<64x32xf32>
    %mul3A_1287 = vector.broadcast %convert_element_type3A_200 : vector<1x32xf32> to vector<64x32xf32>
    %mul3A_1288 = arith.mulf %dot_general3A_1286, %mul3A_1287 : vector<64x32xf32>
    %slice3A_1289 = vector.extract_strided_slice %mul3A_93 {offsets = [21, 0, 0], sizes = [1, 64, 128], strides = [1, 1, 1]} : vector<32x64x128xf32> to vector<1x64x128xf32>
    %squeeze3A_1290 = vector.shape_cast %slice3A_1289 : vector<1x64x128xf32> to vector<64x128xf32>
    %dot_general3A_1291 = arith.constant dense<0.000000e+00> : vector<64x32xf32>
    %dot_general3A_1292 = tpu.matmul %squeeze3A_1290, %concatenate3A_1282, %dot_general3A_1291 {dimension_numbers = #tpu.dot_dimension_numbers<[1], [0], [0], [1], [0, 0, 1, 1], [], []>, transpose_lhs_hint = false} : vector<64x128xf32>, vector<128x32xf32>, vector<64x32xf32> -> vector<64x32xf32>
    %mul3A_1293 = vector.broadcast %convert_element_type3A_237 : vector<1x32xf32> to vector<64x32xf32>
    %mul3A_1294 = arith.mulf %dot_general3A_1292, %mul3A_1293 : vector<64x32xf32>
    %add3A_1295 = arith.addf %mul3A_1288, %mul3A_1294 : vector<64x32xf32>
    %slice3A_1296 = vector.extract_strided_slice %mul3A_128 {offsets = [21, 0, 0], sizes = [1, 64, 128], strides = [1, 1, 1]} : vector<32x64x128xf32> to vector<1x64x128xf32>
    %squeeze3A_1297 = vector.shape_cast %slice3A_1296 : vector<1x64x128xf32> to vector<64x128xf32>
    %dot_general3A_1298 = arith.constant dense<0.000000e+00> : vector<64x32xf32>
    %dot_general3A_1299 = tpu.matmul %squeeze3A_1297, %concatenate3A_1282, %dot_general3A_1298 {dimension_numbers = #tpu.dot_dimension_numbers<[1], [0], [0], [1], [0, 0, 1, 1], [], []>, transpose_lhs_hint = false} : vector<64x128xf32>, vector<128x32xf32>, vector<64x32xf32> -> vector<64x32xf32>
    %mul3A_1300 = vector.broadcast %convert_element_type3A_274 : vector<1x32xf32> to vector<64x32xf32>
    %mul3A_1301 = arith.mulf %dot_general3A_1299, %mul3A_1300 : vector<64x32xf32>
    %add3A_1302 = arith.addf %add3A_1295, %mul3A_1301 : vector<64x32xf32>
    %slice3A_1303 = vector.extract_strided_slice %mul3A_163 {offsets = [21, 0, 0], sizes = [1, 64, 128], strides = [1, 1, 1]} : vector<32x64x128xf32> to vector<1x64x128xf32>
    %squeeze3A_1304 = vector.shape_cast %slice3A_1303 : vector<1x64x128xf32> to vector<64x128xf32>
    %dot_general3A_1305 = arith.constant dense<0.000000e+00> : vector<64x32xf32>
    %dot_general3A_1306 = tpu.matmul %squeeze3A_1304, %concatenate3A_1282, %dot_general3A_1305 {dimension_numbers = #tpu.dot_dimension_numbers<[1], [0], [0], [1], [0, 0, 1, 1], [], []>, transpose_lhs_hint = false} : vector<64x128xf32>, vector<128x32xf32>, vector<64x32xf32> -> vector<64x32xf32>
    %mul3A_1307 = vector.broadcast %convert_element_type3A_311 : vector<1x32xf32> to vector<64x32xf32>
    %mul3A_1308 = arith.mulf %dot_general3A_1306, %mul3A_1307 : vector<64x32xf32>
    %add3A_1309 = arith.addf %add3A_1302, %mul3A_1308 : vector<64x32xf32>
    %slice3A_1310 = vector.extract_strided_slice %div3A_172 {offsets = [21, 0, 0], sizes = [1, 64, 4], strides = [1, 1, 1]} : vector<32x64x4xf32> to vector<1x64x4xf32>
    %squeeze3A_1311 = vector.shape_cast %slice3A_1310 : vector<1x64x4xf32> to vector<64x4xf32>
    %dot_general3A_1312 = arith.constant dense<0.000000e+00> : vector<64x32xf32>
    %dot_general3A_1313 = tpu.matmul %squeeze3A_1311, %concatenate3A_312, %dot_general3A_1312 {dimension_numbers = #tpu.dot_dimension_numbers<[1], [0], [0], [1], [0, 0, 1, 1], [], []>, transpose_lhs_hint = false} : vector<64x4xf32>, vector<4x32xf32>, vector<64x32xf32> -> vector<64x32xf32>
    %mul3A_1314 = arith.mulf %add3A_1309, %dot_general3A_1313 : vector<64x32xf32>
    %add3A_1315 = vector.broadcast %get3A_31 : vector<1x32xf32> to vector<64x32xf32>
    %add3A_1316 = arith.addf %mul3A_1314, %add3A_1315 : vector<64x32xf32>
    %ge3A_1317 = arith.constant 0.000000e+00 : f32
    %ge3A_1318 = vector.broadcast %ge3A_1317 : f32 to vector<64x32xf32>
    %ge3A_1319 = arith.cmpf oge, %add3A_1316, %ge3A_1318 : vector<64x32xf32>
    %mul3A_1320 = arith.constant 2.000000e-01 : f32
    %mul3A_1321 = vector.broadcast %mul3A_1320 : f32 to vector<64x32xf32>
    %mul3A_1322 = arith.mulf %mul3A_1321, %add3A_1316 : vector<64x32xf32>
    %select_n3A_1323 = arith.select %ge3A_1319, %add3A_1316, %mul3A_1322 : vector<64x32xi1>, vector<64x32xf32>
    %slice3A_1324 = vector.extract_strided_slice %reshape3A_23 {offsets = [22, 0, 0], sizes = [1, 64, 32], strides = [1, 1, 1]} : vector<32x64x32xf32> to vector<1x64x32xf32>
    %squeeze3A_1325 = vector.shape_cast %slice3A_1324 : vector<1x64x32xf32> to vector<64x32xf32>
    %broadcast_in_dim3A_1326 = arith.constant 0.000000e+00 : f32
    %broadcast_in_dim3A_1327 = vector.broadcast %broadcast_in_dim3A_1326 : f32 to vector<64x32xf32>
    %concatenate3A_1328 = tpu.concatenate %squeeze3A_1325, %broadcast_in_dim3A_1327 in 0 : vector<64x32xf32>, vector<64x32xf32> -> vector<128x32xf32>
    %slice3A_1329 = vector.extract_strided_slice %mul3A_59 {offsets = [22, 0, 0], sizes = [1, 64, 128], strides = [1, 1, 1]} : vector<32x64x128xf32> to vector<1x64x128xf32>
    %squeeze3A_1330 = vector.shape_cast %slice3A_1329 : vector<1x64x128xf32> to vector<64x128xf32>
    %dot_general3A_1331 = arith.constant dense<0.000000e+00> : vector<64x32xf32>
    %dot_general3A_1332 = tpu.matmul %squeeze3A_1330, %concatenate3A_1328, %dot_general3A_1331 {dimension_numbers = #tpu.dot_dimension_numbers<[1], [0], [0], [1], [0, 0, 1, 1], [], []>, transpose_lhs_hint = false} : vector<64x128xf32>, vector<128x32xf32>, vector<64x32xf32> -> vector<64x32xf32>
    %mul3A_1333 = vector.broadcast %convert_element_type3A_200 : vector<1x32xf32> to vector<64x32xf32>
    %mul3A_1334 = arith.mulf %dot_general3A_1332, %mul3A_1333 : vector<64x32xf32>
    %slice3A_1335 = vector.extract_strided_slice %mul3A_93 {offsets = [22, 0, 0], sizes = [1, 64, 128], strides = [1, 1, 1]} : vector<32x64x128xf32> to vector<1x64x128xf32>
    %squeeze3A_1336 = vector.shape_cast %slice3A_1335 : vector<1x64x128xf32> to vector<64x128xf32>
    %dot_general3A_1337 = arith.constant dense<0.000000e+00> : vector<64x32xf32>
    %dot_general3A_1338 = tpu.matmul %squeeze3A_1336, %concatenate3A_1328, %dot_general3A_1337 {dimension_numbers = #tpu.dot_dimension_numbers<[1], [0], [0], [1], [0, 0, 1, 1], [], []>, transpose_lhs_hint = false} : vector<64x128xf32>, vector<128x32xf32>, vector<64x32xf32> -> vector<64x32xf32>
    %mul3A_1339 = vector.broadcast %convert_element_type3A_237 : vector<1x32xf32> to vector<64x32xf32>
    %mul3A_1340 = arith.mulf %dot_general3A_1338, %mul3A_1339 : vector<64x32xf32>
    %add3A_1341 = arith.addf %mul3A_1334, %mul3A_1340 : vector<64x32xf32>
    %slice3A_1342 = vector.extract_strided_slice %mul3A_128 {offsets = [22, 0, 0], sizes = [1, 64, 128], strides = [1, 1, 1]} : vector<32x64x128xf32> to vector<1x64x128xf32>
    %squeeze3A_1343 = vector.shape_cast %slice3A_1342 : vector<1x64x128xf32> to vector<64x128xf32>
    %dot_general3A_1344 = arith.constant dense<0.000000e+00> : vector<64x32xf32>
    %dot_general3A_1345 = tpu.matmul %squeeze3A_1343, %concatenate3A_1328, %dot_general3A_1344 {dimension_numbers = #tpu.dot_dimension_numbers<[1], [0], [0], [1], [0, 0, 1, 1], [], []>, transpose_lhs_hint = false} : vector<64x128xf32>, vector<128x32xf32>, vector<64x32xf32> -> vector<64x32xf32>
    %mul3A_1346 = vector.broadcast %convert_element_type3A_274 : vector<1x32xf32> to vector<64x32xf32>
    %mul3A_1347 = arith.mulf %dot_general3A_1345, %mul3A_1346 : vector<64x32xf32>
    %add3A_1348 = arith.addf %add3A_1341, %mul3A_1347 : vector<64x32xf32>
    %slice3A_1349 = vector.extract_strided_slice %mul3A_163 {offsets = [22, 0, 0], sizes = [1, 64, 128], strides = [1, 1, 1]} : vector<32x64x128xf32> to vector<1x64x128xf32>
    %squeeze3A_1350 = vector.shape_cast %slice3A_1349 : vector<1x64x128xf32> to vector<64x128xf32>
    %dot_general3A_1351 = arith.constant dense<0.000000e+00> : vector<64x32xf32>
    %dot_general3A_1352 = tpu.matmul %squeeze3A_1350, %concatenate3A_1328, %dot_general3A_1351 {dimension_numbers = #tpu.dot_dimension_numbers<[1], [0], [0], [1], [0, 0, 1, 1], [], []>, transpose_lhs_hint = false} : vector<64x128xf32>, vector<128x32xf32>, vector<64x32xf32> -> vector<64x32xf32>
    %mul3A_1353 = vector.broadcast %convert_element_type3A_311 : vector<1x32xf32> to vector<64x32xf32>
    %mul3A_1354 = arith.mulf %dot_general3A_1352, %mul3A_1353 : vector<64x32xf32>
    %add3A_1355 = arith.addf %add3A_1348, %mul3A_1354 : vector<64x32xf32>
    %slice3A_1356 = vector.extract_strided_slice %div3A_172 {offsets = [22, 0, 0], sizes = [1, 64, 4], strides = [1, 1, 1]} : vector<32x64x4xf32> to vector<1x64x4xf32>
    %squeeze3A_1357 = vector.shape_cast %slice3A_1356 : vector<1x64x4xf32> to vector<64x4xf32>
    %dot_general3A_1358 = arith.constant dense<0.000000e+00> : vector<64x32xf32>
    %dot_general3A_1359 = tpu.matmul %squeeze3A_1357, %concatenate3A_312, %dot_general3A_1358 {dimension_numbers = #tpu.dot_dimension_numbers<[1], [0], [0], [1], [0, 0, 1, 1], [], []>, transpose_lhs_hint = false} : vector<64x4xf32>, vector<4x32xf32>, vector<64x32xf32> -> vector<64x32xf32>
    %mul3A_1360 = arith.mulf %add3A_1355, %dot_general3A_1359 : vector<64x32xf32>
    %add3A_1361 = vector.broadcast %get3A_31 : vector<1x32xf32> to vector<64x32xf32>
    %add3A_1362 = arith.addf %mul3A_1360, %add3A_1361 : vector<64x32xf32>
    %ge3A_1363 = arith.constant 0.000000e+00 : f32
    %ge3A_1364 = vector.broadcast %ge3A_1363 : f32 to vector<64x32xf32>
    %ge3A_1365 = arith.cmpf oge, %add3A_1362, %ge3A_1364 : vector<64x32xf32>
    %mul3A_1366 = arith.constant 2.000000e-01 : f32
    %mul3A_1367 = vector.broadcast %mul3A_1366 : f32 to vector<64x32xf32>
    %mul3A_1368 = arith.mulf %mul3A_1367, %add3A_1362 : vector<64x32xf32>
    %select_n3A_1369 = arith.select %ge3A_1365, %add3A_1362, %mul3A_1368 : vector<64x32xi1>, vector<64x32xf32>
    %slice3A_1370 = vector.extract_strided_slice %reshape3A_23 {offsets = [23, 0, 0], sizes = [1, 64, 32], strides = [1, 1, 1]} : vector<32x64x32xf32> to vector<1x64x32xf32>
    %squeeze3A_1371 = vector.shape_cast %slice3A_1370 : vector<1x64x32xf32> to vector<64x32xf32>
    %broadcast_in_dim3A_1372 = arith.constant 0.000000e+00 : f32
    %broadcast_in_dim3A_1373 = vector.broadcast %broadcast_in_dim3A_1372 : f32 to vector<64x32xf32>
    %concatenate3A_1374 = tpu.concatenate %squeeze3A_1371, %broadcast_in_dim3A_1373 in 0 : vector<64x32xf32>, vector<64x32xf32> -> vector<128x32xf32>
    %slice3A_1375 = vector.extract_strided_slice %mul3A_59 {offsets = [23, 0, 0], sizes = [1, 64, 128], strides = [1, 1, 1]} : vector<32x64x128xf32> to vector<1x64x128xf32>
    %squeeze3A_1376 = vector.shape_cast %slice3A_1375 : vector<1x64x128xf32> to vector<64x128xf32>
    %dot_general3A_1377 = arith.constant dense<0.000000e+00> : vector<64x32xf32>
    %dot_general3A_1378 = tpu.matmul %squeeze3A_1376, %concatenate3A_1374, %dot_general3A_1377 {dimension_numbers = #tpu.dot_dimension_numbers<[1], [0], [0], [1], [0, 0, 1, 1], [], []>, transpose_lhs_hint = false} : vector<64x128xf32>, vector<128x32xf32>, vector<64x32xf32> -> vector<64x32xf32>
    %mul3A_1379 = vector.broadcast %convert_element_type3A_200 : vector<1x32xf32> to vector<64x32xf32>
    %mul3A_1380 = arith.mulf %dot_general3A_1378, %mul3A_1379 : vector<64x32xf32>
    %slice3A_1381 = vector.extract_strided_slice %mul3A_93 {offsets = [23, 0, 0], sizes = [1, 64, 128], strides = [1, 1, 1]} : vector<32x64x128xf32> to vector<1x64x128xf32>
    %squeeze3A_1382 = vector.shape_cast %slice3A_1381 : vector<1x64x128xf32> to vector<64x128xf32>
    %dot_general3A_1383 = arith.constant dense<0.000000e+00> : vector<64x32xf32>
    %dot_general3A_1384 = tpu.matmul %squeeze3A_1382, %concatenate3A_1374, %dot_general3A_1383 {dimension_numbers = #tpu.dot_dimension_numbers<[1], [0], [0], [1], [0, 0, 1, 1], [], []>, transpose_lhs_hint = false} : vector<64x128xf32>, vector<128x32xf32>, vector<64x32xf32> -> vector<64x32xf32>
    %mul3A_1385 = vector.broadcast %convert_element_type3A_237 : vector<1x32xf32> to vector<64x32xf32>
    %mul3A_1386 = arith.mulf %dot_general3A_1384, %mul3A_1385 : vector<64x32xf32>
    %add3A_1387 = arith.addf %mul3A_1380, %mul3A_1386 : vector<64x32xf32>
    %slice3A_1388 = vector.extract_strided_slice %mul3A_128 {offsets = [23, 0, 0], sizes = [1, 64, 128], strides = [1, 1, 1]} : vector<32x64x128xf32> to vector<1x64x128xf32>
    %squeeze3A_1389 = vector.shape_cast %slice3A_1388 : vector<1x64x128xf32> to vector<64x128xf32>
    %dot_general3A_1390 = arith.constant dense<0.000000e+00> : vector<64x32xf32>
    %dot_general3A_1391 = tpu.matmul %squeeze3A_1389, %concatenate3A_1374, %dot_general3A_1390 {dimension_numbers = #tpu.dot_dimension_numbers<[1], [0], [0], [1], [0, 0, 1, 1], [], []>, transpose_lhs_hint = false} : vector<64x128xf32>, vector<128x32xf32>, vector<64x32xf32> -> vector<64x32xf32>
    %mul3A_1392 = vector.broadcast %convert_element_type3A_274 : vector<1x32xf32> to vector<64x32xf32>
    %mul3A_1393 = arith.mulf %dot_general3A_1391, %mul3A_1392 : vector<64x32xf32>
    %add3A_1394 = arith.addf %add3A_1387, %mul3A_1393 : vector<64x32xf32>
    %slice3A_1395 = vector.extract_strided_slice %mul3A_163 {offsets = [23, 0, 0], sizes = [1, 64, 128], strides = [1, 1, 1]} : vector<32x64x128xf32> to vector<1x64x128xf32>
    %squeeze3A_1396 = vector.shape_cast %slice3A_1395 : vector<1x64x128xf32> to vector<64x128xf32>
    %dot_general3A_1397 = arith.constant dense<0.000000e+00> : vector<64x32xf32>
    %dot_general3A_1398 = tpu.matmul %squeeze3A_1396, %concatenate3A_1374, %dot_general3A_1397 {dimension_numbers = #tpu.dot_dimension_numbers<[1], [0], [0], [1], [0, 0, 1, 1], [], []>, transpose_lhs_hint = false} : vector<64x128xf32>, vector<128x32xf32>, vector<64x32xf32> -> vector<64x32xf32>
    %mul3A_1399 = vector.broadcast %convert_element_type3A_311 : vector<1x32xf32> to vector<64x32xf32>
    %mul3A_1400 = arith.mulf %dot_general3A_1398, %mul3A_1399 : vector<64x32xf32>
    %add3A_1401 = arith.addf %add3A_1394, %mul3A_1400 : vector<64x32xf32>
    %slice3A_1402 = vector.extract_strided_slice %div3A_172 {offsets = [23, 0, 0], sizes = [1, 64, 4], strides = [1, 1, 1]} : vector<32x64x4xf32> to vector<1x64x4xf32>
    %squeeze3A_1403 = vector.shape_cast %slice3A_1402 : vector<1x64x4xf32> to vector<64x4xf32>
    %dot_general3A_1404 = arith.constant dense<0.000000e+00> : vector<64x32xf32>
    %dot_general3A_1405 = tpu.matmul %squeeze3A_1403, %concatenate3A_312, %dot_general3A_1404 {dimension_numbers = #tpu.dot_dimension_numbers<[1], [0], [0], [1], [0, 0, 1, 1], [], []>, transpose_lhs_hint = false} : vector<64x4xf32>, vector<4x32xf32>, vector<64x32xf32> -> vector<64x32xf32>
    %mul3A_1406 = arith.mulf %add3A_1401, %dot_general3A_1405 : vector<64x32xf32>
    %add3A_1407 = vector.broadcast %get3A_31 : vector<1x32xf32> to vector<64x32xf32>
    %add3A_1408 = arith.addf %mul3A_1406, %add3A_1407 : vector<64x32xf32>
    %ge3A_1409 = arith.constant 0.000000e+00 : f32
    %ge3A_1410 = vector.broadcast %ge3A_1409 : f32 to vector<64x32xf32>
    %ge3A_1411 = arith.cmpf oge, %add3A_1408, %ge3A_1410 : vector<64x32xf32>
    %mul3A_1412 = arith.constant 2.000000e-01 : f32
    %mul3A_1413 = vector.broadcast %mul3A_1412 : f32 to vector<64x32xf32>
    %mul3A_1414 = arith.mulf %mul3A_1413, %add3A_1408 : vector<64x32xf32>
    %select_n3A_1415 = arith.select %ge3A_1411, %add3A_1408, %mul3A_1414 : vector<64x32xi1>, vector<64x32xf32>
    %slice3A_1416 = vector.extract_strided_slice %reshape3A_23 {offsets = [24, 0, 0], sizes = [1, 64, 32], strides = [1, 1, 1]} : vector<32x64x32xf32> to vector<1x64x32xf32>
    %squeeze3A_1417 = vector.shape_cast %slice3A_1416 : vector<1x64x32xf32> to vector<64x32xf32>
    %broadcast_in_dim3A_1418 = arith.constant 0.000000e+00 : f32
    %broadcast_in_dim3A_1419 = vector.broadcast %broadcast_in_dim3A_1418 : f32 to vector<64x32xf32>
    %concatenate3A_1420 = tpu.concatenate %squeeze3A_1417, %broadcast_in_dim3A_1419 in 0 : vector<64x32xf32>, vector<64x32xf32> -> vector<128x32xf32>
    %slice3A_1421 = vector.extract_strided_slice %mul3A_59 {offsets = [24, 0, 0], sizes = [1, 64, 128], strides = [1, 1, 1]} : vector<32x64x128xf32> to vector<1x64x128xf32>
    %squeeze3A_1422 = vector.shape_cast %slice3A_1421 : vector<1x64x128xf32> to vector<64x128xf32>
    %dot_general3A_1423 = arith.constant dense<0.000000e+00> : vector<64x32xf32>
    %dot_general3A_1424 = tpu.matmul %squeeze3A_1422, %concatenate3A_1420, %dot_general3A_1423 {dimension_numbers = #tpu.dot_dimension_numbers<[1], [0], [0], [1], [0, 0, 1, 1], [], []>, transpose_lhs_hint = false} : vector<64x128xf32>, vector<128x32xf32>, vector<64x32xf32> -> vector<64x32xf32>
    %mul3A_1425 = vector.broadcast %convert_element_type3A_200 : vector<1x32xf32> to vector<64x32xf32>
    %mul3A_1426 = arith.mulf %dot_general3A_1424, %mul3A_1425 : vector<64x32xf32>
    %slice3A_1427 = vector.extract_strided_slice %mul3A_93 {offsets = [24, 0, 0], sizes = [1, 64, 128], strides = [1, 1, 1]} : vector<32x64x128xf32> to vector<1x64x128xf32>
    %squeeze3A_1428 = vector.shape_cast %slice3A_1427 : vector<1x64x128xf32> to vector<64x128xf32>
    %dot_general3A_1429 = arith.constant dense<0.000000e+00> : vector<64x32xf32>
    %dot_general3A_1430 = tpu.matmul %squeeze3A_1428, %concatenate3A_1420, %dot_general3A_1429 {dimension_numbers = #tpu.dot_dimension_numbers<[1], [0], [0], [1], [0, 0, 1, 1], [], []>, transpose_lhs_hint = false} : vector<64x128xf32>, vector<128x32xf32>, vector<64x32xf32> -> vector<64x32xf32>
    %mul3A_1431 = vector.broadcast %convert_element_type3A_237 : vector<1x32xf32> to vector<64x32xf32>
    %mul3A_1432 = arith.mulf %dot_general3A_1430, %mul3A_1431 : vector<64x32xf32>
    %add3A_1433 = arith.addf %mul3A_1426, %mul3A_1432 : vector<64x32xf32>
    %slice3A_1434 = vector.extract_strided_slice %mul3A_128 {offsets = [24, 0, 0], sizes = [1, 64, 128], strides = [1, 1, 1]} : vector<32x64x128xf32> to vector<1x64x128xf32>
    %squeeze3A_1435 = vector.shape_cast %slice3A_1434 : vector<1x64x128xf32> to vector<64x128xf32>
    %dot_general3A_1436 = arith.constant dense<0.000000e+00> : vector<64x32xf32>
    %dot_general3A_1437 = tpu.matmul %squeeze3A_1435, %concatenate3A_1420, %dot_general3A_1436 {dimension_numbers = #tpu.dot_dimension_numbers<[1], [0], [0], [1], [0, 0, 1, 1], [], []>, transpose_lhs_hint = false} : vector<64x128xf32>, vector<128x32xf32>, vector<64x32xf32> -> vector<64x32xf32>
    %mul3A_1438 = vector.broadcast %convert_element_type3A_274 : vector<1x32xf32> to vector<64x32xf32>
    %mul3A_1439 = arith.mulf %dot_general3A_1437, %mul3A_1438 : vector<64x32xf32>
    %add3A_1440 = arith.addf %add3A_1433, %mul3A_1439 : vector<64x32xf32>
    %slice3A_1441 = vector.extract_strided_slice %mul3A_163 {offsets = [24, 0, 0], sizes = [1, 64, 128], strides = [1, 1, 1]} : vector<32x64x128xf32> to vector<1x64x128xf32>
    %squeeze3A_1442 = vector.shape_cast %slice3A_1441 : vector<1x64x128xf32> to vector<64x128xf32>
    %dot_general3A_1443 = arith.constant dense<0.000000e+00> : vector<64x32xf32>
    %dot_general3A_1444 = tpu.matmul %squeeze3A_1442, %concatenate3A_1420, %dot_general3A_1443 {dimension_numbers = #tpu.dot_dimension_numbers<[1], [0], [0], [1], [0, 0, 1, 1], [], []>, transpose_lhs_hint = false} : vector<64x128xf32>, vector<128x32xf32>, vector<64x32xf32> -> vector<64x32xf32>
    %mul3A_1445 = vector.broadcast %convert_element_type3A_311 : vector<1x32xf32> to vector<64x32xf32>
    %mul3A_1446 = arith.mulf %dot_general3A_1444, %mul3A_1445 : vector<64x32xf32>
    %add3A_1447 = arith.addf %add3A_1440, %mul3A_1446 : vector<64x32xf32>
    %slice3A_1448 = vector.extract_strided_slice %div3A_172 {offsets = [24, 0, 0], sizes = [1, 64, 4], strides = [1, 1, 1]} : vector<32x64x4xf32> to vector<1x64x4xf32>
    %squeeze3A_1449 = vector.shape_cast %slice3A_1448 : vector<1x64x4xf32> to vector<64x4xf32>
    %dot_general3A_1450 = arith.constant dense<0.000000e+00> : vector<64x32xf32>
    %dot_general3A_1451 = tpu.matmul %squeeze3A_1449, %concatenate3A_312, %dot_general3A_1450 {dimension_numbers = #tpu.dot_dimension_numbers<[1], [0], [0], [1], [0, 0, 1, 1], [], []>, transpose_lhs_hint = false} : vector<64x4xf32>, vector<4x32xf32>, vector<64x32xf32> -> vector<64x32xf32>
    %mul3A_1452 = arith.mulf %add3A_1447, %dot_general3A_1451 : vector<64x32xf32>
    %add3A_1453 = vector.broadcast %get3A_31 : vector<1x32xf32> to vector<64x32xf32>
    %add3A_1454 = arith.addf %mul3A_1452, %add3A_1453 : vector<64x32xf32>
    %ge3A_1455 = arith.constant 0.000000e+00 : f32
    %ge3A_1456 = vector.broadcast %ge3A_1455 : f32 to vector<64x32xf32>
    %ge3A_1457 = arith.cmpf oge, %add3A_1454, %ge3A_1456 : vector<64x32xf32>
    %mul3A_1458 = arith.constant 2.000000e-01 : f32
    %mul3A_1459 = vector.broadcast %mul3A_1458 : f32 to vector<64x32xf32>
    %mul3A_1460 = arith.mulf %mul3A_1459, %add3A_1454 : vector<64x32xf32>
    %select_n3A_1461 = arith.select %ge3A_1457, %add3A_1454, %mul3A_1460 : vector<64x32xi1>, vector<64x32xf32>
    %slice3A_1462 = vector.extract_strided_slice %reshape3A_23 {offsets = [25, 0, 0], sizes = [1, 64, 32], strides = [1, 1, 1]} : vector<32x64x32xf32> to vector<1x64x32xf32>
    %squeeze3A_1463 = vector.shape_cast %slice3A_1462 : vector<1x64x32xf32> to vector<64x32xf32>
    %broadcast_in_dim3A_1464 = arith.constant 0.000000e+00 : f32
    %broadcast_in_dim3A_1465 = vector.broadcast %broadcast_in_dim3A_1464 : f32 to vector<64x32xf32>
    %concatenate3A_1466 = tpu.concatenate %squeeze3A_1463, %broadcast_in_dim3A_1465 in 0 : vector<64x32xf32>, vector<64x32xf32> -> vector<128x32xf32>
    %slice3A_1467 = vector.extract_strided_slice %mul3A_59 {offsets = [25, 0, 0], sizes = [1, 64, 128], strides = [1, 1, 1]} : vector<32x64x128xf32> to vector<1x64x128xf32>
    %squeeze3A_1468 = vector.shape_cast %slice3A_1467 : vector<1x64x128xf32> to vector<64x128xf32>
    %dot_general3A_1469 = arith.constant dense<0.000000e+00> : vector<64x32xf32>
    %dot_general3A_1470 = tpu.matmul %squeeze3A_1468, %concatenate3A_1466, %dot_general3A_1469 {dimension_numbers = #tpu.dot_dimension_numbers<[1], [0], [0], [1], [0, 0, 1, 1], [], []>, transpose_lhs_hint = false} : vector<64x128xf32>, vector<128x32xf32>, vector<64x32xf32> -> vector<64x32xf32>
    %mul3A_1471 = vector.broadcast %convert_element_type3A_200 : vector<1x32xf32> to vector<64x32xf32>
    %mul3A_1472 = arith.mulf %dot_general3A_1470, %mul3A_1471 : vector<64x32xf32>
    %slice3A_1473 = vector.extract_strided_slice %mul3A_93 {offsets = [25, 0, 0], sizes = [1, 64, 128], strides = [1, 1, 1]} : vector<32x64x128xf32> to vector<1x64x128xf32>
    %squeeze3A_1474 = vector.shape_cast %slice3A_1473 : vector<1x64x128xf32> to vector<64x128xf32>
    %dot_general3A_1475 = arith.constant dense<0.000000e+00> : vector<64x32xf32>
    %dot_general3A_1476 = tpu.matmul %squeeze3A_1474, %concatenate3A_1466, %dot_general3A_1475 {dimension_numbers = #tpu.dot_dimension_numbers<[1], [0], [0], [1], [0, 0, 1, 1], [], []>, transpose_lhs_hint = false} : vector<64x128xf32>, vector<128x32xf32>, vector<64x32xf32> -> vector<64x32xf32>
    %mul3A_1477 = vector.broadcast %convert_element_type3A_237 : vector<1x32xf32> to vector<64x32xf32>
    %mul3A_1478 = arith.mulf %dot_general3A_1476, %mul3A_1477 : vector<64x32xf32>
    %add3A_1479 = arith.addf %mul3A_1472, %mul3A_1478 : vector<64x32xf32>
    %slice3A_1480 = vector.extract_strided_slice %mul3A_128 {offsets = [25, 0, 0], sizes = [1, 64, 128], strides = [1, 1, 1]} : vector<32x64x128xf32> to vector<1x64x128xf32>
    %squeeze3A_1481 = vector.shape_cast %slice3A_1480 : vector<1x64x128xf32> to vector<64x128xf32>
    %dot_general3A_1482 = arith.constant dense<0.000000e+00> : vector<64x32xf32>
    %dot_general3A_1483 = tpu.matmul %squeeze3A_1481, %concatenate3A_1466, %dot_general3A_1482 {dimension_numbers = #tpu.dot_dimension_numbers<[1], [0], [0], [1], [0, 0, 1, 1], [], []>, transpose_lhs_hint = false} : vector<64x128xf32>, vector<128x32xf32>, vector<64x32xf32> -> vector<64x32xf32>
    %mul3A_1484 = vector.broadcast %convert_element_type3A_274 : vector<1x32xf32> to vector<64x32xf32>
    %mul3A_1485 = arith.mulf %dot_general3A_1483, %mul3A_1484 : vector<64x32xf32>
    %add3A_1486 = arith.addf %add3A_1479, %mul3A_1485 : vector<64x32xf32>
    %slice3A_1487 = vector.extract_strided_slice %mul3A_163 {offsets = [25, 0, 0], sizes = [1, 64, 128], strides = [1, 1, 1]} : vector<32x64x128xf32> to vector<1x64x128xf32>
    %squeeze3A_1488 = vector.shape_cast %slice3A_1487 : vector<1x64x128xf32> to vector<64x128xf32>
    %dot_general3A_1489 = arith.constant dense<0.000000e+00> : vector<64x32xf32>
    %dot_general3A_1490 = tpu.matmul %squeeze3A_1488, %concatenate3A_1466, %dot_general3A_1489 {dimension_numbers = #tpu.dot_dimension_numbers<[1], [0], [0], [1], [0, 0, 1, 1], [], []>, transpose_lhs_hint = false} : vector<64x128xf32>, vector<128x32xf32>, vector<64x32xf32> -> vector<64x32xf32>
    %mul3A_1491 = vector.broadcast %convert_element_type3A_311 : vector<1x32xf32> to vector<64x32xf32>
    %mul3A_1492 = arith.mulf %dot_general3A_1490, %mul3A_1491 : vector<64x32xf32>
    %add3A_1493 = arith.addf %add3A_1486, %mul3A_1492 : vector<64x32xf32>
    %slice3A_1494 = vector.extract_strided_slice %div3A_172 {offsets = [25, 0, 0], sizes = [1, 64, 4], strides = [1, 1, 1]} : vector<32x64x4xf32> to vector<1x64x4xf32>
    %squeeze3A_1495 = vector.shape_cast %slice3A_1494 : vector<1x64x4xf32> to vector<64x4xf32>
    %dot_general3A_1496 = arith.constant dense<0.000000e+00> : vector<64x32xf32>
    %dot_general3A_1497 = tpu.matmul %squeeze3A_1495, %concatenate3A_312, %dot_general3A_1496 {dimension_numbers = #tpu.dot_dimension_numbers<[1], [0], [0], [1], [0, 0, 1, 1], [], []>, transpose_lhs_hint = false} : vector<64x4xf32>, vector<4x32xf32>, vector<64x32xf32> -> vector<64x32xf32>
    %mul3A_1498 = arith.mulf %add3A_1493, %dot_general3A_1497 : vector<64x32xf32>
    %add3A_1499 = vector.broadcast %get3A_31 : vector<1x32xf32> to vector<64x32xf32>
    %add3A_1500 = arith.addf %mul3A_1498, %add3A_1499 : vector<64x32xf32>
    %ge3A_1501 = arith.constant 0.000000e+00 : f32
    %ge3A_1502 = vector.broadcast %ge3A_1501 : f32 to vector<64x32xf32>
    %ge3A_1503 = arith.cmpf oge, %add3A_1500, %ge3A_1502 : vector<64x32xf32>
    %mul3A_1504 = arith.constant 2.000000e-01 : f32
    %mul3A_1505 = vector.broadcast %mul3A_1504 : f32 to vector<64x32xf32>
    %mul3A_1506 = arith.mulf %mul3A_1505, %add3A_1500 : vector<64x32xf32>
    %select_n3A_1507 = arith.select %ge3A_1503, %add3A_1500, %mul3A_1506 : vector<64x32xi1>, vector<64x32xf32>
    %slice3A_1508 = vector.extract_strided_slice %reshape3A_23 {offsets = [26, 0, 0], sizes = [1, 64, 32], strides = [1, 1, 1]} : vector<32x64x32xf32> to vector<1x64x32xf32>
    %squeeze3A_1509 = vector.shape_cast %slice3A_1508 : vector<1x64x32xf32> to vector<64x32xf32>
    %broadcast_in_dim3A_1510 = arith.constant 0.000000e+00 : f32
    %broadcast_in_dim3A_1511 = vector.broadcast %broadcast_in_dim3A_1510 : f32 to vector<64x32xf32>
    %concatenate3A_1512 = tpu.concatenate %squeeze3A_1509, %broadcast_in_dim3A_1511 in 0 : vector<64x32xf32>, vector<64x32xf32> -> vector<128x32xf32>
    %slice3A_1513 = vector.extract_strided_slice %mul3A_59 {offsets = [26, 0, 0], sizes = [1, 64, 128], strides = [1, 1, 1]} : vector<32x64x128xf32> to vector<1x64x128xf32>
    %squeeze3A_1514 = vector.shape_cast %slice3A_1513 : vector<1x64x128xf32> to vector<64x128xf32>
    %dot_general3A_1515 = arith.constant dense<0.000000e+00> : vector<64x32xf32>
    %dot_general3A_1516 = tpu.matmul %squeeze3A_1514, %concatenate3A_1512, %dot_general3A_1515 {dimension_numbers = #tpu.dot_dimension_numbers<[1], [0], [0], [1], [0, 0, 1, 1], [], []>, transpose_lhs_hint = false} : vector<64x128xf32>, vector<128x32xf32>, vector<64x32xf32> -> vector<64x32xf32>
    %mul3A_1517 = vector.broadcast %convert_element_type3A_200 : vector<1x32xf32> to vector<64x32xf32>
    %mul3A_1518 = arith.mulf %dot_general3A_1516, %mul3A_1517 : vector<64x32xf32>
    %slice3A_1519 = vector.extract_strided_slice %mul3A_93 {offsets = [26, 0, 0], sizes = [1, 64, 128], strides = [1, 1, 1]} : vector<32x64x128xf32> to vector<1x64x128xf32>
    %squeeze3A_1520 = vector.shape_cast %slice3A_1519 : vector<1x64x128xf32> to vector<64x128xf32>
    %dot_general3A_1521 = arith.constant dense<0.000000e+00> : vector<64x32xf32>
    %dot_general3A_1522 = tpu.matmul %squeeze3A_1520, %concatenate3A_1512, %dot_general3A_1521 {dimension_numbers = #tpu.dot_dimension_numbers<[1], [0], [0], [1], [0, 0, 1, 1], [], []>, transpose_lhs_hint = false} : vector<64x128xf32>, vector<128x32xf32>, vector<64x32xf32> -> vector<64x32xf32>
    %mul3A_1523 = vector.broadcast %convert_element_type3A_237 : vector<1x32xf32> to vector<64x32xf32>
    %mul3A_1524 = arith.mulf %dot_general3A_1522, %mul3A_1523 : vector<64x32xf32>
    %add3A_1525 = arith.addf %mul3A_1518, %mul3A_1524 : vector<64x32xf32>
    %slice3A_1526 = vector.extract_strided_slice %mul3A_128 {offsets = [26, 0, 0], sizes = [1, 64, 128], strides = [1, 1, 1]} : vector<32x64x128xf32> to vector<1x64x128xf32>
    %squeeze3A_1527 = vector.shape_cast %slice3A_1526 : vector<1x64x128xf32> to vector<64x128xf32>
    %dot_general3A_1528 = arith.constant dense<0.000000e+00> : vector<64x32xf32>
    %dot_general3A_1529 = tpu.matmul %squeeze3A_1527, %concatenate3A_1512, %dot_general3A_1528 {dimension_numbers = #tpu.dot_dimension_numbers<[1], [0], [0], [1], [0, 0, 1, 1], [], []>, transpose_lhs_hint = false} : vector<64x128xf32>, vector<128x32xf32>, vector<64x32xf32> -> vector<64x32xf32>
    %mul3A_1530 = vector.broadcast %convert_element_type3A_274 : vector<1x32xf32> to vector<64x32xf32>
    %mul3A_1531 = arith.mulf %dot_general3A_1529, %mul3A_1530 : vector<64x32xf32>
    %add3A_1532 = arith.addf %add3A_1525, %mul3A_1531 : vector<64x32xf32>
    %slice3A_1533 = vector.extract_strided_slice %mul3A_163 {offsets = [26, 0, 0], sizes = [1, 64, 128], strides = [1, 1, 1]} : vector<32x64x128xf32> to vector<1x64x128xf32>
    %squeeze3A_1534 = vector.shape_cast %slice3A_1533 : vector<1x64x128xf32> to vector<64x128xf32>
    %dot_general3A_1535 = arith.constant dense<0.000000e+00> : vector<64x32xf32>
    %dot_general3A_1536 = tpu.matmul %squeeze3A_1534, %concatenate3A_1512, %dot_general3A_1535 {dimension_numbers = #tpu.dot_dimension_numbers<[1], [0], [0], [1], [0, 0, 1, 1], [], []>, transpose_lhs_hint = false} : vector<64x128xf32>, vector<128x32xf32>, vector<64x32xf32> -> vector<64x32xf32>
    %mul3A_1537 = vector.broadcast %convert_element_type3A_311 : vector<1x32xf32> to vector<64x32xf32>
    %mul3A_1538 = arith.mulf %dot_general3A_1536, %mul3A_1537 : vector<64x32xf32>
    %add3A_1539 = arith.addf %add3A_1532, %mul3A_1538 : vector<64x32xf32>
    %slice3A_1540 = vector.extract_strided_slice %div3A_172 {offsets = [26, 0, 0], sizes = [1, 64, 4], strides = [1, 1, 1]} : vector<32x64x4xf32> to vector<1x64x4xf32>
    %squeeze3A_1541 = vector.shape_cast %slice3A_1540 : vector<1x64x4xf32> to vector<64x4xf32>
    %dot_general3A_1542 = arith.constant dense<0.000000e+00> : vector<64x32xf32>
    %dot_general3A_1543 = tpu.matmul %squeeze3A_1541, %concatenate3A_312, %dot_general3A_1542 {dimension_numbers = #tpu.dot_dimension_numbers<[1], [0], [0], [1], [0, 0, 1, 1], [], []>, transpose_lhs_hint = false} : vector<64x4xf32>, vector<4x32xf32>, vector<64x32xf32> -> vector<64x32xf32>
    %mul3A_1544 = arith.mulf %add3A_1539, %dot_general3A_1543 : vector<64x32xf32>
    %add3A_1545 = vector.broadcast %get3A_31 : vector<1x32xf32> to vector<64x32xf32>
    %add3A_1546 = arith.addf %mul3A_1544, %add3A_1545 : vector<64x32xf32>
    %ge3A_1547 = arith.constant 0.000000e+00 : f32
    %ge3A_1548 = vector.broadcast %ge3A_1547 : f32 to vector<64x32xf32>
    %ge3A_1549 = arith.cmpf oge, %add3A_1546, %ge3A_1548 : vector<64x32xf32>
    %mul3A_1550 = arith.constant 2.000000e-01 : f32
    %mul3A_1551 = vector.broadcast %mul3A_1550 : f32 to vector<64x32xf32>
    %mul3A_1552 = arith.mulf %mul3A_1551, %add3A_1546 : vector<64x32xf32>
    %select_n3A_1553 = arith.select %ge3A_1549, %add3A_1546, %mul3A_1552 : vector<64x32xi1>, vector<64x32xf32>
    %slice3A_1554 = vector.extract_strided_slice %reshape3A_23 {offsets = [27, 0, 0], sizes = [1, 64, 32], strides = [1, 1, 1]} : vector<32x64x32xf32> to vector<1x64x32xf32>
    %squeeze3A_1555 = vector.shape_cast %slice3A_1554 : vector<1x64x32xf32> to vector<64x32xf32>
    %broadcast_in_dim3A_1556 = arith.constant 0.000000e+00 : f32
    %broadcast_in_dim3A_1557 = vector.broadcast %broadcast_in_dim3A_1556 : f32 to vector<64x32xf32>
    %concatenate3A_1558 = tpu.concatenate %squeeze3A_1555, %broadcast_in_dim3A_1557 in 0 : vector<64x32xf32>, vector<64x32xf32> -> vector<128x32xf32>
    %slice3A_1559 = vector.extract_strided_slice %mul3A_59 {offsets = [27, 0, 0], sizes = [1, 64, 128], strides = [1, 1, 1]} : vector<32x64x128xf32> to vector<1x64x128xf32>
    %squeeze3A_1560 = vector.shape_cast %slice3A_1559 : vector<1x64x128xf32> to vector<64x128xf32>
    %dot_general3A_1561 = arith.constant dense<0.000000e+00> : vector<64x32xf32>
    %dot_general3A_1562 = tpu.matmul %squeeze3A_1560, %concatenate3A_1558, %dot_general3A_1561 {dimension_numbers = #tpu.dot_dimension_numbers<[1], [0], [0], [1], [0, 0, 1, 1], [], []>, transpose_lhs_hint = false} : vector<64x128xf32>, vector<128x32xf32>, vector<64x32xf32> -> vector<64x32xf32>
    %mul3A_1563 = vector.broadcast %convert_element_type3A_200 : vector<1x32xf32> to vector<64x32xf32>
    %mul3A_1564 = arith.mulf %dot_general3A_1562, %mul3A_1563 : vector<64x32xf32>
    %slice3A_1565 = vector.extract_strided_slice %mul3A_93 {offsets = [27, 0, 0], sizes = [1, 64, 128], strides = [1, 1, 1]} : vector<32x64x128xf32> to vector<1x64x128xf32>
    %squeeze3A_1566 = vector.shape_cast %slice3A_1565 : vector<1x64x128xf32> to vector<64x128xf32>
    %dot_general3A_1567 = arith.constant dense<0.000000e+00> : vector<64x32xf32>
    %dot_general3A_1568 = tpu.matmul %squeeze3A_1566, %concatenate3A_1558, %dot_general3A_1567 {dimension_numbers = #tpu.dot_dimension_numbers<[1], [0], [0], [1], [0, 0, 1, 1], [], []>, transpose_lhs_hint = false} : vector<64x128xf32>, vector<128x32xf32>, vector<64x32xf32> -> vector<64x32xf32>
    %mul3A_1569 = vector.broadcast %convert_element_type3A_237 : vector<1x32xf32> to vector<64x32xf32>
    %mul3A_1570 = arith.mulf %dot_general3A_1568, %mul3A_1569 : vector<64x32xf32>
    %add3A_1571 = arith.addf %mul3A_1564, %mul3A_1570 : vector<64x32xf32>
    %slice3A_1572 = vector.extract_strided_slice %mul3A_128 {offsets = [27, 0, 0], sizes = [1, 64, 128], strides = [1, 1, 1]} : vector<32x64x128xf32> to vector<1x64x128xf32>
    %squeeze3A_1573 = vector.shape_cast %slice3A_1572 : vector<1x64x128xf32> to vector<64x128xf32>
    %dot_general3A_1574 = arith.constant dense<0.000000e+00> : vector<64x32xf32>
    %dot_general3A_1575 = tpu.matmul %squeeze3A_1573, %concatenate3A_1558, %dot_general3A_1574 {dimension_numbers = #tpu.dot_dimension_numbers<[1], [0], [0], [1], [0, 0, 1, 1], [], []>, transpose_lhs_hint = false} : vector<64x128xf32>, vector<128x32xf32>, vector<64x32xf32> -> vector<64x32xf32>
    %mul3A_1576 = vector.broadcast %convert_element_type3A_274 : vector<1x32xf32> to vector<64x32xf32>
    %mul3A_1577 = arith.mulf %dot_general3A_1575, %mul3A_1576 : vector<64x32xf32>
    %add3A_1578 = arith.addf %add3A_1571, %mul3A_1577 : vector<64x32xf32>
    %slice3A_1579 = vector.extract_strided_slice %mul3A_163 {offsets = [27, 0, 0], sizes = [1, 64, 128], strides = [1, 1, 1]} : vector<32x64x128xf32> to vector<1x64x128xf32>
    %squeeze3A_1580 = vector.shape_cast %slice3A_1579 : vector<1x64x128xf32> to vector<64x128xf32>
    %dot_general3A_1581 = arith.constant dense<0.000000e+00> : vector<64x32xf32>
    %dot_general3A_1582 = tpu.matmul %squeeze3A_1580, %concatenate3A_1558, %dot_general3A_1581 {dimension_numbers = #tpu.dot_dimension_numbers<[1], [0], [0], [1], [0, 0, 1, 1], [], []>, transpose_lhs_hint = false} : vector<64x128xf32>, vector<128x32xf32>, vector<64x32xf32> -> vector<64x32xf32>
    %mul3A_1583 = vector.broadcast %convert_element_type3A_311 : vector<1x32xf32> to vector<64x32xf32>
    %mul3A_1584 = arith.mulf %dot_general3A_1582, %mul3A_1583 : vector<64x32xf32>
    %add3A_1585 = arith.addf %add3A_1578, %mul3A_1584 : vector<64x32xf32>
    %slice3A_1586 = vector.extract_strided_slice %div3A_172 {offsets = [27, 0, 0], sizes = [1, 64, 4], strides = [1, 1, 1]} : vector<32x64x4xf32> to vector<1x64x4xf32>
    %squeeze3A_1587 = vector.shape_cast %slice3A_1586 : vector<1x64x4xf32> to vector<64x4xf32>
    %dot_general3A_1588 = arith.constant dense<0.000000e+00> : vector<64x32xf32>
    %dot_general3A_1589 = tpu.matmul %squeeze3A_1587, %concatenate3A_312, %dot_general3A_1588 {dimension_numbers = #tpu.dot_dimension_numbers<[1], [0], [0], [1], [0, 0, 1, 1], [], []>, transpose_lhs_hint = false} : vector<64x4xf32>, vector<4x32xf32>, vector<64x32xf32> -> vector<64x32xf32>
    %mul3A_1590 = arith.mulf %add3A_1585, %dot_general3A_1589 : vector<64x32xf32>
    %add3A_1591 = vector.broadcast %get3A_31 : vector<1x32xf32> to vector<64x32xf32>
    %add3A_1592 = arith.addf %mul3A_1590, %add3A_1591 : vector<64x32xf32>
    %ge3A_1593 = arith.constant 0.000000e+00 : f32
    %ge3A_1594 = vector.broadcast %ge3A_1593 : f32 to vector<64x32xf32>
    %ge3A_1595 = arith.cmpf oge, %add3A_1592, %ge3A_1594 : vector<64x32xf32>
    %mul3A_1596 = arith.constant 2.000000e-01 : f32
    %mul3A_1597 = vector.broadcast %mul3A_1596 : f32 to vector<64x32xf32>
    %mul3A_1598 = arith.mulf %mul3A_1597, %add3A_1592 : vector<64x32xf32>
    %select_n3A_1599 = arith.select %ge3A_1595, %add3A_1592, %mul3A_1598 : vector<64x32xi1>, vector<64x32xf32>
    %slice3A_1600 = vector.extract_strided_slice %reshape3A_23 {offsets = [28, 0, 0], sizes = [1, 64, 32], strides = [1, 1, 1]} : vector<32x64x32xf32> to vector<1x64x32xf32>
    %squeeze3A_1601 = vector.shape_cast %slice3A_1600 : vector<1x64x32xf32> to vector<64x32xf32>
    %broadcast_in_dim3A_1602 = arith.constant 0.000000e+00 : f32
    %broadcast_in_dim3A_1603 = vector.broadcast %broadcast_in_dim3A_1602 : f32 to vector<64x32xf32>
    %concatenate3A_1604 = tpu.concatenate %squeeze3A_1601, %broadcast_in_dim3A_1603 in 0 : vector<64x32xf32>, vector<64x32xf32> -> vector<128x32xf32>
    %slice3A_1605 = vector.extract_strided_slice %mul3A_59 {offsets = [28, 0, 0], sizes = [1, 64, 128], strides = [1, 1, 1]} : vector<32x64x128xf32> to vector<1x64x128xf32>
    %squeeze3A_1606 = vector.shape_cast %slice3A_1605 : vector<1x64x128xf32> to vector<64x128xf32>
    %dot_general3A_1607 = arith.constant dense<0.000000e+00> : vector<64x32xf32>
    %dot_general3A_1608 = tpu.matmul %squeeze3A_1606, %concatenate3A_1604, %dot_general3A_1607 {dimension_numbers = #tpu.dot_dimension_numbers<[1], [0], [0], [1], [0, 0, 1, 1], [], []>, transpose_lhs_hint = false} : vector<64x128xf32>, vector<128x32xf32>, vector<64x32xf32> -> vector<64x32xf32>
    %mul3A_1609 = vector.broadcast %convert_element_type3A_200 : vector<1x32xf32> to vector<64x32xf32>
    %mul3A_1610 = arith.mulf %dot_general3A_1608, %mul3A_1609 : vector<64x32xf32>
    %slice3A_1611 = vector.extract_strided_slice %mul3A_93 {offsets = [28, 0, 0], sizes = [1, 64, 128], strides = [1, 1, 1]} : vector<32x64x128xf32> to vector<1x64x128xf32>
    %squeeze3A_1612 = vector.shape_cast %slice3A_1611 : vector<1x64x128xf32> to vector<64x128xf32>
    %dot_general3A_1613 = arith.constant dense<0.000000e+00> : vector<64x32xf32>
    %dot_general3A_1614 = tpu.matmul %squeeze3A_1612, %concatenate3A_1604, %dot_general3A_1613 {dimension_numbers = #tpu.dot_dimension_numbers<[1], [0], [0], [1], [0, 0, 1, 1], [], []>, transpose_lhs_hint = false} : vector<64x128xf32>, vector<128x32xf32>, vector<64x32xf32> -> vector<64x32xf32>
    %mul3A_1615 = vector.broadcast %convert_element_type3A_237 : vector<1x32xf32> to vector<64x32xf32>
    %mul3A_1616 = arith.mulf %dot_general3A_1614, %mul3A_1615 : vector<64x32xf32>
    %add3A_1617 = arith.addf %mul3A_1610, %mul3A_1616 : vector<64x32xf32>
    %slice3A_1618 = vector.extract_strided_slice %mul3A_128 {offsets = [28, 0, 0], sizes = [1, 64, 128], strides = [1, 1, 1]} : vector<32x64x128xf32> to vector<1x64x128xf32>
    %squeeze3A_1619 = vector.shape_cast %slice3A_1618 : vector<1x64x128xf32> to vector<64x128xf32>
    %dot_general3A_1620 = arith.constant dense<0.000000e+00> : vector<64x32xf32>
    %dot_general3A_1621 = tpu.matmul %squeeze3A_1619, %concatenate3A_1604, %dot_general3A_1620 {dimension_numbers = #tpu.dot_dimension_numbers<[1], [0], [0], [1], [0, 0, 1, 1], [], []>, transpose_lhs_hint = false} : vector<64x128xf32>, vector<128x32xf32>, vector<64x32xf32> -> vector<64x32xf32>
    %mul3A_1622 = vector.broadcast %convert_element_type3A_274 : vector<1x32xf32> to vector<64x32xf32>
    %mul3A_1623 = arith.mulf %dot_general3A_1621, %mul3A_1622 : vector<64x32xf32>
    %add3A_1624 = arith.addf %add3A_1617, %mul3A_1623 : vector<64x32xf32>
    %slice3A_1625 = vector.extract_strided_slice %mul3A_163 {offsets = [28, 0, 0], sizes = [1, 64, 128], strides = [1, 1, 1]} : vector<32x64x128xf32> to vector<1x64x128xf32>
    %squeeze3A_1626 = vector.shape_cast %slice3A_1625 : vector<1x64x128xf32> to vector<64x128xf32>
    %dot_general3A_1627 = arith.constant dense<0.000000e+00> : vector<64x32xf32>
    %dot_general3A_1628 = tpu.matmul %squeeze3A_1626, %concatenate3A_1604, %dot_general3A_1627 {dimension_numbers = #tpu.dot_dimension_numbers<[1], [0], [0], [1], [0, 0, 1, 1], [], []>, transpose_lhs_hint = false} : vector<64x128xf32>, vector<128x32xf32>, vector<64x32xf32> -> vector<64x32xf32>
    %mul3A_1629 = vector.broadcast %convert_element_type3A_311 : vector<1x32xf32> to vector<64x32xf32>
    %mul3A_1630 = arith.mulf %dot_general3A_1628, %mul3A_1629 : vector<64x32xf32>
    %add3A_1631 = arith.addf %add3A_1624, %mul3A_1630 : vector<64x32xf32>
    %slice3A_1632 = vector.extract_strided_slice %div3A_172 {offsets = [28, 0, 0], sizes = [1, 64, 4], strides = [1, 1, 1]} : vector<32x64x4xf32> to vector<1x64x4xf32>
    %squeeze3A_1633 = vector.shape_cast %slice3A_1632 : vector<1x64x4xf32> to vector<64x4xf32>
    %dot_general3A_1634 = arith.constant dense<0.000000e+00> : vector<64x32xf32>
    %dot_general3A_1635 = tpu.matmul %squeeze3A_1633, %concatenate3A_312, %dot_general3A_1634 {dimension_numbers = #tpu.dot_dimension_numbers<[1], [0], [0], [1], [0, 0, 1, 1], [], []>, transpose_lhs_hint = false} : vector<64x4xf32>, vector<4x32xf32>, vector<64x32xf32> -> vector<64x32xf32>
    %mul3A_1636 = arith.mulf %add3A_1631, %dot_general3A_1635 : vector<64x32xf32>
    %add3A_1637 = vector.broadcast %get3A_31 : vector<1x32xf32> to vector<64x32xf32>
    %add3A_1638 = arith.addf %mul3A_1636, %add3A_1637 : vector<64x32xf32>
    %ge3A_1639 = arith.constant 0.000000e+00 : f32
    %ge3A_1640 = vector.broadcast %ge3A_1639 : f32 to vector<64x32xf32>
    %ge3A_1641 = arith.cmpf oge, %add3A_1638, %ge3A_1640 : vector<64x32xf32>
    %mul3A_1642 = arith.constant 2.000000e-01 : f32
    %mul3A_1643 = vector.broadcast %mul3A_1642 : f32 to vector<64x32xf32>
    %mul3A_1644 = arith.mulf %mul3A_1643, %add3A_1638 : vector<64x32xf32>
    %select_n3A_1645 = arith.select %ge3A_1641, %add3A_1638, %mul3A_1644 : vector<64x32xi1>, vector<64x32xf32>
    %slice3A_1646 = vector.extract_strided_slice %reshape3A_23 {offsets = [29, 0, 0], sizes = [1, 64, 32], strides = [1, 1, 1]} : vector<32x64x32xf32> to vector<1x64x32xf32>
    %squeeze3A_1647 = vector.shape_cast %slice3A_1646 : vector<1x64x32xf32> to vector<64x32xf32>
    %broadcast_in_dim3A_1648 = arith.constant 0.000000e+00 : f32
    %broadcast_in_dim3A_1649 = vector.broadcast %broadcast_in_dim3A_1648 : f32 to vector<64x32xf32>
    %concatenate3A_1650 = tpu.concatenate %squeeze3A_1647, %broadcast_in_dim3A_1649 in 0 : vector<64x32xf32>, vector<64x32xf32> -> vector<128x32xf32>
    %slice3A_1651 = vector.extract_strided_slice %mul3A_59 {offsets = [29, 0, 0], sizes = [1, 64, 128], strides = [1, 1, 1]} : vector<32x64x128xf32> to vector<1x64x128xf32>
    %squeeze3A_1652 = vector.shape_cast %slice3A_1651 : vector<1x64x128xf32> to vector<64x128xf32>
    %dot_general3A_1653 = arith.constant dense<0.000000e+00> : vector<64x32xf32>
    %dot_general3A_1654 = tpu.matmul %squeeze3A_1652, %concatenate3A_1650, %dot_general3A_1653 {dimension_numbers = #tpu.dot_dimension_numbers<[1], [0], [0], [1], [0, 0, 1, 1], [], []>, transpose_lhs_hint = false} : vector<64x128xf32>, vector<128x32xf32>, vector<64x32xf32> -> vector<64x32xf32>
    %mul3A_1655 = vector.broadcast %convert_element_type3A_200 : vector<1x32xf32> to vector<64x32xf32>
    %mul3A_1656 = arith.mulf %dot_general3A_1654, %mul3A_1655 : vector<64x32xf32>
    %slice3A_1657 = vector.extract_strided_slice %mul3A_93 {offsets = [29, 0, 0], sizes = [1, 64, 128], strides = [1, 1, 1]} : vector<32x64x128xf32> to vector<1x64x128xf32>
    %squeeze3A_1658 = vector.shape_cast %slice3A_1657 : vector<1x64x128xf32> to vector<64x128xf32>
    %dot_general3A_1659 = arith.constant dense<0.000000e+00> : vector<64x32xf32>
    %dot_general3A_1660 = tpu.matmul %squeeze3A_1658, %concatenate3A_1650, %dot_general3A_1659 {dimension_numbers = #tpu.dot_dimension_numbers<[1], [0], [0], [1], [0, 0, 1, 1], [], []>, transpose_lhs_hint = false} : vector<64x128xf32>, vector<128x32xf32>, vector<64x32xf32> -> vector<64x32xf32>
    %mul3A_1661 = vector.broadcast %convert_element_type3A_237 : vector<1x32xf32> to vector<64x32xf32>
    %mul3A_1662 = arith.mulf %dot_general3A_1660, %mul3A_1661 : vector<64x32xf32>
    %add3A_1663 = arith.addf %mul3A_1656, %mul3A_1662 : vector<64x32xf32>
    %slice3A_1664 = vector.extract_strided_slice %mul3A_128 {offsets = [29, 0, 0], sizes = [1, 64, 128], strides = [1, 1, 1]} : vector<32x64x128xf32> to vector<1x64x128xf32>
    %squeeze3A_1665 = vector.shape_cast %slice3A_1664 : vector<1x64x128xf32> to vector<64x128xf32>
    %dot_general3A_1666 = arith.constant dense<0.000000e+00> : vector<64x32xf32>
    %dot_general3A_1667 = tpu.matmul %squeeze3A_1665, %concatenate3A_1650, %dot_general3A_1666 {dimension_numbers = #tpu.dot_dimension_numbers<[1], [0], [0], [1], [0, 0, 1, 1], [], []>, transpose_lhs_hint = false} : vector<64x128xf32>, vector<128x32xf32>, vector<64x32xf32> -> vector<64x32xf32>
    %mul3A_1668 = vector.broadcast %convert_element_type3A_274 : vector<1x32xf32> to vector<64x32xf32>
    %mul3A_1669 = arith.mulf %dot_general3A_1667, %mul3A_1668 : vector<64x32xf32>
    %add3A_1670 = arith.addf %add3A_1663, %mul3A_1669 : vector<64x32xf32>
    %slice3A_1671 = vector.extract_strided_slice %mul3A_163 {offsets = [29, 0, 0], sizes = [1, 64, 128], strides = [1, 1, 1]} : vector<32x64x128xf32> to vector<1x64x128xf32>
    %squeeze3A_1672 = vector.shape_cast %slice3A_1671 : vector<1x64x128xf32> to vector<64x128xf32>
    %dot_general3A_1673 = arith.constant dense<0.000000e+00> : vector<64x32xf32>
    %dot_general3A_1674 = tpu.matmul %squeeze3A_1672, %concatenate3A_1650, %dot_general3A_1673 {dimension_numbers = #tpu.dot_dimension_numbers<[1], [0], [0], [1], [0, 0, 1, 1], [], []>, transpose_lhs_hint = false} : vector<64x128xf32>, vector<128x32xf32>, vector<64x32xf32> -> vector<64x32xf32>
    %mul3A_1675 = vector.broadcast %convert_element_type3A_311 : vector<1x32xf32> to vector<64x32xf32>
    %mul3A_1676 = arith.mulf %dot_general3A_1674, %mul3A_1675 : vector<64x32xf32>
    %add3A_1677 = arith.addf %add3A_1670, %mul3A_1676 : vector<64x32xf32>
    %slice3A_1678 = vector.extract_strided_slice %div3A_172 {offsets = [29, 0, 0], sizes = [1, 64, 4], strides = [1, 1, 1]} : vector<32x64x4xf32> to vector<1x64x4xf32>
    %squeeze3A_1679 = vector.shape_cast %slice3A_1678 : vector<1x64x4xf32> to vector<64x4xf32>
    %dot_general3A_1680 = arith.constant dense<0.000000e+00> : vector<64x32xf32>
    %dot_general3A_1681 = tpu.matmul %squeeze3A_1679, %concatenate3A_312, %dot_general3A_1680 {dimension_numbers = #tpu.dot_dimension_numbers<[1], [0], [0], [1], [0, 0, 1, 1], [], []>, transpose_lhs_hint = false} : vector<64x4xf32>, vector<4x32xf32>, vector<64x32xf32> -> vector<64x32xf32>
    %mul3A_1682 = arith.mulf %add3A_1677, %dot_general3A_1681 : vector<64x32xf32>
    %add3A_1683 = vector.broadcast %get3A_31 : vector<1x32xf32> to vector<64x32xf32>
    %add3A_1684 = arith.addf %mul3A_1682, %add3A_1683 : vector<64x32xf32>
    %ge3A_1685 = arith.constant 0.000000e+00 : f32
    %ge3A_1686 = vector.broadcast %ge3A_1685 : f32 to vector<64x32xf32>
    %ge3A_1687 = arith.cmpf oge, %add3A_1684, %ge3A_1686 : vector<64x32xf32>
    %mul3A_1688 = arith.constant 2.000000e-01 : f32
    %mul3A_1689 = vector.broadcast %mul3A_1688 : f32 to vector<64x32xf32>
    %mul3A_1690 = arith.mulf %mul3A_1689, %add3A_1684 : vector<64x32xf32>
    %select_n3A_1691 = arith.select %ge3A_1687, %add3A_1684, %mul3A_1690 : vector<64x32xi1>, vector<64x32xf32>
    %slice3A_1692 = vector.extract_strided_slice %reshape3A_23 {offsets = [30, 0, 0], sizes = [1, 64, 32], strides = [1, 1, 1]} : vector<32x64x32xf32> to vector<1x64x32xf32>
    %squeeze3A_1693 = vector.shape_cast %slice3A_1692 : vector<1x64x32xf32> to vector<64x32xf32>
    %broadcast_in_dim3A_1694 = arith.constant 0.000000e+00 : f32
    %broadcast_in_dim3A_1695 = vector.broadcast %broadcast_in_dim3A_1694 : f32 to vector<64x32xf32>
    %concatenate3A_1696 = tpu.concatenate %squeeze3A_1693, %broadcast_in_dim3A_1695 in 0 : vector<64x32xf32>, vector<64x32xf32> -> vector<128x32xf32>
    %slice3A_1697 = vector.extract_strided_slice %mul3A_59 {offsets = [30, 0, 0], sizes = [1, 64, 128], strides = [1, 1, 1]} : vector<32x64x128xf32> to vector<1x64x128xf32>
    %squeeze3A_1698 = vector.shape_cast %slice3A_1697 : vector<1x64x128xf32> to vector<64x128xf32>
    %dot_general3A_1699 = arith.constant dense<0.000000e+00> : vector<64x32xf32>
    %dot_general3A_1700 = tpu.matmul %squeeze3A_1698, %concatenate3A_1696, %dot_general3A_1699 {dimension_numbers = #tpu.dot_dimension_numbers<[1], [0], [0], [1], [0, 0, 1, 1], [], []>, transpose_lhs_hint = false} : vector<64x128xf32>, vector<128x32xf32>, vector<64x32xf32> -> vector<64x32xf32>
    %mul3A_1701 = vector.broadcast %convert_element_type3A_200 : vector<1x32xf32> to vector<64x32xf32>
    %mul3A_1702 = arith.mulf %dot_general3A_1700, %mul3A_1701 : vector<64x32xf32>
    %slice3A_1703 = vector.extract_strided_slice %mul3A_93 {offsets = [30, 0, 0], sizes = [1, 64, 128], strides = [1, 1, 1]} : vector<32x64x128xf32> to vector<1x64x128xf32>
    %squeeze3A_1704 = vector.shape_cast %slice3A_1703 : vector<1x64x128xf32> to vector<64x128xf32>
    %dot_general3A_1705 = arith.constant dense<0.000000e+00> : vector<64x32xf32>
    %dot_general3A_1706 = tpu.matmul %squeeze3A_1704, %concatenate3A_1696, %dot_general3A_1705 {dimension_numbers = #tpu.dot_dimension_numbers<[1], [0], [0], [1], [0, 0, 1, 1], [], []>, transpose_lhs_hint = false} : vector<64x128xf32>, vector<128x32xf32>, vector<64x32xf32> -> vector<64x32xf32>
    %mul3A_1707 = vector.broadcast %convert_element_type3A_237 : vector<1x32xf32> to vector<64x32xf32>
    %mul3A_1708 = arith.mulf %dot_general3A_1706, %mul3A_1707 : vector<64x32xf32>
    %add3A_1709 = arith.addf %mul3A_1702, %mul3A_1708 : vector<64x32xf32>
    %slice3A_1710 = vector.extract_strided_slice %mul3A_128 {offsets = [30, 0, 0], sizes = [1, 64, 128], strides = [1, 1, 1]} : vector<32x64x128xf32> to vector<1x64x128xf32>
    %squeeze3A_1711 = vector.shape_cast %slice3A_1710 : vector<1x64x128xf32> to vector<64x128xf32>
    %dot_general3A_1712 = arith.constant dense<0.000000e+00> : vector<64x32xf32>
    %dot_general3A_1713 = tpu.matmul %squeeze3A_1711, %concatenate3A_1696, %dot_general3A_1712 {dimension_numbers = #tpu.dot_dimension_numbers<[1], [0], [0], [1], [0, 0, 1, 1], [], []>, transpose_lhs_hint = false} : vector<64x128xf32>, vector<128x32xf32>, vector<64x32xf32> -> vector<64x32xf32>
    %mul3A_1714 = vector.broadcast %convert_element_type3A_274 : vector<1x32xf32> to vector<64x32xf32>
    %mul3A_1715 = arith.mulf %dot_general3A_1713, %mul3A_1714 : vector<64x32xf32>
    %add3A_1716 = arith.addf %add3A_1709, %mul3A_1715 : vector<64x32xf32>
    %slice3A_1717 = vector.extract_strided_slice %mul3A_163 {offsets = [30, 0, 0], sizes = [1, 64, 128], strides = [1, 1, 1]} : vector<32x64x128xf32> to vector<1x64x128xf32>
    %squeeze3A_1718 = vector.shape_cast %slice3A_1717 : vector<1x64x128xf32> to vector<64x128xf32>
    %dot_general3A_1719 = arith.constant dense<0.000000e+00> : vector<64x32xf32>
    %dot_general3A_1720 = tpu.matmul %squeeze3A_1718, %concatenate3A_1696, %dot_general3A_1719 {dimension_numbers = #tpu.dot_dimension_numbers<[1], [0], [0], [1], [0, 0, 1, 1], [], []>, transpose_lhs_hint = false} : vector<64x128xf32>, vector<128x32xf32>, vector<64x32xf32> -> vector<64x32xf32>
    %mul3A_1721 = vector.broadcast %convert_element_type3A_311 : vector<1x32xf32> to vector<64x32xf32>
    %mul3A_1722 = arith.mulf %dot_general3A_1720, %mul3A_1721 : vector<64x32xf32>
    %add3A_1723 = arith.addf %add3A_1716, %mul3A_1722 : vector<64x32xf32>
    %slice3A_1724 = vector.extract_strided_slice %div3A_172 {offsets = [30, 0, 0], sizes = [1, 64, 4], strides = [1, 1, 1]} : vector<32x64x4xf32> to vector<1x64x4xf32>
    %squeeze3A_1725 = vector.shape_cast %slice3A_1724 : vector<1x64x4xf32> to vector<64x4xf32>
    %dot_general3A_1726 = arith.constant dense<0.000000e+00> : vector<64x32xf32>
    %dot_general3A_1727 = tpu.matmul %squeeze3A_1725, %concatenate3A_312, %dot_general3A_1726 {dimension_numbers = #tpu.dot_dimension_numbers<[1], [0], [0], [1], [0, 0, 1, 1], [], []>, transpose_lhs_hint = false} : vector<64x4xf32>, vector<4x32xf32>, vector<64x32xf32> -> vector<64x32xf32>
    %mul3A_1728 = arith.mulf %add3A_1723, %dot_general3A_1727 : vector<64x32xf32>
    %add3A_1729 = vector.broadcast %get3A_31 : vector<1x32xf32> to vector<64x32xf32>
    %add3A_1730 = arith.addf %mul3A_1728, %add3A_1729 : vector<64x32xf32>
    %ge3A_1731 = arith.constant 0.000000e+00 : f32
    %ge3A_1732 = vector.broadcast %ge3A_1731 : f32 to vector<64x32xf32>
    %ge3A_1733 = arith.cmpf oge, %add3A_1730, %ge3A_1732 : vector<64x32xf32>
    %mul3A_1734 = arith.constant 2.000000e-01 : f32
    %mul3A_1735 = vector.broadcast %mul3A_1734 : f32 to vector<64x32xf32>
    %mul3A_1736 = arith.mulf %mul3A_1735, %add3A_1730 : vector<64x32xf32>
    %select_n3A_1737 = arith.select %ge3A_1733, %add3A_1730, %mul3A_1736 : vector<64x32xi1>, vector<64x32xf32>
    %slice3A_1738 = vector.extract_strided_slice %reshape3A_23 {offsets = [31, 0, 0], sizes = [1, 64, 32], strides = [1, 1, 1]} : vector<32x64x32xf32> to vector<1x64x32xf32>
    %squeeze3A_1739 = vector.shape_cast %slice3A_1738 : vector<1x64x32xf32> to vector<64x32xf32>
    %broadcast_in_dim3A_1740 = arith.constant 0.000000e+00 : f32
    %broadcast_in_dim3A_1741 = vector.broadcast %broadcast_in_dim3A_1740 : f32 to vector<64x32xf32>
    %concatenate3A_1742 = tpu.concatenate %squeeze3A_1739, %broadcast_in_dim3A_1741 in 0 : vector<64x32xf32>, vector<64x32xf32> -> vector<128x32xf32>
    %slice3A_1743 = vector.extract_strided_slice %mul3A_59 {offsets = [31, 0, 0], sizes = [1, 64, 128], strides = [1, 1, 1]} : vector<32x64x128xf32> to vector<1x64x128xf32>
    %squeeze3A_1744 = vector.shape_cast %slice3A_1743 : vector<1x64x128xf32> to vector<64x128xf32>
    %dot_general3A_1745 = arith.constant dense<0.000000e+00> : vector<64x32xf32>
    %dot_general3A_1746 = tpu.matmul %squeeze3A_1744, %concatenate3A_1742, %dot_general3A_1745 {dimension_numbers = #tpu.dot_dimension_numbers<[1], [0], [0], [1], [0, 0, 1, 1], [], []>, transpose_lhs_hint = false} : vector<64x128xf32>, vector<128x32xf32>, vector<64x32xf32> -> vector<64x32xf32>
    %mul3A_1747 = vector.broadcast %convert_element_type3A_200 : vector<1x32xf32> to vector<64x32xf32>
    %mul3A_1748 = arith.mulf %dot_general3A_1746, %mul3A_1747 : vector<64x32xf32>
    %slice3A_1749 = vector.extract_strided_slice %mul3A_93 {offsets = [31, 0, 0], sizes = [1, 64, 128], strides = [1, 1, 1]} : vector<32x64x128xf32> to vector<1x64x128xf32>
    %squeeze3A_1750 = vector.shape_cast %slice3A_1749 : vector<1x64x128xf32> to vector<64x128xf32>
    %dot_general3A_1751 = arith.constant dense<0.000000e+00> : vector<64x32xf32>
    %dot_general3A_1752 = tpu.matmul %squeeze3A_1750, %concatenate3A_1742, %dot_general3A_1751 {dimension_numbers = #tpu.dot_dimension_numbers<[1], [0], [0], [1], [0, 0, 1, 1], [], []>, transpose_lhs_hint = false} : vector<64x128xf32>, vector<128x32xf32>, vector<64x32xf32> -> vector<64x32xf32>
    %mul3A_1753 = vector.broadcast %convert_element_type3A_237 : vector<1x32xf32> to vector<64x32xf32>
    %mul3A_1754 = arith.mulf %dot_general3A_1752, %mul3A_1753 : vector<64x32xf32>
    %add3A_1755 = arith.addf %mul3A_1748, %mul3A_1754 : vector<64x32xf32>
    %slice3A_1756 = vector.extract_strided_slice %mul3A_128 {offsets = [31, 0, 0], sizes = [1, 64, 128], strides = [1, 1, 1]} : vector<32x64x128xf32> to vector<1x64x128xf32>
    %squeeze3A_1757 = vector.shape_cast %slice3A_1756 : vector<1x64x128xf32> to vector<64x128xf32>
    %dot_general3A_1758 = arith.constant dense<0.000000e+00> : vector<64x32xf32>
    %dot_general3A_1759 = tpu.matmul %squeeze3A_1757, %concatenate3A_1742, %dot_general3A_1758 {dimension_numbers = #tpu.dot_dimension_numbers<[1], [0], [0], [1], [0, 0, 1, 1], [], []>, transpose_lhs_hint = false} : vector<64x128xf32>, vector<128x32xf32>, vector<64x32xf32> -> vector<64x32xf32>
    %mul3A_1760 = vector.broadcast %convert_element_type3A_274 : vector<1x32xf32> to vector<64x32xf32>
    %mul3A_1761 = arith.mulf %dot_general3A_1759, %mul3A_1760 : vector<64x32xf32>
    %add3A_1762 = arith.addf %add3A_1755, %mul3A_1761 : vector<64x32xf32>
    %slice3A_1763 = vector.extract_strided_slice %mul3A_163 {offsets = [31, 0, 0], sizes = [1, 64, 128], strides = [1, 1, 1]} : vector<32x64x128xf32> to vector<1x64x128xf32>
    %squeeze3A_1764 = vector.shape_cast %slice3A_1763 : vector<1x64x128xf32> to vector<64x128xf32>
    %dot_general3A_1765 = arith.constant dense<0.000000e+00> : vector<64x32xf32>
    %dot_general3A_1766 = tpu.matmul %squeeze3A_1764, %concatenate3A_1742, %dot_general3A_1765 {dimension_numbers = #tpu.dot_dimension_numbers<[1], [0], [0], [1], [0, 0, 1, 1], [], []>, transpose_lhs_hint = false} : vector<64x128xf32>, vector<128x32xf32>, vector<64x32xf32> -> vector<64x32xf32>
    %mul3A_1767 = vector.broadcast %convert_element_type3A_311 : vector<1x32xf32> to vector<64x32xf32>
    %mul3A_1768 = arith.mulf %dot_general3A_1766, %mul3A_1767 : vector<64x32xf32>
    %add3A_1769 = arith.addf %add3A_1762, %mul3A_1768 : vector<64x32xf32>
    %slice3A_1770 = vector.extract_strided_slice %div3A_172 {offsets = [31, 0, 0], sizes = [1, 64, 4], strides = [1, 1, 1]} : vector<32x64x4xf32> to vector<1x64x4xf32>
    %squeeze3A_1771 = vector.shape_cast %slice3A_1770 : vector<1x64x4xf32> to vector<64x4xf32>
    %dot_general3A_1772 = arith.constant dense<0.000000e+00> : vector<64x32xf32>
    %dot_general3A_1773 = tpu.matmul %squeeze3A_1771, %concatenate3A_312, %dot_general3A_1772 {dimension_numbers = #tpu.dot_dimension_numbers<[1], [0], [0], [1], [0, 0, 1, 1], [], []>, transpose_lhs_hint = false} : vector<64x4xf32>, vector<4x32xf32>, vector<64x32xf32> -> vector<64x32xf32>
    %mul3A_1774 = arith.mulf %add3A_1769, %dot_general3A_1773 : vector<64x32xf32>
    %add3A_1775 = vector.broadcast %get3A_31 : vector<1x32xf32> to vector<64x32xf32>
    %add3A_1776 = arith.addf %mul3A_1774, %add3A_1775 : vector<64x32xf32>
    %ge3A_1777 = arith.constant 0.000000e+00 : f32
    %ge3A_1778 = vector.broadcast %ge3A_1777 : f32 to vector<64x32xf32>
    %ge3A_1779 = arith.cmpf oge, %add3A_1776, %ge3A_1778 : vector<64x32xf32>
    %mul3A_1780 = arith.constant 2.000000e-01 : f32
    %mul3A_1781 = vector.broadcast %mul3A_1780 : f32 to vector<64x32xf32>
    %mul3A_1782 = arith.mulf %mul3A_1781, %add3A_1776 : vector<64x32xf32>
    %select_n3A_1783 = arith.select %ge3A_1779, %add3A_1776, %mul3A_1782 : vector<64x32xi1>, vector<64x32xf32>
    %broadcast_in_dim3A_1784 = vector.shape_cast %select_n3A_357 : vector<64x32xf32> to vector<64x1x32xf32>
    %broadcast_in_dim3A_1785 = vector.shape_cast %select_n3A_403 : vector<64x32xf32> to vector<64x1x32xf32>
    %broadcast_in_dim3A_1786 = vector.shape_cast %select_n3A_449 : vector<64x32xf32> to vector<64x1x32xf32>
    %broadcast_in_dim3A_1787 = vector.shape_cast %select_n3A_495 : vector<64x32xf32> to vector<64x1x32xf32>
    %broadcast_in_dim3A_1788 = vector.shape_cast %select_n3A_541 : vector<64x32xf32> to vector<64x1x32xf32>
    %broadcast_in_dim3A_1789 = vector.shape_cast %select_n3A_587 : vector<64x32xf32> to vector<64x1x32xf32>
    %broadcast_in_dim3A_1790 = vector.shape_cast %select_n3A_633 : vector<64x32xf32> to vector<64x1x32xf32>
    %broadcast_in_dim3A_1791 = vector.shape_cast %select_n3A_679 : vector<64x32xf32> to vector<64x1x32xf32>
    %broadcast_in_dim3A_1792 = vector.shape_cast %select_n3A_725 : vector<64x32xf32> to vector<64x1x32xf32>
    %broadcast_in_dim3A_1793 = vector.shape_cast %select_n3A_771 : vector<64x32xf32> to vector<64x1x32xf32>
    %broadcast_in_dim3A_1794 = vector.shape_cast %select_n3A_817 : vector<64x32xf32> to vector<64x1x32xf32>
    %broadcast_in_dim3A_1795 = vector.shape_cast %select_n3A_863 : vector<64x32xf32> to vector<64x1x32xf32>
    %broadcast_in_dim3A_1796 = vector.shape_cast %select_n3A_909 : vector<64x32xf32> to vector<64x1x32xf32>
    %broadcast_in_dim3A_1797 = vector.shape_cast %select_n3A_955 : vector<64x32xf32> to vector<64x1x32xf32>
    %broadcast_in_dim3A_1798 = vector.shape_cast %select_n3A_1001 : vector<64x32xf32> to vector<64x1x32xf32>
    %broadcast_in_dim3A_1799 = vector.shape_cast %select_n3A_1047 : vector<64x32xf32> to vector<64x1x32xf32>
    %broadcast_in_dim3A_1800 = vector.shape_cast %select_n3A_1093 : vector<64x32xf32> to vector<64x1x32xf32>
    %broadcast_in_dim3A_1801 = vector.shape_cast %select_n3A_1139 : vector<64x32xf32> to vector<64x1x32xf32>
    %broadcast_in_dim3A_1802 = vector.shape_cast %select_n3A_1185 : vector<64x32xf32> to vector<64x1x32xf32>
    %broadcast_in_dim3A_1803 = vector.shape_cast %select_n3A_1231 : vector<64x32xf32> to vector<64x1x32xf32>
    %broadcast_in_dim3A_1804 = vector.shape_cast %select_n3A_1277 : vector<64x32xf32> to vector<64x1x32xf32>
    %broadcast_in_dim3A_1805 = vector.shape_cast %select_n3A_1323 : vector<64x32xf32> to vector<64x1x32xf32>
    %broadcast_in_dim3A_1806 = vector.shape_cast %select_n3A_1369 : vector<64x32xf32> to vector<64x1x32xf32>
    %broadcast_in_dim3A_1807 = vector.shape_cast %select_n3A_1415 : vector<64x32xf32> to vector<64x1x32xf32>
    %broadcast_in_dim3A_1808 = vector.shape_cast %select_n3A_1461 : vector<64x32xf32> to vector<64x1x32xf32>
    %broadcast_in_dim3A_1809 = vector.shape_cast %select_n3A_1507 : vector<64x32xf32> to vector<64x1x32xf32>
    %broadcast_in_dim3A_1810 = vector.shape_cast %select_n3A_1553 : vector<64x32xf32> to vector<64x1x32xf32>
    %broadcast_in_dim3A_1811 = vector.shape_cast %select_n3A_1599 : vector<64x32xf32> to vector<64x1x32xf32>
    %broadcast_in_dim3A_1812 = vector.shape_cast %select_n3A_1645 : vector<64x32xf32> to vector<64x1x32xf32>
    %broadcast_in_dim3A_1813 = vector.shape_cast %select_n3A_1691 : vector<64x32xf32> to vector<64x1x32xf32>
    %broadcast_in_dim3A_1814 = vector.shape_cast %select_n3A_1737 : vector<64x32xf32> to vector<64x1x32xf32>
    %broadcast_in_dim3A_1815 = vector.shape_cast %select_n3A_1783 : vector<64x32xf32> to vector<64x1x32xf32>
    %concatenate3A_1816 = tpu.concatenate %broadcast_in_dim3A_1784, %broadcast_in_dim3A_1785, %broadcast_in_dim3A_1786, %broadcast_in_dim3A_1787, %broadcast_in_dim3A_1788, %broadcast_in_dim3A_1789, %broadcast_in_dim3A_1790, %broadcast_in_dim3A_1791, %broadcast_in_dim3A_1792, %broadcast_in_dim3A_1793, %broadcast_in_dim3A_1794, %broadcast_in_dim3A_1795, %broadcast_in_dim3A_1796, %broadcast_in_dim3A_1797, %broadcast_in_dim3A_1798, %broadcast_in_dim3A_1799, %broadcast_in_dim3A_1800, %broadcast_in_dim3A_1801, %broadcast_in_dim3A_1802, %broadcast_in_dim3A_1803, %broadcast_in_dim3A_1804, %broadcast_in_dim3A_1805, %broadcast_in_dim3A_1806, %broadcast_in_dim3A_1807, %broadcast_in_dim3A_1808, %broadcast_in_dim3A_1809, %broadcast_in_dim3A_1810, %broadcast_in_dim3A_1811, %broadcast_in_dim3A_1812, %broadcast_in_dim3A_1813, %broadcast_in_dim3A_1814, %broadcast_in_dim3A_1815 in 1 : vector<64x1x32xf32>, vector<64x1x32xf32>, vector<64x1x32xf32>, vector<64x1x32xf32>, vector<64x1x32xf32>, vector<64x1x32xf32>, vector<64x1x32xf32>, vector<64x1x32xf32>, vector<64x1x32xf32>, vector<64x1x32xf32>, vector<64x1x32xf32>, vector<64x1x32xf32>, vector<64x1x32xf32>, vector<64x1x32xf32>, vector<64x1x32xf32>, vector<64x1x32xf32>, vector<64x1x32xf32>, vector<64x1x32xf32>, vector<64x1x32xf32>, vector<64x1x32xf32>, vector<64x1x32xf32>, vector<64x1x32xf32>, vector<64x1x32xf32>, vector<64x1x32xf32>, vector<64x1x32xf32>, vector<64x1x32xf32>, vector<64x1x32xf32>, vector<64x1x32xf32>, vector<64x1x32xf32>, vector<64x1x32xf32>, vector<64x1x32xf32>, vector<64x1x32xf32> -> vector<64x32x32xf32>
    %swap3A = arith.constant 0 : index
    %swap3A_1817 = arith.constant 0 : index
    %swap3A_1818 = arith.constant 0 : index
    %swap3A_1819 = arith.constant 0 : index
    %swap3A_1820 = vector.load %arg9[%swap3A, %swap3A_1817, %swap3A_1818, %swap3A_1819] : memref<1x64x32x32xf32, #tpu.memory_space<vmem>>, vector<1x64x32x32xf32>
    %swap3A_1821 = vector.shape_cast %swap3A_1820 : vector<1x64x32x32xf32> to vector<64x32x32xf32>
    %swap3A_1822 = vector.shape_cast %concatenate3A_1816 : vector<64x32x32xf32> to vector<1x64x32x32xf32>
    tpu.vector_store %arg9[%swap3A, %swap3A_1817, %swap3A_1818, %swap3A_1819], %swap3A_1822 {strides = array<i32>} : memref<1x64x32x32xf32, #tpu.memory_space<vmem>>, vector<1x64x32x32xf32>,
    return
  }
  func.func @transform_0(%arg0: i32, %arg1: i32) -> (i32, i32, i32, i32) {
    %c0_i32 = arith.constant 0 : i32
    %c0_i32_0 = arith.constant 0 : i32
    %c0_i32_1 = arith.constant 0 : i32
    return %arg0, %arg1, %c0_i32, %c0_i32_0 : i32, i32, i32, i32
  }
  func.func @transform_1(%arg0: i32, %arg1: i32) -> (i32, i32) {
    %c0_i32 = arith.constant 0 : i32
    %c0_i32_0 = arith.constant 0 : i32
    %c0_i32_1 = arith.constant 0 : i32
    return %c0_i32, %c0_i32_0 : i32, i32
  }
  func.func @transform_2(%arg0: i32, %arg1: i32) -> (i32, i32) {
    %c0_i32 = arith.constant 0 : i32
    %c0_i32_0 = arith.constant 0 : i32
    %c0_i32_1 = arith.constant 0 : i32
    return %c0_i32, %c0_i32_0 : i32, i32
  }
  func.func @transform_3(%arg0: i32, %arg1: i32) -> (i32, i32) {
    %c0_i32 = arith.constant 0 : i32
    %c0_i32_0 = arith.constant 0 : i32
    %c0_i32_1 = arith.constant 0 : i32
    return %c0_i32, %c0_i32_0 : i32, i32
  }
  func.func @transform_4(%arg0: i32, %arg1: i32) -> (i32, i32) {
    %c0_i32 = arith.constant 0 : i32
    %c0_i32_0 = arith.constant 0 : i32
    %c0_i32_1 = arith.constant 0 : i32
    return %c0_i32, %c0_i32_0 : i32, i32
  }
  func.func @transform_5(%arg0: i32, %arg1: i32) -> (i32, i32) {
    %c0_i32 = arith.constant 0 : i32
    %c0_i32_0 = arith.constant 0 : i32
    %c0_i32_1 = arith.constant 0 : i32
    return %c0_i32, %c0_i32_0 : i32, i32
  }
  func.func @transform_6(%arg0: i32, %arg1: i32) -> (i32, i32) {
    %c0_i32 = arith.constant 0 : i32
    %c0_i32_0 = arith.constant 0 : i32
    %c0_i32_1 = arith.constant 0 : i32
    return %c0_i32, %c0_i32_0 : i32, i32
  }
  func.func @transform_7(%arg0: i32, %arg1: i32) -> (i32, i32, i32, i32) {
    %c0_i32 = arith.constant 0 : i32
    %c0_i32_0 = arith.constant 0 : i32
    %c0_i32_1 = arith.constant 0 : i32
    return %arg0, %c0_i32, %arg1, %c0_i32_0 : i32, i32, i32, i32
  }
}

module attributes {stable_mosaic.version = 14 : i64} {
  func.func @_tcn_kernel(%arg0: i32, %arg1: memref<1x128x2048xf32, #tpu.memory_space<vmem>>, %arg2: memref<3x2048x128xf32, #tpu.memory_space<vmem>>, %arg3: memref<3x128x128xf32, #tpu.memory_space<vmem>>, %arg4: memref<2048x128xf32, #tpu.memory_space<vmem>>, %arg5: memref<3x128x128xf32, #tpu.memory_space<vmem>>, %arg6: memref<3x128x128xf32, #tpu.memory_space<vmem>>, %arg7: memref<1x128xf32, #tpu.memory_space<vmem>>, %arg8: memref<1x128xf32, #tpu.memory_space<vmem>>, %arg9: memref<1x128xf32, #tpu.memory_space<vmem>>, %arg10: memref<1x128xf32, #tpu.memory_space<vmem>>, %arg11: memref<1x128xf32, #tpu.memory_space<vmem>>, %arg12: memref<1x128xf32, #tpu.memory_space<vmem>>, %arg13: memref<1x128xf32, #tpu.memory_space<vmem>>, %arg14: memref<1x128xf32, #tpu.memory_space<vmem>>, %arg15: memref<1x128xf32, #tpu.memory_space<vmem>>, %arg16: memref<1x128xf32, #tpu.memory_space<vmem>>, %arg17: memref<1x128xf32, #tpu.memory_space<vmem>>, %arg18: memref<1x128xf32, #tpu.memory_space<vmem>>, %arg19: memref<1x128xf32, #tpu.memory_space<vmem>>, %arg20: memref<1x1x128xf32, #tpu.memory_space<vmem>>) attributes {dimension_semantics = [#tpu.dimension_semantics<arbitrary>], iteration_bounds = array<i64: 16>, scalar_prefetch = 0 : i64, scratch_operands = 0 : i64, tpu.core_type = #tpu.core_type<tc>, window_params = [{transform_indices = @transform_0, window_bounds = array<i64: 1, 128, 2048>}, {pipeline_mode = #tpu.pipeline_mode<synchronous>, transform_indices = @transform_1, window_bounds = array<i64: 3, 2048, 128>}, {pipeline_mode = #tpu.pipeline_mode<synchronous>, transform_indices = @transform_2, window_bounds = array<i64: 3, 128, 128>}, {pipeline_mode = #tpu.pipeline_mode<synchronous>, transform_indices = @transform_3, window_bounds = array<i64: 2048, 128>}, {pipeline_mode = #tpu.pipeline_mode<synchronous>, transform_indices = @transform_4, window_bounds = array<i64: 3, 128, 128>}, {pipeline_mode = #tpu.pipeline_mode<synchronous>, transform_indices = @transform_5, window_bounds = array<i64: 3, 128, 128>}, {pipeline_mode = #tpu.pipeline_mode<synchronous>, transform_indices = @transform_6, window_bounds = array<i64: 1, 128>}, {pipeline_mode = #tpu.pipeline_mode<synchronous>, transform_indices = @transform_7, window_bounds = array<i64: 1, 128>}, {pipeline_mode = #tpu.pipeline_mode<synchronous>, transform_indices = @transform_8, window_bounds = array<i64: 1, 128>}, {pipeline_mode = #tpu.pipeline_mode<synchronous>, transform_indices = @transform_9, window_bounds = array<i64: 1, 128>}, {pipeline_mode = #tpu.pipeline_mode<synchronous>, transform_indices = @transform_10, window_bounds = array<i64: 1, 128>}, {pipeline_mode = #tpu.pipeline_mode<synchronous>, transform_indices = @transform_11, window_bounds = array<i64: 1, 128>}, {pipeline_mode = #tpu.pipeline_mode<synchronous>, transform_indices = @transform_12, window_bounds = array<i64: 1, 128>}, {pipeline_mode = #tpu.pipeline_mode<synchronous>, transform_indices = @transform_13, window_bounds = array<i64: 1, 128>}, {pipeline_mode = #tpu.pipeline_mode<synchronous>, transform_indices = @transform_14, window_bounds = array<i64: 1, 128>}, {pipeline_mode = #tpu.pipeline_mode<synchronous>, transform_indices = @transform_15, window_bounds = array<i64: 1, 128>}, {pipeline_mode = #tpu.pipeline_mode<synchronous>, transform_indices = @transform_16, window_bounds = array<i64: 1, 128>}, {pipeline_mode = #tpu.pipeline_mode<synchronous>, transform_indices = @transform_17, window_bounds = array<i64: 1, 128>}, {pipeline_mode = #tpu.pipeline_mode<synchronous>, transform_indices = @transform_18, window_bounds = array<i64: 1, 128>}, {transform_indices = @transform_19, window_bounds = array<i64: 1, 1, 128>}]} {
    %get3A = arith.constant 0 : index
    %get3A_0 = arith.constant 0 : index
    %get3A_1 = arith.constant 0 : index
    %get3A_2 = vector.load %arg1[%get3A, %get3A_0, %get3A_1] : memref<1x128x2048xf32, #tpu.memory_space<vmem>>, vector<1x128x2048xf32>
    %get3A_3 = vector.shape_cast %get3A_2 : vector<1x128x2048xf32> to vector<128x2048xf32>
    %get3A_4 = arith.constant 0 : index
    %get3A_5 = arith.constant 0 : index
    %get3A_6 = vector.load %arg4[%get3A_4, %get3A_5] : memref<2048x128xf32, #tpu.memory_space<vmem>>, vector<2048x128xf32>
    %dot_general3A = arith.constant dense<0.000000e+00> : vector<128x128xf32>
    %dot_general3A_7 = tpu.matmul %get3A_3, %get3A_6, %dot_general3A {dimension_numbers = #tpu.dot_dimension_numbers<[1], [0], [0], [1], [0, 0, 1, 1], [], []>, transpose_lhs_hint = false} : vector<128x2048xf32>, vector<2048x128xf32>, vector<128x128xf32> -> vector<128x128xf32>
    %get3A_8 = arith.constant 0 : index
    %get3A_9 = arith.constant 0 : index
    %get3A_10 = vector.load %arg9[%get3A_8, %get3A_9] : memref<1x128xf32, #tpu.memory_space<vmem>>, vector<1x128xf32>
    %add3A = vector.broadcast %get3A_10 : vector<1x128xf32> to vector<128x128xf32>
    %add3A_11 = arith.addf %dot_general3A_7, %add3A : vector<128x128xf32>
    %get3A_12 = arith.constant 0 : index
    %get3A_13 = arith.constant 0 : index
    %get3A_14 = vector.load %arg7[%get3A_12, %get3A_13] : memref<1x128xf32, #tpu.memory_space<vmem>>, vector<1x128xf32>
    %broadcast_in_dim3A = arith.constant 0.000000e+00 : f32
    %broadcast_in_dim3A_15 = vector.broadcast %broadcast_in_dim3A : f32 to vector<2x2048xf32>
    %slice3A = vector.extract_strided_slice %get3A_3 {offsets = [0, 0], sizes = [126, 2048], strides = [1, 1]} : vector<128x2048xf32> to vector<126x2048xf32>
    %concatenate3A = tpu.concatenate %broadcast_in_dim3A_15, %slice3A in 0 : vector<2x2048xf32>, vector<126x2048xf32> -> vector<128x2048xf32>
    %get3A_16 = arith.constant 0 : index
    %get3A_17 = arith.constant 0 : index
    %get3A_18 = arith.constant 0 : index
    %get3A_19 = vector.load %arg2[%get3A_16, %get3A_17, %get3A_18] : memref<3x2048x128xf32, #tpu.memory_space<vmem>>, vector<1x2048x128xf32>
    %get3A_20 = vector.shape_cast %get3A_19 : vector<1x2048x128xf32> to vector<2048x128xf32>
    %dot_general3A_21 = arith.constant dense<0.000000e+00> : vector<128x128xf32>
    %dot_general3A_22 = tpu.matmul %concatenate3A, %get3A_20, %dot_general3A_21 {dimension_numbers = #tpu.dot_dimension_numbers<[1], [0], [0], [1], [0, 0, 1, 1], [], []>, transpose_lhs_hint = false} : vector<128x2048xf32>, vector<2048x128xf32>, vector<128x128xf32> -> vector<128x128xf32>
    %broadcast_in_dim3A_23 = arith.constant 0.000000e+00 : f32
    %broadcast_in_dim3A_24 = vector.broadcast %broadcast_in_dim3A_23 : f32 to vector<1x2048xf32>
    %slice3A_25 = vector.extract_strided_slice %get3A_3 {offsets = [0, 0], sizes = [127, 2048], strides = [1, 1]} : vector<128x2048xf32> to vector<127x2048xf32>
    %concatenate3A_26 = tpu.concatenate %broadcast_in_dim3A_24, %slice3A_25 in 0 : vector<1x2048xf32>, vector<127x2048xf32> -> vector<128x2048xf32>
    %get3A_27 = arith.constant 1 : index
    %get3A_28 = arith.constant 0 : index
    %get3A_29 = arith.constant 0 : index
    %get3A_30 = vector.load %arg2[%get3A_27, %get3A_28, %get3A_29] : memref<3x2048x128xf32, #tpu.memory_space<vmem>>, vector<1x2048x128xf32>
    %get3A_31 = vector.shape_cast %get3A_30 : vector<1x2048x128xf32> to vector<2048x128xf32>
    %dot_general3A_32 = arith.constant dense<0.000000e+00> : vector<128x128xf32>
    %dot_general3A_33 = tpu.matmul %concatenate3A_26, %get3A_31, %dot_general3A_32 {dimension_numbers = #tpu.dot_dimension_numbers<[1], [0], [0], [1], [0, 0, 1, 1], [], []>, transpose_lhs_hint = false} : vector<128x2048xf32>, vector<2048x128xf32>, vector<128x128xf32> -> vector<128x128xf32>
    %add3A_34 = arith.addf %dot_general3A_22, %dot_general3A_33 : vector<128x128xf32>
    %get3A_35 = arith.constant 2 : index
    %get3A_36 = arith.constant 0 : index
    %get3A_37 = arith.constant 0 : index
    %get3A_38 = vector.load %arg2[%get3A_35, %get3A_36, %get3A_37] : memref<3x2048x128xf32, #tpu.memory_space<vmem>>, vector<1x2048x128xf32>
    %get3A_39 = vector.shape_cast %get3A_38 : vector<1x2048x128xf32> to vector<2048x128xf32>
    %dot_general3A_40 = arith.constant dense<0.000000e+00> : vector<128x128xf32>
    %dot_general3A_41 = tpu.matmul %get3A_3, %get3A_39, %dot_general3A_40 {dimension_numbers = #tpu.dot_dimension_numbers<[1], [0], [0], [1], [0, 0, 1, 1], [], []>, transpose_lhs_hint = false} : vector<128x2048xf32>, vector<2048x128xf32>, vector<128x128xf32> -> vector<128x128xf32>
    %add3A_42 = arith.addf %add3A_34, %dot_general3A_41 : vector<128x128xf32>
    %add3A_43 = vector.broadcast %get3A_14 : vector<1x128xf32> to vector<128x128xf32>
    %add3A_44 = arith.addf %add3A_42, %add3A_43 : vector<128x128xf32>
    %max3A = arith.constant 0.000000e+00 : f32
    %max3A_45 = vector.broadcast %max3A : f32 to vector<128x128xf32>
    %max3A_46 = arith.maximumf %add3A_44, %max3A_45 : vector<128x128xf32>
    %get3A_47 = arith.constant 0 : index
    %get3A_48 = arith.constant 0 : index
    %get3A_49 = vector.load %arg8[%get3A_47, %get3A_48] : memref<1x128xf32, #tpu.memory_space<vmem>>, vector<1x128xf32>
    %broadcast_in_dim3A_50 = arith.constant 0.000000e+00 : f32
    %broadcast_in_dim3A_51 = vector.broadcast %broadcast_in_dim3A_50 : f32 to vector<2x128xf32>
    %slice3A_52 = vector.extract_strided_slice %max3A_46 {offsets = [0, 0], sizes = [126, 128], strides = [1, 1]} : vector<128x128xf32> to vector<126x128xf32>
    %concatenate3A_53 = tpu.concatenate %broadcast_in_dim3A_51, %slice3A_52 in 0 : vector<2x128xf32>, vector<126x128xf32> -> vector<128x128xf32>
    %get3A_54 = arith.constant 0 : index
    %get3A_55 = arith.constant 0 : index
    %get3A_56 = arith.constant 0 : index
    %get3A_57 = vector.load %arg3[%get3A_54, %get3A_55, %get3A_56] : memref<3x128x128xf32, #tpu.memory_space<vmem>>, vector<1x128x128xf32>
    %get3A_58 = vector.shape_cast %get3A_57 : vector<1x128x128xf32> to vector<128x128xf32>
    %dot_general3A_59 = arith.constant dense<0.000000e+00> : vector<128x128xf32>
    %dot_general3A_60 = tpu.matmul %concatenate3A_53, %get3A_58, %dot_general3A_59 {dimension_numbers = #tpu.dot_dimension_numbers<[1], [0], [0], [1], [0, 0, 1, 1], [], []>, transpose_lhs_hint = false} : vector<128x128xf32>, vector<128x128xf32>, vector<128x128xf32> -> vector<128x128xf32>
    %broadcast_in_dim3A_61 = arith.constant 0.000000e+00 : f32
    %broadcast_in_dim3A_62 = vector.broadcast %broadcast_in_dim3A_61 : f32 to vector<1x128xf32>
    %slice3A_63 = vector.extract_strided_slice %max3A_46 {offsets = [0, 0], sizes = [127, 128], strides = [1, 1]} : vector<128x128xf32> to vector<127x128xf32>
    %concatenate3A_64 = tpu.concatenate %broadcast_in_dim3A_62, %slice3A_63 in 0 : vector<1x128xf32>, vector<127x128xf32> -> vector<128x128xf32>
    %get3A_65 = arith.constant 1 : index
    %get3A_66 = arith.constant 0 : index
    %get3A_67 = arith.constant 0 : index
    %get3A_68 = vector.load %arg3[%get3A_65, %get3A_66, %get3A_67] : memref<3x128x128xf32, #tpu.memory_space<vmem>>, vector<1x128x128xf32>
    %get3A_69 = vector.shape_cast %get3A_68 : vector<1x128x128xf32> to vector<128x128xf32>
    %dot_general3A_70 = arith.constant dense<0.000000e+00> : vector<128x128xf32>
    %dot_general3A_71 = tpu.matmul %concatenate3A_64, %get3A_69, %dot_general3A_70 {dimension_numbers = #tpu.dot_dimension_numbers<[1], [0], [0], [1], [0, 0, 1, 1], [], []>, transpose_lhs_hint = false} : vector<128x128xf32>, vector<128x128xf32>, vector<128x128xf32> -> vector<128x128xf32>
    %add3A_72 = arith.addf %dot_general3A_60, %dot_general3A_71 : vector<128x128xf32>
    %get3A_73 = arith.constant 2 : index
    %get3A_74 = arith.constant 0 : index
    %get3A_75 = arith.constant 0 : index
    %get3A_76 = vector.load %arg3[%get3A_73, %get3A_74, %get3A_75] : memref<3x128x128xf32, #tpu.memory_space<vmem>>, vector<1x128x128xf32>
    %get3A_77 = vector.shape_cast %get3A_76 : vector<1x128x128xf32> to vector<128x128xf32>
    %dot_general3A_78 = arith.constant dense<0.000000e+00> : vector<128x128xf32>
    %dot_general3A_79 = tpu.matmul %max3A_46, %get3A_77, %dot_general3A_78 {dimension_numbers = #tpu.dot_dimension_numbers<[1], [0], [0], [1], [0, 0, 1, 1], [], []>, transpose_lhs_hint = false} : vector<128x128xf32>, vector<128x128xf32>, vector<128x128xf32> -> vector<128x128xf32>
    %add3A_80 = arith.addf %add3A_72, %dot_general3A_79 : vector<128x128xf32>
    %add3A_81 = vector.broadcast %get3A_49 : vector<1x128xf32> to vector<128x128xf32>
    %add3A_82 = arith.addf %add3A_80, %add3A_81 : vector<128x128xf32>
    %max3A_83 = arith.constant 0.000000e+00 : f32
    %max3A_84 = vector.broadcast %max3A_83 : f32 to vector<128x128xf32>
    %max3A_85 = arith.maximumf %add3A_82, %max3A_84 : vector<128x128xf32>
    %add3A_86 = arith.addf %max3A_85, %add3A_11 : vector<128x128xf32>
    %get3A_87 = arith.constant 0 : index
    %get3A_88 = arith.constant 0 : index
    %get3A_89 = vector.load %arg10[%get3A_87, %get3A_88] : memref<1x128xf32, #tpu.memory_space<vmem>>, vector<1x128xf32>
    %get3A_90 = arith.constant 0 : index
    %get3A_91 = arith.constant 0 : index
    %get3A_92 = vector.load %arg13[%get3A_90, %get3A_91] : memref<1x128xf32, #tpu.memory_space<vmem>>, vector<1x128xf32>
    %add3A_93 = arith.constant 9.99999974E-6 : f32
    %add3A_94 = vector.broadcast %add3A_93 : f32 to vector<1x128xf32>
    %add3A_95 = arith.addf %get3A_92, %add3A_94 : vector<1x128xf32>
    %rsqrt3A = math.rsqrt %add3A_95 : vector<1x128xf32>
    %mul3A = arith.mulf %get3A_89, %rsqrt3A : vector<1x128xf32>
    %get3A_96 = arith.constant 0 : index
    %get3A_97 = arith.constant 0 : index
    %get3A_98 = vector.load %arg12[%get3A_96, %get3A_97] : memref<1x128xf32, #tpu.memory_space<vmem>>, vector<1x128xf32>
    %sub3A = vector.broadcast %get3A_98 : vector<1x128xf32> to vector<128x128xf32>
    %sub3A_99 = arith.subf %add3A_86, %sub3A : vector<128x128xf32>
    %mul3A_100 = vector.broadcast %mul3A : vector<1x128xf32> to vector<128x128xf32>
    %mul3A_101 = arith.mulf %sub3A_99, %mul3A_100 : vector<128x128xf32>
    %get3A_102 = arith.constant 0 : index
    %get3A_103 = arith.constant 0 : index
    %get3A_104 = vector.load %arg11[%get3A_102, %get3A_103] : memref<1x128xf32, #tpu.memory_space<vmem>>, vector<1x128xf32>
    %add3A_105 = vector.broadcast %get3A_104 : vector<1x128xf32> to vector<128x128xf32>
    %add3A_106 = arith.addf %mul3A_101, %add3A_105 : vector<128x128xf32>
    %get3A_107 = arith.constant 0 : index
    %get3A_108 = arith.constant 0 : index
    %get3A_109 = vector.load %arg14[%get3A_107, %get3A_108] : memref<1x128xf32, #tpu.memory_space<vmem>>, vector<1x128xf32>
    %broadcast_in_dim3A_110 = arith.constant 0.000000e+00 : f32
    %broadcast_in_dim3A_111 = vector.broadcast %broadcast_in_dim3A_110 : f32 to vector<4x128xf32>
    %slice3A_112 = vector.extract_strided_slice %add3A_106 {offsets = [0, 0], sizes = [124, 128], strides = [1, 1]} : vector<128x128xf32> to vector<124x128xf32>
    %concatenate3A_113 = tpu.concatenate %broadcast_in_dim3A_111, %slice3A_112 in 0 : vector<4x128xf32>, vector<124x128xf32> -> vector<128x128xf32>
    %get3A_114 = arith.constant 0 : index
    %get3A_115 = arith.constant 0 : index
    %get3A_116 = arith.constant 0 : index
    %get3A_117 = vector.load %arg5[%get3A_114, %get3A_115, %get3A_116] : memref<3x128x128xf32, #tpu.memory_space<vmem>>, vector<1x128x128xf32>
    %get3A_118 = vector.shape_cast %get3A_117 : vector<1x128x128xf32> to vector<128x128xf32>
    %dot_general3A_119 = arith.constant dense<0.000000e+00> : vector<128x128xf32>
    %dot_general3A_120 = tpu.matmul %concatenate3A_113, %get3A_118, %dot_general3A_119 {dimension_numbers = #tpu.dot_dimension_numbers<[1], [0], [0], [1], [0, 0, 1, 1], [], []>, transpose_lhs_hint = false} : vector<128x128xf32>, vector<128x128xf32>, vector<128x128xf32> -> vector<128x128xf32>
    %broadcast_in_dim3A_121 = arith.constant 0.000000e+00 : f32
    %broadcast_in_dim3A_122 = vector.broadcast %broadcast_in_dim3A_121 : f32 to vector<2x128xf32>
    %slice3A_123 = vector.extract_strided_slice %add3A_106 {offsets = [0, 0], sizes = [126, 128], strides = [1, 1]} : vector<128x128xf32> to vector<126x128xf32>
    %concatenate3A_124 = tpu.concatenate %broadcast_in_dim3A_122, %slice3A_123 in 0 : vector<2x128xf32>, vector<126x128xf32> -> vector<128x128xf32>
    %get3A_125 = arith.constant 1 : index
    %get3A_126 = arith.constant 0 : index
    %get3A_127 = arith.constant 0 : index
    %get3A_128 = vector.load %arg5[%get3A_125, %get3A_126, %get3A_127] : memref<3x128x128xf32, #tpu.memory_space<vmem>>, vector<1x128x128xf32>
    %get3A_129 = vector.shape_cast %get3A_128 : vector<1x128x128xf32> to vector<128x128xf32>
    %dot_general3A_130 = arith.constant dense<0.000000e+00> : vector<128x128xf32>
    %dot_general3A_131 = tpu.matmul %concatenate3A_124, %get3A_129, %dot_general3A_130 {dimension_numbers = #tpu.dot_dimension_numbers<[1], [0], [0], [1], [0, 0, 1, 1], [], []>, transpose_lhs_hint = false} : vector<128x128xf32>, vector<128x128xf32>, vector<128x128xf32> -> vector<128x128xf32>
    %add3A_132 = arith.addf %dot_general3A_120, %dot_general3A_131 : vector<128x128xf32>
    %get3A_133 = arith.constant 2 : index
    %get3A_134 = arith.constant 0 : index
    %get3A_135 = arith.constant 0 : index
    %get3A_136 = vector.load %arg5[%get3A_133, %get3A_134, %get3A_135] : memref<3x128x128xf32, #tpu.memory_space<vmem>>, vector<1x128x128xf32>
    %get3A_137 = vector.shape_cast %get3A_136 : vector<1x128x128xf32> to vector<128x128xf32>
    %dot_general3A_138 = arith.constant dense<0.000000e+00> : vector<128x128xf32>
    %dot_general3A_139 = tpu.matmul %add3A_106, %get3A_137, %dot_general3A_138 {dimension_numbers = #tpu.dot_dimension_numbers<[1], [0], [0], [1], [0, 0, 1, 1], [], []>, transpose_lhs_hint = false} : vector<128x128xf32>, vector<128x128xf32>, vector<128x128xf32> -> vector<128x128xf32>
    %add3A_140 = arith.addf %add3A_132, %dot_general3A_139 : vector<128x128xf32>
    %add3A_141 = vector.broadcast %get3A_109 : vector<1x128xf32> to vector<128x128xf32>
    %add3A_142 = arith.addf %add3A_140, %add3A_141 : vector<128x128xf32>
    %max3A_143 = arith.constant 0.000000e+00 : f32
    %max3A_144 = vector.broadcast %max3A_143 : f32 to vector<128x128xf32>
    %max3A_145 = arith.maximumf %add3A_142, %max3A_144 : vector<128x128xf32>
    %get3A_146 = arith.constant 0 : index
    %get3A_147 = arith.constant 0 : index
    %get3A_148 = vector.load %arg15[%get3A_146, %get3A_147] : memref<1x128xf32, #tpu.memory_space<vmem>>, vector<1x128xf32>
    %broadcast_in_dim3A_149 = arith.constant 0.000000e+00 : f32
    %broadcast_in_dim3A_150 = vector.broadcast %broadcast_in_dim3A_149 : f32 to vector<4x128xf32>
    %slice3A_151 = vector.extract_strided_slice %max3A_145 {offsets = [0, 0], sizes = [124, 128], strides = [1, 1]} : vector<128x128xf32> to vector<124x128xf32>
    %concatenate3A_152 = tpu.concatenate %broadcast_in_dim3A_150, %slice3A_151 in 0 : vector<4x128xf32>, vector<124x128xf32> -> vector<128x128xf32>
    %get3A_153 = arith.constant 0 : index
    %get3A_154 = arith.constant 0 : index
    %get3A_155 = arith.constant 0 : index
    %get3A_156 = vector.load %arg6[%get3A_153, %get3A_154, %get3A_155] : memref<3x128x128xf32, #tpu.memory_space<vmem>>, vector<1x128x128xf32>
    %get3A_157 = vector.shape_cast %get3A_156 : vector<1x128x128xf32> to vector<128x128xf32>
    %dot_general3A_158 = arith.constant dense<0.000000e+00> : vector<128x128xf32>
    %dot_general3A_159 = tpu.matmul %concatenate3A_152, %get3A_157, %dot_general3A_158 {dimension_numbers = #tpu.dot_dimension_numbers<[1], [0], [0], [1], [0, 0, 1, 1], [], []>, transpose_lhs_hint = false} : vector<128x128xf32>, vector<128x128xf32>, vector<128x128xf32> -> vector<128x128xf32>
    %broadcast_in_dim3A_160 = arith.constant 0.000000e+00 : f32
    %broadcast_in_dim3A_161 = vector.broadcast %broadcast_in_dim3A_160 : f32 to vector<2x128xf32>
    %slice3A_162 = vector.extract_strided_slice %max3A_145 {offsets = [0, 0], sizes = [126, 128], strides = [1, 1]} : vector<128x128xf32> to vector<126x128xf32>
    %concatenate3A_163 = tpu.concatenate %broadcast_in_dim3A_161, %slice3A_162 in 0 : vector<2x128xf32>, vector<126x128xf32> -> vector<128x128xf32>
    %get3A_164 = arith.constant 1 : index
    %get3A_165 = arith.constant 0 : index
    %get3A_166 = arith.constant 0 : index
    %get3A_167 = vector.load %arg6[%get3A_164, %get3A_165, %get3A_166] : memref<3x128x128xf32, #tpu.memory_space<vmem>>, vector<1x128x128xf32>
    %get3A_168 = vector.shape_cast %get3A_167 : vector<1x128x128xf32> to vector<128x128xf32>
    %dot_general3A_169 = arith.constant dense<0.000000e+00> : vector<128x128xf32>
    %dot_general3A_170 = tpu.matmul %concatenate3A_163, %get3A_168, %dot_general3A_169 {dimension_numbers = #tpu.dot_dimension_numbers<[1], [0], [0], [1], [0, 0, 1, 1], [], []>, transpose_lhs_hint = false} : vector<128x128xf32>, vector<128x128xf32>, vector<128x128xf32> -> vector<128x128xf32>
    %add3A_171 = arith.addf %dot_general3A_159, %dot_general3A_170 : vector<128x128xf32>
    %get3A_172 = arith.constant 2 : index
    %get3A_173 = arith.constant 0 : index
    %get3A_174 = arith.constant 0 : index
    %get3A_175 = vector.load %arg6[%get3A_172, %get3A_173, %get3A_174] : memref<3x128x128xf32, #tpu.memory_space<vmem>>, vector<1x128x128xf32>
    %get3A_176 = vector.shape_cast %get3A_175 : vector<1x128x128xf32> to vector<128x128xf32>
    %dot_general3A_177 = arith.constant dense<0.000000e+00> : vector<128x128xf32>
    %dot_general3A_178 = tpu.matmul %max3A_145, %get3A_176, %dot_general3A_177 {dimension_numbers = #tpu.dot_dimension_numbers<[1], [0], [0], [1], [0, 0, 1, 1], [], []>, transpose_lhs_hint = false} : vector<128x128xf32>, vector<128x128xf32>, vector<128x128xf32> -> vector<128x128xf32>
    %add3A_179 = arith.addf %add3A_171, %dot_general3A_178 : vector<128x128xf32>
    %add3A_180 = vector.broadcast %get3A_148 : vector<1x128xf32> to vector<128x128xf32>
    %add3A_181 = arith.addf %add3A_179, %add3A_180 : vector<128x128xf32>
    %max3A_182 = arith.constant 0.000000e+00 : f32
    %max3A_183 = vector.broadcast %max3A_182 : f32 to vector<128x128xf32>
    %max3A_184 = arith.maximumf %add3A_181, %max3A_183 : vector<128x128xf32>
    %add3A_185 = arith.addf %max3A_184, %add3A_106 : vector<128x128xf32>
    %get3A_186 = arith.constant 0 : index
    %get3A_187 = arith.constant 0 : index
    %get3A_188 = vector.load %arg16[%get3A_186, %get3A_187] : memref<1x128xf32, #tpu.memory_space<vmem>>, vector<1x128xf32>
    %get3A_189 = arith.constant 0 : index
    %get3A_190 = arith.constant 0 : index
    %get3A_191 = vector.load %arg19[%get3A_189, %get3A_190] : memref<1x128xf32, #tpu.memory_space<vmem>>, vector<1x128xf32>
    %add3A_192 = arith.constant 9.99999974E-6 : f32
    %add3A_193 = vector.broadcast %add3A_192 : f32 to vector<1x128xf32>
    %add3A_194 = arith.addf %get3A_191, %add3A_193 : vector<1x128xf32>
    %rsqrt3A_195 = math.rsqrt %add3A_194 : vector<1x128xf32>
    %mul3A_196 = arith.mulf %get3A_188, %rsqrt3A_195 : vector<1x128xf32>
    %get3A_197 = arith.constant 0 : index
    %get3A_198 = arith.constant 0 : index
    %get3A_199 = vector.load %arg18[%get3A_197, %get3A_198] : memref<1x128xf32, #tpu.memory_space<vmem>>, vector<1x128xf32>
    %sub3A_200 = vector.broadcast %get3A_199 : vector<1x128xf32> to vector<128x128xf32>
    %sub3A_201 = arith.subf %add3A_185, %sub3A_200 : vector<128x128xf32>
    %mul3A_202 = vector.broadcast %mul3A_196 : vector<1x128xf32> to vector<128x128xf32>
    %mul3A_203 = arith.mulf %sub3A_201, %mul3A_202 : vector<128x128xf32>
    %get3A_204 = arith.constant 0 : index
    %get3A_205 = arith.constant 0 : index
    %get3A_206 = vector.load %arg17[%get3A_204, %get3A_205] : memref<1x128xf32, #tpu.memory_space<vmem>>, vector<1x128xf32>
    %add3A_207 = vector.broadcast %get3A_206 : vector<1x128xf32> to vector<128x128xf32>
    %add3A_208 = arith.addf %mul3A_203, %add3A_207 : vector<128x128xf32>
    %reduce_max3A = arith.constant dense<0xFF800000> : vector<128xf32>
    %reduce_max3A_209 = vector.multi_reduction <maximumf>, %add3A_208, %reduce_max3A [0] : vector<128x128xf32> to vector<128xf32>
    %broadcast_in_dim3A_210 = vector.shape_cast %reduce_max3A_209 : vector<128xf32> to vector<1x128xf32>
    %swap3A = arith.constant 0 : index
    %swap3A_211 = arith.constant 0 : index
    %swap3A_212 = arith.constant 0 : index
    %swap3A_213 = vector.load %arg20[%swap3A, %swap3A_211, %swap3A_212] : memref<1x1x128xf32, #tpu.memory_space<vmem>>, vector<1x1x128xf32>
    %swap3A_214 = vector.shape_cast %swap3A_213 : vector<1x1x128xf32> to vector<1x128xf32>
    %swap3A_215 = vector.shape_cast %broadcast_in_dim3A_210 : vector<1x128xf32> to vector<1x1x128xf32>
    tpu.vector_store %arg20[%swap3A, %swap3A_211, %swap3A_212], %swap3A_215 {strides = array<i32>} : memref<1x1x128xf32, #tpu.memory_space<vmem>>, vector<1x1x128xf32>,
    return
  }
  func.func @transform_0(%arg0: i32) -> (i32, i32, i32) {
    %c0_i32 = arith.constant 0 : i32
    %c0_i32_0 = arith.constant 0 : i32
    %c0_i32_1 = arith.constant 0 : i32
    return %arg0, %c0_i32, %c0_i32_0 : i32, i32, i32
  }
  func.func @transform_1(%arg0: i32) -> (i32, i32, i32) {
    %c0_i32 = arith.constant 0 : i32
    %c0_i32_0 = arith.constant 0 : i32
    %c0_i32_1 = arith.constant 0 : i32
    %c0_i32_2 = arith.constant 0 : i32
    return %c0_i32, %c0_i32_0, %c0_i32_1 : i32, i32, i32
  }
  func.func @transform_2(%arg0: i32) -> (i32, i32, i32) {
    %c0_i32 = arith.constant 0 : i32
    %c0_i32_0 = arith.constant 0 : i32
    %c0_i32_1 = arith.constant 0 : i32
    %c0_i32_2 = arith.constant 0 : i32
    return %c0_i32, %c0_i32_0, %c0_i32_1 : i32, i32, i32
  }
  func.func @transform_3(%arg0: i32) -> (i32, i32) {
    %c0_i32 = arith.constant 0 : i32
    %c0_i32_0 = arith.constant 0 : i32
    %c0_i32_1 = arith.constant 0 : i32
    return %c0_i32, %c0_i32_0 : i32, i32
  }
  func.func @transform_4(%arg0: i32) -> (i32, i32, i32) {
    %c0_i32 = arith.constant 0 : i32
    %c0_i32_0 = arith.constant 0 : i32
    %c0_i32_1 = arith.constant 0 : i32
    %c0_i32_2 = arith.constant 0 : i32
    return %c0_i32, %c0_i32_0, %c0_i32_1 : i32, i32, i32
  }
  func.func @transform_5(%arg0: i32) -> (i32, i32, i32) {
    %c0_i32 = arith.constant 0 : i32
    %c0_i32_0 = arith.constant 0 : i32
    %c0_i32_1 = arith.constant 0 : i32
    %c0_i32_2 = arith.constant 0 : i32
    return %c0_i32, %c0_i32_0, %c0_i32_1 : i32, i32, i32
  }
  func.func @transform_6(%arg0: i32) -> (i32, i32) {
    %c0_i32 = arith.constant 0 : i32
    %c0_i32_0 = arith.constant 0 : i32
    %c0_i32_1 = arith.constant 0 : i32
    return %c0_i32, %c0_i32_0 : i32, i32
  }
  func.func @transform_7(%arg0: i32) -> (i32, i32) {
    %c0_i32 = arith.constant 0 : i32
    %c0_i32_0 = arith.constant 0 : i32
    %c0_i32_1 = arith.constant 0 : i32
    return %c0_i32, %c0_i32_0 : i32, i32
  }
  func.func @transform_8(%arg0: i32) -> (i32, i32) {
    %c0_i32 = arith.constant 0 : i32
    %c0_i32_0 = arith.constant 0 : i32
    %c0_i32_1 = arith.constant 0 : i32
    return %c0_i32, %c0_i32_0 : i32, i32
  }
  func.func @transform_9(%arg0: i32) -> (i32, i32) {
    %c0_i32 = arith.constant 0 : i32
    %c0_i32_0 = arith.constant 0 : i32
    %c0_i32_1 = arith.constant 0 : i32
    return %c0_i32, %c0_i32_0 : i32, i32
  }
  func.func @transform_10(%arg0: i32) -> (i32, i32) {
    %c0_i32 = arith.constant 0 : i32
    %c0_i32_0 = arith.constant 0 : i32
    %c0_i32_1 = arith.constant 0 : i32
    return %c0_i32, %c0_i32_0 : i32, i32
  }
  func.func @transform_11(%arg0: i32) -> (i32, i32) {
    %c0_i32 = arith.constant 0 : i32
    %c0_i32_0 = arith.constant 0 : i32
    %c0_i32_1 = arith.constant 0 : i32
    return %c0_i32, %c0_i32_0 : i32, i32
  }
  func.func @transform_12(%arg0: i32) -> (i32, i32) {
    %c0_i32 = arith.constant 0 : i32
    %c0_i32_0 = arith.constant 0 : i32
    %c0_i32_1 = arith.constant 0 : i32
    return %c0_i32, %c0_i32_0 : i32, i32
  }
  func.func @transform_13(%arg0: i32) -> (i32, i32) {
    %c0_i32 = arith.constant 0 : i32
    %c0_i32_0 = arith.constant 0 : i32
    %c0_i32_1 = arith.constant 0 : i32
    return %c0_i32, %c0_i32_0 : i32, i32
  }
  func.func @transform_14(%arg0: i32) -> (i32, i32) {
    %c0_i32 = arith.constant 0 : i32
    %c0_i32_0 = arith.constant 0 : i32
    %c0_i32_1 = arith.constant 0 : i32
    return %c0_i32, %c0_i32_0 : i32, i32
  }
  func.func @transform_15(%arg0: i32) -> (i32, i32) {
    %c0_i32 = arith.constant 0 : i32
    %c0_i32_0 = arith.constant 0 : i32
    %c0_i32_1 = arith.constant 0 : i32
    return %c0_i32, %c0_i32_0 : i32, i32
  }
  func.func @transform_16(%arg0: i32) -> (i32, i32) {
    %c0_i32 = arith.constant 0 : i32
    %c0_i32_0 = arith.constant 0 : i32
    %c0_i32_1 = arith.constant 0 : i32
    return %c0_i32, %c0_i32_0 : i32, i32
  }
  func.func @transform_17(%arg0: i32) -> (i32, i32) {
    %c0_i32 = arith.constant 0 : i32
    %c0_i32_0 = arith.constant 0 : i32
    %c0_i32_1 = arith.constant 0 : i32
    return %c0_i32, %c0_i32_0 : i32, i32
  }
  func.func @transform_18(%arg0: i32) -> (i32, i32) {
    %c0_i32 = arith.constant 0 : i32
    %c0_i32_0 = arith.constant 0 : i32
    %c0_i32_1 = arith.constant 0 : i32
    return %c0_i32, %c0_i32_0 : i32, i32
  }
  func.func @transform_19(%arg0: i32) -> (i32, i32, i32) {
    %c0_i32 = arith.constant 0 : i32
    %c0_i32_0 = arith.constant 0 : i32
    %c0_i32_1 = arith.constant 0 : i32
    return %arg0, %c0_i32, %c0_i32_0 : i32, i32, i32
  }
}

</mosaic_0001>

<sc_bundles>
// kernel: kernel.7.cloned.1.call-start
scs
__scs_entry_jumppad:
0x0: {  	(pc) =	sbr.rel $0x88, $3  }
0x1: {  	(tag) =	ssettag $0x0;
	lr =	simm.s32 $0x1  }
0x2: {  	[smem:$0x3F82] =	sst lr;
	_ =	strace $0xD0000000  }
0x3: {  	_ = 	snop  }
0x4: {  	_ = 	snop  }
0x5: {  	_ = 	snop  }
0x6: {  	_ = 	snop  }
0x7: {  	_ = 	snop  }
__scs_overlays_trampoline_lowered:
0x8: {  	[smem:$0x3F91] =	sst s0  }
0x9: {  	[smem:$0x3F92] =	sst s1  }
0xa: {  	[smem:$0x3F93] =	sst s2  }
0xb: {  	[smem:$0x3F94] =	sst s3  }
0xc: {  	[smem:$0x3F95] =	sst s4  }
0xd: {  	[smem:$0x3F96] =	sst s5  }
0xe: {  	[smem:$0x3F97] =	sst s6  }
0xf: {  	[smem:$0x3F98] =	sst s7  }
0x10: {  	[smem:$0x3F99] =	sst s8  }
0x11: {  	[smem:$0x3F9A] =	sst s9;
	s0 =	simm.s32 @!p0 $0x0  }
0x12: {  	s1 =	sld [smem:$0x3F80];
	s0 =	simm.s32 @p0 $0x1  }
0x13: {  	[smem:$0x3F9B] =	sst s0;
	s0 =	simm.s32 @!p1 $0x0  }
0x14: {  	s2 =	sld [smem:$0x3F7F];
	s0 =	simm.s32 @p1 $0x1  }
0x15: {  	[smem:$0x3F9C] =	sst s0;
	s0 =	simm.s32 @!p2 $0x0  }
0x16: {  	s3 =	sld [smem:$0x3FDB];
	s0 =	simm.s32 @p2 $0x1  }
0x17: {  	s4 =	simm.s32 $0x1BF5;
	[smem:$0x3F9E] =	sst s0  }
0x18: {  	s0 =	sld [smem:$0x3F81];
	_ =	swait.ge [sflag:s4], $0x0  }
0x19: {  	s7 =	sld [smem:$0x3F82]  }
0x1a: {  	s8 =	sadd.s32 $0xFFFFE003, lr  }
0x1b: {  	s9 =	sadd.s32 $0xFFFFFEF7, lr;
	s5 =	simm.s32 $0xFFFFFFFF;
	p2 =	slt.u32 s8, $0xFFFFF086  }
0x1c: {  	p1 =	slt.u32 s9, $0xF7A;
	s5 =	simm.s32 @!p2 $0x0  }
0x1d: {  	s5 =	simm.s32 @p1 $0x1;
	p0 =	seq.s32 s7, s2  }
0x1e: {  	s7 =	smul.u32 @!p0 $0xF7A, s2;
	p2 =	seq.s32 @!p0 s5, $0x0  }
0x1f: {  	s9 =	smul.u32 $0xF7A, s1;
	s8 =	simm.s32 @!p0 $0x1BF5;
	p2 =	por !p2, p0  }
0x20: {  	[sflag:s8] =	ssyncset.s32 @!p0 $0xFFFFF086;
	s6 =	sadd.s32 @!p0 s3, s7;
	s7 =	simm.s32 @!p0 $0x108  }
0x21: {  	s3 =	sadd.s32 s3, s9;
	s6 =	sadd.s32 @!p0 $0x88, s6;
	s7 =	simm.s32 @p2 $0x1082  }
0x22: {  	[simem:s7], [sflag:s8] =	dma.local @!p0 [hbm:s6], $0xF7A  }
0x23: {  	s9 =	sor.u32 $0xD0000000, s2;
	s6 =	simm.s32 $0x108;
	_ =	swait.ge @!p0 [sflag:s8], $0x0  }
0x24: {  	s3 =	sadd.s32 $0x88, s3;
	s6 =	simm.s32 @!p1 $0x1082;
	[sflag:s4] =	ssyncset.s32 $0xFFFFF086  }
0x25: {  	[simem:s6], [sflag:s4] =	dma.local [hbm:s3], $0xF7A  }
0x26: {  	[smem:$0x3F82] =	sst s1;
	(tag) =	ssettag s2;
	_ =	strace s9  }
0x27: {  	s1 =	sld [smem:$0x3F92]  }
0x28: {  	s2 =	sld [smem:$0x3F93]  }
0x29: {  	s4 =	sld [smem:$0x3F95]  }
0x2a: {  	p0 =	seq.s32 s5, $0x0;
	s5 =	sld [smem:$0x3F96]  }
0x2b: {  	s6 =	sld [smem:$0x3F97]  }
0x2c: {  	s7 =	sld [smem:$0x3F98]  }
0x2d: {  	s3 =	simm.s32 $0x108;
	s8 =	sld [smem:$0x3F99]  }
0x2e: {  	s3 =	simm.s32 @!p0 $0x1082;
	s9 =	sld [smem:$0x3F9A]  }
0x2f: {  	lr =	sadd.s32 s0, s3;
	s0 =	sld [smem:$0x3F91]  }
0x30: {  	s3 =	sld [smem:$0x3F94]  }
0x31: {  	[smem:$0x3F9D] =	sst s10  }
0x32: {  	s10 =	sld [smem:$0x3F9B];
	_ =	sdelay $0x3  }
0x33: {  	p0 =	seq.s32 s10, $0x1;
	s10 =	sld [smem:$0x3F9D];
	_ =	sdelay $0x3  }
0x34: {  	[smem:$0x3F9D] =	sst s10  }
0x35: {  	s10 =	sld [smem:$0x3F9C];
	_ =	sdelay $0x3  }
0x36: {  	p1 =	seq.s32 s10, $0x1;
	s10 =	sld [smem:$0x3F9D];
	_ =	sdelay $0x3  }
0x37: {  	[smem:$0x3F9D] =	sst s10  }
0x38: {  	s10 =	sld [smem:$0x3F9E]  }
0x39: {  	_ = 	snop;
	(pc) =	sbr.ind lr, $3  }
0x3a: {  	_ = 	snop  }
0x3b: {  	_ = 	snop  }
0x3c: {  	p2 =	seq.s32 s10, $0x1;
	s10 =	sld [smem:$0x3F9D]  }
0x3d: {  	_ =	shalt  }
0x3e: {  	_ =	shalt  }
0x3f: {  	_ =	shalt  }
0x40: {  	_ =	shalt  }
0x41: {  	_ =	shalt  }
0x42: {  	_ =	shalt  }
0x43: {  	_ =	shalt  }
0x44: {  	_ =	shalt  }
0x45: {  	_ =	shalt  }
0x46: {  	_ =	shalt  }
0x47: {  	_ =	shalt  }
0x48: {  	_ =	shalt  }
0x49: {  	_ =	shalt  }
0x4a: {  	_ =	shalt  }
0x4b: {  	_ =	shalt  }
0x4c: {  	_ =	shalt  }
0x4d: {  	_ =	shalt  }
0x4e: {  	_ =	shalt  }
0x4f: {  	_ =	shalt  }
0x50: {  	_ =	shalt  }
0x51: {  	_ =	shalt  }
0x52: {  	_ =	shalt  }
0x53: {  	_ =	shalt  }
0x54: {  	_ =	shalt  }
0x55: {  	_ =	shalt  }
0x56: {  	_ =	shalt  }
0x57: {  	_ =	shalt  }
0x58: {  	_ =	shalt  }
0x59: {  	_ =	shalt  }
0x5a: {  	_ =	shalt  }
0x5b: {  	_ =	shalt  }
0x5c: {  	_ =	shalt  }
0x5d: {  	_ =	shalt  }
0x5e: {  	_ =	shalt  }
0x5f: {  	_ =	shalt  }
0x60: {  	_ =	shalt  }
0x61: {  	_ =	shalt  }
0x62: {  	_ =	shalt  }
0x63: {  	_ =	shalt  }
0x64: {  	_ =	shalt  }
0x65: {  	_ =	shalt  }
0x66: {  	_ =	shalt  }
0x67: {  	_ =	shalt  }
0x68: {  	_ =	shalt  }
0x69: {  	_ =	shalt  }
0x6a: {  	_ =	shalt  }
0x6b: {  	_ =	shalt  }
0x6c: {  	_ =	shalt  }
0x6d: {  	_ =	shalt  }
0x6e: {  	_ =	shalt  }
0x6f: {  	_ =	shalt  }
0x70: {  	_ =	shalt  }
0x71: {  	_ =	shalt  }
0x72: {  	_ =	shalt  }
0x73: {  	_ =	shalt  }
0x74: {  	_ =	shalt  }
0x75: {  	_ =	shalt  }
0x76: {  	_ =	shalt  }
0x77: {  	_ =	shalt  }
0x78: {  	_ =	shalt  }
0x79: {  	_ =	shalt  }
0x7a: {  	_ =	shalt  }
0x7b: {  	_ =	shalt  }
0x7c: {  	_ =	shalt  }
0x7d: {  	_ =	shalt  }
0x7e: {  	_ =	shalt  }
0x7f: {  	_ =	shalt  }
0x80: {  	_ =	shalt  }
0x81: {  	_ =	shalt  }
0x82: {  	_ =	shalt  }
0x83: {  	_ =	shalt  }
0x84: {  	_ =	shalt  }
0x85: {  	_ =	shalt  }
0x86: {  	_ =	shalt  }
0x87: {  	_ =	shalt  }
.Lfunc_end0:
.L_simem_size_0:
called_computation_lowered:
.L_overlay_start_0:
0x88: {  	s2 =	sld [smem:$0x3FD9]  }
0x89: {  	s3 =	sld [smem:$0x3FFE];
	_ =	sdelay $0x1  }
0x8a: {  	s1 =	srdreg.scid  }
0x8b: {  	s0 =	sand.u32 $0x1, s1  }
0x8c: {  	s17 =	sshll.u32 s0, $0xA;
	s2 =	sadd.s32 s3, s2  }
0x8d: {  	s2 =	sadd.s32 s2, s17  }
0x8e: {  	[smem:$0x3FA9] =	sst s2  }
0x8f: {  	_ = 	snop  }
0x90: {  	s2 =	sld [smem:$0x3FD0];
	(tm) =	ssettm $0x1  }
0x91: {  	s18 =	sld [smem:$0x3FFB];
	_ =	sdelay $0x3  }
0x92: {  	_ =	strace s18  }
0x93: {  	s3 =	sld [smem:$0x3FFC];
	_ =	sdelay $0x3  }
0x94: {  	_ =	strace s3  }
0x95: {  	s3 =	sld [smem:$0x3FFD];
	_ =	sdelay $0x3  }
0x96: {  	_ =	strace s3  }
0x97: {  	_ =	strace $0x8FFFFFFF  }
0x98: {  	s19 =	sld [smem:$0x3FDB];
	_ =	sdelay $0x1  }
0x99: {  	s4 =	simm.s32 $_scs_section_size  }
0x9a: {  	s5 =	simm.s32 $_size__tile_overlayer_lowered;
	s6 =	simm.s32 $_tile_overlayer_lowered  }
0x9b: {  	s22 =	simm.s32 $0x1BFF;
	s21 =	sshll.u32 s6, $0x1;
	s3 =	sadd.s32 s4, s19  }
0x9c: {  	s7 =	simm.s32 $0x0;
	s20 =	sshll.u32 s5, $0x1;
	s5 =	sadd.s32 s21, s3  }
0x9d: {  	[timem:s7], [sflag:s22] =	dma.local [hbm:s5], s20  }
0x9e: {  	_ =	swait.ge [sflag:s22], s20  }
0x9f: {  	s4 =	ssub.s32 $0x0, s20;
	[sflag:s22] =	ssyncset.done $0x0  }
0xa0: {  	[sflag:s22] =	ssyncadd.s32 s4;
	_ =	sdelay $0x1  }
0xa1: {  	s23 =	simm.s32 $0x1B8B  }
0xa2: {  	_ =	swait.ge [sflag:s23], $0x1  }
0xa3: {  	[sflag:s23] =	ssyncset.done $0x0  }
0xa4: {  	s25 =	simm.s32 $0x1B8E;
	s24 =	sld [smem:$0x3FFE];
	[sflag:s23] =	ssyncadd.s32 $0xFFFFFFFF  }
0xa5: {  	s26 =	simm.s32 $execute0_lowered;
	[smem:$0x3FD2] =	sst s25  }
0xa6: {  	s5 =	sshll.u32 s26, $0x1;
	_ =	strace $0x80000046;
	[dreg:$0x1] =	wrdreg $0xFFFFFFFF  }
0xa7: {  	s28 =	simm.s32 $_size_execute0_lowered;
	s3 =	sadd.s32 s3, s5;
	[dreg:$0x0] =	wrdreg $0x0  }
0xa8: {  	s5 =	sshll.u32 s28, $0x1;
	[dreg:$0x2] =	wrdreg s3  }
0xa9: {  	[dreg:$0x3] =	wrdreg s5  }
0xaa: {  	[dreg:$0x4] =	wrdreg $0xC0  }
0xab: {  	_ =	task [dreg:s7], $0x5FFFF  }
0xac: {  	[dreg:$0x1] =	wrdreg $0xFFFFFFFF  }
0xad: {  	[dreg:$0x0] =	wrdreg $0x60  }
0xae: {  	[dreg:$0x2] =	wrdreg s24  }
0xaf: {  	[dreg:$0x3] =	wrdreg s2  }
0xb0: {  	[dreg:$0x4] =	wrdreg $0x145000  }
0xb1: {  	[dreg:$0x5] =	wrdreg $0x147400  }
0xb2: {  	[dreg:$0x6] =	wrdreg $0x9  }
0xb3: {  	_ =	task.clear_ibuf [dreg:s7], $0x7FFFF;
	_ =	strace $0x90000046  }
0xb4: {  	s29 =	simm.s32 $0x9;
	_ =	strace $0x80000048  }
0xb5: {  	_ =	swait.ge [sflag:s29], $0x1  }
0xb6: {  	[sflag:s29] =	ssyncadd.s32 $0xFFFFFFFF  }
0xb7: {  	_ =	strace $0x90000048  }
0xb8: {  	_ =	sfence  }
0xb9: {  	s30 =	sld [smem:$0x0];
	_ =	sdelay $0x2  }
0xba: {  	s31 =	sshll.u32 s1, $0xD;
	s1 =	sshrl.u32 s1, $0x2  }
0xbb: {  	s3 =	sand.u32 $0x4000, s31;
	s1 =	sadd.s32 s1, s30  }
0xbc: {  	s0 =	sor.u32 s3, s0;
	s1 =	sshll.u32 s1, $0x11  }
0xbd: {  	s0 =	sor.u32 s1, s0  }
0xbe: {  	s0 =	sadd.s32 $0x8F2B, s0  }
0xbf: {  	[sflag:s0] =	ssyncadd.remote.s32 $0x1  }
0xc0: {  	_ =	sfence.sel $0xFFFF  }
0xc1: {  	[dreg:$0x0] =	wrdreg $0xFFFFFFFF;
	(pc) =	sbr.abs _section_cstart, $3  }
0xc2: {  	[dreg:$0x1] =	wrdreg $0xFFFFFFFF  }
0xc3: {  	_ =	task.clear_ibuf [dreg:s7], $0x2FFFF;
	_ =	strace $0x9FFFFFFF  }
0xc4: {  	(tm) =	ssettm $0x7FFFFFFF  }
0xc5: {  	_ =	shalt  }
tec
execute0_lowered:
.L_overlay_start_1:
0x0: {  	(tag) =	ssettag $0x1  }
0x1: {  	s1 =	srdreg.scid  }
0x2: {  	s18 =	sand.u32 $0x1, s1;
	s1 =	stileid.u32  }
0x3: {  	s6 =	sshll.u32 s1, $0x1;
	s7 =	ssub.s32 $0x0, s18  }
0x4: {  	s19 =	rddreg [dreg:$0x0];
	p0 =	sne.s32 s6, s7  }
.Ltmp0:
0x5: {  	s2 =	rddreg [dreg:$0x1];
	(pc) =	sbr.rel @p0 .LBB2_4-.Ltmp0, $4  }
0x6: {  	s3 =	rddreg [dreg:$0x2]  }
0x7: {  	s4 =	rddreg [dreg:$0x3];
	s5 =	simm.s32 $0x0  }
0x8: {  	[smem:$0x7FF] =	sst s5  }
0x9: {  	s0 =	rddreg [dreg:$0x4];
	_ =	strace $0x80000047  }
0xa: {  	s7 =	simm.s32 $0x14000;
	s6 =	simm.s32 $0x1  }
0xb: {  	[tilespmem:s7], [sflag:$0x1] =	stream.linear.gather [hbm4b:s2+s5], $0x280, $0x38;
	[tilespmem:$0x14B80] =	vst v63  }
0xc: {  	_ =	swait.ge [sflag:s6], $0x280  }
0xd: {  	[sflag:s6] =	ssyncset.done $0x0  }
0xe: {  	s8 =	sadd.s32 $0x4C00, s19;
	s9 =	simm.s32 $0x14280;
	[sflag:s6] =	ssyncadd.s32 $0xFFFFFD80  }
0xf: {  	[tilespmem:s9], [sflag:$0x1] =	stream.linear.gather [hbm4b:s8+s5], $0x280, $0x38;
	[tilespmem:$0x14B80] =	vst v63  }
0x10: {  	_ =	swait.ge [sflag:s6], $0x280  }
0x11: {  	s10 =	sadd.s32 $0x9A00, s19;
	s11 =	sshll.u32 s1, $0x6;
	[sflag:s6] =	ssyncset.done $0x0  }
0x12: {  	s12 =	sshrl.u32 s3, $0x3;
	s11 =	sor.u32 $0x1C01, s11;
	[sflag:s6] =	ssyncadd.s32 $0xFFFFFD80  }
0x13: {  	[spmem:s12], [sflag:s11] =	dma.local [hbm:s10], $0x480  }
0x14: {  	_ =	swait.ge [sflag:s6], $0x480  }
0x15: {  	[sflag:s6] =	ssyncset.done $0x0  }
0x16: {  	s13 =	sshrl.u32 s4, $0x3;
	[sflag:s6] =	ssyncadd.s32 $0xFFFFFB80  }
0x17: {  	[spmem:s13], [sflag:s11] =	dma.local [hbm:s10], $0x880  }
0x18: {  	_ =	swait.ge [sflag:s6], $0x880  }
0x19: {  	[sflag:s6] =	ssyncset.done $0x0  }
0x1a: {  	s14 =	sadd.s32 $0x4E00, s19;
	[sflag:s6] =	ssyncadd.s32 $0xFFFFF780  }
0x1b: {  	[tilespmem:s5], [sflag:$0x1] =	stream.linear.gather [hbm4b:s14+s5], $0x12000, $0x38;
	[tilespmem:$0x14B80] =	vst v63  }
0x1c: {  	_ =	swait.ge [sflag:s6], $0x12000  }
0x1d: {  	[sflag:s6] =	ssyncset.done $0x0  }
0x1e: {  	s15 =	simm.s32 $0x240;
	[sflag:s6] =	ssyncadd.s32 $0xFFFEE000  }
0x1f: {  	[spmem:s3] =	stream.indirect.scatter.add.f32 [tilespmem:s5], [sflag:$0x1], $0x80, s7, s15, $0xb8;
	[tilespmem:$0x14B80] =	vst v63  }
0x20: {  	_ =	swait.ge [sflag:s6], $0x12000  }
0x21: {  	[sflag:s6] =	ssyncset.done $0x0  }
0x22: {  	s16 =	sadd.s32 $0xC200, s19;
	[sflag:s6] =	ssyncadd.s32 $0xFFFEE000  }
0x23: {  	[hbm:s16], [sflag:s11] =	dma.local [spmem:s12], $0x400  }
0x24: {  	_ =	swait.ge [sflag:s6], $0x400  }
0x25: {  	[sflag:s6] =	ssyncset.done $0x0  }
0x26: {  	s17 =	sadd.s32 $0x7200, s19;
	s20 =	ssub.s32 $0x2, s18;
	[sflag:s6] =	ssyncadd.s32 $0xFFFFFC00  }
0x27: {  	[tilespmem:s5], [sflag:$0x1] =	stream.linear.gather [hbm4b:s17+s5], $0x14000, $0x38;
	[tilespmem:$0x14B80] =	vst v63  }
0x28: {  	s21 =	sshrl.u32 s20, $0x1;
	_ =	swait.ge [sflag:s6], $0x14000  }
0x29: {  	s20 =	ssub.s32 s20, s21;
	[sflag:s6] =	ssyncset.done $0x0  }
0x2a: {  	s18 =	simm.s32 $0x280;
	s20 =	smax.u32 s20, $0x1;
	[sflag:s6] =	ssyncadd.s32 $0xFFFEC000  }
0x2b: {  	[spmem:s4] =	stream.indirect.scatter.add.f32 [tilespmem:s5], [sflag:$0x1], $0x80, s9, s18, $0xb8;
	[tilespmem:$0x14B80] =	vst v63  }
0x2c: {  	p0 =	sne.s32 s20, $0x1;
	_ =	swait.ge [sflag:s6], $0x14000  }
.Ltmp1:
0x2d: {  	[sflag:s6] =	ssyncset.done $0x0;
	(pc) =	sbr.rel @!p0 .LBB2_3-.Ltmp1, $4  }
0x2e: {  	s19 =	sadd.s32 $0xC600, s19;
	[sflag:s6] =	ssyncadd.s32 $0xFFFEC000  }
0x2f: {  	[hbm:s19], [sflag:s11] =	dma.local [spmem:s13], $0x800  }
0x30: {  	_ =	swait.ge [sflag:s6], $0x800  }
0x31: {  	s20 =	sadd.s32 $0xFFFFFFFF, s20;
	[sflag:s6] =	ssyncset.done $0x0  }
.LBB2_2:
0x32: {  	p0 =	sne.s32 s20, $0x1;
	s20 =	sadd.s32 $0xFFFFFFFF, s20;
	[sflag:s6] =	ssyncadd.s32 $0xFFFFF800  }
0x33: {  	[tilespmem:s7], [sflag:$0x1] =	stream.linear.gather [hbm4b:s2+s5], $0x280, $0x38;
	[tilespmem:$0x14B80] =	vst v63  }
0x34: {  	_ =	swait.ge [sflag:s6], $0x280  }
0x35: {  	[sflag:s6] =	ssyncset.done $0x0  }
0x36: {  	[sflag:s6] =	ssyncadd.s32 $0xFFFFFD80  }
0x37: {  	[tilespmem:s9], [sflag:$0x1] =	stream.linear.gather [hbm4b:s8+s5], $0x280, $0x38;
	[tilespmem:$0x14B80] =	vst v63  }
0x38: {  	_ =	swait.ge [sflag:s6], $0x280  }
0x39: {  	[sflag:s6] =	ssyncset.done $0x0  }
0x3a: {  	[sflag:s6] =	ssyncadd.s32 $0xFFFFFD80  }
0x3b: {  	[spmem:s12], [sflag:s11] =	dma.local [hbm:s10], $0x480  }
0x3c: {  	_ =	swait.ge [sflag:s6], $0x480  }
0x3d: {  	[sflag:s6] =	ssyncset.done $0x0  }
0x3e: {  	[sflag:s6] =	ssyncadd.s32 $0xFFFFFB80  }
0x3f: {  	[spmem:s13], [sflag:s11] =	dma.local [hbm:s10], $0x880  }
0x40: {  	_ =	swait.ge [sflag:s6], $0x880  }
0x41: {  	[sflag:s6] =	ssyncset.done $0x0  }
0x42: {  	[sflag:s6] =	ssyncadd.s32 $0xFFFFF780  }
0x43: {  	[tilespmem:s5], [sflag:$0x1] =	stream.linear.gather [hbm4b:s14+s5], $0x12000, $0x38;
	[tilespmem:$0x14B80] =	vst v63  }
0x44: {  	_ =	swait.ge [sflag:s6], $0x12000  }
0x45: {  	[sflag:s6] =	ssyncset.done $0x0  }
0x46: {  	[sflag:s6] =	ssyncadd.s32 $0xFFFEE000  }
0x47: {  	[spmem:s3] =	stream.indirect.scatter.add.f32 [tilespmem:s5], [sflag:$0x1], $0x80, s7, s15, $0xb8;
	[tilespmem:$0x14B80] =	vst v63  }
0x48: {  	_ =	swait.ge [sflag:s6], $0x12000  }
0x49: {  	[sflag:s6] =	ssyncset.done $0x0  }
0x4a: {  	[sflag:s6] =	ssyncadd.s32 $0xFFFEE000  }
0x4b: {  	[hbm:s16], [sflag:s11] =	dma.local [spmem:s12], $0x400  }
0x4c: {  	_ =	swait.ge [sflag:s6], $0x400  }
0x4d: {  	[sflag:s6] =	ssyncset.done $0x0  }
0x4e: {  	[sflag:s6] =	ssyncadd.s32 $0xFFFFFC00  }
0x4f: {  	[tilespmem:s5], [sflag:$0x1] =	stream.linear.gather [hbm4b:s17+s5], $0x14000, $0x38;
	[tilespmem:$0x14B80] =	vst v63  }
0x50: {  	_ =	swait.ge [sflag:s6], $0x14000  }
0x51: {  	[sflag:s6] =	ssyncset.done $0x0  }
0x52: {  	[sflag:s6] =	ssyncadd.s32 $0xFFFEC000  }
0x53: {  	[spmem:s4] =	stream.indirect.scatter.add.f32 [tilespmem:s5], [sflag:$0x1], $0x80, s9, s18, $0xb8;
	[tilespmem:$0x14B80] =	vst v63  }
0x54: {  	_ =	swait.ge [sflag:s6], $0x14000  }
.Ltmp2:
0x55: {  	[sflag:s6] =	ssyncset.done $0x0;
	(pc) =	sbr.rel @p0 .LBB2_2-.Ltmp2, $4  }
0x56: {  	[sflag:s6] =	ssyncadd.s32 $0xFFFEC000  }
0x57: {  	[hbm:s19], [sflag:s11] =	dma.local [spmem:s13], $0x800  }
0x58: {  	_ =	swait.ge [sflag:s6], $0x800  }
0x59: {  	[sflag:s6] =	ssyncset.done $0x0  }
.LBB2_3:
0x5a: {  	[sflag:s6] =	ssyncadd.s32 $0xFFFFF800  }
.LBB2_4:
0x5b: {  	_ =	sfence.sel $0x180000  }
0x5c: {  	[bflag:$0x0] =	sbarrier.arrive $0xFFFF  }
0x5d: {  	p0 =	sne.s32 s1, $0x0;
	_ =	strace $0x90000047  }
0x5e: {  	s0 =	sadd.s32 @!p0 $0x100000, s0;
	[bflag:$0x2] =	sbarrier.arrive $0xFFFF  }
0x5f: {  	[sflag:s0] =	ssyncadd.tile.s32 @!p0 $0x1;
	_ =	shalt  }
.Lfunc_end2:
_tile_overlayer_lowered:
.L_overlay_start_2:
0x60: {  	(tag) =	ssettag $0x2  }
0x61: {  	s0 =	rddreg [dreg:$0x0];
	s2 =	stileid.u32  }
0x62: {  	s1 =	rddreg [dreg:$0x1];
	p0 =	sne.s32 s2, $0x0  }
0x63: {  	s3 =	rddreg [dreg:$0x2];
	[bflag:$0x3] =	sbarrier.arrive $0xFFFF;
	s2 =	simm.s32 @!p0 $0x1C01  }
0x64: {  	[timem:s3], [sflag:s2] =	dma.local @!p0 [hbm:s0], s1  }
0x65: {  	s0 =	simm.s32 @!p0 $0x1  }
0x66: {  	_ =	swait.ge @!p0 [sflag:s0], s1  }
0x67: {  	s1 =	ssub.s32 @!p0 $0x0, s1;
	[sflag:s0] =	ssyncset.done @!p0 $0x0  }
0x68: {  	[sflag:s0] =	ssyncadd.s32 @!p0 s1  }
0x69: {  	[bflag:$0x3] =	sbarrier.arrive $0xFFFF  }
0x6a: {  	_ =	shalt  }

</sc_bundles>
